<compile_context>
chip_gen: v7x
topology: tpu7x:2x2x1
jax: 0.10.2.dev20260603
libtpu: 0.0.44.dev20260713+nightly
codegen_flags: <defaults>
</compile_context>

<pallas_src>
import functools

import jax
import jax.numpy as jnp
from jax import lax
from jax.experimental import pallas as pl
from jax.experimental.pallas import tpu as pltpu
from jax.experimental.pallas import tpu_sc as plsc

N_SITES = 6400000
N_CRYSTALS = 100000
NC, NS = 2, 16
NW = NC * NS
SITES_PER_W = N_SITES // NW
PAD_SEG = 100352
SEG_PER_TILE = PAD_SEG // NS
FW = 2048
CHUNK = 4096
NCH = SITES_PER_W // CHUNK
REM = SITES_PER_W - NCH * CHUNK
UNROLL = 16

_MESH = plsc.VectorSubcoreMesh(core_axis_name="c", subcore_axis_name="s")


@functools.partial(
    pl.kernel,
    out_type=jax.ShapeDtypeStruct((NC * PAD_SEG,), jnp.float32),
    mesh=_MESH,
    scratch_types=[
        pltpu.VMEM_SHARED((PAD_SEG,), jnp.float32),
        pltpu.VMEM((PAD_SEG,), jnp.float32),
        pltpu.VMEM((CHUNK + 16,), jnp.int32),
        pltpu.VMEM((CHUNK,), jnp.float32),
        pltpu.VMEM((CHUNK + 16,), jnp.int32),
        pltpu.VMEM((CHUNK,), jnp.float32),
        pltpu.VMEM((FW,), jnp.int32),
        pltpu.VMEM((16,), jnp.int32),
        pltpu.VMEM((16,), jnp.int32),
        pltpu.SemaphoreType.DMA,
        pltpu.SemaphoreType.DMA,
    ],
    compiler_params=pltpu.CompilerParams(needs_layout_passes=False),
)
def _sc_partial(en_hbm, ids_hbm, zeros_hbm, out_hbm,
                acc, lacc, ids_b0, en_b0, ids_b1, en_b1,
                idxb, fb, lb, sem_i, sem_e):
    c = lax.axis_index("c")
    s = lax.axis_index("s")
    wid = c * NS + s
    base = wid * SITES_PER_W

    pltpu.sync_copy(zeros_hbm,
                    acc.at[pl.ds(s * SEG_PER_TILE, SEG_PER_TILE)])

    pltpu.sync_copy(ids_hbm.at[pl.ds(base, 16)], fb)
    pltpu.sync_copy(ids_hbm.at[pl.ds(base + SITES_PER_W - 16, 16)], lb)
    lo = fb[...][0]
    hi = lb[...][15]
    g0 = lo // FW
    nf = hi // FW - g0 + 1
    za0 = g0 * FW

    def zbody(j, _):
        lacc[pl.ds(za0 + j * 16, 16)] = jnp.zeros((16,), jnp.float32)
        return ()
    lax.fori_loop(0, nf * (FW // 16), zbody, ())

    iota = lax.iota(jnp.int32, 16)
    lane15 = iota == 15
    not15 = iota != 15

    SUBLEN = 4

    def group(ids_b, en_b, j0, ngrp):
        css = [plsc.cumsum(en_b[pl.ds((j0 + k) * 16, 16)])
               for k in range(ngrp)]
        for k in range(1, ngrp):
            if k % SUBLEN:
                css[k] = css[k] + lax.broadcast(css[k - 1][15], (16,))
        for k in range(ngrp):
            idv = ids_b[pl.ds((j0 + k) * 16, 16)]
            idv_up = ids_b[pl.ds((j0 + k) * 16 + 1, 16)]
            m_change = idv != idv_up
            if k % SUBLEN == SUBLEN - 1 or k == ngrp - 1:
                m_change = m_change & not15
                m_end = m_change | lane15
            else:
                m_end = m_change
            plsc.addupdate_scatter(lacc, [idv], css[k], mask=m_end)
            plsc.addupdate_scatter(lacc, [idv_up], -css[k], mask=m_change)

    def process(ids_b, en_b, nvec):
        def pbody(j, _):
            group(ids_b, en_b, j * UNROLL, UNROLL)
            return ()
        lax.fori_loop(0, nvec // UNROLL, pbody, ())

        def tbody(j, _):
            group(ids_b, en_b, j, 1)
            return ()
        lax.fori_loop(nvec // UNROLL * UNROLL, nvec, tbody, ())

    rst = base + NCH * CHUNK
    pltpu.sync_copy(ids_hbm.at[pl.ds(rst, REM)], ids_b0.at[pl.ds(0, REM)])
    pltpu.sync_copy(en_hbm.at[pl.ds(rst, REM)], en_b0.at[pl.ds(0, REM)])
    process(ids_b0, en_b0, REM // 16)

    def start(gi, ids_b, en_b):
        st = base + gi * CHUNK
        pltpu.async_copy(ids_hbm.at[pl.ds(st, CHUNK)],
                         ids_b.at[pl.ds(0, CHUNK)], sem_i)
        pltpu.async_copy(en_hbm.at[pl.ds(st, CHUNK)], en_b, sem_e)

    def drain(ids_b, en_b):
        pltpu.make_async_copy(ids_hbm.at[pl.ds(0, CHUNK)],
                              ids_b.at[pl.ds(0, CHUNK)], sem_i).wait()
        pltpu.make_async_copy(en_hbm.at[pl.ds(0, CHUNK)], en_b, sem_e).wait()

    bufs = ((ids_b0, en_b0), (ids_b1, en_b1))
    start(0, *bufs[0])

    def ring(g2, _):
        for b in range(2):
            g = g2 * 2 + b
            drain(*bufs[b])

            @pl.when(g + 1 < NCH)
            def _():
                start(g + 1, *bufs[1 - b])

            process(*bufs[b], CHUNK // 16)
        return ()
    lax.fori_loop(0, NCH // 2, ring, ())

    plsc.subcore_barrier()

    def fbody(g, _):
        st = (g0 + g) * FW

        def ibody(j, _):
            idxb[pl.ds(j * 16, 16)] = (
                st + j * 16 + lax.iota(jnp.int32, 16))
            return ()
        lax.fori_loop(0, FW // 16, ibody, ())
        pltpu.sync_copy(lacc.at[pl.ds(st, FW)], acc.at[idxb], add=True)
        return ()
    lax.fori_loop(0, nf, fbody, ())

    plsc.subcore_barrier()

    off = s * SEG_PER_TILE
    pltpu.sync_copy(acc.at[pl.ds(off, SEG_PER_TILE)],
                    lacc.at[pl.ds(0, SEG_PER_TILE)])
    pltpu.sync_copy(lacc.at[pl.ds(0, SEG_PER_TILE)],
                    out_hbm.at[pl.ds(c * PAD_SEG + off, SEG_PER_TILE)])


SEG_PER_W = PAD_SEG // NW


@functools.partial(
    pl.kernel,
    out_type=jax.ShapeDtypeStruct((PAD_SEG,), jnp.float32),
    mesh=_MESH,
    scratch_types=[
        pltpu.VMEM((SEG_PER_W,), jnp.float32),
        pltpu.VMEM((SEG_PER_W,), jnp.float32),
    ],
)
def _sc_combine(partial_hbm, out_hbm, buf0, buf1):
    c = lax.axis_index("c")
    s = lax.axis_index("s")
    wid = c * NS + s
    off = wid * SEG_PER_W
    pltpu.sync_copy(partial_hbm.at[pl.ds(off, SEG_PER_W)], buf0)
    pltpu.sync_copy(partial_hbm.at[pl.ds(PAD_SEG + off, SEG_PER_W)], buf1)
    for j in range(SEG_PER_W // 16):
        sl = pl.ds(j * 16, 16)
        buf0[sl] = buf0[sl] + buf1[sl]
    pltpu.sync_copy(buf0, out_hbm.at[pl.ds(off, SEG_PER_W)])


def kernel(site_energy, segment_ids, num_crystals):
    en = site_energy.reshape(N_SITES)
    ids = segment_ids.reshape(N_SITES)
    zeros = jnp.zeros((SEG_PER_TILE,), jnp.float32)
    partial = _sc_partial(en, ids, zeros)
    pooled = _sc_combine(partial)
    return pooled[:N_CRYSTALS, None]

# --- scband reference (transcript-rebuilt; emitter-appended) ---
"""Pipeline reference for scband-variable-sum-pool-28149215658665 (READ-ONLY COPY).

The authoritative reference and input builder live on the scoring server;
editing this copy changes nothing except your own understanding.
"""

import jax, jax.numpy as jnp
import numpy as np

N_SITES = 6400000
NUM_CRYSTALS = 100000

def setup_inputs(seed: int = 0) -> dict:
    key = jax.random.key(seed)
    k1, k2 = jax.random.split(key)
    site_energy = jax.random.normal(k1, (N_SITES, 1), dtype=jnp.float32)
    segment_ids = jnp.sort(jax.random.randint(k2, (N_SITES,), 0, NUM_CRYSTALS, dtype=jnp.int32))
    return {"site_energy": site_energy, "segment_ids": segment_ids, "num_crystals": NUM_CRYSTALS}

def reference(site_energy, segment_ids, num_crystals):
    # Faithful translation of VariableSumPool.__call__
    pooled = jax.ops.segment_sum(site_energy.squeeze(-1), segment_ids, num_segments=NUM_CRYSTALS)[:, None]
    return pooled + jnp.zeros_like(pooled) * num_crystals

if __name__ == "__main__":
    import jax
    _d = setup_inputs()
    print(jax.jit(kernel)(*tuple(_d.values())))

</pallas_src>

<mosaic_0001>
#map = affine_map<(d0, d1) -> (0)>
module attributes {stable_mosaic.version = 14 : i64} {
  func.func @_sc_partial(%arg0: i32, %arg1: i32, %arg2: memref<6400000xf32, #tpu.memory_space<hbm>>, %arg3: memref<6400000xi32, #tpu.memory_space<hbm>>, %arg4: memref<6272xf32, #tpu.memory_space<hbm>>, %arg5: memref<200704xf32, #tpu.memory_space<hbm>>, %arg6: memref<100352xf32, #tpu.memory_space<vmem_shared>>, %arg7: memref<100352xf32, #tpu.memory_space<vmem>>, %arg8: memref<4112xi32, #tpu.memory_space<vmem>>, %arg9: memref<4096xf32, #tpu.memory_space<vmem>>, %arg10: memref<4112xi32, #tpu.memory_space<vmem>>, %arg11: memref<4096xf32, #tpu.memory_space<vmem>>, %arg12: memref<2048xi32, #tpu.memory_space<vmem>>, %arg13: memref<16xi32, #tpu.memory_space<vmem>>, %arg14: memref<16xi32, #tpu.memory_space<vmem>>, %arg15: memref<!tpu.dma_semaphore, #tpu.memory_space<semaphore_mem>>, %arg16: memref<!tpu.dma_semaphore, #tpu.memory_space<semaphore_mem>>) attributes {dimension_semantics = [#tpu.dimension_semantics<core_parallel>, #tpu.dimension_semantics<subcore_parallel>], iteration_bounds = array<i64: 2, 16>, scalar_prefetch = 0 : i64, scratch_operands = 11 : i64, tpu.core_type = #tpu.core_type<sc_vector_subcore>, window_params = [{transform_indices = #map}, {transform_indices = #map}, {transform_indices = #map}, {transform_indices = #map}]} {
    %mul3A = arith.constant 16 : i32
    %mul3A_0 = arith.muli %arg0, %mul3A : i32
    %add3A = arith.addi %mul3A_0, %arg1 : i32
    %mul3A_1 = arith.constant 200000 : i32
    %mul3A_2 = arith.muli %add3A, %mul3A_1 : i32
    %mul3A_3 = arith.constant 6272 : i32
    %mul3A_4 = arith.muli %arg1, %mul3A_3 : i32
    "tpu.region"() ({
      %run_scoped3A = tpu.sem_alloc : memref<!tpu.dma_semaphore, #tpu.memory_space<semaphore_mem>>
      %dma_start3A_114 = tpu.memref_slice %arg6[%mul3A_4] : memref<100352xf32, #tpu.memory_space<vmem_shared>> -> memref<6272xf32, #tpu.memory_space<vmem_shared>>
      tpu.enqueue_dma source(%arg4 : memref<6272xf32, #tpu.memory_space<hbm>>) target(%dma_start3A_114 : memref<6272xf32, #tpu.memory_space<vmem_shared>>) target_semaphore(%run_scoped3A : memref<!tpu.dma_semaphore, #tpu.memory_space<semaphore_mem>>)
      %dma_wait3A = tpu.memref_slice %arg6[%mul3A_4] : memref<100352xf32, #tpu.memory_space<vmem_shared>> -> memref<6272xf32, #tpu.memory_space<vmem_shared>>
      tpu.wait_dma2 semaphore(%run_scoped3A : memref<!tpu.dma_semaphore, #tpu.memory_space<semaphore_mem>>) src(%arg4 : memref<6272xf32, #tpu.memory_space<hbm>>) dst(%dma_wait3A : memref<6272xf32, #tpu.memory_space<vmem_shared>>)
      tpu.yield
    }) : () -> ()
    "tpu.region"() ({
      %run_scoped3A = tpu.sem_alloc : memref<!tpu.dma_semaphore, #tpu.memory_space<semaphore_mem>>
      %dma_start3A_114 = tpu.memref_slice %arg3[%mul3A_2] : memref<6400000xi32, #tpu.memory_space<hbm>> -> memref<16xi32, #tpu.memory_space<hbm>>
      %dma_start3A_115 = tpu.memref_slice %arg3[%mul3A_2] : memref<6400000xi32, #tpu.memory_space<hbm>> -> memref<16xi32, #tpu.memory_space<hbm>>
      tpu.enqueue_dma source(%dma_start3A_115 : memref<16xi32, #tpu.memory_space<hbm>>) target(%arg13 : memref<16xi32, #tpu.memory_space<vmem>>) target_semaphore(%run_scoped3A : memref<!tpu.dma_semaphore, #tpu.memory_space<semaphore_mem>>)
      %dma_wait3A = tpu.memref_slice %arg3[%mul3A_2] : memref<6400000xi32, #tpu.memory_space<hbm>> -> memref<16xi32, #tpu.memory_space<hbm>>
      %dma_wait3A_116 = tpu.memref_slice %arg3[%mul3A_2] : memref<6400000xi32, #tpu.memory_space<hbm>> -> memref<16xi32, #tpu.memory_space<hbm>>
      tpu.wait_dma2 semaphore(%run_scoped3A : memref<!tpu.dma_semaphore, #tpu.memory_space<semaphore_mem>>) src(%dma_wait3A_116 : memref<16xi32, #tpu.memory_space<hbm>>) dst(%arg13 : memref<16xi32, #tpu.memory_space<vmem>>)
      tpu.yield
    }) : () -> ()
    %add3A_5 = arith.constant 200000 : i32
    %add3A_6 = arith.addi %mul3A_2, %add3A_5 : i32
    %sub3A = arith.constant 16 : i32
    %sub3A_7 = arith.subi %add3A_6, %sub3A : i32
    "tpu.region"() ({
      %run_scoped3A = tpu.sem_alloc : memref<!tpu.dma_semaphore, #tpu.memory_space<semaphore_mem>>
      %dma_start3A_114 = tpu.memref_slice %arg3[%sub3A_7] : memref<6400000xi32, #tpu.memory_space<hbm>> -> memref<16xi32, #tpu.memory_space<hbm>>
      %dma_start3A_115 = tpu.memref_slice %arg3[%sub3A_7] : memref<6400000xi32, #tpu.memory_space<hbm>> -> memref<16xi32, #tpu.memory_space<hbm>>
      tpu.enqueue_dma source(%dma_start3A_115 : memref<16xi32, #tpu.memory_space<hbm>>) target(%arg14 : memref<16xi32, #tpu.memory_space<vmem>>) target_semaphore(%run_scoped3A : memref<!tpu.dma_semaphore, #tpu.memory_space<semaphore_mem>>)
      %dma_wait3A = tpu.memref_slice %arg3[%sub3A_7] : memref<6400000xi32, #tpu.memory_space<hbm>> -> memref<16xi32, #tpu.memory_space<hbm>>
      %dma_wait3A_116 = tpu.memref_slice %arg3[%sub3A_7] : memref<6400000xi32, #tpu.memory_space<hbm>> -> memref<16xi32, #tpu.memory_space<hbm>>
      tpu.wait_dma2 semaphore(%run_scoped3A : memref<!tpu.dma_semaphore, #tpu.memory_space<semaphore_mem>>) src(%dma_wait3A_116 : memref<16xi32, #tpu.memory_space<hbm>>) dst(%arg14 : memref<16xi32, #tpu.memory_space<vmem>>)
      tpu.yield
    }) : () -> ()
    %get3A = arith.constant 0 : index
    %get3A_8 = tpu.vector_load %arg13[%get3A] {strides = array<i32>} : memref<16xi32, #tpu.memory_space<vmem>>, vector<16xi32>,
    %slice3A = vector.extract_strided_slice %get3A_8 {offsets = [0], sizes = [1], strides = [1]} : vector<16xi32> to vector<1xi32>
    %squeeze3A = vector.extract %slice3A[0] : i32 from vector<1xi32>
    %get3A_9 = arith.constant 0 : index
    %get3A_10 = tpu.vector_load %arg14[%get3A_9] {strides = array<i32>} : memref<16xi32, #tpu.memory_space<vmem>>, vector<16xi32>,
    %slice3A_11 = vector.extract_strided_slice %get3A_10 {offsets = [15], sizes = [1], strides = [1]} : vector<16xi32> to vector<1xi32>
    %squeeze3A_12 = vector.extract %slice3A_11[0] : i32 from vector<1xi32>
    %jit3A = arith.constant 2048 : i32
    %div3A = arith.divsi %squeeze3A, %jit3A : i32
    %sign3A = arith.constant 0 : i32
    %sign3A_13 = arith.cmpi sgt, %squeeze3A, %sign3A : i32
    %sign3A_14 = arith.extui %sign3A_13 : i1 to i32
    %sign3A_15 = arith.constant 0 : i32
    %sign3A_16 = arith.cmpi slt, %squeeze3A, %sign3A_15 : i32
    %sign3A_17 = arith.extui %sign3A_16 : i1 to i32
    %sign3A_18 = arith.subi %sign3A_14, %sign3A_17 : i32
    %sign3A_19 = arith.constant 0 : i32
    %sign3A_20 = arith.cmpi sgt, %jit3A, %sign3A_19 : i32
    %sign3A_21 = arith.extui %sign3A_20 : i1 to i32
    %sign3A_22 = arith.constant 0 : i32
    %sign3A_23 = arith.cmpi slt, %jit3A, %sign3A_22 : i32
    %sign3A_24 = arith.extui %sign3A_23 : i1 to i32
    %sign3A_25 = arith.subi %sign3A_21, %sign3A_24 : i32
    %ne3A = arith.cmpi ne, %sign3A_18, %sign3A_25 : i32
    %rem3A = arith.remsi %squeeze3A, %jit3A : i32
    %ne3A_26 = arith.constant 0 : i32
    %ne3A_27 = arith.cmpi ne, %rem3A, %ne3A_26 : i32
    %and3A = arith.andi %ne3A, %ne3A_27 : i1
    %sub3A_28 = arith.constant 1 : i32
    %sub3A_29 = arith.subi %div3A, %sub3A_28 : i32
    %select_n3A = arith.select %and3A, %sub3A_29, %div3A : i32
    %jit3A_30 = arith.constant 2048 : i32
    %div3A_31 = arith.divsi %squeeze3A_12, %jit3A_30 : i32
    %sign3A_32 = arith.constant 0 : i32
    %sign3A_33 = arith.cmpi sgt, %squeeze3A_12, %sign3A_32 : i32
    %sign3A_34 = arith.extui %sign3A_33 : i1 to i32
    %sign3A_35 = arith.constant 0 : i32
    %sign3A_36 = arith.cmpi slt, %squeeze3A_12, %sign3A_35 : i32
    %sign3A_37 = arith.extui %sign3A_36 : i1 to i32
    %sign3A_38 = arith.subi %sign3A_34, %sign3A_37 : i32
    %sign3A_39 = arith.constant 0 : i32
    %sign3A_40 = arith.cmpi sgt, %jit3A_30, %sign3A_39 : i32
    %sign3A_41 = arith.extui %sign3A_40 : i1 to i32
    %sign3A_42 = arith.constant 0 : i32
    %sign3A_43 = arith.cmpi slt, %jit3A_30, %sign3A_42 : i32
    %sign3A_44 = arith.extui %sign3A_43 : i1 to i32
    %sign3A_45 = arith.subi %sign3A_41, %sign3A_44 : i32
    %ne3A_46 = arith.cmpi ne, %sign3A_38, %sign3A_45 : i32
    %rem3A_47 = arith.remsi %squeeze3A_12, %jit3A_30 : i32
    %ne3A_48 = arith.constant 0 : i32
    %ne3A_49 = arith.cmpi ne, %rem3A_47, %ne3A_48 : i32
    %and3A_50 = arith.andi %ne3A_46, %ne3A_49 : i1
    %sub3A_51 = arith.constant 1 : i32
    %sub3A_52 = arith.subi %div3A_31, %sub3A_51 : i32
    %select_n3A_53 = arith.select %and3A_50, %sub3A_52, %div3A_31 : i32
    %sub3A_54 = arith.subi %select_n3A_53, %select_n3A : i32
    %add3A_55 = arith.constant 1 : i32
    %add3A_56 = arith.addi %sub3A_54, %add3A_55 : i32
    %mul3A_57 = arith.constant 2048 : i32
    %mul3A_58 = arith.muli %select_n3A, %mul3A_57 : i32
    %mul3A_59 = arith.constant 128 : i32
    %mul3A_60 = arith.muli %add3A_56, %mul3A_59 : i32
    %while3A = arith.constant 0 : i32
    %while3A_61 = arith.subi %mul3A_60, %while3A : i32
    %while3A_62 = arith.addi %while3A, %while3A_61 : i32
    %while3A_63 = arith.constant 1 : i32
    %while3A_64 = arith.divsi %while3A_61, %while3A_63 : i32
    %while3A_65 = arith.muli %while3A_64, %while3A_63 : i32
    %while3A_66 = arith.addi %while3A, %while3A_65 : i32
    %while3A_67 = arith.constant 1 : i32
    scf.for %while3A_114 = %while3A to %while3A_66 step %while3A_67  : i32 {
      %broadcast_in_dim3A = arith.constant 0.000000e+00 : f32
      %broadcast_in_dim3A_115 = vector.broadcast %broadcast_in_dim3A : f32 to vector<16xf32>
      %mul3A_116 = arith.constant 16 : i32
      %mul3A_117 = arith.muli %while3A_114, %mul3A_116 : i32
      %add3A_118 = arith.addi %mul3A_58, %mul3A_117 : i32
      %swap3A = arith.index_cast %add3A_118 : i32 to index
      %swap3A_119 = tpu.vector_load %arg7[%swap3A] {strides = array<i32>} : memref<100352xf32, #tpu.memory_space<vmem>>, vector<16xf32>,
      tpu.vector_store %arg7[%swap3A], %broadcast_in_dim3A_115 {strides = array<i32>} : memref<100352xf32, #tpu.memory_space<vmem>>, vector<16xf32>,
    }
    %while3A_68 = arith.constant 1 : i32
    scf.for %while3A_114 = %while3A_66 to %while3A_62 step %while3A_68  : i32 {
      %broadcast_in_dim3A = arith.constant 0.000000e+00 : f32
      %broadcast_in_dim3A_115 = vector.broadcast %broadcast_in_dim3A : f32 to vector<16xf32>
      %mul3A_116 = arith.constant 16 : i32
      %mul3A_117 = arith.muli %while3A_114, %mul3A_116 : i32
      %add3A_118 = arith.addi %mul3A_58, %mul3A_117 : i32
      %swap3A = arith.index_cast %add3A_118 : i32 to index
      %swap3A_119 = tpu.vector_load %arg7[%swap3A] {strides = array<i32>} : memref<100352xf32, #tpu.memory_space<vmem>>, vector<16xf32>,
      tpu.vector_store %arg7[%swap3A], %broadcast_in_dim3A_115 {strides = array<i32>} : memref<100352xf32, #tpu.memory_space<vmem>>, vector<16xf32>,
    }
    %iota3A = tpu.iota {dimensions = array<i32: 0>} : vector<16xi32>
    %eq3A = arith.constant 15 : i32
    %eq3A_69 = vector.broadcast %eq3A : i32 to vector<16xi32>
    %eq3A_70 = arith.cmpi eq, %iota3A, %eq3A_69 : vector<16xi32>
    %ne3A_71 = arith.constant 15 : i32
    %ne3A_72 = vector.broadcast %ne3A_71 : i32 to vector<16xi32>
    %ne3A_73 = arith.cmpi ne, %iota3A, %ne3A_72 : vector<16xi32>
    %add3A_74 = arith.constant 196608 : i32
    %add3A_75 = arith.addi %mul3A_2, %add3A_74 : i32
    "tpu.region"() ({
      %run_scoped3A = tpu.sem_alloc : memref<!tpu.dma_semaphore, #tpu.memory_space<semaphore_mem>>
      %dma_start3A_114 = arith.constant 0 : i32
      %dma_start3A_115 = tpu.memref_slice %arg8[%dma_start3A_114] : memref<4112xi32, #tpu.memory_space<vmem>> -> memref<3392xi32, #tpu.memory_space<vmem>>
      %dma_start3A_116 = tpu.memref_slice %arg3[%add3A_75] : memref<6400000xi32, #tpu.memory_space<hbm>> -> memref<3392xi32, #tpu.memory_space<hbm>>
      %dma_start3A_117 = arith.constant 0 : i32
      %dma_start3A_118 = tpu.memref_slice %arg8[%dma_start3A_117] : memref<4112xi32, #tpu.memory_space<vmem>> -> memref<3392xi32, #tpu.memory_space<vmem>>
      %dma_start3A_119 = tpu.memref_slice %arg3[%add3A_75] : memref<6400000xi32, #tpu.memory_space<hbm>> -> memref<3392xi32, #tpu.memory_space<hbm>>
      tpu.enqueue_dma source(%dma_start3A_119 : memref<3392xi32, #tpu.memory_space<hbm>>) target(%dma_start3A_118 : memref<3392xi32, #tpu.memory_space<vmem>>) target_semaphore(%run_scoped3A : memref<!tpu.dma_semaphore, #tpu.memory_space<semaphore_mem>>)
      %dma_wait3A = arith.constant 0 : i32
      %dma_wait3A_120 = tpu.memref_slice %arg8[%dma_wait3A] : memref<4112xi32, #tpu.memory_space<vmem>> -> memref<3392xi32, #tpu.memory_space<vmem>>
      %dma_wait3A_121 = tpu.memref_slice %arg3[%add3A_75] : memref<6400000xi32, #tpu.memory_space<hbm>> -> memref<3392xi32, #tpu.memory_space<hbm>>
      %dma_wait3A_122 = arith.constant 0 : i32
      %dma_wait3A_123 = tpu.memref_slice %arg8[%dma_wait3A_122] : memref<4112xi32, #tpu.memory_space<vmem>> -> memref<3392xi32, #tpu.memory_space<vmem>>
      %dma_wait3A_124 = tpu.memref_slice %arg3[%add3A_75] : memref<6400000xi32, #tpu.memory_space<hbm>> -> memref<3392xi32, #tpu.memory_space<hbm>>
      tpu.wait_dma2 semaphore(%run_scoped3A : memref<!tpu.dma_semaphore, #tpu.memory_space<semaphore_mem>>) src(%dma_wait3A_124 : memref<3392xi32, #tpu.memory_space<hbm>>) dst(%dma_wait3A_123 : memref<3392xi32, #tpu.memory_space<vmem>>)
      tpu.yield
    }) : () -> ()
    "tpu.region"() ({
      %run_scoped3A = tpu.sem_alloc : memref<!tpu.dma_semaphore, #tpu.memory_space<semaphore_mem>>
      %dma_start3A_114 = arith.constant 0 : i32
      %dma_start3A_115 = tpu.memref_slice %arg9[%dma_start3A_114] : memref<4096xf32, #tpu.memory_space<vmem>> -> memref<3392xf32, #tpu.memory_space<vmem>>
      %dma_start3A_116 = tpu.memref_slice %arg2[%add3A_75] : memref<6400000xf32, #tpu.memory_space<hbm>> -> memref<3392xf32, #tpu.memory_space<hbm>>
      %dma_start3A_117 = arith.constant 0 : i32
      %dma_start3A_118 = tpu.memref_slice %arg9[%dma_start3A_117] : memref<4096xf32, #tpu.memory_space<vmem>> -> memref<3392xf32, #tpu.memory_space<vmem>>
      %dma_start3A_119 = tpu.memref_slice %arg2[%add3A_75] : memref<6400000xf32, #tpu.memory_space<hbm>> -> memref<3392xf32, #tpu.memory_space<hbm>>
      tpu.enqueue_dma source(%dma_start3A_119 : memref<3392xf32, #tpu.memory_space<hbm>>) target(%dma_start3A_118 : memref<3392xf32, #tpu.memory_space<vmem>>) target_semaphore(%run_scoped3A : memref<!tpu.dma_semaphore, #tpu.memory_space<semaphore_mem>>)
      %dma_wait3A = arith.constant 0 : i32
      %dma_wait3A_120 = tpu.memref_slice %arg9[%dma_wait3A] : memref<4096xf32, #tpu.memory_space<vmem>> -> memref<3392xf32, #tpu.memory_space<vmem>>
      %dma_wait3A_121 = tpu.memref_slice %arg2[%add3A_75] : memref<6400000xf32, #tpu.memory_space<hbm>> -> memref<3392xf32, #tpu.memory_space<hbm>>
      %dma_wait3A_122 = arith.constant 0 : i32
      %dma_wait3A_123 = tpu.memref_slice %arg9[%dma_wait3A_122] : memref<4096xf32, #tpu.memory_space<vmem>> -> memref<3392xf32, #tpu.memory_space<vmem>>
      %dma_wait3A_124 = tpu.memref_slice %arg2[%add3A_75] : memref<6400000xf32, #tpu.memory_space<hbm>> -> memref<3392xf32, #tpu.memory_space<hbm>>
      tpu.wait_dma2 semaphore(%run_scoped3A : memref<!tpu.dma_semaphore, #tpu.memory_space<semaphore_mem>>) src(%dma_wait3A_124 : memref<3392xf32, #tpu.memory_space<hbm>>) dst(%dma_wait3A_123 : memref<3392xf32, #tpu.memory_space<vmem>>)
      tpu.yield
    }) : () -> ()
    %scan3A = arith.constant 0 : i32
    %scan3A_76 = arith.constant 13 : i32
    %scan3A_77 = arith.addi %scan3A, %scan3A_76 : i32
    %scan3A_78 = arith.constant 1 : i32
    scf.for %scan3A_114 = %scan3A to %scan3A_77 step %scan3A_78  : i32 {
      %mul3A_115 = arith.constant 16 : i32
      %mul3A_116 = arith.muli %scan3A_114, %mul3A_115 : i32
      %add3A_117 = arith.constant 0 : i32
      %add3A_118 = arith.addi %mul3A_116, %add3A_117 : i32
      %mul3A_119 = arith.constant 16 : i32
      %mul3A_120 = arith.muli %add3A_118, %mul3A_119 : i32
      %get3A_121 = arith.index_cast %mul3A_120 : i32 to index
      %get3A_122 = tpu.vector_load %arg9[%get3A_121] {strides = array<i32>} : memref<4096xf32, #tpu.memory_space<vmem>>, vector<16xf32>,
      %broadcast_in_dim3A = arith.constant true
      %broadcast_in_dim3A_123 = vector.broadcast %broadcast_in_dim3A : i1 to vector<16xi1>
      %masked_cumsum3A = tpu.scan <sum>, %get3A_122 masked %broadcast_in_dim3A_123 : vector<16xf32>, vector<16xi1> -> vector<16xf32>
      %add3A_124 = arith.constant 1 : i32
      %add3A_125 = arith.addi %mul3A_116, %add3A_124 : i32
      %mul3A_126 = arith.constant 16 : i32
      %mul3A_127 = arith.muli %add3A_125, %mul3A_126 : i32
      %get3A_128 = arith.index_cast %mul3A_127 : i32 to index
      %get3A_129 = tpu.vector_load %arg9[%get3A_128] {strides = array<i32>} : memref<4096xf32, #tpu.memory_space<vmem>>, vector<16xf32>,
      %broadcast_in_dim3A_130 = arith.constant true
      %broadcast_in_dim3A_131 = vector.broadcast %broadcast_in_dim3A_130 : i1 to vector<16xi1>
      %masked_cumsum3A_132 = tpu.scan <sum>, %get3A_129 masked %broadcast_in_dim3A_131 : vector<16xf32>, vector<16xi1> -> vector<16xf32>
      %add3A_133 = arith.constant 2 : i32
      %add3A_134 = arith.addi %mul3A_116, %add3A_133 : i32
      %mul3A_135 = arith.constant 16 : i32
      %mul3A_136 = arith.muli %add3A_134, %mul3A_135 : i32
      %get3A_137 = arith.index_cast %mul3A_136 : i32 to index
      %get3A_138 = tpu.vector_load %arg9[%get3A_137] {strides = array<i32>} : memref<4096xf32, #tpu.memory_space<vmem>>, vector<16xf32>,
      %broadcast_in_dim3A_139 = arith.constant true
      %broadcast_in_dim3A_140 = vector.broadcast %broadcast_in_dim3A_139 : i1 to vector<16xi1>
      %masked_cumsum3A_141 = tpu.scan <sum>, %get3A_138 masked %broadcast_in_dim3A_140 : vector<16xf32>, vector<16xi1> -> vector<16xf32>
      %add3A_142 = arith.constant 3 : i32
      %add3A_143 = arith.addi %mul3A_116, %add3A_142 : i32
      %mul3A_144 = arith.constant 16 : i32
      %mul3A_145 = arith.muli %add3A_143, %mul3A_144 : i32
      %get3A_146 = arith.index_cast %mul3A_145 : i32 to index
      %get3A_147 = tpu.vector_load %arg9[%get3A_146] {strides = array<i32>} : memref<4096xf32, #tpu.memory_space<vmem>>, vector<16xf32>,
      %broadcast_in_dim3A_148 = arith.constant true
      %broadcast_in_dim3A_149 = vector.broadcast %broadcast_in_dim3A_148 : i1 to vector<16xi1>
      %masked_cumsum3A_150 = tpu.scan <sum>, %get3A_147 masked %broadcast_in_dim3A_149 : vector<16xf32>, vector<16xi1> -> vector<16xf32>
      %add3A_151 = arith.constant 4 : i32
      %add3A_152 = arith.addi %mul3A_116, %add3A_151 : i32
      %mul3A_153 = arith.constant 16 : i32
      %mul3A_154 = arith.muli %add3A_152, %mul3A_153 : i32
      %get3A_155 = arith.index_cast %mul3A_154 : i32 to index
      %get3A_156 = tpu.vector_load %arg9[%get3A_155] {strides = array<i32>} : memref<4096xf32, #tpu.memory_space<vmem>>, vector<16xf32>,
      %broadcast_in_dim3A_157 = arith.constant true
      %broadcast_in_dim3A_158 = vector.broadcast %broadcast_in_dim3A_157 : i1 to vector<16xi1>
      %masked_cumsum3A_159 = tpu.scan <sum>, %get3A_156 masked %broadcast_in_dim3A_158 : vector<16xf32>, vector<16xi1> -> vector<16xf32>
      %add3A_160 = arith.constant 5 : i32
      %add3A_161 = arith.addi %mul3A_116, %add3A_160 : i32
      %mul3A_162 = arith.constant 16 : i32
      %mul3A_163 = arith.muli %add3A_161, %mul3A_162 : i32
      %get3A_164 = arith.index_cast %mul3A_163 : i32 to index
      %get3A_165 = tpu.vector_load %arg9[%get3A_164] {strides = array<i32>} : memref<4096xf32, #tpu.memory_space<vmem>>, vector<16xf32>,
      %broadcast_in_dim3A_166 = arith.constant true
      %broadcast_in_dim3A_167 = vector.broadcast %broadcast_in_dim3A_166 : i1 to vector<16xi1>
      %masked_cumsum3A_168 = tpu.scan <sum>, %get3A_165 masked %broadcast_in_dim3A_167 : vector<16xf32>, vector<16xi1> -> vector<16xf32>
      %add3A_169 = arith.constant 6 : i32
      %add3A_170 = arith.addi %mul3A_116, %add3A_169 : i32
      %mul3A_171 = arith.constant 16 : i32
      %mul3A_172 = arith.muli %add3A_170, %mul3A_171 : i32
      %get3A_173 = arith.index_cast %mul3A_172 : i32 to index
      %get3A_174 = tpu.vector_load %arg9[%get3A_173] {strides = array<i32>} : memref<4096xf32, #tpu.memory_space<vmem>>, vector<16xf32>,
      %broadcast_in_dim3A_175 = arith.constant true
      %broadcast_in_dim3A_176 = vector.broadcast %broadcast_in_dim3A_175 : i1 to vector<16xi1>
      %masked_cumsum3A_177 = tpu.scan <sum>, %get3A_174 masked %broadcast_in_dim3A_176 : vector<16xf32>, vector<16xi1> -> vector<16xf32>
      %add3A_178 = arith.constant 7 : i32
      %add3A_179 = arith.addi %mul3A_116, %add3A_178 : i32
      %mul3A_180 = arith.constant 16 : i32
      %mul3A_181 = arith.muli %add3A_179, %mul3A_180 : i32
      %get3A_182 = arith.index_cast %mul3A_181 : i32 to index
      %get3A_183 = tpu.vector_load %arg9[%get3A_182] {strides = array<i32>} : memref<4096xf32, #tpu.memory_space<vmem>>, vector<16xf32>,
      %broadcast_in_dim3A_184 = arith.constant true
      %broadcast_in_dim3A_185 = vector.broadcast %broadcast_in_dim3A_184 : i1 to vector<16xi1>
      %masked_cumsum3A_186 = tpu.scan <sum>, %get3A_183 masked %broadcast_in_dim3A_185 : vector<16xf32>, vector<16xi1> -> vector<16xf32>
      %add3A_187 = arith.constant 8 : i32
      %add3A_188 = arith.addi %mul3A_116, %add3A_187 : i32
      %mul3A_189 = arith.constant 16 : i32
      %mul3A_190 = arith.muli %add3A_188, %mul3A_189 : i32
      %get3A_191 = arith.index_cast %mul3A_190 : i32 to index
      %get3A_192 = tpu.vector_load %arg9[%get3A_191] {strides = array<i32>} : memref<4096xf32, #tpu.memory_space<vmem>>, vector<16xf32>,
      %broadcast_in_dim3A_193 = arith.constant true
      %broadcast_in_dim3A_194 = vector.broadcast %broadcast_in_dim3A_193 : i1 to vector<16xi1>
      %masked_cumsum3A_195 = tpu.scan <sum>, %get3A_192 masked %broadcast_in_dim3A_194 : vector<16xf32>, vector<16xi1> -> vector<16xf32>
      %add3A_196 = arith.constant 9 : i32
      %add3A_197 = arith.addi %mul3A_116, %add3A_196 : i32
      %mul3A_198 = arith.constant 16 : i32
      %mul3A_199 = arith.muli %add3A_197, %mul3A_198 : i32
      %get3A_200 = arith.index_cast %mul3A_199 : i32 to index
      %get3A_201 = tpu.vector_load %arg9[%get3A_200] {strides = array<i32>} : memref<4096xf32, #tpu.memory_space<vmem>>, vector<16xf32>,
      %broadcast_in_dim3A_202 = arith.constant true
      %broadcast_in_dim3A_203 = vector.broadcast %broadcast_in_dim3A_202 : i1 to vector<16xi1>
      %masked_cumsum3A_204 = tpu.scan <sum>, %get3A_201 masked %broadcast_in_dim3A_203 : vector<16xf32>, vector<16xi1> -> vector<16xf32>
      %add3A_205 = arith.constant 10 : i32
      %add3A_206 = arith.addi %mul3A_116, %add3A_205 : i32
      %mul3A_207 = arith.constant 16 : i32
      %mul3A_208 = arith.muli %add3A_206, %mul3A_207 : i32
      %get3A_209 = arith.index_cast %mul3A_208 : i32 to index
      %get3A_210 = tpu.vector_load %arg9[%get3A_209] {strides = array<i32>} : memref<4096xf32, #tpu.memory_space<vmem>>, vector<16xf32>,
      %broadcast_in_dim3A_211 = arith.constant true
      %broadcast_in_dim3A_212 = vector.broadcast %broadcast_in_dim3A_211 : i1 to vector<16xi1>
      %masked_cumsum3A_213 = tpu.scan <sum>, %get3A_210 masked %broadcast_in_dim3A_212 : vector<16xf32>, vector<16xi1> -> vector<16xf32>
      %add3A_214 = arith.constant 11 : i32
      %add3A_215 = arith.addi %mul3A_116, %add3A_214 : i32
      %mul3A_216 = arith.constant 16 : i32
      %mul3A_217 = arith.muli %add3A_215, %mul3A_216 : i32
      %get3A_218 = arith.index_cast %mul3A_217 : i32 to index
      %get3A_219 = tpu.vector_load %arg9[%get3A_218] {strides = array<i32>} : memref<4096xf32, #tpu.memory_space<vmem>>, vector<16xf32>,
      %broadcast_in_dim3A_220 = arith.constant true
      %broadcast_in_dim3A_221 = vector.broadcast %broadcast_in_dim3A_220 : i1 to vector<16xi1>
      %masked_cumsum3A_222 = tpu.scan <sum>, %get3A_219 masked %broadcast_in_dim3A_221 : vector<16xf32>, vector<16xi1> -> vector<16xf32>
      %add3A_223 = arith.constant 12 : i32
      %add3A_224 = arith.addi %mul3A_116, %add3A_223 : i32
      %mul3A_225 = arith.constant 16 : i32
      %mul3A_226 = arith.muli %add3A_224, %mul3A_225 : i32
      %get3A_227 = arith.index_cast %mul3A_226 : i32 to index
      %get3A_228 = tpu.vector_load %arg9[%get3A_227] {strides = array<i32>} : memref<4096xf32, #tpu.memory_space<vmem>>, vector<16xf32>,
      %broadcast_in_dim3A_229 = arith.constant true
      %broadcast_in_dim3A_230 = vector.broadcast %broadcast_in_dim3A_229 : i1 to vector<16xi1>
      %masked_cumsum3A_231 = tpu.scan <sum>, %get3A_228 masked %broadcast_in_dim3A_230 : vector<16xf32>, vector<16xi1> -> vector<16xf32>
      %add3A_232 = arith.constant 13 : i32
      %add3A_233 = arith.addi %mul3A_116, %add3A_232 : i32
      %mul3A_234 = arith.constant 16 : i32
      %mul3A_235 = arith.muli %add3A_233, %mul3A_234 : i32
      %get3A_236 = arith.index_cast %mul3A_235 : i32 to index
      %get3A_237 = tpu.vector_load %arg9[%get3A_236] {strides = array<i32>} : memref<4096xf32, #tpu.memory_space<vmem>>, vector<16xf32>,
      %broadcast_in_dim3A_238 = arith.constant true
      %broadcast_in_dim3A_239 = vector.broadcast %broadcast_in_dim3A_238 : i1 to vector<16xi1>
      %masked_cumsum3A_240 = tpu.scan <sum>, %get3A_237 masked %broadcast_in_dim3A_239 : vector<16xf32>, vector<16xi1> -> vector<16xf32>
      %add3A_241 = arith.constant 14 : i32
      %add3A_242 = arith.addi %mul3A_116, %add3A_241 : i32
      %mul3A_243 = arith.constant 16 : i32
      %mul3A_244 = arith.muli %add3A_242, %mul3A_243 : i32
      %get3A_245 = arith.index_cast %mul3A_244 : i32 to index
      %get3A_246 = tpu.vector_load %arg9[%get3A_245] {strides = array<i32>} : memref<4096xf32, #tpu.memory_space<vmem>>, vector<16xf32>,
      %broadcast_in_dim3A_247 = arith.constant true
      %broadcast_in_dim3A_248 = vector.broadcast %broadcast_in_dim3A_247 : i1 to vector<16xi1>
      %masked_cumsum3A_249 = tpu.scan <sum>, %get3A_246 masked %broadcast_in_dim3A_248 : vector<16xf32>, vector<16xi1> -> vector<16xf32>
      %add3A_250 = arith.constant 15 : i32
      %add3A_251 = arith.addi %mul3A_116, %add3A_250 : i32
      %mul3A_252 = arith.constant 16 : i32
      %mul3A_253 = arith.muli %add3A_251, %mul3A_252 : i32
      %get3A_254 = arith.index_cast %mul3A_253 : i32 to index
      %get3A_255 = tpu.vector_load %arg9[%get3A_254] {strides = array<i32>} : memref<4096xf32, #tpu.memory_space<vmem>>, vector<16xf32>,
      %broadcast_in_dim3A_256 = arith.constant true
      %broadcast_in_dim3A_257 = vector.broadcast %broadcast_in_dim3A_256 : i1 to vector<16xi1>
      %masked_cumsum3A_258 = tpu.scan <sum>, %get3A_255 masked %broadcast_in_dim3A_257 : vector<16xf32>, vector<16xi1> -> vector<16xf32>
      %slice3A_259 = vector.extract_strided_slice %masked_cumsum3A {offsets = [15], sizes = [1], strides = [1]} : vector<16xf32> to vector<1xf32>
      %squeeze3A_260 = vector.extract %slice3A_259[0] : f32 from vector<1xf32>
      %broadcast_in_dim3A_261 = vector.broadcast %squeeze3A_260 : f32 to vector<16xf32>
      %add3A_262 = arith.addf %masked_cumsum3A_132, %broadcast_in_dim3A_261 : vector<16xf32>
      %slice3A_263 = vector.extract_strided_slice %add3A_262 {offsets = [15], sizes = [1], strides = [1]} : vector<16xf32> to vector<1xf32>
      %squeeze3A_264 = vector.extract %slice3A_263[0] : f32 from vector<1xf32>
      %broadcast_in_dim3A_265 = vector.broadcast %squeeze3A_264 : f32 to vector<16xf32>
      %add3A_266 = arith.addf %masked_cumsum3A_141, %broadcast_in_dim3A_265 : vector<16xf32>
      %slice3A_267 = vector.extract_strided_slice %add3A_266 {offsets = [15], sizes = [1], strides = [1]} : vector<16xf32> to vector<1xf32>
      %squeeze3A_268 = vector.extract %slice3A_267[0] : f32 from vector<1xf32>
      %broadcast_in_dim3A_269 = vector.broadcast %squeeze3A_268 : f32 to vector<16xf32>
      %add3A_270 = arith.addf %masked_cumsum3A_150, %broadcast_in_dim3A_269 : vector<16xf32>
      %slice3A_271 = vector.extract_strided_slice %masked_cumsum3A_159 {offsets = [15], sizes = [1], strides = [1]} : vector<16xf32> to vector<1xf32>
      %squeeze3A_272 = vector.extract %slice3A_271[0] : f32 from vector<1xf32>
      %broadcast_in_dim3A_273 = vector.broadcast %squeeze3A_272 : f32 to vector<16xf32>
      %add3A_274 = arith.addf %masked_cumsum3A_168, %broadcast_in_dim3A_273 : vector<16xf32>
      %slice3A_275 = vector.extract_strided_slice %add3A_274 {offsets = [15], sizes = [1], strides = [1]} : vector<16xf32> to vector<1xf32>
      %squeeze3A_276 = vector.extract %slice3A_275[0] : f32 from vector<1xf32>
      %broadcast_in_dim3A_277 = vector.broadcast %squeeze3A_276 : f32 to vector<16xf32>
      %add3A_278 = arith.addf %masked_cumsum3A_177, %broadcast_in_dim3A_277 : vector<16xf32>
      %slice3A_279 = vector.extract_strided_slice %add3A_278 {offsets = [15], sizes = [1], strides = [1]} : vector<16xf32> to vector<1xf32>
      %squeeze3A_280 = vector.extract %slice3A_279[0] : f32 from vector<1xf32>
      %broadcast_in_dim3A_281 = vector.broadcast %squeeze3A_280 : f32 to vector<16xf32>
      %add3A_282 = arith.addf %masked_cumsum3A_186, %broadcast_in_dim3A_281 : vector<16xf32>
      %slice3A_283 = vector.extract_strided_slice %masked_cumsum3A_195 {offsets = [15], sizes = [1], strides = [1]} : vector<16xf32> to vector<1xf32>
      %squeeze3A_284 = vector.extract %slice3A_283[0] : f32 from vector<1xf32>
      %broadcast_in_dim3A_285 = vector.broadcast %squeeze3A_284 : f32 to vector<16xf32>
      %add3A_286 = arith.addf %masked_cumsum3A_204, %broadcast_in_dim3A_285 : vector<16xf32>
      %slice3A_287 = vector.extract_strided_slice %add3A_286 {offsets = [15], sizes = [1], strides = [1]} : vector<16xf32> to vector<1xf32>
      %squeeze3A_288 = vector.extract %slice3A_287[0] : f32 from vector<1xf32>
      %broadcast_in_dim3A_289 = vector.broadcast %squeeze3A_288 : f32 to vector<16xf32>
      %add3A_290 = arith.addf %masked_cumsum3A_213, %broadcast_in_dim3A_289 : vector<16xf32>
      %slice3A_291 = vector.extract_strided_slice %add3A_290 {offsets = [15], sizes = [1], strides = [1]} : vector<16xf32> to vector<1xf32>
      %squeeze3A_292 = vector.extract %slice3A_291[0] : f32 from vector<1xf32>
      %broadcast_in_dim3A_293 = vector.broadcast %squeeze3A_292 : f32 to vector<16xf32>
      %add3A_294 = arith.addf %masked_cumsum3A_222, %broadcast_in_dim3A_293 : vector<16xf32>
      %slice3A_295 = vector.extract_strided_slice %masked_cumsum3A_231 {offsets = [15], sizes = [1], strides = [1]} : vector<16xf32> to vector<1xf32>
      %squeeze3A_296 = vector.extract %slice3A_295[0] : f32 from vector<1xf32>
      %broadcast_in_dim3A_297 = vector.broadcast %squeeze3A_296 : f32 to vector<16xf32>
      %add3A_298 = arith.addf %masked_cumsum3A_240, %broadcast_in_dim3A_297 : vector<16xf32>
      %slice3A_299 = vector.extract_strided_slice %add3A_298 {offsets = [15], sizes = [1], strides = [1]} : vector<16xf32> to vector<1xf32>
      %squeeze3A_300 = vector.extract %slice3A_299[0] : f32 from vector<1xf32>
      %broadcast_in_dim3A_301 = vector.broadcast %squeeze3A_300 : f32 to vector<16xf32>
      %add3A_302 = arith.addf %masked_cumsum3A_249, %broadcast_in_dim3A_301 : vector<16xf32>
      %slice3A_303 = vector.extract_strided_slice %add3A_302 {offsets = [15], sizes = [1], strides = [1]} : vector<16xf32> to vector<1xf32>
      %squeeze3A_304 = vector.extract %slice3A_303[0] : f32 from vector<1xf32>
      %broadcast_in_dim3A_305 = vector.broadcast %squeeze3A_304 : f32 to vector<16xf32>
      %add3A_306 = arith.addf %masked_cumsum3A_258, %broadcast_in_dim3A_305 : vector<16xf32>
      %add3A_307 = arith.constant 0 : i32
      %add3A_308 = arith.addi %mul3A_116, %add3A_307 : i32
      %mul3A_309 = arith.constant 16 : i32
      %mul3A_310 = arith.muli %add3A_308, %mul3A_309 : i32
      %get3A_311 = arith.index_cast %mul3A_310 : i32 to index
      %get3A_312 = tpu.vector_load %arg8[%get3A_311] {strides = array<i32>} : memref<4112xi32, #tpu.memory_space<vmem>>, vector<16xi32>,
      %add3A_313 = arith.constant 0 : i32
      %add3A_314 = arith.addi %mul3A_116, %add3A_313 : i32
      %mul3A_315 = arith.constant 16 : i32
      %mul3A_316 = arith.muli %add3A_314, %mul3A_315 : i32
      %add3A_317 = arith.constant 1 : i32
      %add3A_318 = arith.addi %mul3A_316, %add3A_317 : i32
      %get3A_319 = arith.index_cast %add3A_318 : i32 to index
      %get3A_320 = tpu.vector_load %arg8[%get3A_319] {strides = array<i32>} : memref<4112xi32, #tpu.memory_space<vmem>>, vector<16xi32>,
      %ne3A_321 = arith.cmpi ne, %get3A_312, %get3A_320 : vector<16xi32>
      tpu.vector_store_idx %arg7[%get3A_312], %masked_cumsum3A masked %ne3A_321 {add = true} : memref<100352xf32, #tpu.memory_space<vmem>>[vector<16xi32>], vector<16xf32>, vector<16xi1>
      %neg3A = arith.constant 0.000000e+00 : f32
      %neg3A_322 = vector.broadcast %neg3A : f32 to vector<16xf32>
      %neg3A_323 = arith.subf %neg3A_322, %masked_cumsum3A : vector<16xf32>
      tpu.vector_store_idx %arg7[%get3A_320], %neg3A_323 masked %ne3A_321 {add = true} : memref<100352xf32, #tpu.memory_space<vmem>>[vector<16xi32>], vector<16xf32>, vector<16xi1>
      %add3A_324 = arith.constant 1 : i32
      %add3A_325 = arith.addi %mul3A_116, %add3A_324 : i32
      %mul3A_326 = arith.constant 16 : i32
      %mul3A_327 = arith.muli %add3A_325, %mul3A_326 : i32
      %get3A_328 = arith.index_cast %mul3A_327 : i32 to index
      %get3A_329 = tpu.vector_load %arg8[%get3A_328] {strides = array<i32>} : memref<4112xi32, #tpu.memory_space<vmem>>, vector<16xi32>,
      %add3A_330 = arith.constant 1 : i32
      %add3A_331 = arith.addi %mul3A_116, %add3A_330 : i32
      %mul3A_332 = arith.constant 16 : i32
      %mul3A_333 = arith.muli %add3A_331, %mul3A_332 : i32
      %add3A_334 = arith.constant 1 : i32
      %add3A_335 = arith.addi %mul3A_333, %add3A_334 : i32
      %get3A_336 = arith.index_cast %add3A_335 : i32 to index
      %get3A_337 = tpu.vector_load %arg8[%get3A_336] {strides = array<i32>} : memref<4112xi32, #tpu.memory_space<vmem>>, vector<16xi32>,
      %ne3A_338 = arith.cmpi ne, %get3A_329, %get3A_337 : vector<16xi32>
      tpu.vector_store_idx %arg7[%get3A_329], %add3A_262 masked %ne3A_338 {add = true} : memref<100352xf32, #tpu.memory_space<vmem>>[vector<16xi32>], vector<16xf32>, vector<16xi1>
      %neg3A_339 = arith.constant 0.000000e+00 : f32
      %neg3A_340 = vector.broadcast %neg3A_339 : f32 to vector<16xf32>
      %neg3A_341 = arith.subf %neg3A_340, %add3A_262 : vector<16xf32>
      tpu.vector_store_idx %arg7[%get3A_337], %neg3A_341 masked %ne3A_338 {add = true} : memref<100352xf32, #tpu.memory_space<vmem>>[vector<16xi32>], vector<16xf32>, vector<16xi1>
      %add3A_342 = arith.constant 2 : i32
      %add3A_343 = arith.addi %mul3A_116, %add3A_342 : i32
      %mul3A_344 = arith.constant 16 : i32
      %mul3A_345 = arith.muli %add3A_343, %mul3A_344 : i32
      %get3A_346 = arith.index_cast %mul3A_345 : i32 to index
      %get3A_347 = tpu.vector_load %arg8[%get3A_346] {strides = array<i32>} : memref<4112xi32, #tpu.memory_space<vmem>>, vector<16xi32>,
      %add3A_348 = arith.constant 2 : i32
      %add3A_349 = arith.addi %mul3A_116, %add3A_348 : i32
      %mul3A_350 = arith.constant 16 : i32
      %mul3A_351 = arith.muli %add3A_349, %mul3A_350 : i32
      %add3A_352 = arith.constant 1 : i32
      %add3A_353 = arith.addi %mul3A_351, %add3A_352 : i32
      %get3A_354 = arith.index_cast %add3A_353 : i32 to index
      %get3A_355 = tpu.vector_load %arg8[%get3A_354] {strides = array<i32>} : memref<4112xi32, #tpu.memory_space<vmem>>, vector<16xi32>,
      %ne3A_356 = arith.cmpi ne, %get3A_347, %get3A_355 : vector<16xi32>
      tpu.vector_store_idx %arg7[%get3A_347], %add3A_266 masked %ne3A_356 {add = true} : memref<100352xf32, #tpu.memory_space<vmem>>[vector<16xi32>], vector<16xf32>, vector<16xi1>
      %neg3A_357 = arith.constant 0.000000e+00 : f32
      %neg3A_358 = vector.broadcast %neg3A_357 : f32 to vector<16xf32>
      %neg3A_359 = arith.subf %neg3A_358, %add3A_266 : vector<16xf32>
      tpu.vector_store_idx %arg7[%get3A_355], %neg3A_359 masked %ne3A_356 {add = true} : memref<100352xf32, #tpu.memory_space<vmem>>[vector<16xi32>], vector<16xf32>, vector<16xi1>
      %add3A_360 = arith.constant 3 : i32
      %add3A_361 = arith.addi %mul3A_116, %add3A_360 : i32
      %mul3A_362 = arith.constant 16 : i32
      %mul3A_363 = arith.muli %add3A_361, %mul3A_362 : i32
      %get3A_364 = arith.index_cast %mul3A_363 : i32 to index
      %get3A_365 = tpu.vector_load %arg8[%get3A_364] {strides = array<i32>} : memref<4112xi32, #tpu.memory_space<vmem>>, vector<16xi32>,
      %add3A_366 = arith.constant 3 : i32
      %add3A_367 = arith.addi %mul3A_116, %add3A_366 : i32
      %mul3A_368 = arith.constant 16 : i32
      %mul3A_369 = arith.muli %add3A_367, %mul3A_368 : i32
      %add3A_370 = arith.constant 1 : i32
      %add3A_371 = arith.addi %mul3A_369, %add3A_370 : i32
      %get3A_372 = arith.index_cast %add3A_371 : i32 to index
      %get3A_373 = tpu.vector_load %arg8[%get3A_372] {strides = array<i32>} : memref<4112xi32, #tpu.memory_space<vmem>>, vector<16xi32>,
      %ne3A_374 = arith.cmpi ne, %get3A_365, %get3A_373 : vector<16xi32>
      %and3A_375 = arith.andi %ne3A_374, %ne3A_73 : vector<16xi1>
      %or3A = arith.ori %and3A_375, %eq3A_70 : vector<16xi1>
      tpu.vector_store_idx %arg7[%get3A_365], %add3A_270 masked %or3A {add = true} : memref<100352xf32, #tpu.memory_space<vmem>>[vector<16xi32>], vector<16xf32>, vector<16xi1>
      %neg3A_376 = arith.constant 0.000000e+00 : f32
      %neg3A_377 = vector.broadcast %neg3A_376 : f32 to vector<16xf32>
      %neg3A_378 = arith.subf %neg3A_377, %add3A_270 : vector<16xf32>
      tpu.vector_store_idx %arg7[%get3A_373], %neg3A_378 masked %and3A_375 {add = true} : memref<100352xf32, #tpu.memory_space<vmem>>[vector<16xi32>], vector<16xf32>, vector<16xi1>
      %add3A_379 = arith.constant 4 : i32
      %add3A_380 = arith.addi %mul3A_116, %add3A_379 : i32
      %mul3A_381 = arith.constant 16 : i32
      %mul3A_382 = arith.muli %add3A_380, %mul3A_381 : i32
      %get3A_383 = arith.index_cast %mul3A_382 : i32 to index
      %get3A_384 = tpu.vector_load %arg8[%get3A_383] {strides = array<i32>} : memref<4112xi32, #tpu.memory_space<vmem>>, vector<16xi32>,
      %add3A_385 = arith.constant 4 : i32
      %add3A_386 = arith.addi %mul3A_116, %add3A_385 : i32
      %mul3A_387 = arith.constant 16 : i32
      %mul3A_388 = arith.muli %add3A_386, %mul3A_387 : i32
      %add3A_389 = arith.constant 1 : i32
      %add3A_390 = arith.addi %mul3A_388, %add3A_389 : i32
      %get3A_391 = arith.index_cast %add3A_390 : i32 to index
      %get3A_392 = tpu.vector_load %arg8[%get3A_391] {strides = array<i32>} : memref<4112xi32, #tpu.memory_space<vmem>>, vector<16xi32>,
      %ne3A_393 = arith.cmpi ne, %get3A_384, %get3A_392 : vector<16xi32>
      tpu.vector_store_idx %arg7[%get3A_384], %masked_cumsum3A_159 masked %ne3A_393 {add = true} : memref<100352xf32, #tpu.memory_space<vmem>>[vector<16xi32>], vector<16xf32>, vector<16xi1>
      %neg3A_394 = arith.constant 0.000000e+00 : f32
      %neg3A_395 = vector.broadcast %neg3A_394 : f32 to vector<16xf32>
      %neg3A_396 = arith.subf %neg3A_395, %masked_cumsum3A_159 : vector<16xf32>
      tpu.vector_store_idx %arg7[%get3A_392], %neg3A_396 masked %ne3A_393 {add = true} : memref<100352xf32, #tpu.memory_space<vmem>>[vector<16xi32>], vector<16xf32>, vector<16xi1>
      %add3A_397 = arith.constant 5 : i32
      %add3A_398 = arith.addi %mul3A_116, %add3A_397 : i32
      %mul3A_399 = arith.constant 16 : i32
      %mul3A_400 = arith.muli %add3A_398, %mul3A_399 : i32
      %get3A_401 = arith.index_cast %mul3A_400 : i32 to index
      %get3A_402 = tpu.vector_load %arg8[%get3A_401] {strides = array<i32>} : memref<4112xi32, #tpu.memory_space<vmem>>, vector<16xi32>,
      %add3A_403 = arith.constant 5 : i32
      %add3A_404 = arith.addi %mul3A_116, %add3A_403 : i32
      %mul3A_405 = arith.constant 16 : i32
      %mul3A_406 = arith.muli %add3A_404, %mul3A_405 : i32
      %add3A_407 = arith.constant 1 : i32
      %add3A_408 = arith.addi %mul3A_406, %add3A_407 : i32
      %get3A_409 = arith.index_cast %add3A_408 : i32 to index
      %get3A_410 = tpu.vector_load %arg8[%get3A_409] {strides = array<i32>} : memref<4112xi32, #tpu.memory_space<vmem>>, vector<16xi32>,
      %ne3A_411 = arith.cmpi ne, %get3A_402, %get3A_410 : vector<16xi32>
      tpu.vector_store_idx %arg7[%get3A_402], %add3A_274 masked %ne3A_411 {add = true} : memref<100352xf32, #tpu.memory_space<vmem>>[vector<16xi32>], vector<16xf32>, vector<16xi1>
      %neg3A_412 = arith.constant 0.000000e+00 : f32
      %neg3A_413 = vector.broadcast %neg3A_412 : f32 to vector<16xf32>
      %neg3A_414 = arith.subf %neg3A_413, %add3A_274 : vector<16xf32>
      tpu.vector_store_idx %arg7[%get3A_410], %neg3A_414 masked %ne3A_411 {add = true} : memref<100352xf32, #tpu.memory_space<vmem>>[vector<16xi32>], vector<16xf32>, vector<16xi1>
      %add3A_415 = arith.constant 6 : i32
      %add3A_416 = arith.addi %mul3A_116, %add3A_415 : i32
      %mul3A_417 = arith.constant 16 : i32
      %mul3A_418 = arith.muli %add3A_416, %mul3A_417 : i32
      %get3A_419 = arith.index_cast %mul3A_418 : i32 to index
      %get3A_420 = tpu.vector_load %arg8[%get3A_419] {strides = array<i32>} : memref<4112xi32, #tpu.memory_space<vmem>>, vector<16xi32>,
      %add3A_421 = arith.constant 6 : i32
      %add3A_422 = arith.addi %mul3A_116, %add3A_421 : i32
      %mul3A_423 = arith.constant 16 : i32
      %mul3A_424 = arith.muli %add3A_422, %mul3A_423 : i32
      %add3A_425 = arith.constant 1 : i32
      %add3A_426 = arith.addi %mul3A_424, %add3A_425 : i32
      %get3A_427 = arith.index_cast %add3A_426 : i32 to index
      %get3A_428 = tpu.vector_load %arg8[%get3A_427] {strides = array<i32>} : memref<4112xi32, #tpu.memory_space<vmem>>, vector<16xi32>,
      %ne3A_429 = arith.cmpi ne, %get3A_420, %get3A_428 : vector<16xi32>
      tpu.vector_store_idx %arg7[%get3A_420], %add3A_278 masked %ne3A_429 {add = true} : memref<100352xf32, #tpu.memory_space<vmem>>[vector<16xi32>], vector<16xf32>, vector<16xi1>
      %neg3A_430 = arith.constant 0.000000e+00 : f32
      %neg3A_431 = vector.broadcast %neg3A_430 : f32 to vector<16xf32>
      %neg3A_432 = arith.subf %neg3A_431, %add3A_278 : vector<16xf32>
      tpu.vector_store_idx %arg7[%get3A_428], %neg3A_432 masked %ne3A_429 {add = true} : memref<100352xf32, #tpu.memory_space<vmem>>[vector<16xi32>], vector<16xf32>, vector<16xi1>
      %add3A_433 = arith.constant 7 : i32
      %add3A_434 = arith.addi %mul3A_116, %add3A_433 : i32
      %mul3A_435 = arith.constant 16 : i32
      %mul3A_436 = arith.muli %add3A_434, %mul3A_435 : i32
      %get3A_437 = arith.index_cast %mul3A_436 : i32 to index
      %get3A_438 = tpu.vector_load %arg8[%get3A_437] {strides = array<i32>} : memref<4112xi32, #tpu.memory_space<vmem>>, vector<16xi32>,
      %add3A_439 = arith.constant 7 : i32
      %add3A_440 = arith.addi %mul3A_116, %add3A_439 : i32
      %mul3A_441 = arith.constant 16 : i32
      %mul3A_442 = arith.muli %add3A_440, %mul3A_441 : i32
      %add3A_443 = arith.constant 1 : i32
      %add3A_444 = arith.addi %mul3A_442, %add3A_443 : i32
      %get3A_445 = arith.index_cast %add3A_444 : i32 to index
      %get3A_446 = tpu.vector_load %arg8[%get3A_445] {strides = array<i32>} : memref<4112xi32, #tpu.memory_space<vmem>>, vector<16xi32>,
      %ne3A_447 = arith.cmpi ne, %get3A_438, %get3A_446 : vector<16xi32>
      %and3A_448 = arith.andi %ne3A_447, %ne3A_73 : vector<16xi1>
      %or3A_449 = arith.ori %and3A_448, %eq3A_70 : vector<16xi1>
      tpu.vector_store_idx %arg7[%get3A_438], %add3A_282 masked %or3A_449 {add = true} : memref<100352xf32, #tpu.memory_space<vmem>>[vector<16xi32>], vector<16xf32>, vector<16xi1>
      %neg3A_450 = arith.constant 0.000000e+00 : f32
      %neg3A_451 = vector.broadcast %neg3A_450 : f32 to vector<16xf32>
      %neg3A_452 = arith.subf %neg3A_451, %add3A_282 : vector<16xf32>
      tpu.vector_store_idx %arg7[%get3A_446], %neg3A_452 masked %and3A_448 {add = true} : memref<100352xf32, #tpu.memory_space<vmem>>[vector<16xi32>], vector<16xf32>, vector<16xi1>
      %add3A_453 = arith.constant 8 : i32
      %add3A_454 = arith.addi %mul3A_116, %add3A_453 : i32
      %mul3A_455 = arith.constant 16 : i32
      %mul3A_456 = arith.muli %add3A_454, %mul3A_455 : i32
      %get3A_457 = arith.index_cast %mul3A_456 : i32 to index
      %get3A_458 = tpu.vector_load %arg8[%get3A_457] {strides = array<i32>} : memref<4112xi32, #tpu.memory_space<vmem>>, vector<16xi32>,
      %add3A_459 = arith.constant 8 : i32
      %add3A_460 = arith.addi %mul3A_116, %add3A_459 : i32
      %mul3A_461 = arith.constant 16 : i32
      %mul3A_462 = arith.muli %add3A_460, %mul3A_461 : i32
      %add3A_463 = arith.constant 1 : i32
      %add3A_464 = arith.addi %mul3A_462, %add3A_463 : i32
      %get3A_465 = arith.index_cast %add3A_464 : i32 to index
      %get3A_466 = tpu.vector_load %arg8[%get3A_465] {strides = array<i32>} : memref<4112xi32, #tpu.memory_space<vmem>>, vector<16xi32>,
      %ne3A_467 = arith.cmpi ne, %get3A_458, %get3A_466 : vector<16xi32>
      tpu.vector_store_idx %arg7[%get3A_458], %masked_cumsum3A_195 masked %ne3A_467 {add = true} : memref<100352xf32, #tpu.memory_space<vmem>>[vector<16xi32>], vector<16xf32>, vector<16xi1>
      %neg3A_468 = arith.constant 0.000000e+00 : f32
      %neg3A_469 = vector.broadcast %neg3A_468 : f32 to vector<16xf32>
      %neg3A_470 = arith.subf %neg3A_469, %masked_cumsum3A_195 : vector<16xf32>
      tpu.vector_store_idx %arg7[%get3A_466], %neg3A_470 masked %ne3A_467 {add = true} : memref<100352xf32, #tpu.memory_space<vmem>>[vector<16xi32>], vector<16xf32>, vector<16xi1>
      %add3A_471 = arith.constant 9 : i32
      %add3A_472 = arith.addi %mul3A_116, %add3A_471 : i32
      %mul3A_473 = arith.constant 16 : i32
      %mul3A_474 = arith.muli %add3A_472, %mul3A_473 : i32
      %get3A_475 = arith.index_cast %mul3A_474 : i32 to index
      %get3A_476 = tpu.vector_load %arg8[%get3A_475] {strides = array<i32>} : memref<4112xi32, #tpu.memory_space<vmem>>, vector<16xi32>,
      %add3A_477 = arith.constant 9 : i32
      %add3A_478 = arith.addi %mul3A_116, %add3A_477 : i32
      %mul3A_479 = arith.constant 16 : i32
      %mul3A_480 = arith.muli %add3A_478, %mul3A_479 : i32
      %add3A_481 = arith.constant 1 : i32
      %add3A_482 = arith.addi %mul3A_480, %add3A_481 : i32
      %get3A_483 = arith.index_cast %add3A_482 : i32 to index
      %get3A_484 = tpu.vector_load %arg8[%get3A_483] {strides = array<i32>} : memref<4112xi32, #tpu.memory_space<vmem>>, vector<16xi32>,
      %ne3A_485 = arith.cmpi ne, %get3A_476, %get3A_484 : vector<16xi32>
      tpu.vector_store_idx %arg7[%get3A_476], %add3A_286 masked %ne3A_485 {add = true} : memref<100352xf32, #tpu.memory_space<vmem>>[vector<16xi32>], vector<16xf32>, vector<16xi1>
      %neg3A_486 = arith.constant 0.000000e+00 : f32
      %neg3A_487 = vector.broadcast %neg3A_486 : f32 to vector<16xf32>
      %neg3A_488 = arith.subf %neg3A_487, %add3A_286 : vector<16xf32>
      tpu.vector_store_idx %arg7[%get3A_484], %neg3A_488 masked %ne3A_485 {add = true} : memref<100352xf32, #tpu.memory_space<vmem>>[vector<16xi32>], vector<16xf32>, vector<16xi1>
      %add3A_489 = arith.constant 10 : i32
      %add3A_490 = arith.addi %mul3A_116, %add3A_489 : i32
      %mul3A_491 = arith.constant 16 : i32
      %mul3A_492 = arith.muli %add3A_490, %mul3A_491 : i32
      %get3A_493 = arith.index_cast %mul3A_492 : i32 to index
      %get3A_494 = tpu.vector_load %arg8[%get3A_493] {strides = array<i32>} : memref<4112xi32, #tpu.memory_space<vmem>>, vector<16xi32>,
      %add3A_495 = arith.constant 10 : i32
      %add3A_496 = arith.addi %mul3A_116, %add3A_495 : i32
      %mul3A_497 = arith.constant 16 : i32
      %mul3A_498 = arith.muli %add3A_496, %mul3A_497 : i32
      %add3A_499 = arith.constant 1 : i32
      %add3A_500 = arith.addi %mul3A_498, %add3A_499 : i32
      %get3A_501 = arith.index_cast %add3A_500 : i32 to index
      %get3A_502 = tpu.vector_load %arg8[%get3A_501] {strides = array<i32>} : memref<4112xi32, #tpu.memory_space<vmem>>, vector<16xi32>,
      %ne3A_503 = arith.cmpi ne, %get3A_494, %get3A_502 : vector<16xi32>
      tpu.vector_store_idx %arg7[%get3A_494], %add3A_290 masked %ne3A_503 {add = true} : memref<100352xf32, #tpu.memory_space<vmem>>[vector<16xi32>], vector<16xf32>, vector<16xi1>
      %neg3A_504 = arith.constant 0.000000e+00 : f32
      %neg3A_505 = vector.broadcast %neg3A_504 : f32 to vector<16xf32>
      %neg3A_506 = arith.subf %neg3A_505, %add3A_290 : vector<16xf32>
      tpu.vector_store_idx %arg7[%get3A_502], %neg3A_506 masked %ne3A_503 {add = true} : memref<100352xf32, #tpu.memory_space<vmem>>[vector<16xi32>], vector<16xf32>, vector<16xi1>
      %add3A_507 = arith.constant 11 : i32
      %add3A_508 = arith.addi %mul3A_116, %add3A_507 : i32
      %mul3A_509 = arith.constant 16 : i32
      %mul3A_510 = arith.muli %add3A_508, %mul3A_509 : i32
      %get3A_511 = arith.index_cast %mul3A_510 : i32 to index
      %get3A_512 = tpu.vector_load %arg8[%get3A_511] {strides = array<i32>} : memref<4112xi32, #tpu.memory_space<vmem>>, vector<16xi32>,
      %add3A_513 = arith.constant 11 : i32
      %add3A_514 = arith.addi %mul3A_116, %add3A_513 : i32
      %mul3A_515 = arith.constant 16 : i32
      %mul3A_516 = arith.muli %add3A_514, %mul3A_515 : i32
      %add3A_517 = arith.constant 1 : i32
      %add3A_518 = arith.addi %mul3A_516, %add3A_517 : i32
      %get3A_519 = arith.index_cast %add3A_518 : i32 to index
      %get3A_520 = tpu.vector_load %arg8[%get3A_519] {strides = array<i32>} : memref<4112xi32, #tpu.memory_space<vmem>>, vector<16xi32>,
      %ne3A_521 = arith.cmpi ne, %get3A_512, %get3A_520 : vector<16xi32>
      %and3A_522 = arith.andi %ne3A_521, %ne3A_73 : vector<16xi1>
      %or3A_523 = arith.ori %and3A_522, %eq3A_70 : vector<16xi1>
      tpu.vector_store_idx %arg7[%get3A_512], %add3A_294 masked %or3A_523 {add = true} : memref<100352xf32, #tpu.memory_space<vmem>>[vector<16xi32>], vector<16xf32>, vector<16xi1>
      %neg3A_524 = arith.constant 0.000000e+00 : f32
      %neg3A_525 = vector.broadcast %neg3A_524 : f32 to vector<16xf32>
      %neg3A_526 = arith.subf %neg3A_525, %add3A_294 : vector<16xf32>
      tpu.vector_store_idx %arg7[%get3A_520], %neg3A_526 masked %and3A_522 {add = true} : memref<100352xf32, #tpu.memory_space<vmem>>[vector<16xi32>], vector<16xf32>, vector<16xi1>
      %add3A_527 = arith.constant 12 : i32
      %add3A_528 = arith.addi %mul3A_116, %add3A_527 : i32
      %mul3A_529 = arith.constant 16 : i32
      %mul3A_530 = arith.muli %add3A_528, %mul3A_529 : i32
      %get3A_531 = arith.index_cast %mul3A_530 : i32 to index
      %get3A_532 = tpu.vector_load %arg8[%get3A_531] {strides = array<i32>} : memref<4112xi32, #tpu.memory_space<vmem>>, vector<16xi32>,
      %add3A_533 = arith.constant 12 : i32
      %add3A_534 = arith.addi %mul3A_116, %add3A_533 : i32
      %mul3A_535 = arith.constant 16 : i32
      %mul3A_536 = arith.muli %add3A_534, %mul3A_535 : i32
      %add3A_537 = arith.constant 1 : i32
      %add3A_538 = arith.addi %mul3A_536, %add3A_537 : i32
      %get3A_539 = arith.index_cast %add3A_538 : i32 to index
      %get3A_540 = tpu.vector_load %arg8[%get3A_539] {strides = array<i32>} : memref<4112xi32, #tpu.memory_space<vmem>>, vector<16xi32>,
      %ne3A_541 = arith.cmpi ne, %get3A_532, %get3A_540 : vector<16xi32>
      tpu.vector_store_idx %arg7[%get3A_532], %masked_cumsum3A_231 masked %ne3A_541 {add = true} : memref<100352xf32, #tpu.memory_space<vmem>>[vector<16xi32>], vector<16xf32>, vector<16xi1>
      %neg3A_542 = arith.constant 0.000000e+00 : f32
      %neg3A_543 = vector.broadcast %neg3A_542 : f32 to vector<16xf32>
      %neg3A_544 = arith.subf %neg3A_543, %masked_cumsum3A_231 : vector<16xf32>
      tpu.vector_store_idx %arg7[%get3A_540], %neg3A_544 masked %ne3A_541 {add = true} : memref<100352xf32, #tpu.memory_space<vmem>>[vector<16xi32>], vector<16xf32>, vector<16xi1>
      %add3A_545 = arith.constant 13 : i32
      %add3A_546 = arith.addi %mul3A_116, %add3A_545 : i32
      %mul3A_547 = arith.constant 16 : i32
      %mul3A_548 = arith.muli %add3A_546, %mul3A_547 : i32
      %get3A_549 = arith.index_cast %mul3A_548 : i32 to index
      %get3A_550 = tpu.vector_load %arg8[%get3A_549] {strides = array<i32>} : memref<4112xi32, #tpu.memory_space<vmem>>, vector<16xi32>,
      %add3A_551 = arith.constant 13 : i32
      %add3A_552 = arith.addi %mul3A_116, %add3A_551 : i32
      %mul3A_553 = arith.constant 16 : i32
      %mul3A_554 = arith.muli %add3A_552, %mul3A_553 : i32
      %add3A_555 = arith.constant 1 : i32
      %add3A_556 = arith.addi %mul3A_554, %add3A_555 : i32
      %get3A_557 = arith.index_cast %add3A_556 : i32 to index
      %get3A_558 = tpu.vector_load %arg8[%get3A_557] {strides = array<i32>} : memref<4112xi32, #tpu.memory_space<vmem>>, vector<16xi32>,
      %ne3A_559 = arith.cmpi ne, %get3A_550, %get3A_558 : vector<16xi32>
      tpu.vector_store_idx %arg7[%get3A_550], %add3A_298 masked %ne3A_559 {add = true} : memref<100352xf32, #tpu.memory_space<vmem>>[vector<16xi32>], vector<16xf32>, vector<16xi1>
      %neg3A_560 = arith.constant 0.000000e+00 : f32
      %neg3A_561 = vector.broadcast %neg3A_560 : f32 to vector<16xf32>
      %neg3A_562 = arith.subf %neg3A_561, %add3A_298 : vector<16xf32>
      tpu.vector_store_idx %arg7[%get3A_558], %neg3A_562 masked %ne3A_559 {add = true} : memref<100352xf32, #tpu.memory_space<vmem>>[vector<16xi32>], vector<16xf32>, vector<16xi1>
      %add3A_563 = arith.constant 14 : i32
      %add3A_564 = arith.addi %mul3A_116, %add3A_563 : i32
      %mul3A_565 = arith.constant 16 : i32
      %mul3A_566 = arith.muli %add3A_564, %mul3A_565 : i32
      %get3A_567 = arith.index_cast %mul3A_566 : i32 to index
      %get3A_568 = tpu.vector_load %arg8[%get3A_567] {strides = array<i32>} : memref<4112xi32, #tpu.memory_space<vmem>>, vector<16xi32>,
      %add3A_569 = arith.constant 14 : i32
      %add3A_570 = arith.addi %mul3A_116, %add3A_569 : i32
      %mul3A_571 = arith.constant 16 : i32
      %mul3A_572 = arith.muli %add3A_570, %mul3A_571 : i32
      %add3A_573 = arith.constant 1 : i32
      %add3A_574 = arith.addi %mul3A_572, %add3A_573 : i32
      %get3A_575 = arith.index_cast %add3A_574 : i32 to index
      %get3A_576 = tpu.vector_load %arg8[%get3A_575] {strides = array<i32>} : memref<4112xi32, #tpu.memory_space<vmem>>, vector<16xi32>,
      %ne3A_577 = arith.cmpi ne, %get3A_568, %get3A_576 : vector<16xi32>
      tpu.vector_store_idx %arg7[%get3A_568], %add3A_302 masked %ne3A_577 {add = true} : memref<100352xf32, #tpu.memory_space<vmem>>[vector<16xi32>], vector<16xf32>, vector<16xi1>
      %neg3A_578 = arith.constant 0.000000e+00 : f32
      %neg3A_579 = vector.broadcast %neg3A_578 : f32 to vector<16xf32>
      %neg3A_580 = arith.subf %neg3A_579, %add3A_302 : vector<16xf32>
      tpu.vector_store_idx %arg7[%get3A_576], %neg3A_580 masked %ne3A_577 {add = true} : memref<100352xf32, #tpu.memory_space<vmem>>[vector<16xi32>], vector<16xf32>, vector<16xi1>
      %add3A_581 = arith.constant 15 : i32
      %add3A_582 = arith.addi %mul3A_116, %add3A_581 : i32
      %mul3A_583 = arith.constant 16 : i32
      %mul3A_584 = arith.muli %add3A_582, %mul3A_583 : i32
      %get3A_585 = arith.index_cast %mul3A_584 : i32 to index
      %get3A_586 = tpu.vector_load %arg8[%get3A_585] {strides = array<i32>} : memref<4112xi32, #tpu.memory_space<vmem>>, vector<16xi32>,
      %add3A_587 = arith.constant 15 : i32
      %add3A_588 = arith.addi %mul3A_116, %add3A_587 : i32
      %mul3A_589 = arith.constant 16 : i32
      %mul3A_590 = arith.muli %add3A_588, %mul3A_589 : i32
      %add3A_591 = arith.constant 1 : i32
      %add3A_592 = arith.addi %mul3A_590, %add3A_591 : i32
      %get3A_593 = arith.index_cast %add3A_592 : i32 to index
      %get3A_594 = tpu.vector_load %arg8[%get3A_593] {strides = array<i32>} : memref<4112xi32, #tpu.memory_space<vmem>>, vector<16xi32>,
      %ne3A_595 = arith.cmpi ne, %get3A_586, %get3A_594 : vector<16xi32>
      %and3A_596 = arith.andi %ne3A_595, %ne3A_73 : vector<16xi1>
      %or3A_597 = arith.ori %and3A_596, %eq3A_70 : vector<16xi1>
      tpu.vector_store_idx %arg7[%get3A_586], %add3A_306 masked %or3A_597 {add = true} : memref<100352xf32, #tpu.memory_space<vmem>>[vector<16xi32>], vector<16xf32>, vector<16xi1>
      %neg3A_598 = arith.constant 0.000000e+00 : f32
      %neg3A_599 = vector.broadcast %neg3A_598 : f32 to vector<16xf32>
      %neg3A_600 = arith.subf %neg3A_599, %add3A_306 : vector<16xf32>
      tpu.vector_store_idx %arg7[%get3A_594], %neg3A_600 masked %and3A_596 {add = true} : memref<100352xf32, #tpu.memory_space<vmem>>[vector<16xi32>], vector<16xf32>, vector<16xi1>
    }
    %scan3A_79 = arith.constant 13 : i32
    %scan3A_80 = arith.constant 208 : i32
    %scan3A_81 = arith.constant 4 : i32
    %scan3A_82 = arith.addi %scan3A_80, %scan3A_81 : i32
    %scan3A_83 = arith.constant 1 : i32
    scf.for %scan3A_114 = %scan3A_80 to %scan3A_82 step %scan3A_83  : i32 {
      %add3A_115 = arith.constant 0 : i32
      %add3A_116 = arith.addi %scan3A_114, %add3A_115 : i32
      %mul3A_117 = arith.constant 16 : i32
      %mul3A_118 = arith.muli %add3A_116, %mul3A_117 : i32
      %get3A_119 = arith.index_cast %mul3A_118 : i32 to index
      %get3A_120 = tpu.vector_load %arg9[%get3A_119] {strides = array<i32>} : memref<4096xf32, #tpu.memory_space<vmem>>, vector<16xf32>,
      %broadcast_in_dim3A = arith.constant true
      %broadcast_in_dim3A_121 = vector.broadcast %broadcast_in_dim3A : i1 to vector<16xi1>
      %masked_cumsum3A = tpu.scan <sum>, %get3A_120 masked %broadcast_in_dim3A_121 : vector<16xf32>, vector<16xi1> -> vector<16xf32>
      %add3A_122 = arith.constant 0 : i32
      %add3A_123 = arith.addi %scan3A_114, %add3A_122 : i32
      %mul3A_124 = arith.constant 16 : i32
      %mul3A_125 = arith.muli %add3A_123, %mul3A_124 : i32
      %get3A_126 = arith.index_cast %mul3A_125 : i32 to index
      %get3A_127 = tpu.vector_load %arg8[%get3A_126] {strides = array<i32>} : memref<4112xi32, #tpu.memory_space<vmem>>, vector<16xi32>,
      %add3A_128 = arith.constant 0 : i32
      %add3A_129 = arith.addi %scan3A_114, %add3A_128 : i32
      %mul3A_130 = arith.constant 16 : i32
      %mul3A_131 = arith.muli %add3A_129, %mul3A_130 : i32
      %add3A_132 = arith.constant 1 : i32
      %add3A_133 = arith.addi %mul3A_131, %add3A_132 : i32
      %get3A_134 = arith.index_cast %add3A_133 : i32 to index
      %get3A_135 = tpu.vector_load %arg8[%get3A_134] {strides = array<i32>} : memref<4112xi32, #tpu.memory_space<vmem>>, vector<16xi32>,
      %ne3A_136 = arith.cmpi ne, %get3A_127, %get3A_135 : vector<16xi32>
      %and3A_137 = arith.andi %ne3A_136, %ne3A_73 : vector<16xi1>
      %or3A = arith.ori %and3A_137, %eq3A_70 : vector<16xi1>
      tpu.vector_store_idx %arg7[%get3A_127], %masked_cumsum3A masked %or3A {add = true} : memref<100352xf32, #tpu.memory_space<vmem>>[vector<16xi32>], vector<16xf32>, vector<16xi1>
      %neg3A = arith.constant 0.000000e+00 : f32
      %neg3A_138 = vector.broadcast %neg3A : f32 to vector<16xf32>
      %neg3A_139 = arith.subf %neg3A_138, %masked_cumsum3A : vector<16xf32>
      tpu.vector_store_idx %arg7[%get3A_135], %neg3A_139 masked %and3A_137 {add = true} : memref<100352xf32, #tpu.memory_space<vmem>>[vector<16xi32>], vector<16xf32>, vector<16xi1>
    }
    %scan3A_84 = arith.constant 4 : i32
    %add3A_85 = arith.constant 0 : i32
    %add3A_86 = arith.addi %mul3A_2, %add3A_85 : i32
    %dma_start3A = arith.constant 0 : i32
    %dma_start3A_87 = tpu.memref_slice %arg8[%dma_start3A] : memref<4112xi32, #tpu.memory_space<vmem>> -> memref<4096xi32, #tpu.memory_space<vmem>>
    %dma_start3A_88 = tpu.memref_slice %arg3[%add3A_86] : memref<6400000xi32, #tpu.memory_space<hbm>> -> memref<4096xi32, #tpu.memory_space<hbm>>
    %dma_start3A_89 = arith.constant 0 : i32
    %dma_start3A_90 = tpu.memref_slice %arg8[%dma_start3A_89] : memref<4112xi32, #tpu.memory_space<vmem>> -> memref<4096xi32, #tpu.memory_space<vmem>>
    %dma_start3A_91 = tpu.memref_slice %arg3[%add3A_86] : memref<6400000xi32, #tpu.memory_space<hbm>> -> memref<4096xi32, #tpu.memory_space<hbm>>
    tpu.enqueue_dma source(%dma_start3A_91 : memref<4096xi32, #tpu.memory_space<hbm>>) target(%dma_start3A_90 : memref<4096xi32, #tpu.memory_space<vmem>>) target_semaphore(%arg15 : memref<!tpu.dma_semaphore, #tpu.memory_space<semaphore_mem>>)
    %dma_start3A_92 = tpu.memref_slice %arg2[%add3A_86] : memref<6400000xf32, #tpu.memory_space<hbm>> -> memref<4096xf32, #tpu.memory_space<hbm>>
    %dma_start3A_93 = tpu.memref_slice %arg2[%add3A_86] : memref<6400000xf32, #tpu.memory_space<hbm>> -> memref<4096xf32, #tpu.memory_space<hbm>>
    tpu.enqueue_dma source(%dma_start3A_93 : memref<4096xf32, #tpu.memory_space<hbm>>) target(%arg9 : memref<4096xf32, #tpu.memory_space<vmem>>) target_semaphore(%arg16 : memref<!tpu.dma_semaphore, #tpu.memory_space<semaphore_mem>>)
    %scan3A_94 = arith.constant 0 : i32
    %scan3A_95 = arith.constant 24 : i32
    %scan3A_96 = arith.addi %scan3A_94, %scan3A_95 : i32
    %scan3A_97 = arith.constant 1 : i32
    scf.for %scan3A_114 = %scan3A_94 to %scan3A_96 step %scan3A_97  : i32 {
      %mul3A_115 = arith.constant 2 : i32
      %mul3A_116 = arith.muli %scan3A_114, %mul3A_115 : i32
      %add3A_117 = arith.constant 0 : i32
      %add3A_118 = arith.addi %mul3A_116, %add3A_117 : i32
      %dma_wait3A = arith.constant 0 : i32
      %dma_wait3A_119 = tpu.memref_slice %arg8[%dma_wait3A] : memref<4112xi32, #tpu.memory_space<vmem>> -> memref<4096xi32, #tpu.memory_space<vmem>>
      %dma_wait3A_120 = arith.constant 0 : i32
      %dma_wait3A_121 = tpu.memref_slice %arg3[%dma_wait3A_120] : memref<6400000xi32, #tpu.memory_space<hbm>> -> memref<4096xi32, #tpu.memory_space<hbm>>
      %dma_wait3A_122 = arith.constant 0 : i32
      %dma_wait3A_123 = tpu.memref_slice %arg8[%dma_wait3A_122] : memref<4112xi32, #tpu.memory_space<vmem>> -> memref<4096xi32, #tpu.memory_space<vmem>>
      %dma_wait3A_124 = arith.constant 0 : i32
      %dma_wait3A_125 = tpu.memref_slice %arg3[%dma_wait3A_124] : memref<6400000xi32, #tpu.memory_space<hbm>> -> memref<4096xi32, #tpu.memory_space<hbm>>
      tpu.wait_dma2 semaphore(%arg15 : memref<!tpu.dma_semaphore, #tpu.memory_space<semaphore_mem>>) src(%dma_wait3A_125 : memref<4096xi32, #tpu.memory_space<hbm>>) dst(%dma_wait3A_123 : memref<4096xi32, #tpu.memory_space<vmem>>)
      %dma_wait3A_126 = arith.constant 0 : i32
      %dma_wait3A_127 = tpu.memref_slice %arg2[%dma_wait3A_126] : memref<6400000xf32, #tpu.memory_space<hbm>> -> memref<4096xf32, #tpu.memory_space<hbm>>
      %dma_wait3A_128 = arith.constant 0 : i32
      %dma_wait3A_129 = tpu.memref_slice %arg2[%dma_wait3A_128] : memref<6400000xf32, #tpu.memory_space<hbm>> -> memref<4096xf32, #tpu.memory_space<hbm>>
      tpu.wait_dma2 semaphore(%arg16 : memref<!tpu.dma_semaphore, #tpu.memory_space<semaphore_mem>>) src(%dma_wait3A_129 : memref<4096xf32, #tpu.memory_space<hbm>>) dst(%arg9 : memref<4096xf32, #tpu.memory_space<vmem>>)
      %add3A_130 = arith.constant 1 : i32
      %add3A_131 = arith.addi %add3A_118, %add3A_130 : i32
      %lt3A = arith.constant 48 : i32
      %lt3A_132 = arith.cmpi slt, %add3A_131, %lt3A : i32
      %convert_element_type3A = arith.extui %lt3A_132 : i1 to i32
      %cond3A = arith.constant 0 : i32
      %cond3A_133 = arith.cmpi ne, %convert_element_type3A, %cond3A : i32
      scf.if %cond3A_133 {
        %add3A_175 = arith.constant 1 : i32
        %add3A_176 = arith.addi %add3A_118, %add3A_175 : i32
        %mul3A_177 = arith.constant 4096 : i32
        %mul3A_178 = arith.muli %add3A_176, %mul3A_177 : i32
        %add3A_179 = arith.addi %mul3A_2, %mul3A_178 : i32
        %dma_start3A_180 = arith.constant 0 : i32
        %dma_start3A_181 = tpu.memref_slice %arg10[%dma_start3A_180] : memref<4112xi32, #tpu.memory_space<vmem>> -> memref<4096xi32, #tpu.memory_space<vmem>>
        %dma_start3A_182 = tpu.memref_slice %arg3[%add3A_179] : memref<6400000xi32, #tpu.memory_space<hbm>> -> memref<4096xi32, #tpu.memory_space<hbm>>
        %dma_start3A_183 = arith.constant 0 : i32
        %dma_start3A_184 = tpu.memref_slice %arg10[%dma_start3A_183] : memref<4112xi32, #tpu.memory_space<vmem>> -> memref<4096xi32, #tpu.memory_space<vmem>>
        %dma_start3A_185 = tpu.memref_slice %arg3[%add3A_179] : memref<6400000xi32, #tpu.memory_space<hbm>> -> memref<4096xi32, #tpu.memory_space<hbm>>
        tpu.enqueue_dma source(%dma_start3A_185 : memref<4096xi32, #tpu.memory_space<hbm>>) target(%dma_start3A_184 : memref<4096xi32, #tpu.memory_space<vmem>>) target_semaphore(%arg15 : memref<!tpu.dma_semaphore, #tpu.memory_space<semaphore_mem>>)
        %dma_start3A_186 = tpu.memref_slice %arg2[%add3A_179] : memref<6400000xf32, #tpu.memory_space<hbm>> -> memref<4096xf32, #tpu.memory_space<hbm>>
        %dma_start3A_187 = tpu.memref_slice %arg2[%add3A_179] : memref<6400000xf32, #tpu.memory_space<hbm>> -> memref<4096xf32, #tpu.memory_space<hbm>>
        tpu.enqueue_dma source(%dma_start3A_187 : memref<4096xf32, #tpu.memory_space<hbm>>) target(%arg11 : memref<4096xf32, #tpu.memory_space<vmem>>) target_semaphore(%arg16 : memref<!tpu.dma_semaphore, #tpu.memory_space<semaphore_mem>>)
      } else {
      }
      %scan3A_134 = arith.constant 0 : i32
      %scan3A_135 = arith.constant 16 : i32
      %scan3A_136 = arith.addi %scan3A_134, %scan3A_135 : i32
      %scan3A_137 = arith.constant 1 : i32
      scf.for %scan3A_175 = %scan3A_134 to %scan3A_136 step %scan3A_137  : i32 {
        %mul3A_176 = arith.constant 16 : i32
        %mul3A_177 = arith.muli %scan3A_175, %mul3A_176 : i32
        %add3A_178 = arith.constant 0 : i32
        %add3A_179 = arith.addi %mul3A_177, %add3A_178 : i32
        %mul3A_180 = arith.constant 16 : i32
        %mul3A_181 = arith.muli %add3A_179, %mul3A_180 : i32
        %get3A_182 = arith.index_cast %mul3A_181 : i32 to index
        %get3A_183 = tpu.vector_load %arg9[%get3A_182] {strides = array<i32>} : memref<4096xf32, #tpu.memory_space<vmem>>, vector<16xf32>,
        %broadcast_in_dim3A = arith.constant true
        %broadcast_in_dim3A_184 = vector.broadcast %broadcast_in_dim3A : i1 to vector<16xi1>
        %masked_cumsum3A = tpu.scan <sum>, %get3A_183 masked %broadcast_in_dim3A_184 : vector<16xf32>, vector<16xi1> -> vector<16xf32>
        %add3A_185 = arith.constant 1 : i32
        %add3A_186 = arith.addi %mul3A_177, %add3A_185 : i32
        %mul3A_187 = arith.constant 16 : i32
        %mul3A_188 = arith.muli %add3A_186, %mul3A_187 : i32
        %get3A_189 = arith.index_cast %mul3A_188 : i32 to index
        %get3A_190 = tpu.vector_load %arg9[%get3A_189] {strides = array<i32>} : memref<4096xf32, #tpu.memory_space<vmem>>, vector<16xf32>,
        %broadcast_in_dim3A_191 = arith.constant true
        %broadcast_in_dim3A_192 = vector.broadcast %broadcast_in_dim3A_191 : i1 to vector<16xi1>
        %masked_cumsum3A_193 = tpu.scan <sum>, %get3A_190 masked %broadcast_in_dim3A_192 : vector<16xf32>, vector<16xi1> -> vector<16xf32>
        %add3A_194 = arith.constant 2 : i32
        %add3A_195 = arith.addi %mul3A_177, %add3A_194 : i32
        %mul3A_196 = arith.constant 16 : i32
        %mul3A_197 = arith.muli %add3A_195, %mul3A_196 : i32
        %get3A_198 = arith.index_cast %mul3A_197 : i32 to index
        %get3A_199 = tpu.vector_load %arg9[%get3A_198] {strides = array<i32>} : memref<4096xf32, #tpu.memory_space<vmem>>, vector<16xf32>,
        %broadcast_in_dim3A_200 = arith.constant true
        %broadcast_in_dim3A_201 = vector.broadcast %broadcast_in_dim3A_200 : i1 to vector<16xi1>
        %masked_cumsum3A_202 = tpu.scan <sum>, %get3A_199 masked %broadcast_in_dim3A_201 : vector<16xf32>, vector<16xi1> -> vector<16xf32>
        %add3A_203 = arith.constant 3 : i32
        %add3A_204 = arith.addi %mul3A_177, %add3A_203 : i32
        %mul3A_205 = arith.constant 16 : i32
        %mul3A_206 = arith.muli %add3A_204, %mul3A_205 : i32
        %get3A_207 = arith.index_cast %mul3A_206 : i32 to index
        %get3A_208 = tpu.vector_load %arg9[%get3A_207] {strides = array<i32>} : memref<4096xf32, #tpu.memory_space<vmem>>, vector<16xf32>,
        %broadcast_in_dim3A_209 = arith.constant true
        %broadcast_in_dim3A_210 = vector.broadcast %broadcast_in_dim3A_209 : i1 to vector<16xi1>
        %masked_cumsum3A_211 = tpu.scan <sum>, %get3A_208 masked %broadcast_in_dim3A_210 : vector<16xf32>, vector<16xi1> -> vector<16xf32>
        %add3A_212 = arith.constant 4 : i32
        %add3A_213 = arith.addi %mul3A_177, %add3A_212 : i32
        %mul3A_214 = arith.constant 16 : i32
        %mul3A_215 = arith.muli %add3A_213, %mul3A_214 : i32
        %get3A_216 = arith.index_cast %mul3A_215 : i32 to index
        %get3A_217 = tpu.vector_load %arg9[%get3A_216] {strides = array<i32>} : memref<4096xf32, #tpu.memory_space<vmem>>, vector<16xf32>,
        %broadcast_in_dim3A_218 = arith.constant true
        %broadcast_in_dim3A_219 = vector.broadcast %broadcast_in_dim3A_218 : i1 to vector<16xi1>
        %masked_cumsum3A_220 = tpu.scan <sum>, %get3A_217 masked %broadcast_in_dim3A_219 : vector<16xf32>, vector<16xi1> -> vector<16xf32>
        %add3A_221 = arith.constant 5 : i32
        %add3A_222 = arith.addi %mul3A_177, %add3A_221 : i32
        %mul3A_223 = arith.constant 16 : i32
        %mul3A_224 = arith.muli %add3A_222, %mul3A_223 : i32
        %get3A_225 = arith.index_cast %mul3A_224 : i32 to index
        %get3A_226 = tpu.vector_load %arg9[%get3A_225] {strides = array<i32>} : memref<4096xf32, #tpu.memory_space<vmem>>, vector<16xf32>,
        %broadcast_in_dim3A_227 = arith.constant true
        %broadcast_in_dim3A_228 = vector.broadcast %broadcast_in_dim3A_227 : i1 to vector<16xi1>
        %masked_cumsum3A_229 = tpu.scan <sum>, %get3A_226 masked %broadcast_in_dim3A_228 : vector<16xf32>, vector<16xi1> -> vector<16xf32>
        %add3A_230 = arith.constant 6 : i32
        %add3A_231 = arith.addi %mul3A_177, %add3A_230 : i32
        %mul3A_232 = arith.constant 16 : i32
        %mul3A_233 = arith.muli %add3A_231, %mul3A_232 : i32
        %get3A_234 = arith.index_cast %mul3A_233 : i32 to index
        %get3A_235 = tpu.vector_load %arg9[%get3A_234] {strides = array<i32>} : memref<4096xf32, #tpu.memory_space<vmem>>, vector<16xf32>,
        %broadcast_in_dim3A_236 = arith.constant true
        %broadcast_in_dim3A_237 = vector.broadcast %broadcast_in_dim3A_236 : i1 to vector<16xi1>
        %masked_cumsum3A_238 = tpu.scan <sum>, %get3A_235 masked %broadcast_in_dim3A_237 : vector<16xf32>, vector<16xi1> -> vector<16xf32>
        %add3A_239 = arith.constant 7 : i32
        %add3A_240 = arith.addi %mul3A_177, %add3A_239 : i32
        %mul3A_241 = arith.constant 16 : i32
        %mul3A_242 = arith.muli %add3A_240, %mul3A_241 : i32
        %get3A_243 = arith.index_cast %mul3A_242 : i32 to index
        %get3A_244 = tpu.vector_load %arg9[%get3A_243] {strides = array<i32>} : memref<4096xf32, #tpu.memory_space<vmem>>, vector<16xf32>,
        %broadcast_in_dim3A_245 = arith.constant true
        %broadcast_in_dim3A_246 = vector.broadcast %broadcast_in_dim3A_245 : i1 to vector<16xi1>
        %masked_cumsum3A_247 = tpu.scan <sum>, %get3A_244 masked %broadcast_in_dim3A_246 : vector<16xf32>, vector<16xi1> -> vector<16xf32>
        %add3A_248 = arith.constant 8 : i32
        %add3A_249 = arith.addi %mul3A_177, %add3A_248 : i32
        %mul3A_250 = arith.constant 16 : i32
        %mul3A_251 = arith.muli %add3A_249, %mul3A_250 : i32
        %get3A_252 = arith.index_cast %mul3A_251 : i32 to index
        %get3A_253 = tpu.vector_load %arg9[%get3A_252] {strides = array<i32>} : memref<4096xf32, #tpu.memory_space<vmem>>, vector<16xf32>,
        %broadcast_in_dim3A_254 = arith.constant true
        %broadcast_in_dim3A_255 = vector.broadcast %broadcast_in_dim3A_254 : i1 to vector<16xi1>
        %masked_cumsum3A_256 = tpu.scan <sum>, %get3A_253 masked %broadcast_in_dim3A_255 : vector<16xf32>, vector<16xi1> -> vector<16xf32>
        %add3A_257 = arith.constant 9 : i32
        %add3A_258 = arith.addi %mul3A_177, %add3A_257 : i32
        %mul3A_259 = arith.constant 16 : i32
        %mul3A_260 = arith.muli %add3A_258, %mul3A_259 : i32
        %get3A_261 = arith.index_cast %mul3A_260 : i32 to index
        %get3A_262 = tpu.vector_load %arg9[%get3A_261] {strides = array<i32>} : memref<4096xf32, #tpu.memory_space<vmem>>, vector<16xf32>,
        %broadcast_in_dim3A_263 = arith.constant true
        %broadcast_in_dim3A_264 = vector.broadcast %broadcast_in_dim3A_263 : i1 to vector<16xi1>
        %masked_cumsum3A_265 = tpu.scan <sum>, %get3A_262 masked %broadcast_in_dim3A_264 : vector<16xf32>, vector<16xi1> -> vector<16xf32>
        %add3A_266 = arith.constant 10 : i32
        %add3A_267 = arith.addi %mul3A_177, %add3A_266 : i32
        %mul3A_268 = arith.constant 16 : i32
        %mul3A_269 = arith.muli %add3A_267, %mul3A_268 : i32
        %get3A_270 = arith.index_cast %mul3A_269 : i32 to index
        %get3A_271 = tpu.vector_load %arg9[%get3A_270] {strides = array<i32>} : memref<4096xf32, #tpu.memory_space<vmem>>, vector<16xf32>,
        %broadcast_in_dim3A_272 = arith.constant true
        %broadcast_in_dim3A_273 = vector.broadcast %broadcast_in_dim3A_272 : i1 to vector<16xi1>
        %masked_cumsum3A_274 = tpu.scan <sum>, %get3A_271 masked %broadcast_in_dim3A_273 : vector<16xf32>, vector<16xi1> -> vector<16xf32>
        %add3A_275 = arith.constant 11 : i32
        %add3A_276 = arith.addi %mul3A_177, %add3A_275 : i32
        %mul3A_277 = arith.constant 16 : i32
        %mul3A_278 = arith.muli %add3A_276, %mul3A_277 : i32
        %get3A_279 = arith.index_cast %mul3A_278 : i32 to index
        %get3A_280 = tpu.vector_load %arg9[%get3A_279] {strides = array<i32>} : memref<4096xf32, #tpu.memory_space<vmem>>, vector<16xf32>,
        %broadcast_in_dim3A_281 = arith.constant true
        %broadcast_in_dim3A_282 = vector.broadcast %broadcast_in_dim3A_281 : i1 to vector<16xi1>
        %masked_cumsum3A_283 = tpu.scan <sum>, %get3A_280 masked %broadcast_in_dim3A_282 : vector<16xf32>, vector<16xi1> -> vector<16xf32>
        %add3A_284 = arith.constant 12 : i32
        %add3A_285 = arith.addi %mul3A_177, %add3A_284 : i32
        %mul3A_286 = arith.constant 16 : i32
        %mul3A_287 = arith.muli %add3A_285, %mul3A_286 : i32
        %get3A_288 = arith.index_cast %mul3A_287 : i32 to index
        %get3A_289 = tpu.vector_load %arg9[%get3A_288] {strides = array<i32>} : memref<4096xf32, #tpu.memory_space<vmem>>, vector<16xf32>,
        %broadcast_in_dim3A_290 = arith.constant true
        %broadcast_in_dim3A_291 = vector.broadcast %broadcast_in_dim3A_290 : i1 to vector<16xi1>
        %masked_cumsum3A_292 = tpu.scan <sum>, %get3A_289 masked %broadcast_in_dim3A_291 : vector<16xf32>, vector<16xi1> -> vector<16xf32>
        %add3A_293 = arith.constant 13 : i32
        %add3A_294 = arith.addi %mul3A_177, %add3A_293 : i32
        %mul3A_295 = arith.constant 16 : i32
        %mul3A_296 = arith.muli %add3A_294, %mul3A_295 : i32
        %get3A_297 = arith.index_cast %mul3A_296 : i32 to index
        %get3A_298 = tpu.vector_load %arg9[%get3A_297] {strides = array<i32>} : memref<4096xf32, #tpu.memory_space<vmem>>, vector<16xf32>,
        %broadcast_in_dim3A_299 = arith.constant true
        %broadcast_in_dim3A_300 = vector.broadcast %broadcast_in_dim3A_299 : i1 to vector<16xi1>
        %masked_cumsum3A_301 = tpu.scan <sum>, %get3A_298 masked %broadcast_in_dim3A_300 : vector<16xf32>, vector<16xi1> -> vector<16xf32>
        %add3A_302 = arith.constant 14 : i32
        %add3A_303 = arith.addi %mul3A_177, %add3A_302 : i32
        %mul3A_304 = arith.constant 16 : i32
        %mul3A_305 = arith.muli %add3A_303, %mul3A_304 : i32
        %get3A_306 = arith.index_cast %mul3A_305 : i32 to index
        %get3A_307 = tpu.vector_load %arg9[%get3A_306] {strides = array<i32>} : memref<4096xf32, #tpu.memory_space<vmem>>, vector<16xf32>,
        %broadcast_in_dim3A_308 = arith.constant true
        %broadcast_in_dim3A_309 = vector.broadcast %broadcast_in_dim3A_308 : i1 to vector<16xi1>
        %masked_cumsum3A_310 = tpu.scan <sum>, %get3A_307 masked %broadcast_in_dim3A_309 : vector<16xf32>, vector<16xi1> -> vector<16xf32>
        %add3A_311 = arith.constant 15 : i32
        %add3A_312 = arith.addi %mul3A_177, %add3A_311 : i32
        %mul3A_313 = arith.constant 16 : i32
        %mul3A_314 = arith.muli %add3A_312, %mul3A_313 : i32
        %get3A_315 = arith.index_cast %mul3A_314 : i32 to index
        %get3A_316 = tpu.vector_load %arg9[%get3A_315] {strides = array<i32>} : memref<4096xf32, #tpu.memory_space<vmem>>, vector<16xf32>,
        %broadcast_in_dim3A_317 = arith.constant true
        %broadcast_in_dim3A_318 = vector.broadcast %broadcast_in_dim3A_317 : i1 to vector<16xi1>
        %masked_cumsum3A_319 = tpu.scan <sum>, %get3A_316 masked %broadcast_in_dim3A_318 : vector<16xf32>, vector<16xi1> -> vector<16xf32>
        %slice3A_320 = vector.extract_strided_slice %masked_cumsum3A {offsets = [15], sizes = [1], strides = [1]} : vector<16xf32> to vector<1xf32>
        %squeeze3A_321 = vector.extract %slice3A_320[0] : f32 from vector<1xf32>
        %broadcast_in_dim3A_322 = vector.broadcast %squeeze3A_321 : f32 to vector<16xf32>
        %add3A_323 = arith.addf %masked_cumsum3A_193, %broadcast_in_dim3A_322 : vector<16xf32>
        %slice3A_324 = vector.extract_strided_slice %add3A_323 {offsets = [15], sizes = [1], strides = [1]} : vector<16xf32> to vector<1xf32>
        %squeeze3A_325 = vector.extract %slice3A_324[0] : f32 from vector<1xf32>
        %broadcast_in_dim3A_326 = vector.broadcast %squeeze3A_325 : f32 to vector<16xf32>
        %add3A_327 = arith.addf %masked_cumsum3A_202, %broadcast_in_dim3A_326 : vector<16xf32>
        %slice3A_328 = vector.extract_strided_slice %add3A_327 {offsets = [15], sizes = [1], strides = [1]} : vector<16xf32> to vector<1xf32>
        %squeeze3A_329 = vector.extract %slice3A_328[0] : f32 from vector<1xf32>
        %broadcast_in_dim3A_330 = vector.broadcast %squeeze3A_329 : f32 to vector<16xf32>
        %add3A_331 = arith.addf %masked_cumsum3A_211, %broadcast_in_dim3A_330 : vector<16xf32>
        %slice3A_332 = vector.extract_strided_slice %masked_cumsum3A_220 {offsets = [15], sizes = [1], strides = [1]} : vector<16xf32> to vector<1xf32>
        %squeeze3A_333 = vector.extract %slice3A_332[0] : f32 from vector<1xf32>
        %broadcast_in_dim3A_334 = vector.broadcast %squeeze3A_333 : f32 to vector<16xf32>
        %add3A_335 = arith.addf %masked_cumsum3A_229, %broadcast_in_dim3A_334 : vector<16xf32>
        %slice3A_336 = vector.extract_strided_slice %add3A_335 {offsets = [15], sizes = [1], strides = [1]} : vector<16xf32> to vector<1xf32>
        %squeeze3A_337 = vector.extract %slice3A_336[0] : f32 from vector<1xf32>
        %broadcast_in_dim3A_338 = vector.broadcast %squeeze3A_337 : f32 to vector<16xf32>
        %add3A_339 = arith.addf %masked_cumsum3A_238, %broadcast_in_dim3A_338 : vector<16xf32>
        %slice3A_340 = vector.extract_strided_slice %add3A_339 {offsets = [15], sizes = [1], strides = [1]} : vector<16xf32> to vector<1xf32>
        %squeeze3A_341 = vector.extract %slice3A_340[0] : f32 from vector<1xf32>
        %broadcast_in_dim3A_342 = vector.broadcast %squeeze3A_341 : f32 to vector<16xf32>
        %add3A_343 = arith.addf %masked_cumsum3A_247, %broadcast_in_dim3A_342 : vector<16xf32>
        %slice3A_344 = vector.extract_strided_slice %masked_cumsum3A_256 {offsets = [15], sizes = [1], strides = [1]} : vector<16xf32> to vector<1xf32>
        %squeeze3A_345 = vector.extract %slice3A_344[0] : f32 from vector<1xf32>
        %broadcast_in_dim3A_346 = vector.broadcast %squeeze3A_345 : f32 to vector<16xf32>
        %add3A_347 = arith.addf %masked_cumsum3A_265, %broadcast_in_dim3A_346 : vector<16xf32>
        %slice3A_348 = vector.extract_strided_slice %add3A_347 {offsets = [15], sizes = [1], strides = [1]} : vector<16xf32> to vector<1xf32>
        %squeeze3A_349 = vector.extract %slice3A_348[0] : f32 from vector<1xf32>
        %broadcast_in_dim3A_350 = vector.broadcast %squeeze3A_349 : f32 to vector<16xf32>
        %add3A_351 = arith.addf %masked_cumsum3A_274, %broadcast_in_dim3A_350 : vector<16xf32>
        %slice3A_352 = vector.extract_strided_slice %add3A_351 {offsets = [15], sizes = [1], strides = [1]} : vector<16xf32> to vector<1xf32>
        %squeeze3A_353 = vector.extract %slice3A_352[0] : f32 from vector<1xf32>
        %broadcast_in_dim3A_354 = vector.broadcast %squeeze3A_353 : f32 to vector<16xf32>
        %add3A_355 = arith.addf %masked_cumsum3A_283, %broadcast_in_dim3A_354 : vector<16xf32>
        %slice3A_356 = vector.extract_strided_slice %masked_cumsum3A_292 {offsets = [15], sizes = [1], strides = [1]} : vector<16xf32> to vector<1xf32>
        %squeeze3A_357 = vector.extract %slice3A_356[0] : f32 from vector<1xf32>
        %broadcast_in_dim3A_358 = vector.broadcast %squeeze3A_357 : f32 to vector<16xf32>
        %add3A_359 = arith.addf %masked_cumsum3A_301, %broadcast_in_dim3A_358 : vector<16xf32>
        %slice3A_360 = vector.extract_strided_slice %add3A_359 {offsets = [15], sizes = [1], strides = [1]} : vector<16xf32> to vector<1xf32>
        %squeeze3A_361 = vector.extract %slice3A_360[0] : f32 from vector<1xf32>
        %broadcast_in_dim3A_362 = vector.broadcast %squeeze3A_361 : f32 to vector<16xf32>
        %add3A_363 = arith.addf %masked_cumsum3A_310, %broadcast_in_dim3A_362 : vector<16xf32>
        %slice3A_364 = vector.extract_strided_slice %add3A_363 {offsets = [15], sizes = [1], strides = [1]} : vector<16xf32> to vector<1xf32>
        %squeeze3A_365 = vector.extract %slice3A_364[0] : f32 from vector<1xf32>
        %broadcast_in_dim3A_366 = vector.broadcast %squeeze3A_365 : f32 to vector<16xf32>
        %add3A_367 = arith.addf %masked_cumsum3A_319, %broadcast_in_dim3A_366 : vector<16xf32>
        %add3A_368 = arith.constant 0 : i32
        %add3A_369 = arith.addi %mul3A_177, %add3A_368 : i32
        %mul3A_370 = arith.constant 16 : i32
        %mul3A_371 = arith.muli %add3A_369, %mul3A_370 : i32
        %get3A_372 = arith.index_cast %mul3A_371 : i32 to index
        %get3A_373 = tpu.vector_load %arg8[%get3A_372] {strides = array<i32>} : memref<4112xi32, #tpu.memory_space<vmem>>, vector<16xi32>,
        %add3A_374 = arith.constant 0 : i32
        %add3A_375 = arith.addi %mul3A_177, %add3A_374 : i32
        %mul3A_376 = arith.constant 16 : i32
        %mul3A_377 = arith.muli %add3A_375, %mul3A_376 : i32
        %add3A_378 = arith.constant 1 : i32
        %add3A_379 = arith.addi %mul3A_377, %add3A_378 : i32
        %get3A_380 = arith.index_cast %add3A_379 : i32 to index
        %get3A_381 = tpu.vector_load %arg8[%get3A_380] {strides = array<i32>} : memref<4112xi32, #tpu.memory_space<vmem>>, vector<16xi32>,
        %ne3A_382 = arith.cmpi ne, %get3A_373, %get3A_381 : vector<16xi32>
        tpu.vector_store_idx %arg7[%get3A_373], %masked_cumsum3A masked %ne3A_382 {add = true} : memref<100352xf32, #tpu.memory_space<vmem>>[vector<16xi32>], vector<16xf32>, vector<16xi1>
        %neg3A = arith.constant 0.000000e+00 : f32
        %neg3A_383 = vector.broadcast %neg3A : f32 to vector<16xf32>
        %neg3A_384 = arith.subf %neg3A_383, %masked_cumsum3A : vector<16xf32>
        tpu.vector_store_idx %arg7[%get3A_381], %neg3A_384 masked %ne3A_382 {add = true} : memref<100352xf32, #tpu.memory_space<vmem>>[vector<16xi32>], vector<16xf32>, vector<16xi1>
        %add3A_385 = arith.constant 1 : i32
        %add3A_386 = arith.addi %mul3A_177, %add3A_385 : i32
        %mul3A_387 = arith.constant 16 : i32
        %mul3A_388 = arith.muli %add3A_386, %mul3A_387 : i32
        %get3A_389 = arith.index_cast %mul3A_388 : i32 to index
        %get3A_390 = tpu.vector_load %arg8[%get3A_389] {strides = array<i32>} : memref<4112xi32, #tpu.memory_space<vmem>>, vector<16xi32>,
        %add3A_391 = arith.constant 1 : i32
        %add3A_392 = arith.addi %mul3A_177, %add3A_391 : i32
        %mul3A_393 = arith.constant 16 : i32
        %mul3A_394 = arith.muli %add3A_392, %mul3A_393 : i32
        %add3A_395 = arith.constant 1 : i32
        %add3A_396 = arith.addi %mul3A_394, %add3A_395 : i32
        %get3A_397 = arith.index_cast %add3A_396 : i32 to index
        %get3A_398 = tpu.vector_load %arg8[%get3A_397] {strides = array<i32>} : memref<4112xi32, #tpu.memory_space<vmem>>, vector<16xi32>,
        %ne3A_399 = arith.cmpi ne, %get3A_390, %get3A_398 : vector<16xi32>
        tpu.vector_store_idx %arg7[%get3A_390], %add3A_323 masked %ne3A_399 {add = true} : memref<100352xf32, #tpu.memory_space<vmem>>[vector<16xi32>], vector<16xf32>, vector<16xi1>
        %neg3A_400 = arith.constant 0.000000e+00 : f32
        %neg3A_401 = vector.broadcast %neg3A_400 : f32 to vector<16xf32>
        %neg3A_402 = arith.subf %neg3A_401, %add3A_323 : vector<16xf32>
        tpu.vector_store_idx %arg7[%get3A_398], %neg3A_402 masked %ne3A_399 {add = true} : memref<100352xf32, #tpu.memory_space<vmem>>[vector<16xi32>], vector<16xf32>, vector<16xi1>
        %add3A_403 = arith.constant 2 : i32
        %add3A_404 = arith.addi %mul3A_177, %add3A_403 : i32
        %mul3A_405 = arith.constant 16 : i32
        %mul3A_406 = arith.muli %add3A_404, %mul3A_405 : i32
        %get3A_407 = arith.index_cast %mul3A_406 : i32 to index
        %get3A_408 = tpu.vector_load %arg8[%get3A_407] {strides = array<i32>} : memref<4112xi32, #tpu.memory_space<vmem>>, vector<16xi32>,
        %add3A_409 = arith.constant 2 : i32
        %add3A_410 = arith.addi %mul3A_177, %add3A_409 : i32
        %mul3A_411 = arith.constant 16 : i32
        %mul3A_412 = arith.muli %add3A_410, %mul3A_411 : i32
        %add3A_413 = arith.constant 1 : i32
        %add3A_414 = arith.addi %mul3A_412, %add3A_413 : i32
        %get3A_415 = arith.index_cast %add3A_414 : i32 to index
        %get3A_416 = tpu.vector_load %arg8[%get3A_415] {strides = array<i32>} : memref<4112xi32, #tpu.memory_space<vmem>>, vector<16xi32>,
        %ne3A_417 = arith.cmpi ne, %get3A_408, %get3A_416 : vector<16xi32>
        tpu.vector_store_idx %arg7[%get3A_408], %add3A_327 masked %ne3A_417 {add = true} : memref<100352xf32, #tpu.memory_space<vmem>>[vector<16xi32>], vector<16xf32>, vector<16xi1>
        %neg3A_418 = arith.constant 0.000000e+00 : f32
        %neg3A_419 = vector.broadcast %neg3A_418 : f32 to vector<16xf32>
        %neg3A_420 = arith.subf %neg3A_419, %add3A_327 : vector<16xf32>
        tpu.vector_store_idx %arg7[%get3A_416], %neg3A_420 masked %ne3A_417 {add = true} : memref<100352xf32, #tpu.memory_space<vmem>>[vector<16xi32>], vector<16xf32>, vector<16xi1>
        %add3A_421 = arith.constant 3 : i32
        %add3A_422 = arith.addi %mul3A_177, %add3A_421 : i32
        %mul3A_423 = arith.constant 16 : i32
        %mul3A_424 = arith.muli %add3A_422, %mul3A_423 : i32
        %get3A_425 = arith.index_cast %mul3A_424 : i32 to index
        %get3A_426 = tpu.vector_load %arg8[%get3A_425] {strides = array<i32>} : memref<4112xi32, #tpu.memory_space<vmem>>, vector<16xi32>,
        %add3A_427 = arith.constant 3 : i32
        %add3A_428 = arith.addi %mul3A_177, %add3A_427 : i32
        %mul3A_429 = arith.constant 16 : i32
        %mul3A_430 = arith.muli %add3A_428, %mul3A_429 : i32
        %add3A_431 = arith.constant 1 : i32
        %add3A_432 = arith.addi %mul3A_430, %add3A_431 : i32
        %get3A_433 = arith.index_cast %add3A_432 : i32 to index
        %get3A_434 = tpu.vector_load %arg8[%get3A_433] {strides = array<i32>} : memref<4112xi32, #tpu.memory_space<vmem>>, vector<16xi32>,
        %ne3A_435 = arith.cmpi ne, %get3A_426, %get3A_434 : vector<16xi32>
        %and3A_436 = arith.andi %ne3A_435, %ne3A_73 : vector<16xi1>
        %or3A = arith.ori %and3A_436, %eq3A_70 : vector<16xi1>
        tpu.vector_store_idx %arg7[%get3A_426], %add3A_331 masked %or3A {add = true} : memref<100352xf32, #tpu.memory_space<vmem>>[vector<16xi32>], vector<16xf32>, vector<16xi1>
        %neg3A_437 = arith.constant 0.000000e+00 : f32
        %neg3A_438 = vector.broadcast %neg3A_437 : f32 to vector<16xf32>
        %neg3A_439 = arith.subf %neg3A_438, %add3A_331 : vector<16xf32>
        tpu.vector_store_idx %arg7[%get3A_434], %neg3A_439 masked %and3A_436 {add = true} : memref<100352xf32, #tpu.memory_space<vmem>>[vector<16xi32>], vector<16xf32>, vector<16xi1>
        %add3A_440 = arith.constant 4 : i32
        %add3A_441 = arith.addi %mul3A_177, %add3A_440 : i32
        %mul3A_442 = arith.constant 16 : i32
        %mul3A_443 = arith.muli %add3A_441, %mul3A_442 : i32
        %get3A_444 = arith.index_cast %mul3A_443 : i32 to index
        %get3A_445 = tpu.vector_load %arg8[%get3A_444] {strides = array<i32>} : memref<4112xi32, #tpu.memory_space<vmem>>, vector<16xi32>,
        %add3A_446 = arith.constant 4 : i32
        %add3A_447 = arith.addi %mul3A_177, %add3A_446 : i32
        %mul3A_448 = arith.constant 16 : i32
        %mul3A_449 = arith.muli %add3A_447, %mul3A_448 : i32
        %add3A_450 = arith.constant 1 : i32
        %add3A_451 = arith.addi %mul3A_449, %add3A_450 : i32
        %get3A_452 = arith.index_cast %add3A_451 : i32 to index
        %get3A_453 = tpu.vector_load %arg8[%get3A_452] {strides = array<i32>} : memref<4112xi32, #tpu.memory_space<vmem>>, vector<16xi32>,
        %ne3A_454 = arith.cmpi ne, %get3A_445, %get3A_453 : vector<16xi32>
        tpu.vector_store_idx %arg7[%get3A_445], %masked_cumsum3A_220 masked %ne3A_454 {add = true} : memref<100352xf32, #tpu.memory_space<vmem>>[vector<16xi32>], vector<16xf32>, vector<16xi1>
        %neg3A_455 = arith.constant 0.000000e+00 : f32
        %neg3A_456 = vector.broadcast %neg3A_455 : f32 to vector<16xf32>
        %neg3A_457 = arith.subf %neg3A_456, %masked_cumsum3A_220 : vector<16xf32>
        tpu.vector_store_idx %arg7[%get3A_453], %neg3A_457 masked %ne3A_454 {add = true} : memref<100352xf32, #tpu.memory_space<vmem>>[vector<16xi32>], vector<16xf32>, vector<16xi1>
        %add3A_458 = arith.constant 5 : i32
        %add3A_459 = arith.addi %mul3A_177, %add3A_458 : i32
        %mul3A_460 = arith.constant 16 : i32
        %mul3A_461 = arith.muli %add3A_459, %mul3A_460 : i32
        %get3A_462 = arith.index_cast %mul3A_461 : i32 to index
        %get3A_463 = tpu.vector_load %arg8[%get3A_462] {strides = array<i32>} : memref<4112xi32, #tpu.memory_space<vmem>>, vector<16xi32>,
        %add3A_464 = arith.constant 5 : i32
        %add3A_465 = arith.addi %mul3A_177, %add3A_464 : i32
        %mul3A_466 = arith.constant 16 : i32
        %mul3A_467 = arith.muli %add3A_465, %mul3A_466 : i32
        %add3A_468 = arith.constant 1 : i32
        %add3A_469 = arith.addi %mul3A_467, %add3A_468 : i32
        %get3A_470 = arith.index_cast %add3A_469 : i32 to index
        %get3A_471 = tpu.vector_load %arg8[%get3A_470] {strides = array<i32>} : memref<4112xi32, #tpu.memory_space<vmem>>, vector<16xi32>,
        %ne3A_472 = arith.cmpi ne, %get3A_463, %get3A_471 : vector<16xi32>
        tpu.vector_store_idx %arg7[%get3A_463], %add3A_335 masked %ne3A_472 {add = true} : memref<100352xf32, #tpu.memory_space<vmem>>[vector<16xi32>], vector<16xf32>, vector<16xi1>
        %neg3A_473 = arith.constant 0.000000e+00 : f32
        %neg3A_474 = vector.broadcast %neg3A_473 : f32 to vector<16xf32>
        %neg3A_475 = arith.subf %neg3A_474, %add3A_335 : vector<16xf32>
        tpu.vector_store_idx %arg7[%get3A_471], %neg3A_475 masked %ne3A_472 {add = true} : memref<100352xf32, #tpu.memory_space<vmem>>[vector<16xi32>], vector<16xf32>, vector<16xi1>
        %add3A_476 = arith.constant 6 : i32
        %add3A_477 = arith.addi %mul3A_177, %add3A_476 : i32
        %mul3A_478 = arith.constant 16 : i32
        %mul3A_479 = arith.muli %add3A_477, %mul3A_478 : i32
        %get3A_480 = arith.index_cast %mul3A_479 : i32 to index
        %get3A_481 = tpu.vector_load %arg8[%get3A_480] {strides = array<i32>} : memref<4112xi32, #tpu.memory_space<vmem>>, vector<16xi32>,
        %add3A_482 = arith.constant 6 : i32
        %add3A_483 = arith.addi %mul3A_177, %add3A_482 : i32
        %mul3A_484 = arith.constant 16 : i32
        %mul3A_485 = arith.muli %add3A_483, %mul3A_484 : i32
        %add3A_486 = arith.constant 1 : i32
        %add3A_487 = arith.addi %mul3A_485, %add3A_486 : i32
        %get3A_488 = arith.index_cast %add3A_487 : i32 to index
        %get3A_489 = tpu.vector_load %arg8[%get3A_488] {strides = array<i32>} : memref<4112xi32, #tpu.memory_space<vmem>>, vector<16xi32>,
        %ne3A_490 = arith.cmpi ne, %get3A_481, %get3A_489 : vector<16xi32>
        tpu.vector_store_idx %arg7[%get3A_481], %add3A_339 masked %ne3A_490 {add = true} : memref<100352xf32, #tpu.memory_space<vmem>>[vector<16xi32>], vector<16xf32>, vector<16xi1>
        %neg3A_491 = arith.constant 0.000000e+00 : f32
        %neg3A_492 = vector.broadcast %neg3A_491 : f32 to vector<16xf32>
        %neg3A_493 = arith.subf %neg3A_492, %add3A_339 : vector<16xf32>
        tpu.vector_store_idx %arg7[%get3A_489], %neg3A_493 masked %ne3A_490 {add = true} : memref<100352xf32, #tpu.memory_space<vmem>>[vector<16xi32>], vector<16xf32>, vector<16xi1>
        %add3A_494 = arith.constant 7 : i32
        %add3A_495 = arith.addi %mul3A_177, %add3A_494 : i32
        %mul3A_496 = arith.constant 16 : i32
        %mul3A_497 = arith.muli %add3A_495, %mul3A_496 : i32
        %get3A_498 = arith.index_cast %mul3A_497 : i32 to index
        %get3A_499 = tpu.vector_load %arg8[%get3A_498] {strides = array<i32>} : memref<4112xi32, #tpu.memory_space<vmem>>, vector<16xi32>,
        %add3A_500 = arith.constant 7 : i32
        %add3A_501 = arith.addi %mul3A_177, %add3A_500 : i32
        %mul3A_502 = arith.constant 16 : i32
        %mul3A_503 = arith.muli %add3A_501, %mul3A_502 : i32
        %add3A_504 = arith.constant 1 : i32
        %add3A_505 = arith.addi %mul3A_503, %add3A_504 : i32
        %get3A_506 = arith.index_cast %add3A_505 : i32 to index
        %get3A_507 = tpu.vector_load %arg8[%get3A_506] {strides = array<i32>} : memref<4112xi32, #tpu.memory_space<vmem>>, vector<16xi32>,
        %ne3A_508 = arith.cmpi ne, %get3A_499, %get3A_507 : vector<16xi32>
        %and3A_509 = arith.andi %ne3A_508, %ne3A_73 : vector<16xi1>
        %or3A_510 = arith.ori %and3A_509, %eq3A_70 : vector<16xi1>
        tpu.vector_store_idx %arg7[%get3A_499], %add3A_343 masked %or3A_510 {add = true} : memref<100352xf32, #tpu.memory_space<vmem>>[vector<16xi32>], vector<16xf32>, vector<16xi1>
        %neg3A_511 = arith.constant 0.000000e+00 : f32
        %neg3A_512 = vector.broadcast %neg3A_511 : f32 to vector<16xf32>
        %neg3A_513 = arith.subf %neg3A_512, %add3A_343 : vector<16xf32>
        tpu.vector_store_idx %arg7[%get3A_507], %neg3A_513 masked %and3A_509 {add = true} : memref<100352xf32, #tpu.memory_space<vmem>>[vector<16xi32>], vector<16xf32>, vector<16xi1>
        %add3A_514 = arith.constant 8 : i32
        %add3A_515 = arith.addi %mul3A_177, %add3A_514 : i32
        %mul3A_516 = arith.constant 16 : i32
        %mul3A_517 = arith.muli %add3A_515, %mul3A_516 : i32
        %get3A_518 = arith.index_cast %mul3A_517 : i32 to index
        %get3A_519 = tpu.vector_load %arg8[%get3A_518] {strides = array<i32>} : memref<4112xi32, #tpu.memory_space<vmem>>, vector<16xi32>,
        %add3A_520 = arith.constant 8 : i32
        %add3A_521 = arith.addi %mul3A_177, %add3A_520 : i32
        %mul3A_522 = arith.constant 16 : i32
        %mul3A_523 = arith.muli %add3A_521, %mul3A_522 : i32
        %add3A_524 = arith.constant 1 : i32
        %add3A_525 = arith.addi %mul3A_523, %add3A_524 : i32
        %get3A_526 = arith.index_cast %add3A_525 : i32 to index
        %get3A_527 = tpu.vector_load %arg8[%get3A_526] {strides = array<i32>} : memref<4112xi32, #tpu.memory_space<vmem>>, vector<16xi32>,
        %ne3A_528 = arith.cmpi ne, %get3A_519, %get3A_527 : vector<16xi32>
        tpu.vector_store_idx %arg7[%get3A_519], %masked_cumsum3A_256 masked %ne3A_528 {add = true} : memref<100352xf32, #tpu.memory_space<vmem>>[vector<16xi32>], vector<16xf32>, vector<16xi1>
        %neg3A_529 = arith.constant 0.000000e+00 : f32
        %neg3A_530 = vector.broadcast %neg3A_529 : f32 to vector<16xf32>
        %neg3A_531 = arith.subf %neg3A_530, %masked_cumsum3A_256 : vector<16xf32>
        tpu.vector_store_idx %arg7[%get3A_527], %neg3A_531 masked %ne3A_528 {add = true} : memref<100352xf32, #tpu.memory_space<vmem>>[vector<16xi32>], vector<16xf32>, vector<16xi1>
        %add3A_532 = arith.constant 9 : i32
        %add3A_533 = arith.addi %mul3A_177, %add3A_532 : i32
        %mul3A_534 = arith.constant 16 : i32
        %mul3A_535 = arith.muli %add3A_533, %mul3A_534 : i32
        %get3A_536 = arith.index_cast %mul3A_535 : i32 to index
        %get3A_537 = tpu.vector_load %arg8[%get3A_536] {strides = array<i32>} : memref<4112xi32, #tpu.memory_space<vmem>>, vector<16xi32>,
        %add3A_538 = arith.constant 9 : i32
        %add3A_539 = arith.addi %mul3A_177, %add3A_538 : i32
        %mul3A_540 = arith.constant 16 : i32
        %mul3A_541 = arith.muli %add3A_539, %mul3A_540 : i32
        %add3A_542 = arith.constant 1 : i32
        %add3A_543 = arith.addi %mul3A_541, %add3A_542 : i32
        %get3A_544 = arith.index_cast %add3A_543 : i32 to index
        %get3A_545 = tpu.vector_load %arg8[%get3A_544] {strides = array<i32>} : memref<4112xi32, #tpu.memory_space<vmem>>, vector<16xi32>,
        %ne3A_546 = arith.cmpi ne, %get3A_537, %get3A_545 : vector<16xi32>
        tpu.vector_store_idx %arg7[%get3A_537], %add3A_347 masked %ne3A_546 {add = true} : memref<100352xf32, #tpu.memory_space<vmem>>[vector<16xi32>], vector<16xf32>, vector<16xi1>
        %neg3A_547 = arith.constant 0.000000e+00 : f32
        %neg3A_548 = vector.broadcast %neg3A_547 : f32 to vector<16xf32>
        %neg3A_549 = arith.subf %neg3A_548, %add3A_347 : vector<16xf32>
        tpu.vector_store_idx %arg7[%get3A_545], %neg3A_549 masked %ne3A_546 {add = true} : memref<100352xf32, #tpu.memory_space<vmem>>[vector<16xi32>], vector<16xf32>, vector<16xi1>
        %add3A_550 = arith.constant 10 : i32
        %add3A_551 = arith.addi %mul3A_177, %add3A_550 : i32
        %mul3A_552 = arith.constant 16 : i32
        %mul3A_553 = arith.muli %add3A_551, %mul3A_552 : i32
        %get3A_554 = arith.index_cast %mul3A_553 : i32 to index
        %get3A_555 = tpu.vector_load %arg8[%get3A_554] {strides = array<i32>} : memref<4112xi32, #tpu.memory_space<vmem>>, vector<16xi32>,
        %add3A_556 = arith.constant 10 : i32
        %add3A_557 = arith.addi %mul3A_177, %add3A_556 : i32
        %mul3A_558 = arith.constant 16 : i32
        %mul3A_559 = arith.muli %add3A_557, %mul3A_558 : i32
        %add3A_560 = arith.constant 1 : i32
        %add3A_561 = arith.addi %mul3A_559, %add3A_560 : i32
        %get3A_562 = arith.index_cast %add3A_561 : i32 to index
        %get3A_563 = tpu.vector_load %arg8[%get3A_562] {strides = array<i32>} : memref<4112xi32, #tpu.memory_space<vmem>>, vector<16xi32>,
        %ne3A_564 = arith.cmpi ne, %get3A_555, %get3A_563 : vector<16xi32>
        tpu.vector_store_idx %arg7[%get3A_555], %add3A_351 masked %ne3A_564 {add = true} : memref<100352xf32, #tpu.memory_space<vmem>>[vector<16xi32>], vector<16xf32>, vector<16xi1>
        %neg3A_565 = arith.constant 0.000000e+00 : f32
        %neg3A_566 = vector.broadcast %neg3A_565 : f32 to vector<16xf32>
        %neg3A_567 = arith.subf %neg3A_566, %add3A_351 : vector<16xf32>
        tpu.vector_store_idx %arg7[%get3A_563], %neg3A_567 masked %ne3A_564 {add = true} : memref<100352xf32, #tpu.memory_space<vmem>>[vector<16xi32>], vector<16xf32>, vector<16xi1>
        %add3A_568 = arith.constant 11 : i32
        %add3A_569 = arith.addi %mul3A_177, %add3A_568 : i32
        %mul3A_570 = arith.constant 16 : i32
        %mul3A_571 = arith.muli %add3A_569, %mul3A_570 : i32
        %get3A_572 = arith.index_cast %mul3A_571 : i32 to index
        %get3A_573 = tpu.vector_load %arg8[%get3A_572] {strides = array<i32>} : memref<4112xi32, #tpu.memory_space<vmem>>, vector<16xi32>,
        %add3A_574 = arith.constant 11 : i32
        %add3A_575 = arith.addi %mul3A_177, %add3A_574 : i32
        %mul3A_576 = arith.constant 16 : i32
        %mul3A_577 = arith.muli %add3A_575, %mul3A_576 : i32
        %add3A_578 = arith.constant 1 : i32
        %add3A_579 = arith.addi %mul3A_577, %add3A_578 : i32
        %get3A_580 = arith.index_cast %add3A_579 : i32 to index
        %get3A_581 = tpu.vector_load %arg8[%get3A_580] {strides = array<i32>} : memref<4112xi32, #tpu.memory_space<vmem>>, vector<16xi32>,
        %ne3A_582 = arith.cmpi ne, %get3A_573, %get3A_581 : vector<16xi32>
        %and3A_583 = arith.andi %ne3A_582, %ne3A_73 : vector<16xi1>
        %or3A_584 = arith.ori %and3A_583, %eq3A_70 : vector<16xi1>
        tpu.vector_store_idx %arg7[%get3A_573], %add3A_355 masked %or3A_584 {add = true} : memref<100352xf32, #tpu.memory_space<vmem>>[vector<16xi32>], vector<16xf32>, vector<16xi1>
        %neg3A_585 = arith.constant 0.000000e+00 : f32
        %neg3A_586 = vector.broadcast %neg3A_585 : f32 to vector<16xf32>
        %neg3A_587 = arith.subf %neg3A_586, %add3A_355 : vector<16xf32>
        tpu.vector_store_idx %arg7[%get3A_581], %neg3A_587 masked %and3A_583 {add = true} : memref<100352xf32, #tpu.memory_space<vmem>>[vector<16xi32>], vector<16xf32>, vector<16xi1>
        %add3A_588 = arith.constant 12 : i32
        %add3A_589 = arith.addi %mul3A_177, %add3A_588 : i32
        %mul3A_590 = arith.constant 16 : i32
        %mul3A_591 = arith.muli %add3A_589, %mul3A_590 : i32
        %get3A_592 = arith.index_cast %mul3A_591 : i32 to index
        %get3A_593 = tpu.vector_load %arg8[%get3A_592] {strides = array<i32>} : memref<4112xi32, #tpu.memory_space<vmem>>, vector<16xi32>,
        %add3A_594 = arith.constant 12 : i32
        %add3A_595 = arith.addi %mul3A_177, %add3A_594 : i32
        %mul3A_596 = arith.constant 16 : i32
        %mul3A_597 = arith.muli %add3A_595, %mul3A_596 : i32
        %add3A_598 = arith.constant 1 : i32
        %add3A_599 = arith.addi %mul3A_597, %add3A_598 : i32
        %get3A_600 = arith.index_cast %add3A_599 : i32 to index
        %get3A_601 = tpu.vector_load %arg8[%get3A_600] {strides = array<i32>} : memref<4112xi32, #tpu.memory_space<vmem>>, vector<16xi32>,
        %ne3A_602 = arith.cmpi ne, %get3A_593, %get3A_601 : vector<16xi32>
        tpu.vector_store_idx %arg7[%get3A_593], %masked_cumsum3A_292 masked %ne3A_602 {add = true} : memref<100352xf32, #tpu.memory_space<vmem>>[vector<16xi32>], vector<16xf32>, vector<16xi1>
        %neg3A_603 = arith.constant 0.000000e+00 : f32
        %neg3A_604 = vector.broadcast %neg3A_603 : f32 to vector<16xf32>
        %neg3A_605 = arith.subf %neg3A_604, %masked_cumsum3A_292 : vector<16xf32>
        tpu.vector_store_idx %arg7[%get3A_601], %neg3A_605 masked %ne3A_602 {add = true} : memref<100352xf32, #tpu.memory_space<vmem>>[vector<16xi32>], vector<16xf32>, vector<16xi1>
        %add3A_606 = arith.constant 13 : i32
        %add3A_607 = arith.addi %mul3A_177, %add3A_606 : i32
        %mul3A_608 = arith.constant 16 : i32
        %mul3A_609 = arith.muli %add3A_607, %mul3A_608 : i32
        %get3A_610 = arith.index_cast %mul3A_609 : i32 to index
        %get3A_611 = tpu.vector_load %arg8[%get3A_610] {strides = array<i32>} : memref<4112xi32, #tpu.memory_space<vmem>>, vector<16xi32>,
        %add3A_612 = arith.constant 13 : i32
        %add3A_613 = arith.addi %mul3A_177, %add3A_612 : i32
        %mul3A_614 = arith.constant 16 : i32
        %mul3A_615 = arith.muli %add3A_613, %mul3A_614 : i32
        %add3A_616 = arith.constant 1 : i32
        %add3A_617 = arith.addi %mul3A_615, %add3A_616 : i32
        %get3A_618 = arith.index_cast %add3A_617 : i32 to index
        %get3A_619 = tpu.vector_load %arg8[%get3A_618] {strides = array<i32>} : memref<4112xi32, #tpu.memory_space<vmem>>, vector<16xi32>,
        %ne3A_620 = arith.cmpi ne, %get3A_611, %get3A_619 : vector<16xi32>
        tpu.vector_store_idx %arg7[%get3A_611], %add3A_359 masked %ne3A_620 {add = true} : memref<100352xf32, #tpu.memory_space<vmem>>[vector<16xi32>], vector<16xf32>, vector<16xi1>
        %neg3A_621 = arith.constant 0.000000e+00 : f32
        %neg3A_622 = vector.broadcast %neg3A_621 : f32 to vector<16xf32>
        %neg3A_623 = arith.subf %neg3A_622, %add3A_359 : vector<16xf32>
        tpu.vector_store_idx %arg7[%get3A_619], %neg3A_623 masked %ne3A_620 {add = true} : memref<100352xf32, #tpu.memory_space<vmem>>[vector<16xi32>], vector<16xf32>, vector<16xi1>
        %add3A_624 = arith.constant 14 : i32
        %add3A_625 = arith.addi %mul3A_177, %add3A_624 : i32
        %mul3A_626 = arith.constant 16 : i32
        %mul3A_627 = arith.muli %add3A_625, %mul3A_626 : i32
        %get3A_628 = arith.index_cast %mul3A_627 : i32 to index
        %get3A_629 = tpu.vector_load %arg8[%get3A_628] {strides = array<i32>} : memref<4112xi32, #tpu.memory_space<vmem>>, vector<16xi32>,
        %add3A_630 = arith.constant 14 : i32
        %add3A_631 = arith.addi %mul3A_177, %add3A_630 : i32
        %mul3A_632 = arith.constant 16 : i32
        %mul3A_633 = arith.muli %add3A_631, %mul3A_632 : i32
        %add3A_634 = arith.constant 1 : i32
        %add3A_635 = arith.addi %mul3A_633, %add3A_634 : i32
        %get3A_636 = arith.index_cast %add3A_635 : i32 to index
        %get3A_637 = tpu.vector_load %arg8[%get3A_636] {strides = array<i32>} : memref<4112xi32, #tpu.memory_space<vmem>>, vector<16xi32>,
        %ne3A_638 = arith.cmpi ne, %get3A_629, %get3A_637 : vector<16xi32>
        tpu.vector_store_idx %arg7[%get3A_629], %add3A_363 masked %ne3A_638 {add = true} : memref<100352xf32, #tpu.memory_space<vmem>>[vector<16xi32>], vector<16xf32>, vector<16xi1>
        %neg3A_639 = arith.constant 0.000000e+00 : f32
        %neg3A_640 = vector.broadcast %neg3A_639 : f32 to vector<16xf32>
        %neg3A_641 = arith.subf %neg3A_640, %add3A_363 : vector<16xf32>
        tpu.vector_store_idx %arg7[%get3A_637], %neg3A_641 masked %ne3A_638 {add = true} : memref<100352xf32, #tpu.memory_space<vmem>>[vector<16xi32>], vector<16xf32>, vector<16xi1>
        %add3A_642 = arith.constant 15 : i32
        %add3A_643 = arith.addi %mul3A_177, %add3A_642 : i32
        %mul3A_644 = arith.constant 16 : i32
        %mul3A_645 = arith.muli %add3A_643, %mul3A_644 : i32
        %get3A_646 = arith.index_cast %mul3A_645 : i32 to index
        %get3A_647 = tpu.vector_load %arg8[%get3A_646] {strides = array<i32>} : memref<4112xi32, #tpu.memory_space<vmem>>, vector<16xi32>,
        %add3A_648 = arith.constant 15 : i32
        %add3A_649 = arith.addi %mul3A_177, %add3A_648 : i32
        %mul3A_650 = arith.constant 16 : i32
        %mul3A_651 = arith.muli %add3A_649, %mul3A_650 : i32
        %add3A_652 = arith.constant 1 : i32
        %add3A_653 = arith.addi %mul3A_651, %add3A_652 : i32
        %get3A_654 = arith.index_cast %add3A_653 : i32 to index
        %get3A_655 = tpu.vector_load %arg8[%get3A_654] {strides = array<i32>} : memref<4112xi32, #tpu.memory_space<vmem>>, vector<16xi32>,
        %ne3A_656 = arith.cmpi ne, %get3A_647, %get3A_655 : vector<16xi32>
        %and3A_657 = arith.andi %ne3A_656, %ne3A_73 : vector<16xi1>
        %or3A_658 = arith.ori %and3A_657, %eq3A_70 : vector<16xi1>
        tpu.vector_store_idx %arg7[%get3A_647], %add3A_367 masked %or3A_658 {add = true} : memref<100352xf32, #tpu.memory_space<vmem>>[vector<16xi32>], vector<16xf32>, vector<16xi1>
        %neg3A_659 = arith.constant 0.000000e+00 : f32
        %neg3A_660 = vector.broadcast %neg3A_659 : f32 to vector<16xf32>
        %neg3A_661 = arith.subf %neg3A_660, %add3A_367 : vector<16xf32>
        tpu.vector_store_idx %arg7[%get3A_655], %neg3A_661 masked %and3A_657 {add = true} : memref<100352xf32, #tpu.memory_space<vmem>>[vector<16xi32>], vector<16xf32>, vector<16xi1>
      }
      %scan3A_138 = arith.constant 16 : i32
      %scan3A_139 = arith.constant 256 : i32
      %scan3A_140 = arith.constant 0 : i32
      %scan3A_141 = arith.addi %scan3A_139, %scan3A_140 : i32
      %scan3A_142 = arith.constant 0 : i32
      %mul3A_143 = arith.constant 2 : i32
      %mul3A_144 = arith.muli %scan3A_114, %mul3A_143 : i32
      %add3A_145 = arith.constant 1 : i32
      %add3A_146 = arith.addi %mul3A_144, %add3A_145 : i32
      %dma_wait3A_147 = arith.constant 0 : i32
      %dma_wait3A_148 = tpu.memref_slice %arg10[%dma_wait3A_147] : memref<4112xi32, #tpu.memory_space<vmem>> -> memref<4096xi32, #tpu.memory_space<vmem>>
      %dma_wait3A_149 = arith.constant 0 : i32
      %dma_wait3A_150 = tpu.memref_slice %arg3[%dma_wait3A_149] : memref<6400000xi32, #tpu.memory_space<hbm>> -> memref<4096xi32, #tpu.memory_space<hbm>>
      %dma_wait3A_151 = arith.constant 0 : i32
      %dma_wait3A_152 = tpu.memref_slice %arg10[%dma_wait3A_151] : memref<4112xi32, #tpu.memory_space<vmem>> -> memref<4096xi32, #tpu.memory_space<vmem>>
      %dma_wait3A_153 = arith.constant 0 : i32
      %dma_wait3A_154 = tpu.memref_slice %arg3[%dma_wait3A_153] : memref<6400000xi32, #tpu.memory_space<hbm>> -> memref<4096xi32, #tpu.memory_space<hbm>>
      tpu.wait_dma2 semaphore(%arg15 : memref<!tpu.dma_semaphore, #tpu.memory_space<semaphore_mem>>) src(%dma_wait3A_154 : memref<4096xi32, #tpu.memory_space<hbm>>) dst(%dma_wait3A_152 : memref<4096xi32, #tpu.memory_space<vmem>>)
      %dma_wait3A_155 = arith.constant 0 : i32
      %dma_wait3A_156 = tpu.memref_slice %arg2[%dma_wait3A_155] : memref<6400000xf32, #tpu.memory_space<hbm>> -> memref<4096xf32, #tpu.memory_space<hbm>>
      %dma_wait3A_157 = arith.constant 0 : i32
      %dma_wait3A_158 = tpu.memref_slice %arg2[%dma_wait3A_157] : memref<6400000xf32, #tpu.memory_space<hbm>> -> memref<4096xf32, #tpu.memory_space<hbm>>
      tpu.wait_dma2 semaphore(%arg16 : memref<!tpu.dma_semaphore, #tpu.memory_space<semaphore_mem>>) src(%dma_wait3A_158 : memref<4096xf32, #tpu.memory_space<hbm>>) dst(%arg11 : memref<4096xf32, #tpu.memory_space<vmem>>)
      %add3A_159 = arith.constant 1 : i32
      %add3A_160 = arith.addi %add3A_146, %add3A_159 : i32
      %lt3A_161 = arith.constant 48 : i32
      %lt3A_162 = arith.cmpi slt, %add3A_160, %lt3A_161 : i32
      %convert_element_type3A_163 = arith.extui %lt3A_162 : i1 to i32
      %cond3A_164 = arith.constant 0 : i32
      %cond3A_165 = arith.cmpi ne, %convert_element_type3A_163, %cond3A_164 : i32
      scf.if %cond3A_165 {
        %add3A_175 = arith.constant 1 : i32
        %add3A_176 = arith.addi %add3A_146, %add3A_175 : i32
        %mul3A_177 = arith.constant 4096 : i32
        %mul3A_178 = arith.muli %add3A_176, %mul3A_177 : i32
        %add3A_179 = arith.addi %mul3A_2, %mul3A_178 : i32
        %dma_start3A_180 = arith.constant 0 : i32
        %dma_start3A_181 = tpu.memref_slice %arg8[%dma_start3A_180] : memref<4112xi32, #tpu.memory_space<vmem>> -> memref<4096xi32, #tpu.memory_space<vmem>>
        %dma_start3A_182 = tpu.memref_slice %arg3[%add3A_179] : memref<6400000xi32, #tpu.memory_space<hbm>> -> memref<4096xi32, #tpu.memory_space<hbm>>
        %dma_start3A_183 = arith.constant 0 : i32
        %dma_start3A_184 = tpu.memref_slice %arg8[%dma_start3A_183] : memref<4112xi32, #tpu.memory_space<vmem>> -> memref<4096xi32, #tpu.memory_space<vmem>>
        %dma_start3A_185 = tpu.memref_slice %arg3[%add3A_179] : memref<6400000xi32, #tpu.memory_space<hbm>> -> memref<4096xi32, #tpu.memory_space<hbm>>
        tpu.enqueue_dma source(%dma_start3A_185 : memref<4096xi32, #tpu.memory_space<hbm>>) target(%dma_start3A_184 : memref<4096xi32, #tpu.memory_space<vmem>>) target_semaphore(%arg15 : memref<!tpu.dma_semaphore, #tpu.memory_space<semaphore_mem>>)
        %dma_start3A_186 = tpu.memref_slice %arg2[%add3A_179] : memref<6400000xf32, #tpu.memory_space<hbm>> -> memref<4096xf32, #tpu.memory_space<hbm>>
        %dma_start3A_187 = tpu.memref_slice %arg2[%add3A_179] : memref<6400000xf32, #tpu.memory_space<hbm>> -> memref<4096xf32, #tpu.memory_space<hbm>>
        tpu.enqueue_dma source(%dma_start3A_187 : memref<4096xf32, #tpu.memory_space<hbm>>) target(%arg9 : memref<4096xf32, #tpu.memory_space<vmem>>) target_semaphore(%arg16 : memref<!tpu.dma_semaphore, #tpu.memory_space<semaphore_mem>>)
      } else {
      }
      %scan3A_166 = arith.constant 0 : i32
      %scan3A_167 = arith.constant 16 : i32
      %scan3A_168 = arith.addi %scan3A_166, %scan3A_167 : i32
      %scan3A_169 = arith.constant 1 : i32
      scf.for %scan3A_175 = %scan3A_166 to %scan3A_168 step %scan3A_169  : i32 {
        %mul3A_176 = arith.constant 16 : i32
        %mul3A_177 = arith.muli %scan3A_175, %mul3A_176 : i32
        %add3A_178 = arith.constant 0 : i32
        %add3A_179 = arith.addi %mul3A_177, %add3A_178 : i32
        %mul3A_180 = arith.constant 16 : i32
        %mul3A_181 = arith.muli %add3A_179, %mul3A_180 : i32
        %get3A_182 = arith.index_cast %mul3A_181 : i32 to index
        %get3A_183 = tpu.vector_load %arg11[%get3A_182] {strides = array<i32>} : memref<4096xf32, #tpu.memory_space<vmem>>, vector<16xf32>,
        %broadcast_in_dim3A = arith.constant true
        %broadcast_in_dim3A_184 = vector.broadcast %broadcast_in_dim3A : i1 to vector<16xi1>
        %masked_cumsum3A = tpu.scan <sum>, %get3A_183 masked %broadcast_in_dim3A_184 : vector<16xf32>, vector<16xi1> -> vector<16xf32>
        %add3A_185 = arith.constant 1 : i32
        %add3A_186 = arith.addi %mul3A_177, %add3A_185 : i32
        %mul3A_187 = arith.constant 16 : i32
        %mul3A_188 = arith.muli %add3A_186, %mul3A_187 : i32
        %get3A_189 = arith.index_cast %mul3A_188 : i32 to index
        %get3A_190 = tpu.vector_load %arg11[%get3A_189] {strides = array<i32>} : memref<4096xf32, #tpu.memory_space<vmem>>, vector<16xf32>,
        %broadcast_in_dim3A_191 = arith.constant true
        %broadcast_in_dim3A_192 = vector.broadcast %broadcast_in_dim3A_191 : i1 to vector<16xi1>
        %masked_cumsum3A_193 = tpu.scan <sum>, %get3A_190 masked %broadcast_in_dim3A_192 : vector<16xf32>, vector<16xi1> -> vector<16xf32>
        %add3A_194 = arith.constant 2 : i32
        %add3A_195 = arith.addi %mul3A_177, %add3A_194 : i32
        %mul3A_196 = arith.constant 16 : i32
        %mul3A_197 = arith.muli %add3A_195, %mul3A_196 : i32
        %get3A_198 = arith.index_cast %mul3A_197 : i32 to index
        %get3A_199 = tpu.vector_load %arg11[%get3A_198] {strides = array<i32>} : memref<4096xf32, #tpu.memory_space<vmem>>, vector<16xf32>,
        %broadcast_in_dim3A_200 = arith.constant true
        %broadcast_in_dim3A_201 = vector.broadcast %broadcast_in_dim3A_200 : i1 to vector<16xi1>
        %masked_cumsum3A_202 = tpu.scan <sum>, %get3A_199 masked %broadcast_in_dim3A_201 : vector<16xf32>, vector<16xi1> -> vector<16xf32>
        %add3A_203 = arith.constant 3 : i32
        %add3A_204 = arith.addi %mul3A_177, %add3A_203 : i32
        %mul3A_205 = arith.constant 16 : i32
        %mul3A_206 = arith.muli %add3A_204, %mul3A_205 : i32
        %get3A_207 = arith.index_cast %mul3A_206 : i32 to index
        %get3A_208 = tpu.vector_load %arg11[%get3A_207] {strides = array<i32>} : memref<4096xf32, #tpu.memory_space<vmem>>, vector<16xf32>,
        %broadcast_in_dim3A_209 = arith.constant true
        %broadcast_in_dim3A_210 = vector.broadcast %broadcast_in_dim3A_209 : i1 to vector<16xi1>
        %masked_cumsum3A_211 = tpu.scan <sum>, %get3A_208 masked %broadcast_in_dim3A_210 : vector<16xf32>, vector<16xi1> -> vector<16xf32>
        %add3A_212 = arith.constant 4 : i32
        %add3A_213 = arith.addi %mul3A_177, %add3A_212 : i32
        %mul3A_214 = arith.constant 16 : i32
        %mul3A_215 = arith.muli %add3A_213, %mul3A_214 : i32
        %get3A_216 = arith.index_cast %mul3A_215 : i32 to index
        %get3A_217 = tpu.vector_load %arg11[%get3A_216] {strides = array<i32>} : memref<4096xf32, #tpu.memory_space<vmem>>, vector<16xf32>,
        %broadcast_in_dim3A_218 = arith.constant true
        %broadcast_in_dim3A_219 = vector.broadcast %broadcast_in_dim3A_218 : i1 to vector<16xi1>
        %masked_cumsum3A_220 = tpu.scan <sum>, %get3A_217 masked %broadcast_in_dim3A_219 : vector<16xf32>, vector<16xi1> -> vector<16xf32>
        %add3A_221 = arith.constant 5 : i32
        %add3A_222 = arith.addi %mul3A_177, %add3A_221 : i32
        %mul3A_223 = arith.constant 16 : i32
        %mul3A_224 = arith.muli %add3A_222, %mul3A_223 : i32
        %get3A_225 = arith.index_cast %mul3A_224 : i32 to index
        %get3A_226 = tpu.vector_load %arg11[%get3A_225] {strides = array<i32>} : memref<4096xf32, #tpu.memory_space<vmem>>, vector<16xf32>,
        %broadcast_in_dim3A_227 = arith.constant true
        %broadcast_in_dim3A_228 = vector.broadcast %broadcast_in_dim3A_227 : i1 to vector<16xi1>
        %masked_cumsum3A_229 = tpu.scan <sum>, %get3A_226 masked %broadcast_in_dim3A_228 : vector<16xf32>, vector<16xi1> -> vector<16xf32>
        %add3A_230 = arith.constant 6 : i32
        %add3A_231 = arith.addi %mul3A_177, %add3A_230 : i32
        %mul3A_232 = arith.constant 16 : i32
        %mul3A_233 = arith.muli %add3A_231, %mul3A_232 : i32
        %get3A_234 = arith.index_cast %mul3A_233 : i32 to index
        %get3A_235 = tpu.vector_load %arg11[%get3A_234] {strides = array<i32>} : memref<4096xf32, #tpu.memory_space<vmem>>, vector<16xf32>,
        %broadcast_in_dim3A_236 = arith.constant true
        %broadcast_in_dim3A_237 = vector.broadcast %broadcast_in_dim3A_236 : i1 to vector<16xi1>
        %masked_cumsum3A_238 = tpu.scan <sum>, %get3A_235 masked %broadcast_in_dim3A_237 : vector<16xf32>, vector<16xi1> -> vector<16xf32>
        %add3A_239 = arith.constant 7 : i32
        %add3A_240 = arith.addi %mul3A_177, %add3A_239 : i32
        %mul3A_241 = arith.constant 16 : i32
        %mul3A_242 = arith.muli %add3A_240, %mul3A_241 : i32
        %get3A_243 = arith.index_cast %mul3A_242 : i32 to index
        %get3A_244 = tpu.vector_load %arg11[%get3A_243] {strides = array<i32>} : memref<4096xf32, #tpu.memory_space<vmem>>, vector<16xf32>,
        %broadcast_in_dim3A_245 = arith.constant true
        %broadcast_in_dim3A_246 = vector.broadcast %broadcast_in_dim3A_245 : i1 to vector<16xi1>
        %masked_cumsum3A_247 = tpu.scan <sum>, %get3A_244 masked %broadcast_in_dim3A_246 : vector<16xf32>, vector<16xi1> -> vector<16xf32>
        %add3A_248 = arith.constant 8 : i32
        %add3A_249 = arith.addi %mul3A_177, %add3A_248 : i32
        %mul3A_250 = arith.constant 16 : i32
        %mul3A_251 = arith.muli %add3A_249, %mul3A_250 : i32
        %get3A_252 = arith.index_cast %mul3A_251 : i32 to index
        %get3A_253 = tpu.vector_load %arg11[%get3A_252] {strides = array<i32>} : memref<4096xf32, #tpu.memory_space<vmem>>, vector<16xf32>,
        %broadcast_in_dim3A_254 = arith.constant true
        %broadcast_in_dim3A_255 = vector.broadcast %broadcast_in_dim3A_254 : i1 to vector<16xi1>
        %masked_cumsum3A_256 = tpu.scan <sum>, %get3A_253 masked %broadcast_in_dim3A_255 : vector<16xf32>, vector<16xi1> -> vector<16xf32>
        %add3A_257 = arith.constant 9 : i32
        %add3A_258 = arith.addi %mul3A_177, %add3A_257 : i32
        %mul3A_259 = arith.constant 16 : i32
        %mul3A_260 = arith.muli %add3A_258, %mul3A_259 : i32
        %get3A_261 = arith.index_cast %mul3A_260 : i32 to index
        %get3A_262 = tpu.vector_load %arg11[%get3A_261] {strides = array<i32>} : memref<4096xf32, #tpu.memory_space<vmem>>, vector<16xf32>,
        %broadcast_in_dim3A_263 = arith.constant true
        %broadcast_in_dim3A_264 = vector.broadcast %broadcast_in_dim3A_263 : i1 to vector<16xi1>
        %masked_cumsum3A_265 = tpu.scan <sum>, %get3A_262 masked %broadcast_in_dim3A_264 : vector<16xf32>, vector<16xi1> -> vector<16xf32>
        %add3A_266 = arith.constant 10 : i32
        %add3A_267 = arith.addi %mul3A_177, %add3A_266 : i32
        %mul3A_268 = arith.constant 16 : i32
        %mul3A_269 = arith.muli %add3A_267, %mul3A_268 : i32
        %get3A_270 = arith.index_cast %mul3A_269 : i32 to index
        %get3A_271 = tpu.vector_load %arg11[%get3A_270] {strides = array<i32>} : memref<4096xf32, #tpu.memory_space<vmem>>, vector<16xf32>,
        %broadcast_in_dim3A_272 = arith.constant true
        %broadcast_in_dim3A_273 = vector.broadcast %broadcast_in_dim3A_272 : i1 to vector<16xi1>
        %masked_cumsum3A_274 = tpu.scan <sum>, %get3A_271 masked %broadcast_in_dim3A_273 : vector<16xf32>, vector<16xi1> -> vector<16xf32>
        %add3A_275 = arith.constant 11 : i32
        %add3A_276 = arith.addi %mul3A_177, %add3A_275 : i32
        %mul3A_277 = arith.constant 16 : i32
        %mul3A_278 = arith.muli %add3A_276, %mul3A_277 : i32
        %get3A_279 = arith.index_cast %mul3A_278 : i32 to index
        %get3A_280 = tpu.vector_load %arg11[%get3A_279] {strides = array<i32>} : memref<4096xf32, #tpu.memory_space<vmem>>, vector<16xf32>,
        %broadcast_in_dim3A_281 = arith.constant true
        %broadcast_in_dim3A_282 = vector.broadcast %broadcast_in_dim3A_281 : i1 to vector<16xi1>
        %masked_cumsum3A_283 = tpu.scan <sum>, %get3A_280 masked %broadcast_in_dim3A_282 : vector<16xf32>, vector<16xi1> -> vector<16xf32>
        %add3A_284 = arith.constant 12 : i32
        %add3A_285 = arith.addi %mul3A_177, %add3A_284 : i32
        %mul3A_286 = arith.constant 16 : i32
        %mul3A_287 = arith.muli %add3A_285, %mul3A_286 : i32
        %get3A_288 = arith.index_cast %mul3A_287 : i32 to index
        %get3A_289 = tpu.vector_load %arg11[%get3A_288] {strides = array<i32>} : memref<4096xf32, #tpu.memory_space<vmem>>, vector<16xf32>,
        %broadcast_in_dim3A_290 = arith.constant true
        %broadcast_in_dim3A_291 = vector.broadcast %broadcast_in_dim3A_290 : i1 to vector<16xi1>
        %masked_cumsum3A_292 = tpu.scan <sum>, %get3A_289 masked %broadcast_in_dim3A_291 : vector<16xf32>, vector<16xi1> -> vector<16xf32>
        %add3A_293 = arith.constant 13 : i32
        %add3A_294 = arith.addi %mul3A_177, %add3A_293 : i32
        %mul3A_295 = arith.constant 16 : i32
        %mul3A_296 = arith.muli %add3A_294, %mul3A_295 : i32
        %get3A_297 = arith.index_cast %mul3A_296 : i32 to index
        %get3A_298 = tpu.vector_load %arg11[%get3A_297] {strides = array<i32>} : memref<4096xf32, #tpu.memory_space<vmem>>, vector<16xf32>,
        %broadcast_in_dim3A_299 = arith.constant true
        %broadcast_in_dim3A_300 = vector.broadcast %broadcast_in_dim3A_299 : i1 to vector<16xi1>
        %masked_cumsum3A_301 = tpu.scan <sum>, %get3A_298 masked %broadcast_in_dim3A_300 : vector<16xf32>, vector<16xi1> -> vector<16xf32>
        %add3A_302 = arith.constant 14 : i32
        %add3A_303 = arith.addi %mul3A_177, %add3A_302 : i32
        %mul3A_304 = arith.constant 16 : i32
        %mul3A_305 = arith.muli %add3A_303, %mul3A_304 : i32
        %get3A_306 = arith.index_cast %mul3A_305 : i32 to index
        %get3A_307 = tpu.vector_load %arg11[%get3A_306] {strides = array<i32>} : memref<4096xf32, #tpu.memory_space<vmem>>, vector<16xf32>,
        %broadcast_in_dim3A_308 = arith.constant true
        %broadcast_in_dim3A_309 = vector.broadcast %broadcast_in_dim3A_308 : i1 to vector<16xi1>
        %masked_cumsum3A_310 = tpu.scan <sum>, %get3A_307 masked %broadcast_in_dim3A_309 : vector<16xf32>, vector<16xi1> -> vector<16xf32>
        %add3A_311 = arith.constant 15 : i32
        %add3A_312 = arith.addi %mul3A_177, %add3A_311 : i32
        %mul3A_313 = arith.constant 16 : i32
        %mul3A_314 = arith.muli %add3A_312, %mul3A_313 : i32
        %get3A_315 = arith.index_cast %mul3A_314 : i32 to index
        %get3A_316 = tpu.vector_load %arg11[%get3A_315] {strides = array<i32>} : memref<4096xf32, #tpu.memory_space<vmem>>, vector<16xf32>,
        %broadcast_in_dim3A_317 = arith.constant true
        %broadcast_in_dim3A_318 = vector.broadcast %broadcast_in_dim3A_317 : i1 to vector<16xi1>
        %masked_cumsum3A_319 = tpu.scan <sum>, %get3A_316 masked %broadcast_in_dim3A_318 : vector<16xf32>, vector<16xi1> -> vector<16xf32>
        %slice3A_320 = vector.extract_strided_slice %masked_cumsum3A {offsets = [15], sizes = [1], strides = [1]} : vector<16xf32> to vector<1xf32>
        %squeeze3A_321 = vector.extract %slice3A_320[0] : f32 from vector<1xf32>
        %broadcast_in_dim3A_322 = vector.broadcast %squeeze3A_321 : f32 to vector<16xf32>
        %add3A_323 = arith.addf %masked_cumsum3A_193, %broadcast_in_dim3A_322 : vector<16xf32>
        %slice3A_324 = vector.extract_strided_slice %add3A_323 {offsets = [15], sizes = [1], strides = [1]} : vector<16xf32> to vector<1xf32>
        %squeeze3A_325 = vector.extract %slice3A_324[0] : f32 from vector<1xf32>
        %broadcast_in_dim3A_326 = vector.broadcast %squeeze3A_325 : f32 to vector<16xf32>
        %add3A_327 = arith.addf %masked_cumsum3A_202, %broadcast_in_dim3A_326 : vector<16xf32>
        %slice3A_328 = vector.extract_strided_slice %add3A_327 {offsets = [15], sizes = [1], strides = [1]} : vector<16xf32> to vector<1xf32>
        %squeeze3A_329 = vector.extract %slice3A_328[0] : f32 from vector<1xf32>
        %broadcast_in_dim3A_330 = vector.broadcast %squeeze3A_329 : f32 to vector<16xf32>
        %add3A_331 = arith.addf %masked_cumsum3A_211, %broadcast_in_dim3A_330 : vector<16xf32>
        %slice3A_332 = vector.extract_strided_slice %masked_cumsum3A_220 {offsets = [15], sizes = [1], strides = [1]} : vector<16xf32> to vector<1xf32>
        %squeeze3A_333 = vector.extract %slice3A_332[0] : f32 from vector<1xf32>
        %broadcast_in_dim3A_334 = vector.broadcast %squeeze3A_333 : f32 to vector<16xf32>
        %add3A_335 = arith.addf %masked_cumsum3A_229, %broadcast_in_dim3A_334 : vector<16xf32>
        %slice3A_336 = vector.extract_strided_slice %add3A_335 {offsets = [15], sizes = [1], strides = [1]} : vector<16xf32> to vector<1xf32>
        %squeeze3A_337 = vector.extract %slice3A_336[0] : f32 from vector<1xf32>
        %broadcast_in_dim3A_338 = vector.broadcast %squeeze3A_337 : f32 to vector<16xf32>
        %add3A_339 = arith.addf %masked_cumsum3A_238, %broadcast_in_dim3A_338 : vector<16xf32>
        %slice3A_340 = vector.extract_strided_slice %add3A_339 {offsets = [15], sizes = [1], strides = [1]} : vector<16xf32> to vector<1xf32>
        %squeeze3A_341 = vector.extract %slice3A_340[0] : f32 from vector<1xf32>
        %broadcast_in_dim3A_342 = vector.broadcast %squeeze3A_341 : f32 to vector<16xf32>
        %add3A_343 = arith.addf %masked_cumsum3A_247, %broadcast_in_dim3A_342 : vector<16xf32>
        %slice3A_344 = vector.extract_strided_slice %masked_cumsum3A_256 {offsets = [15], sizes = [1], strides = [1]} : vector<16xf32> to vector<1xf32>
        %squeeze3A_345 = vector.extract %slice3A_344[0] : f32 from vector<1xf32>
        %broadcast_in_dim3A_346 = vector.broadcast %squeeze3A_345 : f32 to vector<16xf32>
        %add3A_347 = arith.addf %masked_cumsum3A_265, %broadcast_in_dim3A_346 : vector<16xf32>
        %slice3A_348 = vector.extract_strided_slice %add3A_347 {offsets = [15], sizes = [1], strides = [1]} : vector<16xf32> to vector<1xf32>
        %squeeze3A_349 = vector.extract %slice3A_348[0] : f32 from vector<1xf32>
        %broadcast_in_dim3A_350 = vector.broadcast %squeeze3A_349 : f32 to vector<16xf32>
        %add3A_351 = arith.addf %masked_cumsum3A_274, %broadcast_in_dim3A_350 : vector<16xf32>
        %slice3A_352 = vector.extract_strided_slice %add3A_351 {offsets = [15], sizes = [1], strides = [1]} : vector<16xf32> to vector<1xf32>
        %squeeze3A_353 = vector.extract %slice3A_352[0] : f32 from vector<1xf32>
        %broadcast_in_dim3A_354 = vector.broadcast %squeeze3A_353 : f32 to vector<16xf32>
        %add3A_355 = arith.addf %masked_cumsum3A_283, %broadcast_in_dim3A_354 : vector<16xf32>
        %slice3A_356 = vector.extract_strided_slice %masked_cumsum3A_292 {offsets = [15], sizes = [1], strides = [1]} : vector<16xf32> to vector<1xf32>
        %squeeze3A_357 = vector.extract %slice3A_356[0] : f32 from vector<1xf32>
        %broadcast_in_dim3A_358 = vector.broadcast %squeeze3A_357 : f32 to vector<16xf32>
        %add3A_359 = arith.addf %masked_cumsum3A_301, %broadcast_in_dim3A_358 : vector<16xf32>
        %slice3A_360 = vector.extract_strided_slice %add3A_359 {offsets = [15], sizes = [1], strides = [1]} : vector<16xf32> to vector<1xf32>
        %squeeze3A_361 = vector.extract %slice3A_360[0] : f32 from vector<1xf32>
        %broadcast_in_dim3A_362 = vector.broadcast %squeeze3A_361 : f32 to vector<16xf32>
        %add3A_363 = arith.addf %masked_cumsum3A_310, %broadcast_in_dim3A_362 : vector<16xf32>
        %slice3A_364 = vector.extract_strided_slice %add3A_363 {offsets = [15], sizes = [1], strides = [1]} : vector<16xf32> to vector<1xf32>
        %squeeze3A_365 = vector.extract %slice3A_364[0] : f32 from vector<1xf32>
        %broadcast_in_dim3A_366 = vector.broadcast %squeeze3A_365 : f32 to vector<16xf32>
        %add3A_367 = arith.addf %masked_cumsum3A_319, %broadcast_in_dim3A_366 : vector<16xf32>
        %add3A_368 = arith.constant 0 : i32
        %add3A_369 = arith.addi %mul3A_177, %add3A_368 : i32
        %mul3A_370 = arith.constant 16 : i32
        %mul3A_371 = arith.muli %add3A_369, %mul3A_370 : i32
        %get3A_372 = arith.index_cast %mul3A_371 : i32 to index
        %get3A_373 = tpu.vector_load %arg10[%get3A_372] {strides = array<i32>} : memref<4112xi32, #tpu.memory_space<vmem>>, vector<16xi32>,
        %add3A_374 = arith.constant 0 : i32
        %add3A_375 = arith.addi %mul3A_177, %add3A_374 : i32
        %mul3A_376 = arith.constant 16 : i32
        %mul3A_377 = arith.muli %add3A_375, %mul3A_376 : i32
        %add3A_378 = arith.constant 1 : i32
        %add3A_379 = arith.addi %mul3A_377, %add3A_378 : i32
        %get3A_380 = arith.index_cast %add3A_379 : i32 to index
        %get3A_381 = tpu.vector_load %arg10[%get3A_380] {strides = array<i32>} : memref<4112xi32, #tpu.memory_space<vmem>>, vector<16xi32>,
        %ne3A_382 = arith.cmpi ne, %get3A_373, %get3A_381 : vector<16xi32>
        tpu.vector_store_idx %arg7[%get3A_373], %masked_cumsum3A masked %ne3A_382 {add = true} : memref<100352xf32, #tpu.memory_space<vmem>>[vector<16xi32>], vector<16xf32>, vector<16xi1>
        %neg3A = arith.constant 0.000000e+00 : f32
        %neg3A_383 = vector.broadcast %neg3A : f32 to vector<16xf32>
        %neg3A_384 = arith.subf %neg3A_383, %masked_cumsum3A : vector<16xf32>
        tpu.vector_store_idx %arg7[%get3A_381], %neg3A_384 masked %ne3A_382 {add = true} : memref<100352xf32, #tpu.memory_space<vmem>>[vector<16xi32>], vector<16xf32>, vector<16xi1>
        %add3A_385 = arith.constant 1 : i32
        %add3A_386 = arith.addi %mul3A_177, %add3A_385 : i32
        %mul3A_387 = arith.constant 16 : i32
        %mul3A_388 = arith.muli %add3A_386, %mul3A_387 : i32
        %get3A_389 = arith.index_cast %mul3A_388 : i32 to index
        %get3A_390 = tpu.vector_load %arg10[%get3A_389] {strides = array<i32>} : memref<4112xi32, #tpu.memory_space<vmem>>, vector<16xi32>,
        %add3A_391 = arith.constant 1 : i32
        %add3A_392 = arith.addi %mul3A_177, %add3A_391 : i32
        %mul3A_393 = arith.constant 16 : i32
        %mul3A_394 = arith.muli %add3A_392, %mul3A_393 : i32
        %add3A_395 = arith.constant 1 : i32
        %add3A_396 = arith.addi %mul3A_394, %add3A_395 : i32
        %get3A_397 = arith.index_cast %add3A_396 : i32 to index
        %get3A_398 = tpu.vector_load %arg10[%get3A_397] {strides = array<i32>} : memref<4112xi32, #tpu.memory_space<vmem>>, vector<16xi32>,
        %ne3A_399 = arith.cmpi ne, %get3A_390, %get3A_398 : vector<16xi32>
        tpu.vector_store_idx %arg7[%get3A_390], %add3A_323 masked %ne3A_399 {add = true} : memref<100352xf32, #tpu.memory_space<vmem>>[vector<16xi32>], vector<16xf32>, vector<16xi1>
        %neg3A_400 = arith.constant 0.000000e+00 : f32
        %neg3A_401 = vector.broadcast %neg3A_400 : f32 to vector<16xf32>
        %neg3A_402 = arith.subf %neg3A_401, %add3A_323 : vector<16xf32>
        tpu.vector_store_idx %arg7[%get3A_398], %neg3A_402 masked %ne3A_399 {add = true} : memref<100352xf32, #tpu.memory_space<vmem>>[vector<16xi32>], vector<16xf32>, vector<16xi1>
        %add3A_403 = arith.constant 2 : i32
        %add3A_404 = arith.addi %mul3A_177, %add3A_403 : i32
        %mul3A_405 = arith.constant 16 : i32
        %mul3A_406 = arith.muli %add3A_404, %mul3A_405 : i32
        %get3A_407 = arith.index_cast %mul3A_406 : i32 to index
        %get3A_408 = tpu.vector_load %arg10[%get3A_407] {strides = array<i32>} : memref<4112xi32, #tpu.memory_space<vmem>>, vector<16xi32>,
        %add3A_409 = arith.constant 2 : i32
        %add3A_410 = arith.addi %mul3A_177, %add3A_409 : i32
        %mul3A_411 = arith.constant 16 : i32
        %mul3A_412 = arith.muli %add3A_410, %mul3A_411 : i32
        %add3A_413 = arith.constant 1 : i32
        %add3A_414 = arith.addi %mul3A_412, %add3A_413 : i32
        %get3A_415 = arith.index_cast %add3A_414 : i32 to index
        %get3A_416 = tpu.vector_load %arg10[%get3A_415] {strides = array<i32>} : memref<4112xi32, #tpu.memory_space<vmem>>, vector<16xi32>,
        %ne3A_417 = arith.cmpi ne, %get3A_408, %get3A_416 : vector<16xi32>
        tpu.vector_store_idx %arg7[%get3A_408], %add3A_327 masked %ne3A_417 {add = true} : memref<100352xf32, #tpu.memory_space<vmem>>[vector<16xi32>], vector<16xf32>, vector<16xi1>
        %neg3A_418 = arith.constant 0.000000e+00 : f32
        %neg3A_419 = vector.broadcast %neg3A_418 : f32 to vector<16xf32>
        %neg3A_420 = arith.subf %neg3A_419, %add3A_327 : vector<16xf32>
        tpu.vector_store_idx %arg7[%get3A_416], %neg3A_420 masked %ne3A_417 {add = true} : memref<100352xf32, #tpu.memory_space<vmem>>[vector<16xi32>], vector<16xf32>, vector<16xi1>
        %add3A_421 = arith.constant 3 : i32
        %add3A_422 = arith.addi %mul3A_177, %add3A_421 : i32
        %mul3A_423 = arith.constant 16 : i32
        %mul3A_424 = arith.muli %add3A_422, %mul3A_423 : i32
        %get3A_425 = arith.index_cast %mul3A_424 : i32 to index
        %get3A_426 = tpu.vector_load %arg10[%get3A_425] {strides = array<i32>} : memref<4112xi32, #tpu.memory_space<vmem>>, vector<16xi32>,
        %add3A_427 = arith.constant 3 : i32
        %add3A_428 = arith.addi %mul3A_177, %add3A_427 : i32
        %mul3A_429 = arith.constant 16 : i32
        %mul3A_430 = arith.muli %add3A_428, %mul3A_429 : i32
        %add3A_431 = arith.constant 1 : i32
        %add3A_432 = arith.addi %mul3A_430, %add3A_431 : i32
        %get3A_433 = arith.index_cast %add3A_432 : i32 to index
        %get3A_434 = tpu.vector_load %arg10[%get3A_433] {strides = array<i32>} : memref<4112xi32, #tpu.memory_space<vmem>>, vector<16xi32>,
        %ne3A_435 = arith.cmpi ne, %get3A_426, %get3A_434 : vector<16xi32>
        %and3A_436 = arith.andi %ne3A_435, %ne3A_73 : vector<16xi1>
        %or3A = arith.ori %and3A_436, %eq3A_70 : vector<16xi1>
        tpu.vector_store_idx %arg7[%get3A_426], %add3A_331 masked %or3A {add = true} : memref<100352xf32, #tpu.memory_space<vmem>>[vector<16xi32>], vector<16xf32>, vector<16xi1>
        %neg3A_437 = arith.constant 0.000000e+00 : f32
        %neg3A_438 = vector.broadcast %neg3A_437 : f32 to vector<16xf32>
        %neg3A_439 = arith.subf %neg3A_438, %add3A_331 : vector<16xf32>
        tpu.vector_store_idx %arg7[%get3A_434], %neg3A_439 masked %and3A_436 {add = true} : memref<100352xf32, #tpu.memory_space<vmem>>[vector<16xi32>], vector<16xf32>, vector<16xi1>
        %add3A_440 = arith.constant 4 : i32
        %add3A_441 = arith.addi %mul3A_177, %add3A_440 : i32
        %mul3A_442 = arith.constant 16 : i32
        %mul3A_443 = arith.muli %add3A_441, %mul3A_442 : i32
        %get3A_444 = arith.index_cast %mul3A_443 : i32 to index
        %get3A_445 = tpu.vector_load %arg10[%get3A_444] {strides = array<i32>} : memref<4112xi32, #tpu.memory_space<vmem>>, vector<16xi32>,
        %add3A_446 = arith.constant 4 : i32
        %add3A_447 = arith.addi %mul3A_177, %add3A_446 : i32
        %mul3A_448 = arith.constant 16 : i32
        %mul3A_449 = arith.muli %add3A_447, %mul3A_448 : i32
        %add3A_450 = arith.constant 1 : i32
        %add3A_451 = arith.addi %mul3A_449, %add3A_450 : i32
        %get3A_452 = arith.index_cast %add3A_451 : i32 to index
        %get3A_453 = tpu.vector_load %arg10[%get3A_452] {strides = array<i32>} : memref<4112xi32, #tpu.memory_space<vmem>>, vector<16xi32>,
        %ne3A_454 = arith.cmpi ne, %get3A_445, %get3A_453 : vector<16xi32>
        tpu.vector_store_idx %arg7[%get3A_445], %masked_cumsum3A_220 masked %ne3A_454 {add = true} : memref<100352xf32, #tpu.memory_space<vmem>>[vector<16xi32>], vector<16xf32>, vector<16xi1>
        %neg3A_455 = arith.constant 0.000000e+00 : f32
        %neg3A_456 = vector.broadcast %neg3A_455 : f32 to vector<16xf32>
        %neg3A_457 = arith.subf %neg3A_456, %masked_cumsum3A_220 : vector<16xf32>
        tpu.vector_store_idx %arg7[%get3A_453], %neg3A_457 masked %ne3A_454 {add = true} : memref<100352xf32, #tpu.memory_space<vmem>>[vector<16xi32>], vector<16xf32>, vector<16xi1>
        %add3A_458 = arith.constant 5 : i32
        %add3A_459 = arith.addi %mul3A_177, %add3A_458 : i32
        %mul3A_460 = arith.constant 16 : i32
        %mul3A_461 = arith.muli %add3A_459, %mul3A_460 : i32
        %get3A_462 = arith.index_cast %mul3A_461 : i32 to index
        %get3A_463 = tpu.vector_load %arg10[%get3A_462] {strides = array<i32>} : memref<4112xi32, #tpu.memory_space<vmem>>, vector<16xi32>,
        %add3A_464 = arith.constant 5 : i32
        %add3A_465 = arith.addi %mul3A_177, %add3A_464 : i32
        %mul3A_466 = arith.constant 16 : i32
        %mul3A_467 = arith.muli %add3A_465, %mul3A_466 : i32
        %add3A_468 = arith.constant 1 : i32
        %add3A_469 = arith.addi %mul3A_467, %add3A_468 : i32
        %get3A_470 = arith.index_cast %add3A_469 : i32 to index
        %get3A_471 = tpu.vector_load %arg10[%get3A_470] {strides = array<i32>} : memref<4112xi32, #tpu.memory_space<vmem>>, vector<16xi32>,
        %ne3A_472 = arith.cmpi ne, %get3A_463, %get3A_471 : vector<16xi32>
        tpu.vector_store_idx %arg7[%get3A_463], %add3A_335 masked %ne3A_472 {add = true} : memref<100352xf32, #tpu.memory_space<vmem>>[vector<16xi32>], vector<16xf32>, vector<16xi1>
        %neg3A_473 = arith.constant 0.000000e+00 : f32
        %neg3A_474 = vector.broadcast %neg3A_473 : f32 to vector<16xf32>
        %neg3A_475 = arith.subf %neg3A_474, %add3A_335 : vector<16xf32>
        tpu.vector_store_idx %arg7[%get3A_471], %neg3A_475 masked %ne3A_472 {add = true} : memref<100352xf32, #tpu.memory_space<vmem>>[vector<16xi32>], vector<16xf32>, vector<16xi1>
        %add3A_476 = arith.constant 6 : i32
        %add3A_477 = arith.addi %mul3A_177, %add3A_476 : i32
        %mul3A_478 = arith.constant 16 : i32
        %mul3A_479 = arith.muli %add3A_477, %mul3A_478 : i32
        %get3A_480 = arith.index_cast %mul3A_479 : i32 to index
        %get3A_481 = tpu.vector_load %arg10[%get3A_480] {strides = array<i32>} : memref<4112xi32, #tpu.memory_space<vmem>>, vector<16xi32>,
        %add3A_482 = arith.constant 6 : i32
        %add3A_483 = arith.addi %mul3A_177, %add3A_482 : i32
        %mul3A_484 = arith.constant 16 : i32
        %mul3A_485 = arith.muli %add3A_483, %mul3A_484 : i32
        %add3A_486 = arith.constant 1 : i32
        %add3A_487 = arith.addi %mul3A_485, %add3A_486 : i32
        %get3A_488 = arith.index_cast %add3A_487 : i32 to index
        %get3A_489 = tpu.vector_load %arg10[%get3A_488] {strides = array<i32>} : memref<4112xi32, #tpu.memory_space<vmem>>, vector<16xi32>,
        %ne3A_490 = arith.cmpi ne, %get3A_481, %get3A_489 : vector<16xi32>
        tpu.vector_store_idx %arg7[%get3A_481], %add3A_339 masked %ne3A_490 {add = true} : memref<100352xf32, #tpu.memory_space<vmem>>[vector<16xi32>], vector<16xf32>, vector<16xi1>
        %neg3A_491 = arith.constant 0.000000e+00 : f32
        %neg3A_492 = vector.broadcast %neg3A_491 : f32 to vector<16xf32>
        %neg3A_493 = arith.subf %neg3A_492, %add3A_339 : vector<16xf32>
        tpu.vector_store_idx %arg7[%get3A_489], %neg3A_493 masked %ne3A_490 {add = true} : memref<100352xf32, #tpu.memory_space<vmem>>[vector<16xi32>], vector<16xf32>, vector<16xi1>
        %add3A_494 = arith.constant 7 : i32
        %add3A_495 = arith.addi %mul3A_177, %add3A_494 : i32
        %mul3A_496 = arith.constant 16 : i32
        %mul3A_497 = arith.muli %add3A_495, %mul3A_496 : i32
        %get3A_498 = arith.index_cast %mul3A_497 : i32 to index
        %get3A_499 = tpu.vector_load %arg10[%get3A_498] {strides = array<i32>} : memref<4112xi32, #tpu.memory_space<vmem>>, vector<16xi32>,
        %add3A_500 = arith.constant 7 : i32
        %add3A_501 = arith.addi %mul3A_177, %add3A_500 : i32
        %mul3A_502 = arith.constant 16 : i32
        %mul3A_503 = arith.muli %add3A_501, %mul3A_502 : i32
        %add3A_504 = arith.constant 1 : i32
        %add3A_505 = arith.addi %mul3A_503, %add3A_504 : i32
        %get3A_506 = arith.index_cast %add3A_505 : i32 to index
        %get3A_507 = tpu.vector_load %arg10[%get3A_506] {strides = array<i32>} : memref<4112xi32, #tpu.memory_space<vmem>>, vector<16xi32>,
        %ne3A_508 = arith.cmpi ne, %get3A_499, %get3A_507 : vector<16xi32>
        %and3A_509 = arith.andi %ne3A_508, %ne3A_73 : vector<16xi1>
        %or3A_510 = arith.ori %and3A_509, %eq3A_70 : vector<16xi1>
        tpu.vector_store_idx %arg7[%get3A_499], %add3A_343 masked %or3A_510 {add = true} : memref<100352xf32, #tpu.memory_space<vmem>>[vector<16xi32>], vector<16xf32>, vector<16xi1>
        %neg3A_511 = arith.constant 0.000000e+00 : f32
        %neg3A_512 = vector.broadcast %neg3A_511 : f32 to vector<16xf32>
        %neg3A_513 = arith.subf %neg3A_512, %add3A_343 : vector<16xf32>
        tpu.vector_store_idx %arg7[%get3A_507], %neg3A_513 masked %and3A_509 {add = true} : memref<100352xf32, #tpu.memory_space<vmem>>[vector<16xi32>], vector<16xf32>, vector<16xi1>
        %add3A_514 = arith.constant 8 : i32
        %add3A_515 = arith.addi %mul3A_177, %add3A_514 : i32
        %mul3A_516 = arith.constant 16 : i32
        %mul3A_517 = arith.muli %add3A_515, %mul3A_516 : i32
        %get3A_518 = arith.index_cast %mul3A_517 : i32 to index
        %get3A_519 = tpu.vector_load %arg10[%get3A_518] {strides = array<i32>} : memref<4112xi32, #tpu.memory_space<vmem>>, vector<16xi32>,
        %add3A_520 = arith.constant 8 : i32
        %add3A_521 = arith.addi %mul3A_177, %add3A_520 : i32
        %mul3A_522 = arith.constant 16 : i32
        %mul3A_523 = arith.muli %add3A_521, %mul3A_522 : i32
        %add3A_524 = arith.constant 1 : i32
        %add3A_525 = arith.addi %mul3A_523, %add3A_524 : i32
        %get3A_526 = arith.index_cast %add3A_525 : i32 to index
        %get3A_527 = tpu.vector_load %arg10[%get3A_526] {strides = array<i32>} : memref<4112xi32, #tpu.memory_space<vmem>>, vector<16xi32>,
        %ne3A_528 = arith.cmpi ne, %get3A_519, %get3A_527 : vector<16xi32>
        tpu.vector_store_idx %arg7[%get3A_519], %masked_cumsum3A_256 masked %ne3A_528 {add = true} : memref<100352xf32, #tpu.memory_space<vmem>>[vector<16xi32>], vector<16xf32>, vector<16xi1>
        %neg3A_529 = arith.constant 0.000000e+00 : f32
        %neg3A_530 = vector.broadcast %neg3A_529 : f32 to vector<16xf32>
        %neg3A_531 = arith.subf %neg3A_530, %masked_cumsum3A_256 : vector<16xf32>
        tpu.vector_store_idx %arg7[%get3A_527], %neg3A_531 masked %ne3A_528 {add = true} : memref<100352xf32, #tpu.memory_space<vmem>>[vector<16xi32>], vector<16xf32>, vector<16xi1>
        %add3A_532 = arith.constant 9 : i32
        %add3A_533 = arith.addi %mul3A_177, %add3A_532 : i32
        %mul3A_534 = arith.constant 16 : i32
        %mul3A_535 = arith.muli %add3A_533, %mul3A_534 : i32
        %get3A_536 = arith.index_cast %mul3A_535 : i32 to index
        %get3A_537 = tpu.vector_load %arg10[%get3A_536] {strides = array<i32>} : memref<4112xi32, #tpu.memory_space<vmem>>, vector<16xi32>,
        %add3A_538 = arith.constant 9 : i32
        %add3A_539 = arith.addi %mul3A_177, %add3A_538 : i32
        %mul3A_540 = arith.constant 16 : i32
        %mul3A_541 = arith.muli %add3A_539, %mul3A_540 : i32
        %add3A_542 = arith.constant 1 : i32
        %add3A_543 = arith.addi %mul3A_541, %add3A_542 : i32
        %get3A_544 = arith.index_cast %add3A_543 : i32 to index
        %get3A_545 = tpu.vector_load %arg10[%get3A_544] {strides = array<i32>} : memref<4112xi32, #tpu.memory_space<vmem>>, vector<16xi32>,
        %ne3A_546 = arith.cmpi ne, %get3A_537, %get3A_545 : vector<16xi32>
        tpu.vector_store_idx %arg7[%get3A_537], %add3A_347 masked %ne3A_546 {add = true} : memref<100352xf32, #tpu.memory_space<vmem>>[vector<16xi32>], vector<16xf32>, vector<16xi1>
        %neg3A_547 = arith.constant 0.000000e+00 : f32
        %neg3A_548 = vector.broadcast %neg3A_547 : f32 to vector<16xf32>
        %neg3A_549 = arith.subf %neg3A_548, %add3A_347 : vector<16xf32>
        tpu.vector_store_idx %arg7[%get3A_545], %neg3A_549 masked %ne3A_546 {add = true} : memref<100352xf32, #tpu.memory_space<vmem>>[vector<16xi32>], vector<16xf32>, vector<16xi1>
        %add3A_550 = arith.constant 10 : i32
        %add3A_551 = arith.addi %mul3A_177, %add3A_550 : i32
        %mul3A_552 = arith.constant 16 : i32
        %mul3A_553 = arith.muli %add3A_551, %mul3A_552 : i32
        %get3A_554 = arith.index_cast %mul3A_553 : i32 to index
        %get3A_555 = tpu.vector_load %arg10[%get3A_554] {strides = array<i32>} : memref<4112xi32, #tpu.memory_space<vmem>>, vector<16xi32>,
        %add3A_556 = arith.constant 10 : i32
        %add3A_557 = arith.addi %mul3A_177, %add3A_556 : i32
        %mul3A_558 = arith.constant 16 : i32
        %mul3A_559 = arith.muli %add3A_557, %mul3A_558 : i32
        %add3A_560 = arith.constant 1 : i32
        %add3A_561 = arith.addi %mul3A_559, %add3A_560 : i32
        %get3A_562 = arith.index_cast %add3A_561 : i32 to index
        %get3A_563 = tpu.vector_load %arg10[%get3A_562] {strides = array<i32>} : memref<4112xi32, #tpu.memory_space<vmem>>, vector<16xi32>,
        %ne3A_564 = arith.cmpi ne, %get3A_555, %get3A_563 : vector<16xi32>
        tpu.vector_store_idx %arg7[%get3A_555], %add3A_351 masked %ne3A_564 {add = true} : memref<100352xf32, #tpu.memory_space<vmem>>[vector<16xi32>], vector<16xf32>, vector<16xi1>
        %neg3A_565 = arith.constant 0.000000e+00 : f32
        %neg3A_566 = vector.broadcast %neg3A_565 : f32 to vector<16xf32>
        %neg3A_567 = arith.subf %neg3A_566, %add3A_351 : vector<16xf32>
        tpu.vector_store_idx %arg7[%get3A_563], %neg3A_567 masked %ne3A_564 {add = true} : memref<100352xf32, #tpu.memory_space<vmem>>[vector<16xi32>], vector<16xf32>, vector<16xi1>
        %add3A_568 = arith.constant 11 : i32
        %add3A_569 = arith.addi %mul3A_177, %add3A_568 : i32
        %mul3A_570 = arith.constant 16 : i32
        %mul3A_571 = arith.muli %add3A_569, %mul3A_570 : i32
        %get3A_572 = arith.index_cast %mul3A_571 : i32 to index
        %get3A_573 = tpu.vector_load %arg10[%get3A_572] {strides = array<i32>} : memref<4112xi32, #tpu.memory_space<vmem>>, vector<16xi32>,
        %add3A_574 = arith.constant 11 : i32
        %add3A_575 = arith.addi %mul3A_177, %add3A_574 : i32
        %mul3A_576 = arith.constant 16 : i32
        %mul3A_577 = arith.muli %add3A_575, %mul3A_576 : i32
        %add3A_578 = arith.constant 1 : i32
        %add3A_579 = arith.addi %mul3A_577, %add3A_578 : i32
        %get3A_580 = arith.index_cast %add3A_579 : i32 to index
        %get3A_581 = tpu.vector_load %arg10[%get3A_580] {strides = array<i32>} : memref<4112xi32, #tpu.memory_space<vmem>>, vector<16xi32>,
        %ne3A_582 = arith.cmpi ne, %get3A_573, %get3A_581 : vector<16xi32>
        %and3A_583 = arith.andi %ne3A_582, %ne3A_73 : vector<16xi1>
        %or3A_584 = arith.ori %and3A_583, %eq3A_70 : vector<16xi1>
        tpu.vector_store_idx %arg7[%get3A_573], %add3A_355 masked %or3A_584 {add = true} : memref<100352xf32, #tpu.memory_space<vmem>>[vector<16xi32>], vector<16xf32>, vector<16xi1>
        %neg3A_585 = arith.constant 0.000000e+00 : f32
        %neg3A_586 = vector.broadcast %neg3A_585 : f32 to vector<16xf32>
        %neg3A_587 = arith.subf %neg3A_586, %add3A_355 : vector<16xf32>
        tpu.vector_store_idx %arg7[%get3A_581], %neg3A_587 masked %and3A_583 {add = true} : memref<100352xf32, #tpu.memory_space<vmem>>[vector<16xi32>], vector<16xf32>, vector<16xi1>
        %add3A_588 = arith.constant 12 : i32
        %add3A_589 = arith.addi %mul3A_177, %add3A_588 : i32
        %mul3A_590 = arith.constant 16 : i32
        %mul3A_591 = arith.muli %add3A_589, %mul3A_590 : i32
        %get3A_592 = arith.index_cast %mul3A_591 : i32 to index
        %get3A_593 = tpu.vector_load %arg10[%get3A_592] {strides = array<i32>} : memref<4112xi32, #tpu.memory_space<vmem>>, vector<16xi32>,
        %add3A_594 = arith.constant 12 : i32
        %add3A_595 = arith.addi %mul3A_177, %add3A_594 : i32
        %mul3A_596 = arith.constant 16 : i32
        %mul3A_597 = arith.muli %add3A_595, %mul3A_596 : i32
        %add3A_598 = arith.constant 1 : i32
        %add3A_599 = arith.addi %mul3A_597, %add3A_598 : i32
        %get3A_600 = arith.index_cast %add3A_599 : i32 to index
        %get3A_601 = tpu.vector_load %arg10[%get3A_600] {strides = array<i32>} : memref<4112xi32, #tpu.memory_space<vmem>>, vector<16xi32>,
        %ne3A_602 = arith.cmpi ne, %get3A_593, %get3A_601 : vector<16xi32>
        tpu.vector_store_idx %arg7[%get3A_593], %masked_cumsum3A_292 masked %ne3A_602 {add = true} : memref<100352xf32, #tpu.memory_space<vmem>>[vector<16xi32>], vector<16xf32>, vector<16xi1>
        %neg3A_603 = arith.constant 0.000000e+00 : f32
        %neg3A_604 = vector.broadcast %neg3A_603 : f32 to vector<16xf32>
        %neg3A_605 = arith.subf %neg3A_604, %masked_cumsum3A_292 : vector<16xf32>
        tpu.vector_store_idx %arg7[%get3A_601], %neg3A_605 masked %ne3A_602 {add = true} : memref<100352xf32, #tpu.memory_space<vmem>>[vector<16xi32>], vector<16xf32>, vector<16xi1>
        %add3A_606 = arith.constant 13 : i32
        %add3A_607 = arith.addi %mul3A_177, %add3A_606 : i32
        %mul3A_608 = arith.constant 16 : i32
        %mul3A_609 = arith.muli %add3A_607, %mul3A_608 : i32
        %get3A_610 = arith.index_cast %mul3A_609 : i32 to index
        %get3A_611 = tpu.vector_load %arg10[%get3A_610] {strides = array<i32>} : memref<4112xi32, #tpu.memory_space<vmem>>, vector<16xi32>,
        %add3A_612 = arith.constant 13 : i32
        %add3A_613 = arith.addi %mul3A_177, %add3A_612 : i32
        %mul3A_614 = arith.constant 16 : i32
        %mul3A_615 = arith.muli %add3A_613, %mul3A_614 : i32
        %add3A_616 = arith.constant 1 : i32
        %add3A_617 = arith.addi %mul3A_615, %add3A_616 : i32
        %get3A_618 = arith.index_cast %add3A_617 : i32 to index
        %get3A_619 = tpu.vector_load %arg10[%get3A_618] {strides = array<i32>} : memref<4112xi32, #tpu.memory_space<vmem>>, vector<16xi32>,
        %ne3A_620 = arith.cmpi ne, %get3A_611, %get3A_619 : vector<16xi32>
        tpu.vector_store_idx %arg7[%get3A_611], %add3A_359 masked %ne3A_620 {add = true} : memref<100352xf32, #tpu.memory_space<vmem>>[vector<16xi32>], vector<16xf32>, vector<16xi1>
        %neg3A_621 = arith.constant 0.000000e+00 : f32
        %neg3A_622 = vector.broadcast %neg3A_621 : f32 to vector<16xf32>
        %neg3A_623 = arith.subf %neg3A_622, %add3A_359 : vector<16xf32>
        tpu.vector_store_idx %arg7[%get3A_619], %neg3A_623 masked %ne3A_620 {add = true} : memref<100352xf32, #tpu.memory_space<vmem>>[vector<16xi32>], vector<16xf32>, vector<16xi1>
        %add3A_624 = arith.constant 14 : i32
        %add3A_625 = arith.addi %mul3A_177, %add3A_624 : i32
        %mul3A_626 = arith.constant 16 : i32
        %mul3A_627 = arith.muli %add3A_625, %mul3A_626 : i32
        %get3A_628 = arith.index_cast %mul3A_627 : i32 to index
        %get3A_629 = tpu.vector_load %arg10[%get3A_628] {strides = array<i32>} : memref<4112xi32, #tpu.memory_space<vmem>>, vector<16xi32>,
        %add3A_630 = arith.constant 14 : i32
        %add3A_631 = arith.addi %mul3A_177, %add3A_630 : i32
        %mul3A_632 = arith.constant 16 : i32
        %mul3A_633 = arith.muli %add3A_631, %mul3A_632 : i32
        %add3A_634 = arith.constant 1 : i32
        %add3A_635 = arith.addi %mul3A_633, %add3A_634 : i32
        %get3A_636 = arith.index_cast %add3A_635 : i32 to index
        %get3A_637 = tpu.vector_load %arg10[%get3A_636] {strides = array<i32>} : memref<4112xi32, #tpu.memory_space<vmem>>, vector<16xi32>,
        %ne3A_638 = arith.cmpi ne, %get3A_629, %get3A_637 : vector<16xi32>
        tpu.vector_store_idx %arg7[%get3A_629], %add3A_363 masked %ne3A_638 {add = true} : memref<100352xf32, #tpu.memory_space<vmem>>[vector<16xi32>], vector<16xf32>, vector<16xi1>
        %neg3A_639 = arith.constant 0.000000e+00 : f32
        %neg3A_640 = vector.broadcast %neg3A_639 : f32 to vector<16xf32>
        %neg3A_641 = arith.subf %neg3A_640, %add3A_363 : vector<16xf32>
        tpu.vector_store_idx %arg7[%get3A_637], %neg3A_641 masked %ne3A_638 {add = true} : memref<100352xf32, #tpu.memory_space<vmem>>[vector<16xi32>], vector<16xf32>, vector<16xi1>
        %add3A_642 = arith.constant 15 : i32
        %add3A_643 = arith.addi %mul3A_177, %add3A_642 : i32
        %mul3A_644 = arith.constant 16 : i32
        %mul3A_645 = arith.muli %add3A_643, %mul3A_644 : i32
        %get3A_646 = arith.index_cast %mul3A_645 : i32 to index
        %get3A_647 = tpu.vector_load %arg10[%get3A_646] {strides = array<i32>} : memref<4112xi32, #tpu.memory_space<vmem>>, vector<16xi32>,
        %add3A_648 = arith.constant 15 : i32
        %add3A_649 = arith.addi %mul3A_177, %add3A_648 : i32
        %mul3A_650 = arith.constant 16 : i32
        %mul3A_651 = arith.muli %add3A_649, %mul3A_650 : i32
        %add3A_652 = arith.constant 1 : i32
        %add3A_653 = arith.addi %mul3A_651, %add3A_652 : i32
        %get3A_654 = arith.index_cast %add3A_653 : i32 to index
        %get3A_655 = tpu.vector_load %arg10[%get3A_654] {strides = array<i32>} : memref<4112xi32, #tpu.memory_space<vmem>>, vector<16xi32>,
        %ne3A_656 = arith.cmpi ne, %get3A_647, %get3A_655 : vector<16xi32>
        %and3A_657 = arith.andi %ne3A_656, %ne3A_73 : vector<16xi1>
        %or3A_658 = arith.ori %and3A_657, %eq3A_70 : vector<16xi1>
        tpu.vector_store_idx %arg7[%get3A_647], %add3A_367 masked %or3A_658 {add = true} : memref<100352xf32, #tpu.memory_space<vmem>>[vector<16xi32>], vector<16xf32>, vector<16xi1>
        %neg3A_659 = arith.constant 0.000000e+00 : f32
        %neg3A_660 = vector.broadcast %neg3A_659 : f32 to vector<16xf32>
        %neg3A_661 = arith.subf %neg3A_660, %add3A_367 : vector<16xf32>
        tpu.vector_store_idx %arg7[%get3A_655], %neg3A_661 masked %and3A_657 {add = true} : memref<100352xf32, #tpu.memory_space<vmem>>[vector<16xi32>], vector<16xf32>, vector<16xi1>
      }
      %scan3A_170 = arith.constant 16 : i32
      %scan3A_171 = arith.constant 256 : i32
      %scan3A_172 = arith.constant 0 : i32
      %scan3A_173 = arith.addi %scan3A_171, %scan3A_172 : i32
      %scan3A_174 = arith.constant 0 : i32
    }
    %scan3A_98 = arith.constant 24 : i32
    %barrier3A = arith.constant 0 : index
    tpu.barrier barrier_id(%barrier3A)
    %while3A_99 = arith.constant 0 : i32
    %while3A_100 = arith.subi %add3A_56, %while3A_99 : i32
    %while3A_101 = arith.addi %while3A_99, %while3A_100 : i32
    %while3A_102 = arith.constant 1 : i32
    %while3A_103 = arith.divsi %while3A_100, %while3A_102 : i32
    %while3A_104 = arith.muli %while3A_103, %while3A_102 : i32
    %while3A_105 = arith.addi %while3A_99, %while3A_104 : i32
    %while3A_106 = arith.constant 1 : i32
    scf.for %while3A_114 = %while3A_99 to %while3A_105 step %while3A_106  : i32 {
      %add3A_115 = arith.addi %select_n3A, %while3A_114 : i32
      %mul3A_116 = arith.constant 2048 : i32
      %mul3A_117 = arith.muli %add3A_115, %mul3A_116 : i32
      %scan3A_118 = arith.constant 0 : i32
      %scan3A_119 = arith.constant 128 : i32
      %scan3A_120 = arith.addi %scan3A_118, %scan3A_119 : i32
      %scan3A_121 = arith.constant 1 : i32
      scf.for %scan3A_123 = %scan3A_118 to %scan3A_120 step %scan3A_121  : i32 {
        %mul3A_124 = arith.constant 16 : i32
        %mul3A_125 = arith.muli %scan3A_123, %mul3A_124 : i32
        %add3A_126 = arith.addi %mul3A_117, %mul3A_125 : i32
        %iota3A_127 = tpu.iota {dimensions = array<i32: 0>} : vector<16xi32>
        %add3A_128 = vector.broadcast %add3A_126 : i32 to vector<16xi32>
        %add3A_129 = arith.addi %add3A_128, %iota3A_127 : vector<16xi32>
        %mul3A_130 = arith.constant 16 : i32
        %mul3A_131 = arith.muli %scan3A_123, %mul3A_130 : i32
        %swap3A = arith.index_cast %mul3A_131 : i32 to index
        %swap3A_132 = tpu.vector_load %arg12[%swap3A] {strides = array<i32>} : memref<2048xi32, #tpu.memory_space<vmem>>, vector<16xi32>,
        tpu.vector_store %arg12[%swap3A], %add3A_129 {strides = array<i32>} : memref<2048xi32, #tpu.memory_space<vmem>>, vector<16xi32>,
      }
      %scan3A_122 = arith.constant 128 : i32
      "tpu.region"() ({
        %run_scoped3A = tpu.sem_alloc : memref<!tpu.dma_semaphore, #tpu.memory_space<semaphore_mem>>
        %dma_start3A_123 = tpu.memref_slice %arg7[%mul3A_117] : memref<100352xf32, #tpu.memory_space<vmem>> -> memref<2048xf32, #tpu.memory_space<vmem>>
        %dma_start3A_124 = arith.constant 0 : i32
        %dma_start3A_125 = tpu.memref_slice %arg6[%dma_start3A_124] : memref<100352xf32, #tpu.memory_space<vmem_shared>> -> memref<100352xf32, #tpu.memory_space<vmem_shared>>
        tpu.enqueue_indirect_dma source(%dma_start3A_123 : memref<2048xf32, #tpu.memory_space<vmem>>) target(%dma_start3A_125 : memref<100352xf32, #tpu.memory_space<vmem_shared>>) offsets(%arg12 : memref<2048xi32, #tpu.memory_space<vmem>>) semaphore(%run_scoped3A : memref<!tpu.dma_semaphore, #tpu.memory_space<semaphore_mem>>) {add = true}
        %dma_wait3A = tpu.memref_slice %arg7[%mul3A_117] : memref<100352xf32, #tpu.memory_space<vmem>> -> memref<2048xf32, #tpu.memory_space<vmem>>
        %dma_wait3A_126 = arith.constant 0 : i32
        %dma_wait3A_127 = tpu.memref_slice %arg6[%dma_wait3A_126] : memref<100352xf32, #tpu.memory_space<vmem_shared>> -> memref<100352xf32, #tpu.memory_space<vmem_shared>>
        tpu.wait_indirect_dma semaphore(%run_scoped3A : memref<!tpu.dma_semaphore, #tpu.memory_space<semaphore_mem>>) src(%dma_wait3A : memref<2048xf32, #tpu.memory_space<vmem>>) dst(%dma_wait3A_127 : memref<100352xf32, #tpu.memory_space<vmem_shared>>)
        tpu.yield
      }) : () -> ()
    }
    %while3A_107 = arith.constant 1 : i32
    scf.for %while3A_114 = %while3A_105 to %while3A_101 step %while3A_107  : i32 {
      %add3A_115 = arith.addi %select_n3A, %while3A_114 : i32
      %mul3A_116 = arith.constant 2048 : i32
      %mul3A_117 = arith.muli %add3A_115, %mul3A_116 : i32
      %scan3A_118 = arith.constant 0 : i32
      %scan3A_119 = arith.constant 128 : i32
      %scan3A_120 = arith.addi %scan3A_118, %scan3A_119 : i32
      %scan3A_121 = arith.constant 1 : i32
      scf.for %scan3A_123 = %scan3A_118 to %scan3A_120 step %scan3A_121  : i32 {
        %mul3A_124 = arith.constant 16 : i32
        %mul3A_125 = arith.muli %scan3A_123, %mul3A_124 : i32
        %add3A_126 = arith.addi %mul3A_117, %mul3A_125 : i32
        %iota3A_127 = tpu.iota {dimensions = array<i32: 0>} : vector<16xi32>
        %add3A_128 = vector.broadcast %add3A_126 : i32 to vector<16xi32>
        %add3A_129 = arith.addi %add3A_128, %iota3A_127 : vector<16xi32>
        %mul3A_130 = arith.constant 16 : i32
        %mul3A_131 = arith.muli %scan3A_123, %mul3A_130 : i32
        %swap3A = arith.index_cast %mul3A_131 : i32 to index
        %swap3A_132 = tpu.vector_load %arg12[%swap3A] {strides = array<i32>} : memref<2048xi32, #tpu.memory_space<vmem>>, vector<16xi32>,
        tpu.vector_store %arg12[%swap3A], %add3A_129 {strides = array<i32>} : memref<2048xi32, #tpu.memory_space<vmem>>, vector<16xi32>,
      }
      %scan3A_122 = arith.constant 128 : i32
      "tpu.region"() ({
        %run_scoped3A = tpu.sem_alloc : memref<!tpu.dma_semaphore, #tpu.memory_space<semaphore_mem>>
        %dma_start3A_123 = tpu.memref_slice %arg7[%mul3A_117] : memref<100352xf32, #tpu.memory_space<vmem>> -> memref<2048xf32, #tpu.memory_space<vmem>>
        %dma_start3A_124 = arith.constant 0 : i32
        %dma_start3A_125 = tpu.memref_slice %arg6[%dma_start3A_124] : memref<100352xf32, #tpu.memory_space<vmem_shared>> -> memref<100352xf32, #tpu.memory_space<vmem_shared>>
        tpu.enqueue_indirect_dma source(%dma_start3A_123 : memref<2048xf32, #tpu.memory_space<vmem>>) target(%dma_start3A_125 : memref<100352xf32, #tpu.memory_space<vmem_shared>>) offsets(%arg12 : memref<2048xi32, #tpu.memory_space<vmem>>) semaphore(%run_scoped3A : memref<!tpu.dma_semaphore, #tpu.memory_space<semaphore_mem>>) {add = true}
        %dma_wait3A = tpu.memref_slice %arg7[%mul3A_117] : memref<100352xf32, #tpu.memory_space<vmem>> -> memref<2048xf32, #tpu.memory_space<vmem>>
        %dma_wait3A_126 = arith.constant 0 : i32
        %dma_wait3A_127 = tpu.memref_slice %arg6[%dma_wait3A_126] : memref<100352xf32, #tpu.memory_space<vmem_shared>> -> memref<100352xf32, #tpu.memory_space<vmem_shared>>
        tpu.wait_indirect_dma semaphore(%run_scoped3A : memref<!tpu.dma_semaphore, #tpu.memory_space<semaphore_mem>>) src(%dma_wait3A : memref<2048xf32, #tpu.memory_space<vmem>>) dst(%dma_wait3A_127 : memref<100352xf32, #tpu.memory_space<vmem_shared>>)
        tpu.yield
      }) : () -> ()
    }
    %barrier3A_108 = arith.constant 0 : index
    tpu.barrier barrier_id(%barrier3A_108)
    %mul3A_109 = arith.constant 6272 : i32
    %mul3A_110 = arith.muli %arg1, %mul3A_109 : i32
    "tpu.region"() ({
      %run_scoped3A = tpu.sem_alloc : memref<!tpu.dma_semaphore, #tpu.memory_space<semaphore_mem>>
      %dma_start3A_114 = arith.constant 0 : i32
      %dma_start3A_115 = tpu.memref_slice %arg7[%dma_start3A_114] : memref<100352xf32, #tpu.memory_space<vmem>> -> memref<6272xf32, #tpu.memory_space<vmem>>
      %dma_start3A_116 = tpu.memref_slice %arg6[%mul3A_110] : memref<100352xf32, #tpu.memory_space<vmem_shared>> -> memref<6272xf32, #tpu.memory_space<vmem_shared>>
      %dma_start3A_117 = arith.constant 0 : i32
      %dma_start3A_118 = tpu.memref_slice %arg7[%dma_start3A_117] : memref<100352xf32, #tpu.memory_space<vmem>> -> memref<6272xf32, #tpu.memory_space<vmem>>
      %dma_start3A_119 = tpu.memref_slice %arg6[%mul3A_110] : memref<100352xf32, #tpu.memory_space<vmem_shared>> -> memref<6272xf32, #tpu.memory_space<vmem_shared>>
      tpu.enqueue_dma source(%dma_start3A_119 : memref<6272xf32, #tpu.memory_space<vmem_shared>>) target(%dma_start3A_118 : memref<6272xf32, #tpu.memory_space<vmem>>) target_semaphore(%run_scoped3A : memref<!tpu.dma_semaphore, #tpu.memory_space<semaphore_mem>>)
      %dma_wait3A = arith.constant 0 : i32
      %dma_wait3A_120 = tpu.memref_slice %arg7[%dma_wait3A] : memref<100352xf32, #tpu.memory_space<vmem>> -> memref<6272xf32, #tpu.memory_space<vmem>>
      %dma_wait3A_121 = tpu.memref_slice %arg6[%mul3A_110] : memref<100352xf32, #tpu.memory_space<vmem_shared>> -> memref<6272xf32, #tpu.memory_space<vmem_shared>>
      %dma_wait3A_122 = arith.constant 0 : i32
      %dma_wait3A_123 = tpu.memref_slice %arg7[%dma_wait3A_122] : memref<100352xf32, #tpu.memory_space<vmem>> -> memref<6272xf32, #tpu.memory_space<vmem>>
      %dma_wait3A_124 = tpu.memref_slice %arg6[%mul3A_110] : memref<100352xf32, #tpu.memory_space<vmem_shared>> -> memref<6272xf32, #tpu.memory_space<vmem_shared>>
      tpu.wait_dma2 semaphore(%run_scoped3A : memref<!tpu.dma_semaphore, #tpu.memory_space<semaphore_mem>>) src(%dma_wait3A_124 : memref<6272xf32, #tpu.memory_space<vmem_shared>>) dst(%dma_wait3A_123 : memref<6272xf32, #tpu.memory_space<vmem>>)
      tpu.yield
    }) : () -> ()
    %mul3A_111 = arith.constant 100352 : i32
    %mul3A_112 = arith.muli %arg0, %mul3A_111 : i32
    %add3A_113 = arith.addi %mul3A_112, %mul3A_110 : i32
    "tpu.region"() ({
      %run_scoped3A = tpu.sem_alloc : memref<!tpu.dma_semaphore, #tpu.memory_space<semaphore_mem>>
      %dma_start3A_114 = arith.constant 0 : i32
      %dma_start3A_115 = tpu.memref_slice %arg7[%dma_start3A_114] : memref<100352xf32, #tpu.memory_space<vmem>> -> memref<6272xf32, #tpu.memory_space<vmem>>
      %dma_start3A_116 = tpu.memref_slice %arg5[%add3A_113] : memref<200704xf32, #tpu.memory_space<hbm>> -> memref<6272xf32, #tpu.memory_space<hbm>>
      %dma_start3A_117 = tpu.memref_slice %arg5[%add3A_113] : memref<200704xf32, #tpu.memory_space<hbm>> -> memref<6272xf32, #tpu.memory_space<hbm>>
      %dma_start3A_118 = arith.constant 0 : i32
      %dma_start3A_119 = tpu.memref_slice %arg7[%dma_start3A_118] : memref<100352xf32, #tpu.memory_space<vmem>> -> memref<6272xf32, #tpu.memory_space<vmem>>
      tpu.enqueue_dma source(%dma_start3A_119 : memref<6272xf32, #tpu.memory_space<vmem>>) target(%dma_start3A_117 : memref<6272xf32, #tpu.memory_space<hbm>>) target_semaphore(%run_scoped3A : memref<!tpu.dma_semaphore, #tpu.memory_space<semaphore_mem>>)
      %dma_wait3A = arith.constant 0 : i32
      %dma_wait3A_120 = tpu.memref_slice %arg7[%dma_wait3A] : memref<100352xf32, #tpu.memory_space<vmem>> -> memref<6272xf32, #tpu.memory_space<vmem>>
      %dma_wait3A_121 = tpu.memref_slice %arg5[%add3A_113] : memref<200704xf32, #tpu.memory_space<hbm>> -> memref<6272xf32, #tpu.memory_space<hbm>>
      %dma_wait3A_122 = tpu.memref_slice %arg5[%add3A_113] : memref<200704xf32, #tpu.memory_space<hbm>> -> memref<6272xf32, #tpu.memory_space<hbm>>
      %dma_wait3A_123 = arith.constant 0 : i32
      %dma_wait3A_124 = tpu.memref_slice %arg7[%dma_wait3A_123] : memref<100352xf32, #tpu.memory_space<vmem>> -> memref<6272xf32, #tpu.memory_space<vmem>>
      tpu.wait_dma2 semaphore(%run_scoped3A : memref<!tpu.dma_semaphore, #tpu.memory_space<semaphore_mem>>) src(%dma_wait3A_124 : memref<6272xf32, #tpu.memory_space<vmem>>) dst(%dma_wait3A_122 : memref<6272xf32, #tpu.memory_space<hbm>>)
      tpu.yield
    }) : () -> ()
    return
  }
}

#map = affine_map<(d0, d1) -> (0)>
module attributes {stable_mosaic.version = 14 : i64} {
  func.func @_sc_combine(%arg0: i32, %arg1: i32, %arg2: memref<200704xf32, #tpu.memory_space<hbm>>, %arg3: memref<100352xf32, #tpu.memory_space<hbm>>, %arg4: memref<3136xf32, #tpu.memory_space<vmem>>, %arg5: memref<3136xf32, #tpu.memory_space<vmem>>) attributes {dimension_semantics = [#tpu.dimension_semantics<core_parallel>, #tpu.dimension_semantics<subcore_parallel>], iteration_bounds = array<i64: 2, 16>, scalar_prefetch = 0 : i64, scratch_operands = 2 : i64, tpu.core_type = #tpu.core_type<sc_vector_subcore>, window_params = [{transform_indices = #map}, {transform_indices = #map}]} {
    %mul3A = arith.constant 16 : i32
    %mul3A_0 = arith.muli %arg0, %mul3A : i32
    %add3A = arith.addi %mul3A_0, %arg1 : i32
    %mul3A_1 = arith.constant 3136 : i32
    %mul3A_2 = arith.muli %add3A, %mul3A_1 : i32
    "tpu.region"() ({
      %run_scoped3A = tpu.sem_alloc : memref<!tpu.dma_semaphore, #tpu.memory_space<semaphore_mem>>
      %dma_start3A = tpu.memref_slice %arg2[%mul3A_2] : memref<200704xf32, #tpu.memory_space<hbm>> -> memref<3136xf32, #tpu.memory_space<hbm>>
      %dma_start3A_2159 = tpu.memref_slice %arg2[%mul3A_2] : memref<200704xf32, #tpu.memory_space<hbm>> -> memref<3136xf32, #tpu.memory_space<hbm>>
      tpu.enqueue_dma source(%dma_start3A_2159 : memref<3136xf32, #tpu.memory_space<hbm>>) target(%arg4 : memref<3136xf32, #tpu.memory_space<vmem>>) target_semaphore(%run_scoped3A : memref<!tpu.dma_semaphore, #tpu.memory_space<semaphore_mem>>)
      %dma_wait3A = tpu.memref_slice %arg2[%mul3A_2] : memref<200704xf32, #tpu.memory_space<hbm>> -> memref<3136xf32, #tpu.memory_space<hbm>>
      %dma_wait3A_2160 = tpu.memref_slice %arg2[%mul3A_2] : memref<200704xf32, #tpu.memory_space<hbm>> -> memref<3136xf32, #tpu.memory_space<hbm>>
      tpu.wait_dma2 semaphore(%run_scoped3A : memref<!tpu.dma_semaphore, #tpu.memory_space<semaphore_mem>>) src(%dma_wait3A_2160 : memref<3136xf32, #tpu.memory_space<hbm>>) dst(%arg4 : memref<3136xf32, #tpu.memory_space<vmem>>)
      tpu.yield
    }) : () -> ()
    %add3A_3 = arith.constant 100352 : i32
    %add3A_4 = arith.addi %add3A_3, %mul3A_2 : i32
    "tpu.region"() ({
      %run_scoped3A = tpu.sem_alloc : memref<!tpu.dma_semaphore, #tpu.memory_space<semaphore_mem>>
      %dma_start3A = tpu.memref_slice %arg2[%add3A_4] : memref<200704xf32, #tpu.memory_space<hbm>> -> memref<3136xf32, #tpu.memory_space<hbm>>
      %dma_start3A_2159 = tpu.memref_slice %arg2[%add3A_4] : memref<200704xf32, #tpu.memory_space<hbm>> -> memref<3136xf32, #tpu.memory_space<hbm>>
      tpu.enqueue_dma source(%dma_start3A_2159 : memref<3136xf32, #tpu.memory_space<hbm>>) target(%arg5 : memref<3136xf32, #tpu.memory_space<vmem>>) target_semaphore(%run_scoped3A : memref<!tpu.dma_semaphore, #tpu.memory_space<semaphore_mem>>)
      %dma_wait3A = tpu.memref_slice %arg2[%add3A_4] : memref<200704xf32, #tpu.memory_space<hbm>> -> memref<3136xf32, #tpu.memory_space<hbm>>
      %dma_wait3A_2160 = tpu.memref_slice %arg2[%add3A_4] : memref<200704xf32, #tpu.memory_space<hbm>> -> memref<3136xf32, #tpu.memory_space<hbm>>
      tpu.wait_dma2 semaphore(%run_scoped3A : memref<!tpu.dma_semaphore, #tpu.memory_space<semaphore_mem>>) src(%dma_wait3A_2160 : memref<3136xf32, #tpu.memory_space<hbm>>) dst(%arg5 : memref<3136xf32, #tpu.memory_space<vmem>>)
      tpu.yield
    }) : () -> ()
    %get3A = arith.constant 0 : index
    %get3A_5 = tpu.vector_load %arg4[%get3A] {strides = array<i32>} : memref<3136xf32, #tpu.memory_space<vmem>>, vector<16xf32>,
    %get3A_6 = vector.shape_cast %get3A_5 : vector<16xf32> to vector<16xf32>
    %get3A_7 = arith.constant 0 : index
    %get3A_8 = tpu.vector_load %arg5[%get3A_7] {strides = array<i32>} : memref<3136xf32, #tpu.memory_space<vmem>>, vector<16xf32>,
    %get3A_9 = vector.shape_cast %get3A_8 : vector<16xf32> to vector<16xf32>
    %add3A_10 = arith.addf %get3A_6, %get3A_9 : vector<16xf32>
    %swap3A = arith.constant 0 : index
    %swap3A_11 = tpu.vector_load %arg4[%swap3A] {strides = array<i32>} : memref<3136xf32, #tpu.memory_space<vmem>>, vector<16xf32>,
    %swap3A_12 = vector.shape_cast %swap3A_11 : vector<16xf32> to vector<16xf32>
    %swap3A_13 = vector.shape_cast %add3A_10 : vector<16xf32> to vector<16xf32>
    tpu.vector_store %arg4[%swap3A], %swap3A_13 {strides = array<i32>} : memref<3136xf32, #tpu.memory_space<vmem>>, vector<16xf32>,
    %get3A_14 = arith.constant 16 : index
    %get3A_15 = tpu.vector_load %arg4[%get3A_14] {strides = array<i32>} : memref<3136xf32, #tpu.memory_space<vmem>>, vector<16xf32>,
    %get3A_16 = vector.shape_cast %get3A_15 : vector<16xf32> to vector<16xf32>
    %get3A_17 = arith.constant 16 : index
    %get3A_18 = tpu.vector_load %arg5[%get3A_17] {strides = array<i32>} : memref<3136xf32, #tpu.memory_space<vmem>>, vector<16xf32>,
    %get3A_19 = vector.shape_cast %get3A_18 : vector<16xf32> to vector<16xf32>
    %add3A_20 = arith.addf %get3A_16, %get3A_19 : vector<16xf32>
    %swap3A_21 = arith.constant 16 : index
    %swap3A_22 = tpu.vector_load %arg4[%swap3A_21] {strides = array<i32>} : memref<3136xf32, #tpu.memory_space<vmem>>, vector<16xf32>,
    %swap3A_23 = vector.shape_cast %swap3A_22 : vector<16xf32> to vector<16xf32>
    %swap3A_24 = vector.shape_cast %add3A_20 : vector<16xf32> to vector<16xf32>
    tpu.vector_store %arg4[%swap3A_21], %swap3A_24 {strides = array<i32>} : memref<3136xf32, #tpu.memory_space<vmem>>, vector<16xf32>,
    %get3A_25 = arith.constant 32 : index
    %get3A_26 = tpu.vector_load %arg4[%get3A_25] {strides = array<i32>} : memref<3136xf32, #tpu.memory_space<vmem>>, vector<16xf32>,
    %get3A_27 = vector.shape_cast %get3A_26 : vector<16xf32> to vector<16xf32>
    %get3A_28 = arith.constant 32 : index
    %get3A_29 = tpu.vector_load %arg5[%get3A_28] {strides = array<i32>} : memref<3136xf32, #tpu.memory_space<vmem>>, vector<16xf32>,
    %get3A_30 = vector.shape_cast %get3A_29 : vector<16xf32> to vector<16xf32>
    %add3A_31 = arith.addf %get3A_27, %get3A_30 : vector<16xf32>
    %swap3A_32 = arith.constant 32 : index
    %swap3A_33 = tpu.vector_load %arg4[%swap3A_32] {strides = array<i32>} : memref<3136xf32, #tpu.memory_space<vmem>>, vector<16xf32>,
    %swap3A_34 = vector.shape_cast %swap3A_33 : vector<16xf32> to vector<16xf32>
    %swap3A_35 = vector.shape_cast %add3A_31 : vector<16xf32> to vector<16xf32>
    tpu.vector_store %arg4[%swap3A_32], %swap3A_35 {strides = array<i32>} : memref<3136xf32, #tpu.memory_space<vmem>>, vector<16xf32>,
    %get3A_36 = arith.constant 48 : index
    %get3A_37 = tpu.vector_load %arg4[%get3A_36] {strides = array<i32>} : memref<3136xf32, #tpu.memory_space<vmem>>, vector<16xf32>,
    %get3A_38 = vector.shape_cast %get3A_37 : vector<16xf32> to vector<16xf32>
    %get3A_39 = arith.constant 48 : index
    %get3A_40 = tpu.vector_load %arg5[%get3A_39] {strides = array<i32>} : memref<3136xf32, #tpu.memory_space<vmem>>, vector<16xf32>,
    %get3A_41 = vector.shape_cast %get3A_40 : vector<16xf32> to vector<16xf32>
    %add3A_42 = arith.addf %get3A_38, %get3A_41 : vector<16xf32>
    %swap3A_43 = arith.constant 48 : index
    %swap3A_44 = tpu.vector_load %arg4[%swap3A_43] {strides = array<i32>} : memref<3136xf32, #tpu.memory_space<vmem>>, vector<16xf32>,
    %swap3A_45 = vector.shape_cast %swap3A_44 : vector<16xf32> to vector<16xf32>
    %swap3A_46 = vector.shape_cast %add3A_42 : vector<16xf32> to vector<16xf32>
    tpu.vector_store %arg4[%swap3A_43], %swap3A_46 {strides = array<i32>} : memref<3136xf32, #tpu.memory_space<vmem>>, vector<16xf32>,
    %get3A_47 = arith.constant 64 : index
    %get3A_48 = tpu.vector_load %arg4[%get3A_47] {strides = array<i32>} : memref<3136xf32, #tpu.memory_space<vmem>>, vector<16xf32>,
    %get3A_49 = vector.shape_cast %get3A_48 : vector<16xf32> to vector<16xf32>
    %get3A_50 = arith.constant 64 : index
    %get3A_51 = tpu.vector_load %arg5[%get3A_50] {strides = array<i32>} : memref<3136xf32, #tpu.memory_space<vmem>>, vector<16xf32>,
    %get3A_52 = vector.shape_cast %get3A_51 : vector<16xf32> to vector<16xf32>
    %add3A_53 = arith.addf %get3A_49, %get3A_52 : vector<16xf32>
    %swap3A_54 = arith.constant 64 : index
    %swap3A_55 = tpu.vector_load %arg4[%swap3A_54] {strides = array<i32>} : memref<3136xf32, #tpu.memory_space<vmem>>, vector<16xf32>,
    %swap3A_56 = vector.shape_cast %swap3A_55 : vector<16xf32> to vector<16xf32>
    %swap3A_57 = vector.shape_cast %add3A_53 : vector<16xf32> to vector<16xf32>
    tpu.vector_store %arg4[%swap3A_54], %swap3A_57 {strides = array<i32>} : memref<3136xf32, #tpu.memory_space<vmem>>, vector<16xf32>,
    %get3A_58 = arith.constant 80 : index
    %get3A_59 = tpu.vector_load %arg4[%get3A_58] {strides = array<i32>} : memref<3136xf32, #tpu.memory_space<vmem>>, vector<16xf32>,
    %get3A_60 = vector.shape_cast %get3A_59 : vector<16xf32> to vector<16xf32>
    %get3A_61 = arith.constant 80 : index
    %get3A_62 = tpu.vector_load %arg5[%get3A_61] {strides = array<i32>} : memref<3136xf32, #tpu.memory_space<vmem>>, vector<16xf32>,
    %get3A_63 = vector.shape_cast %get3A_62 : vector<16xf32> to vector<16xf32>
    %add3A_64 = arith.addf %get3A_60, %get3A_63 : vector<16xf32>
    %swap3A_65 = arith.constant 80 : index
    %swap3A_66 = tpu.vector_load %arg4[%swap3A_65] {strides = array<i32>} : memref<3136xf32, #tpu.memory_space<vmem>>, vector<16xf32>,
    %swap3A_67 = vector.shape_cast %swap3A_66 : vector<16xf32> to vector<16xf32>
    %swap3A_68 = vector.shape_cast %add3A_64 : vector<16xf32> to vector<16xf32>
    tpu.vector_store %arg4[%swap3A_65], %swap3A_68 {strides = array<i32>} : memref<3136xf32, #tpu.memory_space<vmem>>, vector<16xf32>,
    %get3A_69 = arith.constant 96 : index
    %get3A_70 = tpu.vector_load %arg4[%get3A_69] {strides = array<i32>} : memref<3136xf32, #tpu.memory_space<vmem>>, vector<16xf32>,
    %get3A_71 = vector.shape_cast %get3A_70 : vector<16xf32> to vector<16xf32>
    %get3A_72 = arith.constant 96 : index
    %get3A_73 = tpu.vector_load %arg5[%get3A_72] {strides = array<i32>} : memref<3136xf32, #tpu.memory_space<vmem>>, vector<16xf32>,
    %get3A_74 = vector.shape_cast %get3A_73 : vector<16xf32> to vector<16xf32>
    %add3A_75 = arith.addf %get3A_71, %get3A_74 : vector<16xf32>
    %swap3A_76 = arith.constant 96 : index
    %swap3A_77 = tpu.vector_load %arg4[%swap3A_76] {strides = array<i32>} : memref<3136xf32, #tpu.memory_space<vmem>>, vector<16xf32>,
    %swap3A_78 = vector.shape_cast %swap3A_77 : vector<16xf32> to vector<16xf32>
    %swap3A_79 = vector.shape_cast %add3A_75 : vector<16xf32> to vector<16xf32>
    tpu.vector_store %arg4[%swap3A_76], %swap3A_79 {strides = array<i32>} : memref<3136xf32, #tpu.memory_space<vmem>>, vector<16xf32>,
    %get3A_80 = arith.constant 112 : index
    %get3A_81 = tpu.vector_load %arg4[%get3A_80] {strides = array<i32>} : memref<3136xf32, #tpu.memory_space<vmem>>, vector<16xf32>,
    %get3A_82 = vector.shape_cast %get3A_81 : vector<16xf32> to vector<16xf32>
    %get3A_83 = arith.constant 112 : index
    %get3A_84 = tpu.vector_load %arg5[%get3A_83] {strides = array<i32>} : memref<3136xf32, #tpu.memory_space<vmem>>, vector<16xf32>,
    %get3A_85 = vector.shape_cast %get3A_84 : vector<16xf32> to vector<16xf32>
    %add3A_86 = arith.addf %get3A_82, %get3A_85 : vector<16xf32>
    %swap3A_87 = arith.constant 112 : index
    %swap3A_88 = tpu.vector_load %arg4[%swap3A_87] {strides = array<i32>} : memref<3136xf32, #tpu.memory_space<vmem>>, vector<16xf32>,
    %swap3A_89 = vector.shape_cast %swap3A_88 : vector<16xf32> to vector<16xf32>
    %swap3A_90 = vector.shape_cast %add3A_86 : vector<16xf32> to vector<16xf32>
    tpu.vector_store %arg4[%swap3A_87], %swap3A_90 {strides = array<i32>} : memref<3136xf32, #tpu.memory_space<vmem>>, vector<16xf32>,
    %get3A_91 = arith.constant 128 : index
    %get3A_92 = tpu.vector_load %arg4[%get3A_91] {strides = array<i32>} : memref<3136xf32, #tpu.memory_space<vmem>>, vector<16xf32>,
    %get3A_93 = vector.shape_cast %get3A_92 : vector<16xf32> to vector<16xf32>
    %get3A_94 = arith.constant 128 : index
    %get3A_95 = tpu.vector_load %arg5[%get3A_94] {strides = array<i32>} : memref<3136xf32, #tpu.memory_space<vmem>>, vector<16xf32>,
    %get3A_96 = vector.shape_cast %get3A_95 : vector<16xf32> to vector<16xf32>
    %add3A_97 = arith.addf %get3A_93, %get3A_96 : vector<16xf32>
    %swap3A_98 = arith.constant 128 : index
    %swap3A_99 = tpu.vector_load %arg4[%swap3A_98] {strides = array<i32>} : memref<3136xf32, #tpu.memory_space<vmem>>, vector<16xf32>,
    %swap3A_100 = vector.shape_cast %swap3A_99 : vector<16xf32> to vector<16xf32>
    %swap3A_101 = vector.shape_cast %add3A_97 : vector<16xf32> to vector<16xf32>
    tpu.vector_store %arg4[%swap3A_98], %swap3A_101 {strides = array<i32>} : memref<3136xf32, #tpu.memory_space<vmem>>, vector<16xf32>,
    %get3A_102 = arith.constant 144 : index
    %get3A_103 = tpu.vector_load %arg4[%get3A_102] {strides = array<i32>} : memref<3136xf32, #tpu.memory_space<vmem>>, vector<16xf32>,
    %get3A_104 = vector.shape_cast %get3A_103 : vector<16xf32> to vector<16xf32>
    %get3A_105 = arith.constant 144 : index
    %get3A_106 = tpu.vector_load %arg5[%get3A_105] {strides = array<i32>} : memref<3136xf32, #tpu.memory_space<vmem>>, vector<16xf32>,
    %get3A_107 = vector.shape_cast %get3A_106 : vector<16xf32> to vector<16xf32>
    %add3A_108 = arith.addf %get3A_104, %get3A_107 : vector<16xf32>
    %swap3A_109 = arith.constant 144 : index
    %swap3A_110 = tpu.vector_load %arg4[%swap3A_109] {strides = array<i32>} : memref<3136xf32, #tpu.memory_space<vmem>>, vector<16xf32>,
    %swap3A_111 = vector.shape_cast %swap3A_110 : vector<16xf32> to vector<16xf32>
    %swap3A_112 = vector.shape_cast %add3A_108 : vector<16xf32> to vector<16xf32>
    tpu.vector_store %arg4[%swap3A_109], %swap3A_112 {strides = array<i32>} : memref<3136xf32, #tpu.memory_space<vmem>>, vector<16xf32>,
    %get3A_113 = arith.constant 160 : index
    %get3A_114 = tpu.vector_load %arg4[%get3A_113] {strides = array<i32>} : memref<3136xf32, #tpu.memory_space<vmem>>, vector<16xf32>,
    %get3A_115 = vector.shape_cast %get3A_114 : vector<16xf32> to vector<16xf32>
    %get3A_116 = arith.constant 160 : index
    %get3A_117 = tpu.vector_load %arg5[%get3A_116] {strides = array<i32>} : memref<3136xf32, #tpu.memory_space<vmem>>, vector<16xf32>,
    %get3A_118 = vector.shape_cast %get3A_117 : vector<16xf32> to vector<16xf32>
    %add3A_119 = arith.addf %get3A_115, %get3A_118 : vector<16xf32>
    %swap3A_120 = arith.constant 160 : index
    %swap3A_121 = tpu.vector_load %arg4[%swap3A_120] {strides = array<i32>} : memref<3136xf32, #tpu.memory_space<vmem>>, vector<16xf32>,
    %swap3A_122 = vector.shape_cast %swap3A_121 : vector<16xf32> to vector<16xf32>
    %swap3A_123 = vector.shape_cast %add3A_119 : vector<16xf32> to vector<16xf32>
    tpu.vector_store %arg4[%swap3A_120], %swap3A_123 {strides = array<i32>} : memref<3136xf32, #tpu.memory_space<vmem>>, vector<16xf32>,
    %get3A_124 = arith.constant 176 : index
    %get3A_125 = tpu.vector_load %arg4[%get3A_124] {strides = array<i32>} : memref<3136xf32, #tpu.memory_space<vmem>>, vector<16xf32>,
    %get3A_126 = vector.shape_cast %get3A_125 : vector<16xf32> to vector<16xf32>
    %get3A_127 = arith.constant 176 : index
    %get3A_128 = tpu.vector_load %arg5[%get3A_127] {strides = array<i32>} : memref<3136xf32, #tpu.memory_space<vmem>>, vector<16xf32>,
    %get3A_129 = vector.shape_cast %get3A_128 : vector<16xf32> to vector<16xf32>
    %add3A_130 = arith.addf %get3A_126, %get3A_129 : vector<16xf32>
    %swap3A_131 = arith.constant 176 : index
    %swap3A_132 = tpu.vector_load %arg4[%swap3A_131] {strides = array<i32>} : memref<3136xf32, #tpu.memory_space<vmem>>, vector<16xf32>,
    %swap3A_133 = vector.shape_cast %swap3A_132 : vector<16xf32> to vector<16xf32>
    %swap3A_134 = vector.shape_cast %add3A_130 : vector<16xf32> to vector<16xf32>
    tpu.vector_store %arg4[%swap3A_131], %swap3A_134 {strides = array<i32>} : memref<3136xf32, #tpu.memory_space<vmem>>, vector<16xf32>,
    %get3A_135 = arith.constant 192 : index
    %get3A_136 = tpu.vector_load %arg4[%get3A_135] {strides = array<i32>} : memref<3136xf32, #tpu.memory_space<vmem>>, vector<16xf32>,
    %get3A_137 = vector.shape_cast %get3A_136 : vector<16xf32> to vector<16xf32>
    %get3A_138 = arith.constant 192 : index
    %get3A_139 = tpu.vector_load %arg5[%get3A_138] {strides = array<i32>} : memref<3136xf32, #tpu.memory_space<vmem>>, vector<16xf32>,
    %get3A_140 = vector.shape_cast %get3A_139 : vector<16xf32> to vector<16xf32>
    %add3A_141 = arith.addf %get3A_137, %get3A_140 : vector<16xf32>
    %swap3A_142 = arith.constant 192 : index
    %swap3A_143 = tpu.vector_load %arg4[%swap3A_142] {strides = array<i32>} : memref<3136xf32, #tpu.memory_space<vmem>>, vector<16xf32>,
    %swap3A_144 = vector.shape_cast %swap3A_143 : vector<16xf32> to vector<16xf32>
    %swap3A_145 = vector.shape_cast %add3A_141 : vector<16xf32> to vector<16xf32>
    tpu.vector_store %arg4[%swap3A_142], %swap3A_145 {strides = array<i32>} : memref<3136xf32, #tpu.memory_space<vmem>>, vector<16xf32>,
    %get3A_146 = arith.constant 208 : index
    %get3A_147 = tpu.vector_load %arg4[%get3A_146] {strides = array<i32>} : memref<3136xf32, #tpu.memory_space<vmem>>, vector<16xf32>,
    %get3A_148 = vector.shape_cast %get3A_147 : vector<16xf32> to vector<16xf32>
    %get3A_149 = arith.constant 208 : index
    %get3A_150 = tpu.vector_load %arg5[%get3A_149] {strides = array<i32>} : memref<3136xf32, #tpu.memory_space<vmem>>, vector<16xf32>,
    %get3A_151 = vector.shape_cast %get3A_150 : vector<16xf32> to vector<16xf32>
    %add3A_152 = arith.addf %get3A_148, %get3A_151 : vector<16xf32>
    %swap3A_153 = arith.constant 208 : index
    %swap3A_154 = tpu.vector_load %arg4[%swap3A_153] {strides = array<i32>} : memref<3136xf32, #tpu.memory_space<vmem>>, vector<16xf32>,
    %swap3A_155 = vector.shape_cast %swap3A_154 : vector<16xf32> to vector<16xf32>
    %swap3A_156 = vector.shape_cast %add3A_152 : vector<16xf32> to vector<16xf32>
    tpu.vector_store %arg4[%swap3A_153], %swap3A_156 {strides = array<i32>} : memref<3136xf32, #tpu.memory_space<vmem>>, vector<16xf32>,
    %get3A_157 = arith.constant 224 : index
    %get3A_158 = tpu.vector_load %arg4[%get3A_157] {strides = array<i32>} : memref<3136xf32, #tpu.memory_space<vmem>>, vector<16xf32>,
    %get3A_159 = vector.shape_cast %get3A_158 : vector<16xf32> to vector<16xf32>
    %get3A_160 = arith.constant 224 : index
    %get3A_161 = tpu.vector_load %arg5[%get3A_160] {strides = array<i32>} : memref<3136xf32, #tpu.memory_space<vmem>>, vector<16xf32>,
    %get3A_162 = vector.shape_cast %get3A_161 : vector<16xf32> to vector<16xf32>
    %add3A_163 = arith.addf %get3A_159, %get3A_162 : vector<16xf32>
    %swap3A_164 = arith.constant 224 : index
    %swap3A_165 = tpu.vector_load %arg4[%swap3A_164] {strides = array<i32>} : memref<3136xf32, #tpu.memory_space<vmem>>, vector<16xf32>,
    %swap3A_166 = vector.shape_cast %swap3A_165 : vector<16xf32> to vector<16xf32>
    %swap3A_167 = vector.shape_cast %add3A_163 : vector<16xf32> to vector<16xf32>
    tpu.vector_store %arg4[%swap3A_164], %swap3A_167 {strides = array<i32>} : memref<3136xf32, #tpu.memory_space<vmem>>, vector<16xf32>,
    %get3A_168 = arith.constant 240 : index
    %get3A_169 = tpu.vector_load %arg4[%get3A_168] {strides = array<i32>} : memref<3136xf32, #tpu.memory_space<vmem>>, vector<16xf32>,
    %get3A_170 = vector.shape_cast %get3A_169 : vector<16xf32> to vector<16xf32>
    %get3A_171 = arith.constant 240 : index
    %get3A_172 = tpu.vector_load %arg5[%get3A_171] {strides = array<i32>} : memref<3136xf32, #tpu.memory_space<vmem>>, vector<16xf32>,
    %get3A_173 = vector.shape_cast %get3A_172 : vector<16xf32> to vector<16xf32>
    %add3A_174 = arith.addf %get3A_170, %get3A_173 : vector<16xf32>
    %swap3A_175 = arith.constant 240 : index
    %swap3A_176 = tpu.vector_load %arg4[%swap3A_175] {strides = array<i32>} : memref<3136xf32, #tpu.memory_space<vmem>>, vector<16xf32>,
    %swap3A_177 = vector.shape_cast %swap3A_176 : vector<16xf32> to vector<16xf32>
    %swap3A_178 = vector.shape_cast %add3A_174 : vector<16xf32> to vector<16xf32>
    tpu.vector_store %arg4[%swap3A_175], %swap3A_178 {strides = array<i32>} : memref<3136xf32, #tpu.memory_space<vmem>>, vector<16xf32>,
    %get3A_179 = arith.constant 256 : index
    %get3A_180 = tpu.vector_load %arg4[%get3A_179] {strides = array<i32>} : memref<3136xf32, #tpu.memory_space<vmem>>, vector<16xf32>,
    %get3A_181 = vector.shape_cast %get3A_180 : vector<16xf32> to vector<16xf32>
    %get3A_182 = arith.constant 256 : index
    %get3A_183 = tpu.vector_load %arg5[%get3A_182] {strides = array<i32>} : memref<3136xf32, #tpu.memory_space<vmem>>, vector<16xf32>,
    %get3A_184 = vector.shape_cast %get3A_183 : vector<16xf32> to vector<16xf32>
    %add3A_185 = arith.addf %get3A_181, %get3A_184 : vector<16xf32>
    %swap3A_186 = arith.constant 256 : index
    %swap3A_187 = tpu.vector_load %arg4[%swap3A_186] {strides = array<i32>} : memref<3136xf32, #tpu.memory_space<vmem>>, vector<16xf32>,
    %swap3A_188 = vector.shape_cast %swap3A_187 : vector<16xf32> to vector<16xf32>
    %swap3A_189 = vector.shape_cast %add3A_185 : vector<16xf32> to vector<16xf32>
    tpu.vector_store %arg4[%swap3A_186], %swap3A_189 {strides = array<i32>} : memref<3136xf32, #tpu.memory_space<vmem>>, vector<16xf32>,
    %get3A_190 = arith.constant 272 : index
    %get3A_191 = tpu.vector_load %arg4[%get3A_190] {strides = array<i32>} : memref<3136xf32, #tpu.memory_space<vmem>>, vector<16xf32>,
    %get3A_192 = vector.shape_cast %get3A_191 : vector<16xf32> to vector<16xf32>
    %get3A_193 = arith.constant 272 : index
    %get3A_194 = tpu.vector_load %arg5[%get3A_193] {strides = array<i32>} : memref<3136xf32, #tpu.memory_space<vmem>>, vector<16xf32>,
    %get3A_195 = vector.shape_cast %get3A_194 : vector<16xf32> to vector<16xf32>
    %add3A_196 = arith.addf %get3A_192, %get3A_195 : vector<16xf32>
    %swap3A_197 = arith.constant 272 : index
    %swap3A_198 = tpu.vector_load %arg4[%swap3A_197] {strides = array<i32>} : memref<3136xf32, #tpu.memory_space<vmem>>, vector<16xf32>,
    %swap3A_199 = vector.shape_cast %swap3A_198 : vector<16xf32> to vector<16xf32>
    %swap3A_200 = vector.shape_cast %add3A_196 : vector<16xf32> to vector<16xf32>
    tpu.vector_store %arg4[%swap3A_197], %swap3A_200 {strides = array<i32>} : memref<3136xf32, #tpu.memory_space<vmem>>, vector<16xf32>,
    %get3A_201 = arith.constant 288 : index
    %get3A_202 = tpu.vector_load %arg4[%get3A_201] {strides = array<i32>} : memref<3136xf32, #tpu.memory_space<vmem>>, vector<16xf32>,
    %get3A_203 = vector.shape_cast %get3A_202 : vector<16xf32> to vector<16xf32>
    %get3A_204 = arith.constant 288 : index
    %get3A_205 = tpu.vector_load %arg5[%get3A_204] {strides = array<i32>} : memref<3136xf32, #tpu.memory_space<vmem>>, vector<16xf32>,
    %get3A_206 = vector.shape_cast %get3A_205 : vector<16xf32> to vector<16xf32>
    %add3A_207 = arith.addf %get3A_203, %get3A_206 : vector<16xf32>
    %swap3A_208 = arith.constant 288 : index
    %swap3A_209 = tpu.vector_load %arg4[%swap3A_208] {strides = array<i32>} : memref<3136xf32, #tpu.memory_space<vmem>>, vector<16xf32>,
    %swap3A_210 = vector.shape_cast %swap3A_209 : vector<16xf32> to vector<16xf32>
    %swap3A_211 = vector.shape_cast %add3A_207 : vector<16xf32> to vector<16xf32>
    tpu.vector_store %arg4[%swap3A_208], %swap3A_211 {strides = array<i32>} : memref<3136xf32, #tpu.memory_space<vmem>>, vector<16xf32>,
    %get3A_212 = arith.constant 304 : index
    %get3A_213 = tpu.vector_load %arg4[%get3A_212] {strides = array<i32>} : memref<3136xf32, #tpu.memory_space<vmem>>, vector<16xf32>,
    %get3A_214 = vector.shape_cast %get3A_213 : vector<16xf32> to vector<16xf32>
    %get3A_215 = arith.constant 304 : index
    %get3A_216 = tpu.vector_load %arg5[%get3A_215] {strides = array<i32>} : memref<3136xf32, #tpu.memory_space<vmem>>, vector<16xf32>,
    %get3A_217 = vector.shape_cast %get3A_216 : vector<16xf32> to vector<16xf32>
    %add3A_218 = arith.addf %get3A_214, %get3A_217 : vector<16xf32>
    %swap3A_219 = arith.constant 304 : index
    %swap3A_220 = tpu.vector_load %arg4[%swap3A_219] {strides = array<i32>} : memref<3136xf32, #tpu.memory_space<vmem>>, vector<16xf32>,
    %swap3A_221 = vector.shape_cast %swap3A_220 : vector<16xf32> to vector<16xf32>
    %swap3A_222 = vector.shape_cast %add3A_218 : vector<16xf32> to vector<16xf32>
    tpu.vector_store %arg4[%swap3A_219], %swap3A_222 {strides = array<i32>} : memref<3136xf32, #tpu.memory_space<vmem>>, vector<16xf32>,
    %get3A_223 = arith.constant 320 : index
    %get3A_224 = tpu.vector_load %arg4[%get3A_223] {strides = array<i32>} : memref<3136xf32, #tpu.memory_space<vmem>>, vector<16xf32>,
    %get3A_225 = vector.shape_cast %get3A_224 : vector<16xf32> to vector<16xf32>
    %get3A_226 = arith.constant 320 : index
    %get3A_227 = tpu.vector_load %arg5[%get3A_226] {strides = array<i32>} : memref<3136xf32, #tpu.memory_space<vmem>>, vector<16xf32>,
    %get3A_228 = vector.shape_cast %get3A_227 : vector<16xf32> to vector<16xf32>
    %add3A_229 = arith.addf %get3A_225, %get3A_228 : vector<16xf32>
    %swap3A_230 = arith.constant 320 : index
    %swap3A_231 = tpu.vector_load %arg4[%swap3A_230] {strides = array<i32>} : memref<3136xf32, #tpu.memory_space<vmem>>, vector<16xf32>,
    %swap3A_232 = vector.shape_cast %swap3A_231 : vector<16xf32> to vector<16xf32>
    %swap3A_233 = vector.shape_cast %add3A_229 : vector<16xf32> to vector<16xf32>
    tpu.vector_store %arg4[%swap3A_230], %swap3A_233 {strides = array<i32>} : memref<3136xf32, #tpu.memory_space<vmem>>, vector<16xf32>,
    %get3A_234 = arith.constant 336 : index
    %get3A_235 = tpu.vector_load %arg4[%get3A_234] {strides = array<i32>} : memref<3136xf32, #tpu.memory_space<vmem>>, vector<16xf32>,
    %get3A_236 = vector.shape_cast %get3A_235 : vector<16xf32> to vector<16xf32>
    %get3A_237 = arith.constant 336 : index
    %get3A_238 = tpu.vector_load %arg5[%get3A_237] {strides = array<i32>} : memref<3136xf32, #tpu.memory_space<vmem>>, vector<16xf32>,
    %get3A_239 = vector.shape_cast %get3A_238 : vector<16xf32> to vector<16xf32>
    %add3A_240 = arith.addf %get3A_236, %get3A_239 : vector<16xf32>
    %swap3A_241 = arith.constant 336 : index
    %swap3A_242 = tpu.vector_load %arg4[%swap3A_241] {strides = array<i32>} : memref<3136xf32, #tpu.memory_space<vmem>>, vector<16xf32>,
    %swap3A_243 = vector.shape_cast %swap3A_242 : vector<16xf32> to vector<16xf32>
    %swap3A_244 = vector.shape_cast %add3A_240 : vector<16xf32> to vector<16xf32>
    tpu.vector_store %arg4[%swap3A_241], %swap3A_244 {strides = array<i32>} : memref<3136xf32, #tpu.memory_space<vmem>>, vector<16xf32>,
    %get3A_245 = arith.constant 352 : index
    %get3A_246 = tpu.vector_load %arg4[%get3A_245] {strides = array<i32>} : memref<3136xf32, #tpu.memory_space<vmem>>, vector<16xf32>,
    %get3A_247 = vector.shape_cast %get3A_246 : vector<16xf32> to vector<16xf32>
    %get3A_248 = arith.constant 352 : index
    %get3A_249 = tpu.vector_load %arg5[%get3A_248] {strides = array<i32>} : memref<3136xf32, #tpu.memory_space<vmem>>, vector<16xf32>,
    %get3A_250 = vector.shape_cast %get3A_249 : vector<16xf32> to vector<16xf32>
    %add3A_251 = arith.addf %get3A_247, %get3A_250 : vector<16xf32>
    %swap3A_252 = arith.constant 352 : index
    %swap3A_253 = tpu.vector_load %arg4[%swap3A_252] {strides = array<i32>} : memref<3136xf32, #tpu.memory_space<vmem>>, vector<16xf32>,
    %swap3A_254 = vector.shape_cast %swap3A_253 : vector<16xf32> to vector<16xf32>
    %swap3A_255 = vector.shape_cast %add3A_251 : vector<16xf32> to vector<16xf32>
    tpu.vector_store %arg4[%swap3A_252], %swap3A_255 {strides = array<i32>} : memref<3136xf32, #tpu.memory_space<vmem>>, vector<16xf32>,
    %get3A_256 = arith.constant 368 : index
    %get3A_257 = tpu.vector_load %arg4[%get3A_256] {strides = array<i32>} : memref<3136xf32, #tpu.memory_space<vmem>>, vector<16xf32>,
    %get3A_258 = vector.shape_cast %get3A_257 : vector<16xf32> to vector<16xf32>
    %get3A_259 = arith.constant 368 : index
    %get3A_260 = tpu.vector_load %arg5[%get3A_259] {strides = array<i32>} : memref<3136xf32, #tpu.memory_space<vmem>>, vector<16xf32>,
    %get3A_261 = vector.shape_cast %get3A_260 : vector<16xf32> to vector<16xf32>
    %add3A_262 = arith.addf %get3A_258, %get3A_261 : vector<16xf32>
    %swap3A_263 = arith.constant 368 : index
    %swap3A_264 = tpu.vector_load %arg4[%swap3A_263] {strides = array<i32>} : memref<3136xf32, #tpu.memory_space<vmem>>, vector<16xf32>,
    %swap3A_265 = vector.shape_cast %swap3A_264 : vector<16xf32> to vector<16xf32>
    %swap3A_266 = vector.shape_cast %add3A_262 : vector<16xf32> to vector<16xf32>
    tpu.vector_store %arg4[%swap3A_263], %swap3A_266 {strides = array<i32>} : memref<3136xf32, #tpu.memory_space<vmem>>, vector<16xf32>,
    %get3A_267 = arith.constant 384 : index
    %get3A_268 = tpu.vector_load %arg4[%get3A_267] {strides = array<i32>} : memref<3136xf32, #tpu.memory_space<vmem>>, vector<16xf32>,
    %get3A_269 = vector.shape_cast %get3A_268 : vector<16xf32> to vector<16xf32>
    %get3A_270 = arith.constant 384 : index
    %get3A_271 = tpu.vector_load %arg5[%get3A_270] {strides = array<i32>} : memref<3136xf32, #tpu.memory_space<vmem>>, vector<16xf32>,
    %get3A_272 = vector.shape_cast %get3A_271 : vector<16xf32> to vector<16xf32>
    %add3A_273 = arith.addf %get3A_269, %get3A_272 : vector<16xf32>
    %swap3A_274 = arith.constant 384 : index
    %swap3A_275 = tpu.vector_load %arg4[%swap3A_274] {strides = array<i32>} : memref<3136xf32, #tpu.memory_space<vmem>>, vector<16xf32>,
    %swap3A_276 = vector.shape_cast %swap3A_275 : vector<16xf32> to vector<16xf32>
    %swap3A_277 = vector.shape_cast %add3A_273 : vector<16xf32> to vector<16xf32>
    tpu.vector_store %arg4[%swap3A_274], %swap3A_277 {strides = array<i32>} : memref<3136xf32, #tpu.memory_space<vmem>>, vector<16xf32>,
    %get3A_278 = arith.constant 400 : index
    %get3A_279 = tpu.vector_load %arg4[%get3A_278] {strides = array<i32>} : memref<3136xf32, #tpu.memory_space<vmem>>, vector<16xf32>,
    %get3A_280 = vector.shape_cast %get3A_279 : vector<16xf32> to vector<16xf32>
    %get3A_281 = arith.constant 400 : index
    %get3A_282 = tpu.vector_load %arg5[%get3A_281] {strides = array<i32>} : memref<3136xf32, #tpu.memory_space<vmem>>, vector<16xf32>,
    %get3A_283 = vector.shape_cast %get3A_282 : vector<16xf32> to vector<16xf32>
    %add3A_284 = arith.addf %get3A_280, %get3A_283 : vector<16xf32>
    %swap3A_285 = arith.constant 400 : index
    %swap3A_286 = tpu.vector_load %arg4[%swap3A_285] {strides = array<i32>} : memref<3136xf32, #tpu.memory_space<vmem>>, vector<16xf32>,
    %swap3A_287 = vector.shape_cast %swap3A_286 : vector<16xf32> to vector<16xf32>
    %swap3A_288 = vector.shape_cast %add3A_284 : vector<16xf32> to vector<16xf32>
    tpu.vector_store %arg4[%swap3A_285], %swap3A_288 {strides = array<i32>} : memref<3136xf32, #tpu.memory_space<vmem>>, vector<16xf32>,
    %get3A_289 = arith.constant 416 : index
    %get3A_290 = tpu.vector_load %arg4[%get3A_289] {strides = array<i32>} : memref<3136xf32, #tpu.memory_space<vmem>>, vector<16xf32>,
    %get3A_291 = vector.shape_cast %get3A_290 : vector<16xf32> to vector<16xf32>
    %get3A_292 = arith.constant 416 : index
    %get3A_293 = tpu.vector_load %arg5[%get3A_292] {strides = array<i32>} : memref<3136xf32, #tpu.memory_space<vmem>>, vector<16xf32>,
    %get3A_294 = vector.shape_cast %get3A_293 : vector<16xf32> to vector<16xf32>
    %add3A_295 = arith.addf %get3A_291, %get3A_294 : vector<16xf32>
    %swap3A_296 = arith.constant 416 : index
    %swap3A_297 = tpu.vector_load %arg4[%swap3A_296] {strides = array<i32>} : memref<3136xf32, #tpu.memory_space<vmem>>, vector<16xf32>,
    %swap3A_298 = vector.shape_cast %swap3A_297 : vector<16xf32> to vector<16xf32>
    %swap3A_299 = vector.shape_cast %add3A_295 : vector<16xf32> to vector<16xf32>
    tpu.vector_store %arg4[%swap3A_296], %swap3A_299 {strides = array<i32>} : memref<3136xf32, #tpu.memory_space<vmem>>, vector<16xf32>,
    %get3A_300 = arith.constant 432 : index
    %get3A_301 = tpu.vector_load %arg4[%get3A_300] {strides = array<i32>} : memref<3136xf32, #tpu.memory_space<vmem>>, vector<16xf32>,
    %get3A_302 = vector.shape_cast %get3A_301 : vector<16xf32> to vector<16xf32>
    %get3A_303 = arith.constant 432 : index
    %get3A_304 = tpu.vector_load %arg5[%get3A_303] {strides = array<i32>} : memref<3136xf32, #tpu.memory_space<vmem>>, vector<16xf32>,
    %get3A_305 = vector.shape_cast %get3A_304 : vector<16xf32> to vector<16xf32>
    %add3A_306 = arith.addf %get3A_302, %get3A_305 : vector<16xf32>
    %swap3A_307 = arith.constant 432 : index
    %swap3A_308 = tpu.vector_load %arg4[%swap3A_307] {strides = array<i32>} : memref<3136xf32, #tpu.memory_space<vmem>>, vector<16xf32>,
    %swap3A_309 = vector.shape_cast %swap3A_308 : vector<16xf32> to vector<16xf32>
    %swap3A_310 = vector.shape_cast %add3A_306 : vector<16xf32> to vector<16xf32>
    tpu.vector_store %arg4[%swap3A_307], %swap3A_310 {strides = array<i32>} : memref<3136xf32, #tpu.memory_space<vmem>>, vector<16xf32>,
    %get3A_311 = arith.constant 448 : index
    %get3A_312 = tpu.vector_load %arg4[%get3A_311] {strides = array<i32>} : memref<3136xf32, #tpu.memory_space<vmem>>, vector<16xf32>,
    %get3A_313 = vector.shape_cast %get3A_312 : vector<16xf32> to vector<16xf32>
    %get3A_314 = arith.constant 448 : index
    %get3A_315 = tpu.vector_load %arg5[%get3A_314] {strides = array<i32>} : memref<3136xf32, #tpu.memory_space<vmem>>, vector<16xf32>,
    %get3A_316 = vector.shape_cast %get3A_315 : vector<16xf32> to vector<16xf32>
    %add3A_317 = arith.addf %get3A_313, %get3A_316 : vector<16xf32>
    %swap3A_318 = arith.constant 448 : index
    %swap3A_319 = tpu.vector_load %arg4[%swap3A_318] {strides = array<i32>} : memref<3136xf32, #tpu.memory_space<vmem>>, vector<16xf32>,
    %swap3A_320 = vector.shape_cast %swap3A_319 : vector<16xf32> to vector<16xf32>
    %swap3A_321 = vector.shape_cast %add3A_317 : vector<16xf32> to vector<16xf32>
    tpu.vector_store %arg4[%swap3A_318], %swap3A_321 {strides = array<i32>} : memref<3136xf32, #tpu.memory_space<vmem>>, vector<16xf32>,
    %get3A_322 = arith.constant 464 : index
    %get3A_323 = tpu.vector_load %arg4[%get3A_322] {strides = array<i32>} : memref<3136xf32, #tpu.memory_space<vmem>>, vector<16xf32>,
    %get3A_324 = vector.shape_cast %get3A_323 : vector<16xf32> to vector<16xf32>
    %get3A_325 = arith.constant 464 : index
    %get3A_326 = tpu.vector_load %arg5[%get3A_325] {strides = array<i32>} : memref<3136xf32, #tpu.memory_space<vmem>>, vector<16xf32>,
    %get3A_327 = vector.shape_cast %get3A_326 : vector<16xf32> to vector<16xf32>
    %add3A_328 = arith.addf %get3A_324, %get3A_327 : vector<16xf32>
    %swap3A_329 = arith.constant 464 : index
    %swap3A_330 = tpu.vector_load %arg4[%swap3A_329] {strides = array<i32>} : memref<3136xf32, #tpu.memory_space<vmem>>, vector<16xf32>,
    %swap3A_331 = vector.shape_cast %swap3A_330 : vector<16xf32> to vector<16xf32>
    %swap3A_332 = vector.shape_cast %add3A_328 : vector<16xf32> to vector<16xf32>
    tpu.vector_store %arg4[%swap3A_329], %swap3A_332 {strides = array<i32>} : memref<3136xf32, #tpu.memory_space<vmem>>, vector<16xf32>,
    %get3A_333 = arith.constant 480 : index
    %get3A_334 = tpu.vector_load %arg4[%get3A_333] {strides = array<i32>} : memref<3136xf32, #tpu.memory_space<vmem>>, vector<16xf32>,
    %get3A_335 = vector.shape_cast %get3A_334 : vector<16xf32> to vector<16xf32>
    %get3A_336 = arith.constant 480 : index
    %get3A_337 = tpu.vector_load %arg5[%get3A_336] {strides = array<i32>} : memref<3136xf32, #tpu.memory_space<vmem>>, vector<16xf32>,
    %get3A_338 = vector.shape_cast %get3A_337 : vector<16xf32> to vector<16xf32>
    %add3A_339 = arith.addf %get3A_335, %get3A_338 : vector<16xf32>
    %swap3A_340 = arith.constant 480 : index
    %swap3A_341 = tpu.vector_load %arg4[%swap3A_340] {strides = array<i32>} : memref<3136xf32, #tpu.memory_space<vmem>>, vector<16xf32>,
    %swap3A_342 = vector.shape_cast %swap3A_341 : vector<16xf32> to vector<16xf32>
    %swap3A_343 = vector.shape_cast %add3A_339 : vector<16xf32> to vector<16xf32>
    tpu.vector_store %arg4[%swap3A_340], %swap3A_343 {strides = array<i32>} : memref<3136xf32, #tpu.memory_space<vmem>>, vector<16xf32>,
    %get3A_344 = arith.constant 496 : index
    %get3A_345 = tpu.vector_load %arg4[%get3A_344] {strides = array<i32>} : memref<3136xf32, #tpu.memory_space<vmem>>, vector<16xf32>,
    %get3A_346 = vector.shape_cast %get3A_345 : vector<16xf32> to vector<16xf32>
    %get3A_347 = arith.constant 496 : index
    %get3A_348 = tpu.vector_load %arg5[%get3A_347] {strides = array<i32>} : memref<3136xf32, #tpu.memory_space<vmem>>, vector<16xf32>,
    %get3A_349 = vector.shape_cast %get3A_348 : vector<16xf32> to vector<16xf32>
    %add3A_350 = arith.addf %get3A_346, %get3A_349 : vector<16xf32>
    %swap3A_351 = arith.constant 496 : index
    %swap3A_352 = tpu.vector_load %arg4[%swap3A_351] {strides = array<i32>} : memref<3136xf32, #tpu.memory_space<vmem>>, vector<16xf32>,
    %swap3A_353 = vector.shape_cast %swap3A_352 : vector<16xf32> to vector<16xf32>
    %swap3A_354 = vector.shape_cast %add3A_350 : vector<16xf32> to vector<16xf32>
    tpu.vector_store %arg4[%swap3A_351], %swap3A_354 {strides = array<i32>} : memref<3136xf32, #tpu.memory_space<vmem>>, vector<16xf32>,
    %get3A_355 = arith.constant 512 : index
    %get3A_356 = tpu.vector_load %arg4[%get3A_355] {strides = array<i32>} : memref<3136xf32, #tpu.memory_space<vmem>>, vector<16xf32>,
    %get3A_357 = vector.shape_cast %get3A_356 : vector<16xf32> to vector<16xf32>
    %get3A_358 = arith.constant 512 : index
    %get3A_359 = tpu.vector_load %arg5[%get3A_358] {strides = array<i32>} : memref<3136xf32, #tpu.memory_space<vmem>>, vector<16xf32>,
    %get3A_360 = vector.shape_cast %get3A_359 : vector<16xf32> to vector<16xf32>
    %add3A_361 = arith.addf %get3A_357, %get3A_360 : vector<16xf32>
    %swap3A_362 = arith.constant 512 : index
    %swap3A_363 = tpu.vector_load %arg4[%swap3A_362] {strides = array<i32>} : memref<3136xf32, #tpu.memory_space<vmem>>, vector<16xf32>,
    %swap3A_364 = vector.shape_cast %swap3A_363 : vector<16xf32> to vector<16xf32>
    %swap3A_365 = vector.shape_cast %add3A_361 : vector<16xf32> to vector<16xf32>
    tpu.vector_store %arg4[%swap3A_362], %swap3A_365 {strides = array<i32>} : memref<3136xf32, #tpu.memory_space<vmem>>, vector<16xf32>,
    %get3A_366 = arith.constant 528 : index
    %get3A_367 = tpu.vector_load %arg4[%get3A_366] {strides = array<i32>} : memref<3136xf32, #tpu.memory_space<vmem>>, vector<16xf32>,
    %get3A_368 = vector.shape_cast %get3A_367 : vector<16xf32> to vector<16xf32>
    %get3A_369 = arith.constant 528 : index
    %get3A_370 = tpu.vector_load %arg5[%get3A_369] {strides = array<i32>} : memref<3136xf32, #tpu.memory_space<vmem>>, vector<16xf32>,
    %get3A_371 = vector.shape_cast %get3A_370 : vector<16xf32> to vector<16xf32>
    %add3A_372 = arith.addf %get3A_368, %get3A_371 : vector<16xf32>
    %swap3A_373 = arith.constant 528 : index
    %swap3A_374 = tpu.vector_load %arg4[%swap3A_373] {strides = array<i32>} : memref<3136xf32, #tpu.memory_space<vmem>>, vector<16xf32>,
    %swap3A_375 = vector.shape_cast %swap3A_374 : vector<16xf32> to vector<16xf32>
    %swap3A_376 = vector.shape_cast %add3A_372 : vector<16xf32> to vector<16xf32>
    tpu.vector_store %arg4[%swap3A_373], %swap3A_376 {strides = array<i32>} : memref<3136xf32, #tpu.memory_space<vmem>>, vector<16xf32>,
    %get3A_377 = arith.constant 544 : index
    %get3A_378 = tpu.vector_load %arg4[%get3A_377] {strides = array<i32>} : memref<3136xf32, #tpu.memory_space<vmem>>, vector<16xf32>,
    %get3A_379 = vector.shape_cast %get3A_378 : vector<16xf32> to vector<16xf32>
    %get3A_380 = arith.constant 544 : index
    %get3A_381 = tpu.vector_load %arg5[%get3A_380] {strides = array<i32>} : memref<3136xf32, #tpu.memory_space<vmem>>, vector<16xf32>,
    %get3A_382 = vector.shape_cast %get3A_381 : vector<16xf32> to vector<16xf32>
    %add3A_383 = arith.addf %get3A_379, %get3A_382 : vector<16xf32>
    %swap3A_384 = arith.constant 544 : index
    %swap3A_385 = tpu.vector_load %arg4[%swap3A_384] {strides = array<i32>} : memref<3136xf32, #tpu.memory_space<vmem>>, vector<16xf32>,
    %swap3A_386 = vector.shape_cast %swap3A_385 : vector<16xf32> to vector<16xf32>
    %swap3A_387 = vector.shape_cast %add3A_383 : vector<16xf32> to vector<16xf32>
    tpu.vector_store %arg4[%swap3A_384], %swap3A_387 {strides = array<i32>} : memref<3136xf32, #tpu.memory_space<vmem>>, vector<16xf32>,
    %get3A_388 = arith.constant 560 : index
    %get3A_389 = tpu.vector_load %arg4[%get3A_388] {strides = array<i32>} : memref<3136xf32, #tpu.memory_space<vmem>>, vector<16xf32>,
    %get3A_390 = vector.shape_cast %get3A_389 : vector<16xf32> to vector<16xf32>
    %get3A_391 = arith.constant 560 : index
    %get3A_392 = tpu.vector_load %arg5[%get3A_391] {strides = array<i32>} : memref<3136xf32, #tpu.memory_space<vmem>>, vector<16xf32>,
    %get3A_393 = vector.shape_cast %get3A_392 : vector<16xf32> to vector<16xf32>
    %add3A_394 = arith.addf %get3A_390, %get3A_393 : vector<16xf32>
    %swap3A_395 = arith.constant 560 : index
    %swap3A_396 = tpu.vector_load %arg4[%swap3A_395] {strides = array<i32>} : memref<3136xf32, #tpu.memory_space<vmem>>, vector<16xf32>,
    %swap3A_397 = vector.shape_cast %swap3A_396 : vector<16xf32> to vector<16xf32>
    %swap3A_398 = vector.shape_cast %add3A_394 : vector<16xf32> to vector<16xf32>
    tpu.vector_store %arg4[%swap3A_395], %swap3A_398 {strides = array<i32>} : memref<3136xf32, #tpu.memory_space<vmem>>, vector<16xf32>,
    %get3A_399 = arith.constant 576 : index
    %get3A_400 = tpu.vector_load %arg4[%get3A_399] {strides = array<i32>} : memref<3136xf32, #tpu.memory_space<vmem>>, vector<16xf32>,
    %get3A_401 = vector.shape_cast %get3A_400 : vector<16xf32> to vector<16xf32>
    %get3A_402 = arith.constant 576 : index
    %get3A_403 = tpu.vector_load %arg5[%get3A_402] {strides = array<i32>} : memref<3136xf32, #tpu.memory_space<vmem>>, vector<16xf32>,
    %get3A_404 = vector.shape_cast %get3A_403 : vector<16xf32> to vector<16xf32>
    %add3A_405 = arith.addf %get3A_401, %get3A_404 : vector<16xf32>
    %swap3A_406 = arith.constant 576 : index
    %swap3A_407 = tpu.vector_load %arg4[%swap3A_406] {strides = array<i32>} : memref<3136xf32, #tpu.memory_space<vmem>>, vector<16xf32>,
    %swap3A_408 = vector.shape_cast %swap3A_407 : vector<16xf32> to vector<16xf32>
    %swap3A_409 = vector.shape_cast %add3A_405 : vector<16xf32> to vector<16xf32>
    tpu.vector_store %arg4[%swap3A_406], %swap3A_409 {strides = array<i32>} : memref<3136xf32, #tpu.memory_space<vmem>>, vector<16xf32>,
    %get3A_410 = arith.constant 592 : index
    %get3A_411 = tpu.vector_load %arg4[%get3A_410] {strides = array<i32>} : memref<3136xf32, #tpu.memory_space<vmem>>, vector<16xf32>,
    %get3A_412 = vector.shape_cast %get3A_411 : vector<16xf32> to vector<16xf32>
    %get3A_413 = arith.constant 592 : index
    %get3A_414 = tpu.vector_load %arg5[%get3A_413] {strides = array<i32>} : memref<3136xf32, #tpu.memory_space<vmem>>, vector<16xf32>,
    %get3A_415 = vector.shape_cast %get3A_414 : vector<16xf32> to vector<16xf32>
    %add3A_416 = arith.addf %get3A_412, %get3A_415 : vector<16xf32>
    %swap3A_417 = arith.constant 592 : index
    %swap3A_418 = tpu.vector_load %arg4[%swap3A_417] {strides = array<i32>} : memref<3136xf32, #tpu.memory_space<vmem>>, vector<16xf32>,
    %swap3A_419 = vector.shape_cast %swap3A_418 : vector<16xf32> to vector<16xf32>
    %swap3A_420 = vector.shape_cast %add3A_416 : vector<16xf32> to vector<16xf32>
    tpu.vector_store %arg4[%swap3A_417], %swap3A_420 {strides = array<i32>} : memref<3136xf32, #tpu.memory_space<vmem>>, vector<16xf32>,
    %get3A_421 = arith.constant 608 : index
    %get3A_422 = tpu.vector_load %arg4[%get3A_421] {strides = array<i32>} : memref<3136xf32, #tpu.memory_space<vmem>>, vector<16xf32>,
    %get3A_423 = vector.shape_cast %get3A_422 : vector<16xf32> to vector<16xf32>
    %get3A_424 = arith.constant 608 : index
    %get3A_425 = tpu.vector_load %arg5[%get3A_424] {strides = array<i32>} : memref<3136xf32, #tpu.memory_space<vmem>>, vector<16xf32>,
    %get3A_426 = vector.shape_cast %get3A_425 : vector<16xf32> to vector<16xf32>
    %add3A_427 = arith.addf %get3A_423, %get3A_426 : vector<16xf32>
    %swap3A_428 = arith.constant 608 : index
    %swap3A_429 = tpu.vector_load %arg4[%swap3A_428] {strides = array<i32>} : memref<3136xf32, #tpu.memory_space<vmem>>, vector<16xf32>,
    %swap3A_430 = vector.shape_cast %swap3A_429 : vector<16xf32> to vector<16xf32>
    %swap3A_431 = vector.shape_cast %add3A_427 : vector<16xf32> to vector<16xf32>
    tpu.vector_store %arg4[%swap3A_428], %swap3A_431 {strides = array<i32>} : memref<3136xf32, #tpu.memory_space<vmem>>, vector<16xf32>,
    %get3A_432 = arith.constant 624 : index
    %get3A_433 = tpu.vector_load %arg4[%get3A_432] {strides = array<i32>} : memref<3136xf32, #tpu.memory_space<vmem>>, vector<16xf32>,
    %get3A_434 = vector.shape_cast %get3A_433 : vector<16xf32> to vector<16xf32>
    %get3A_435 = arith.constant 624 : index
    %get3A_436 = tpu.vector_load %arg5[%get3A_435] {strides = array<i32>} : memref<3136xf32, #tpu.memory_space<vmem>>, vector<16xf32>,
    %get3A_437 = vector.shape_cast %get3A_436 : vector<16xf32> to vector<16xf32>
    %add3A_438 = arith.addf %get3A_434, %get3A_437 : vector<16xf32>
    %swap3A_439 = arith.constant 624 : index
    %swap3A_440 = tpu.vector_load %arg4[%swap3A_439] {strides = array<i32>} : memref<3136xf32, #tpu.memory_space<vmem>>, vector<16xf32>,
    %swap3A_441 = vector.shape_cast %swap3A_440 : vector<16xf32> to vector<16xf32>
    %swap3A_442 = vector.shape_cast %add3A_438 : vector<16xf32> to vector<16xf32>
    tpu.vector_store %arg4[%swap3A_439], %swap3A_442 {strides = array<i32>} : memref<3136xf32, #tpu.memory_space<vmem>>, vector<16xf32>,
    %get3A_443 = arith.constant 640 : index
    %get3A_444 = tpu.vector_load %arg4[%get3A_443] {strides = array<i32>} : memref<3136xf32, #tpu.memory_space<vmem>>, vector<16xf32>,
    %get3A_445 = vector.shape_cast %get3A_444 : vector<16xf32> to vector<16xf32>
    %get3A_446 = arith.constant 640 : index
    %get3A_447 = tpu.vector_load %arg5[%get3A_446] {strides = array<i32>} : memref<3136xf32, #tpu.memory_space<vmem>>, vector<16xf32>,
    %get3A_448 = vector.shape_cast %get3A_447 : vector<16xf32> to vector<16xf32>
    %add3A_449 = arith.addf %get3A_445, %get3A_448 : vector<16xf32>
    %swap3A_450 = arith.constant 640 : index
    %swap3A_451 = tpu.vector_load %arg4[%swap3A_450] {strides = array<i32>} : memref<3136xf32, #tpu.memory_space<vmem>>, vector<16xf32>,
    %swap3A_452 = vector.shape_cast %swap3A_451 : vector<16xf32> to vector<16xf32>
    %swap3A_453 = vector.shape_cast %add3A_449 : vector<16xf32> to vector<16xf32>
    tpu.vector_store %arg4[%swap3A_450], %swap3A_453 {strides = array<i32>} : memref<3136xf32, #tpu.memory_space<vmem>>, vector<16xf32>,
    %get3A_454 = arith.constant 656 : index
    %get3A_455 = tpu.vector_load %arg4[%get3A_454] {strides = array<i32>} : memref<3136xf32, #tpu.memory_space<vmem>>, vector<16xf32>,
    %get3A_456 = vector.shape_cast %get3A_455 : vector<16xf32> to vector<16xf32>
    %get3A_457 = arith.constant 656 : index
    %get3A_458 = tpu.vector_load %arg5[%get3A_457] {strides = array<i32>} : memref<3136xf32, #tpu.memory_space<vmem>>, vector<16xf32>,
    %get3A_459 = vector.shape_cast %get3A_458 : vector<16xf32> to vector<16xf32>
    %add3A_460 = arith.addf %get3A_456, %get3A_459 : vector<16xf32>
    %swap3A_461 = arith.constant 656 : index
    %swap3A_462 = tpu.vector_load %arg4[%swap3A_461] {strides = array<i32>} : memref<3136xf32, #tpu.memory_space<vmem>>, vector<16xf32>,
    %swap3A_463 = vector.shape_cast %swap3A_462 : vector<16xf32> to vector<16xf32>
    %swap3A_464 = vector.shape_cast %add3A_460 : vector<16xf32> to vector<16xf32>
    tpu.vector_store %arg4[%swap3A_461], %swap3A_464 {strides = array<i32>} : memref<3136xf32, #tpu.memory_space<vmem>>, vector<16xf32>,
    %get3A_465 = arith.constant 672 : index
    %get3A_466 = tpu.vector_load %arg4[%get3A_465] {strides = array<i32>} : memref<3136xf32, #tpu.memory_space<vmem>>, vector<16xf32>,
    %get3A_467 = vector.shape_cast %get3A_466 : vector<16xf32> to vector<16xf32>
    %get3A_468 = arith.constant 672 : index
    %get3A_469 = tpu.vector_load %arg5[%get3A_468] {strides = array<i32>} : memref<3136xf32, #tpu.memory_space<vmem>>, vector<16xf32>,
    %get3A_470 = vector.shape_cast %get3A_469 : vector<16xf32> to vector<16xf32>
    %add3A_471 = arith.addf %get3A_467, %get3A_470 : vector<16xf32>
    %swap3A_472 = arith.constant 672 : index
    %swap3A_473 = tpu.vector_load %arg4[%swap3A_472] {strides = array<i32>} : memref<3136xf32, #tpu.memory_space<vmem>>, vector<16xf32>,
    %swap3A_474 = vector.shape_cast %swap3A_473 : vector<16xf32> to vector<16xf32>
    %swap3A_475 = vector.shape_cast %add3A_471 : vector<16xf32> to vector<16xf32>
    tpu.vector_store %arg4[%swap3A_472], %swap3A_475 {strides = array<i32>} : memref<3136xf32, #tpu.memory_space<vmem>>, vector<16xf32>,
    %get3A_476 = arith.constant 688 : index
    %get3A_477 = tpu.vector_load %arg4[%get3A_476] {strides = array<i32>} : memref<3136xf32, #tpu.memory_space<vmem>>, vector<16xf32>,
    %get3A_478 = vector.shape_cast %get3A_477 : vector<16xf32> to vector<16xf32>
    %get3A_479 = arith.constant 688 : index
    %get3A_480 = tpu.vector_load %arg5[%get3A_479] {strides = array<i32>} : memref<3136xf32, #tpu.memory_space<vmem>>, vector<16xf32>,
    %get3A_481 = vector.shape_cast %get3A_480 : vector<16xf32> to vector<16xf32>
    %add3A_482 = arith.addf %get3A_478, %get3A_481 : vector<16xf32>
    %swap3A_483 = arith.constant 688 : index
    %swap3A_484 = tpu.vector_load %arg4[%swap3A_483] {strides = array<i32>} : memref<3136xf32, #tpu.memory_space<vmem>>, vector<16xf32>,
    %swap3A_485 = vector.shape_cast %swap3A_484 : vector<16xf32> to vector<16xf32>
    %swap3A_486 = vector.shape_cast %add3A_482 : vector<16xf32> to vector<16xf32>
    tpu.vector_store %arg4[%swap3A_483], %swap3A_486 {strides = array<i32>} : memref<3136xf32, #tpu.memory_space<vmem>>, vector<16xf32>,
    %get3A_487 = arith.constant 704 : index
    %get3A_488 = tpu.vector_load %arg4[%get3A_487] {strides = array<i32>} : memref<3136xf32, #tpu.memory_space<vmem>>, vector<16xf32>,
    %get3A_489 = vector.shape_cast %get3A_488 : vector<16xf32> to vector<16xf32>
    %get3A_490 = arith.constant 704 : index
    %get3A_491 = tpu.vector_load %arg5[%get3A_490] {strides = array<i32>} : memref<3136xf32, #tpu.memory_space<vmem>>, vector<16xf32>,
    %get3A_492 = vector.shape_cast %get3A_491 : vector<16xf32> to vector<16xf32>
    %add3A_493 = arith.addf %get3A_489, %get3A_492 : vector<16xf32>
    %swap3A_494 = arith.constant 704 : index
    %swap3A_495 = tpu.vector_load %arg4[%swap3A_494] {strides = array<i32>} : memref<3136xf32, #tpu.memory_space<vmem>>, vector<16xf32>,
    %swap3A_496 = vector.shape_cast %swap3A_495 : vector<16xf32> to vector<16xf32>
    %swap3A_497 = vector.shape_cast %add3A_493 : vector<16xf32> to vector<16xf32>
    tpu.vector_store %arg4[%swap3A_494], %swap3A_497 {strides = array<i32>} : memref<3136xf32, #tpu.memory_space<vmem>>, vector<16xf32>,
    %get3A_498 = arith.constant 720 : index
    %get3A_499 = tpu.vector_load %arg4[%get3A_498] {strides = array<i32>} : memref<3136xf32, #tpu.memory_space<vmem>>, vector<16xf32>,
    %get3A_500 = vector.shape_cast %get3A_499 : vector<16xf32> to vector<16xf32>
    %get3A_501 = arith.constant 720 : index
    %get3A_502 = tpu.vector_load %arg5[%get3A_501] {strides = array<i32>} : memref<3136xf32, #tpu.memory_space<vmem>>, vector<16xf32>,
    %get3A_503 = vector.shape_cast %get3A_502 : vector<16xf32> to vector<16xf32>
    %add3A_504 = arith.addf %get3A_500, %get3A_503 : vector<16xf32>
    %swap3A_505 = arith.constant 720 : index
    %swap3A_506 = tpu.vector_load %arg4[%swap3A_505] {strides = array<i32>} : memref<3136xf32, #tpu.memory_space<vmem>>, vector<16xf32>,
    %swap3A_507 = vector.shape_cast %swap3A_506 : vector<16xf32> to vector<16xf32>
    %swap3A_508 = vector.shape_cast %add3A_504 : vector<16xf32> to vector<16xf32>
    tpu.vector_store %arg4[%swap3A_505], %swap3A_508 {strides = array<i32>} : memref<3136xf32, #tpu.memory_space<vmem>>, vector<16xf32>,
    %get3A_509 = arith.constant 736 : index
    %get3A_510 = tpu.vector_load %arg4[%get3A_509] {strides = array<i32>} : memref<3136xf32, #tpu.memory_space<vmem>>, vector<16xf32>,
    %get3A_511 = vector.shape_cast %get3A_510 : vector<16xf32> to vector<16xf32>
    %get3A_512 = arith.constant 736 : index
    %get3A_513 = tpu.vector_load %arg5[%get3A_512] {strides = array<i32>} : memref<3136xf32, #tpu.memory_space<vmem>>, vector<16xf32>,
    %get3A_514 = vector.shape_cast %get3A_513 : vector<16xf32> to vector<16xf32>
    %add3A_515 = arith.addf %get3A_511, %get3A_514 : vector<16xf32>
    %swap3A_516 = arith.constant 736 : index
    %swap3A_517 = tpu.vector_load %arg4[%swap3A_516] {strides = array<i32>} : memref<3136xf32, #tpu.memory_space<vmem>>, vector<16xf32>,
    %swap3A_518 = vector.shape_cast %swap3A_517 : vector<16xf32> to vector<16xf32>
    %swap3A_519 = vector.shape_cast %add3A_515 : vector<16xf32> to vector<16xf32>
    tpu.vector_store %arg4[%swap3A_516], %swap3A_519 {strides = array<i32>} : memref<3136xf32, #tpu.memory_space<vmem>>, vector<16xf32>,
    %get3A_520 = arith.constant 752 : index
    %get3A_521 = tpu.vector_load %arg4[%get3A_520] {strides = array<i32>} : memref<3136xf32, #tpu.memory_space<vmem>>, vector<16xf32>,
    %get3A_522 = vector.shape_cast %get3A_521 : vector<16xf32> to vector<16xf32>
    %get3A_523 = arith.constant 752 : index
    %get3A_524 = tpu.vector_load %arg5[%get3A_523] {strides = array<i32>} : memref<3136xf32, #tpu.memory_space<vmem>>, vector<16xf32>,
    %get3A_525 = vector.shape_cast %get3A_524 : vector<16xf32> to vector<16xf32>
    %add3A_526 = arith.addf %get3A_522, %get3A_525 : vector<16xf32>
    %swap3A_527 = arith.constant 752 : index
    %swap3A_528 = tpu.vector_load %arg4[%swap3A_527] {strides = array<i32>} : memref<3136xf32, #tpu.memory_space<vmem>>, vector<16xf32>,
    %swap3A_529 = vector.shape_cast %swap3A_528 : vector<16xf32> to vector<16xf32>
    %swap3A_530 = vector.shape_cast %add3A_526 : vector<16xf32> to vector<16xf32>
    tpu.vector_store %arg4[%swap3A_527], %swap3A_530 {strides = array<i32>} : memref<3136xf32, #tpu.memory_space<vmem>>, vector<16xf32>,
    %get3A_531 = arith.constant 768 : index
    %get3A_532 = tpu.vector_load %arg4[%get3A_531] {strides = array<i32>} : memref<3136xf32, #tpu.memory_space<vmem>>, vector<16xf32>,
    %get3A_533 = vector.shape_cast %get3A_532 : vector<16xf32> to vector<16xf32>
    %get3A_534 = arith.constant 768 : index
    %get3A_535 = tpu.vector_load %arg5[%get3A_534] {strides = array<i32>} : memref<3136xf32, #tpu.memory_space<vmem>>, vector<16xf32>,
    %get3A_536 = vector.shape_cast %get3A_535 : vector<16xf32> to vector<16xf32>
    %add3A_537 = arith.addf %get3A_533, %get3A_536 : vector<16xf32>
    %swap3A_538 = arith.constant 768 : index
    %swap3A_539 = tpu.vector_load %arg4[%swap3A_538] {strides = array<i32>} : memref<3136xf32, #tpu.memory_space<vmem>>, vector<16xf32>,
    %swap3A_540 = vector.shape_cast %swap3A_539 : vector<16xf32> to vector<16xf32>
    %swap3A_541 = vector.shape_cast %add3A_537 : vector<16xf32> to vector<16xf32>
    tpu.vector_store %arg4[%swap3A_538], %swap3A_541 {strides = array<i32>} : memref<3136xf32, #tpu.memory_space<vmem>>, vector<16xf32>,
    %get3A_542 = arith.constant 784 : index
    %get3A_543 = tpu.vector_load %arg4[%get3A_542] {strides = array<i32>} : memref<3136xf32, #tpu.memory_space<vmem>>, vector<16xf32>,
    %get3A_544 = vector.shape_cast %get3A_543 : vector<16xf32> to vector<16xf32>
    %get3A_545 = arith.constant 784 : index
    %get3A_546 = tpu.vector_load %arg5[%get3A_545] {strides = array<i32>} : memref<3136xf32, #tpu.memory_space<vmem>>, vector<16xf32>,
    %get3A_547 = vector.shape_cast %get3A_546 : vector<16xf32> to vector<16xf32>
    %add3A_548 = arith.addf %get3A_544, %get3A_547 : vector<16xf32>
    %swap3A_549 = arith.constant 784 : index
    %swap3A_550 = tpu.vector_load %arg4[%swap3A_549] {strides = array<i32>} : memref<3136xf32, #tpu.memory_space<vmem>>, vector<16xf32>,
    %swap3A_551 = vector.shape_cast %swap3A_550 : vector<16xf32> to vector<16xf32>
    %swap3A_552 = vector.shape_cast %add3A_548 : vector<16xf32> to vector<16xf32>
    tpu.vector_store %arg4[%swap3A_549], %swap3A_552 {strides = array<i32>} : memref<3136xf32, #tpu.memory_space<vmem>>, vector<16xf32>,
    %get3A_553 = arith.constant 800 : index
    %get3A_554 = tpu.vector_load %arg4[%get3A_553] {strides = array<i32>} : memref<3136xf32, #tpu.memory_space<vmem>>, vector<16xf32>,
    %get3A_555 = vector.shape_cast %get3A_554 : vector<16xf32> to vector<16xf32>
    %get3A_556 = arith.constant 800 : index
    %get3A_557 = tpu.vector_load %arg5[%get3A_556] {strides = array<i32>} : memref<3136xf32, #tpu.memory_space<vmem>>, vector<16xf32>,
    %get3A_558 = vector.shape_cast %get3A_557 : vector<16xf32> to vector<16xf32>
    %add3A_559 = arith.addf %get3A_555, %get3A_558 : vector<16xf32>
    %swap3A_560 = arith.constant 800 : index
    %swap3A_561 = tpu.vector_load %arg4[%swap3A_560] {strides = array<i32>} : memref<3136xf32, #tpu.memory_space<vmem>>, vector<16xf32>,
    %swap3A_562 = vector.shape_cast %swap3A_561 : vector<16xf32> to vector<16xf32>
    %swap3A_563 = vector.shape_cast %add3A_559 : vector<16xf32> to vector<16xf32>
    tpu.vector_store %arg4[%swap3A_560], %swap3A_563 {strides = array<i32>} : memref<3136xf32, #tpu.memory_space<vmem>>, vector<16xf32>,
    %get3A_564 = arith.constant 816 : index
    %get3A_565 = tpu.vector_load %arg4[%get3A_564] {strides = array<i32>} : memref<3136xf32, #tpu.memory_space<vmem>>, vector<16xf32>,
    %get3A_566 = vector.shape_cast %get3A_565 : vector<16xf32> to vector<16xf32>
    %get3A_567 = arith.constant 816 : index
    %get3A_568 = tpu.vector_load %arg5[%get3A_567] {strides = array<i32>} : memref<3136xf32, #tpu.memory_space<vmem>>, vector<16xf32>,
    %get3A_569 = vector.shape_cast %get3A_568 : vector<16xf32> to vector<16xf32>
    %add3A_570 = arith.addf %get3A_566, %get3A_569 : vector<16xf32>
    %swap3A_571 = arith.constant 816 : index
    %swap3A_572 = tpu.vector_load %arg4[%swap3A_571] {strides = array<i32>} : memref<3136xf32, #tpu.memory_space<vmem>>, vector<16xf32>,
    %swap3A_573 = vector.shape_cast %swap3A_572 : vector<16xf32> to vector<16xf32>
    %swap3A_574 = vector.shape_cast %add3A_570 : vector<16xf32> to vector<16xf32>
    tpu.vector_store %arg4[%swap3A_571], %swap3A_574 {strides = array<i32>} : memref<3136xf32, #tpu.memory_space<vmem>>, vector<16xf32>,
    %get3A_575 = arith.constant 832 : index
    %get3A_576 = tpu.vector_load %arg4[%get3A_575] {strides = array<i32>} : memref<3136xf32, #tpu.memory_space<vmem>>, vector<16xf32>,
    %get3A_577 = vector.shape_cast %get3A_576 : vector<16xf32> to vector<16xf32>
    %get3A_578 = arith.constant 832 : index
    %get3A_579 = tpu.vector_load %arg5[%get3A_578] {strides = array<i32>} : memref<3136xf32, #tpu.memory_space<vmem>>, vector<16xf32>,
    %get3A_580 = vector.shape_cast %get3A_579 : vector<16xf32> to vector<16xf32>
    %add3A_581 = arith.addf %get3A_577, %get3A_580 : vector<16xf32>
    %swap3A_582 = arith.constant 832 : index
    %swap3A_583 = tpu.vector_load %arg4[%swap3A_582] {strides = array<i32>} : memref<3136xf32, #tpu.memory_space<vmem>>, vector<16xf32>,
    %swap3A_584 = vector.shape_cast %swap3A_583 : vector<16xf32> to vector<16xf32>
    %swap3A_585 = vector.shape_cast %add3A_581 : vector<16xf32> to vector<16xf32>
    tpu.vector_store %arg4[%swap3A_582], %swap3A_585 {strides = array<i32>} : memref<3136xf32, #tpu.memory_space<vmem>>, vector<16xf32>,
    %get3A_586 = arith.constant 848 : index
    %get3A_587 = tpu.vector_load %arg4[%get3A_586] {strides = array<i32>} : memref<3136xf32, #tpu.memory_space<vmem>>, vector<16xf32>,
    %get3A_588 = vector.shape_cast %get3A_587 : vector<16xf32> to vector<16xf32>
    %get3A_589 = arith.constant 848 : index
    %get3A_590 = tpu.vector_load %arg5[%get3A_589] {strides = array<i32>} : memref<3136xf32, #tpu.memory_space<vmem>>, vector<16xf32>,
    %get3A_591 = vector.shape_cast %get3A_590 : vector<16xf32> to vector<16xf32>
    %add3A_592 = arith.addf %get3A_588, %get3A_591 : vector<16xf32>
    %swap3A_593 = arith.constant 848 : index
    %swap3A_594 = tpu.vector_load %arg4[%swap3A_593] {strides = array<i32>} : memref<3136xf32, #tpu.memory_space<vmem>>, vector<16xf32>,
    %swap3A_595 = vector.shape_cast %swap3A_594 : vector<16xf32> to vector<16xf32>
    %swap3A_596 = vector.shape_cast %add3A_592 : vector<16xf32> to vector<16xf32>
    tpu.vector_store %arg4[%swap3A_593], %swap3A_596 {strides = array<i32>} : memref<3136xf32, #tpu.memory_space<vmem>>, vector<16xf32>,
    %get3A_597 = arith.constant 864 : index
    %get3A_598 = tpu.vector_load %arg4[%get3A_597] {strides = array<i32>} : memref<3136xf32, #tpu.memory_space<vmem>>, vector<16xf32>,
    %get3A_599 = vector.shape_cast %get3A_598 : vector<16xf32> to vector<16xf32>
    %get3A_600 = arith.constant 864 : index
    %get3A_601 = tpu.vector_load %arg5[%get3A_600] {strides = array<i32>} : memref<3136xf32, #tpu.memory_space<vmem>>, vector<16xf32>,
    %get3A_602 = vector.shape_cast %get3A_601 : vector<16xf32> to vector<16xf32>
    %add3A_603 = arith.addf %get3A_599, %get3A_602 : vector<16xf32>
    %swap3A_604 = arith.constant 864 : index
    %swap3A_605 = tpu.vector_load %arg4[%swap3A_604] {strides = array<i32>} : memref<3136xf32, #tpu.memory_space<vmem>>, vector<16xf32>,
    %swap3A_606 = vector.shape_cast %swap3A_605 : vector<16xf32> to vector<16xf32>
    %swap3A_607 = vector.shape_cast %add3A_603 : vector<16xf32> to vector<16xf32>
    tpu.vector_store %arg4[%swap3A_604], %swap3A_607 {strides = array<i32>} : memref<3136xf32, #tpu.memory_space<vmem>>, vector<16xf32>,
    %get3A_608 = arith.constant 880 : index
    %get3A_609 = tpu.vector_load %arg4[%get3A_608] {strides = array<i32>} : memref<3136xf32, #tpu.memory_space<vmem>>, vector<16xf32>,
    %get3A_610 = vector.shape_cast %get3A_609 : vector<16xf32> to vector<16xf32>
    %get3A_611 = arith.constant 880 : index
    %get3A_612 = tpu.vector_load %arg5[%get3A_611] {strides = array<i32>} : memref<3136xf32, #tpu.memory_space<vmem>>, vector<16xf32>,
    %get3A_613 = vector.shape_cast %get3A_612 : vector<16xf32> to vector<16xf32>
    %add3A_614 = arith.addf %get3A_610, %get3A_613 : vector<16xf32>
    %swap3A_615 = arith.constant 880 : index
    %swap3A_616 = tpu.vector_load %arg4[%swap3A_615] {strides = array<i32>} : memref<3136xf32, #tpu.memory_space<vmem>>, vector<16xf32>,
    %swap3A_617 = vector.shape_cast %swap3A_616 : vector<16xf32> to vector<16xf32>
    %swap3A_618 = vector.shape_cast %add3A_614 : vector<16xf32> to vector<16xf32>
    tpu.vector_store %arg4[%swap3A_615], %swap3A_618 {strides = array<i32>} : memref<3136xf32, #tpu.memory_space<vmem>>, vector<16xf32>,
    %get3A_619 = arith.constant 896 : index
    %get3A_620 = tpu.vector_load %arg4[%get3A_619] {strides = array<i32>} : memref<3136xf32, #tpu.memory_space<vmem>>, vector<16xf32>,
    %get3A_621 = vector.shape_cast %get3A_620 : vector<16xf32> to vector<16xf32>
    %get3A_622 = arith.constant 896 : index
    %get3A_623 = tpu.vector_load %arg5[%get3A_622] {strides = array<i32>} : memref<3136xf32, #tpu.memory_space<vmem>>, vector<16xf32>,
    %get3A_624 = vector.shape_cast %get3A_623 : vector<16xf32> to vector<16xf32>
    %add3A_625 = arith.addf %get3A_621, %get3A_624 : vector<16xf32>
    %swap3A_626 = arith.constant 896 : index
    %swap3A_627 = tpu.vector_load %arg4[%swap3A_626] {strides = array<i32>} : memref<3136xf32, #tpu.memory_space<vmem>>, vector<16xf32>,
    %swap3A_628 = vector.shape_cast %swap3A_627 : vector<16xf32> to vector<16xf32>
    %swap3A_629 = vector.shape_cast %add3A_625 : vector<16xf32> to vector<16xf32>
    tpu.vector_store %arg4[%swap3A_626], %swap3A_629 {strides = array<i32>} : memref<3136xf32, #tpu.memory_space<vmem>>, vector<16xf32>,
    %get3A_630 = arith.constant 912 : index
    %get3A_631 = tpu.vector_load %arg4[%get3A_630] {strides = array<i32>} : memref<3136xf32, #tpu.memory_space<vmem>>, vector<16xf32>,
    %get3A_632 = vector.shape_cast %get3A_631 : vector<16xf32> to vector<16xf32>
    %get3A_633 = arith.constant 912 : index
    %get3A_634 = tpu.vector_load %arg5[%get3A_633] {strides = array<i32>} : memref<3136xf32, #tpu.memory_space<vmem>>, vector<16xf32>,
    %get3A_635 = vector.shape_cast %get3A_634 : vector<16xf32> to vector<16xf32>
    %add3A_636 = arith.addf %get3A_632, %get3A_635 : vector<16xf32>
    %swap3A_637 = arith.constant 912 : index
    %swap3A_638 = tpu.vector_load %arg4[%swap3A_637] {strides = array<i32>} : memref<3136xf32, #tpu.memory_space<vmem>>, vector<16xf32>,
    %swap3A_639 = vector.shape_cast %swap3A_638 : vector<16xf32> to vector<16xf32>
    %swap3A_640 = vector.shape_cast %add3A_636 : vector<16xf32> to vector<16xf32>
    tpu.vector_store %arg4[%swap3A_637], %swap3A_640 {strides = array<i32>} : memref<3136xf32, #tpu.memory_space<vmem>>, vector<16xf32>,
    %get3A_641 = arith.constant 928 : index
    %get3A_642 = tpu.vector_load %arg4[%get3A_641] {strides = array<i32>} : memref<3136xf32, #tpu.memory_space<vmem>>, vector<16xf32>,
    %get3A_643 = vector.shape_cast %get3A_642 : vector<16xf32> to vector<16xf32>
    %get3A_644 = arith.constant 928 : index
    %get3A_645 = tpu.vector_load %arg5[%get3A_644] {strides = array<i32>} : memref<3136xf32, #tpu.memory_space<vmem>>, vector<16xf32>,
    %get3A_646 = vector.shape_cast %get3A_645 : vector<16xf32> to vector<16xf32>
    %add3A_647 = arith.addf %get3A_643, %get3A_646 : vector<16xf32>
    %swap3A_648 = arith.constant 928 : index
    %swap3A_649 = tpu.vector_load %arg4[%swap3A_648] {strides = array<i32>} : memref<3136xf32, #tpu.memory_space<vmem>>, vector<16xf32>,
    %swap3A_650 = vector.shape_cast %swap3A_649 : vector<16xf32> to vector<16xf32>
    %swap3A_651 = vector.shape_cast %add3A_647 : vector<16xf32> to vector<16xf32>
    tpu.vector_store %arg4[%swap3A_648], %swap3A_651 {strides = array<i32>} : memref<3136xf32, #tpu.memory_space<vmem>>, vector<16xf32>,
    %get3A_652 = arith.constant 944 : index
    %get3A_653 = tpu.vector_load %arg4[%get3A_652] {strides = array<i32>} : memref<3136xf32, #tpu.memory_space<vmem>>, vector<16xf32>,
    %get3A_654 = vector.shape_cast %get3A_653 : vector<16xf32> to vector<16xf32>
    %get3A_655 = arith.constant 944 : index
    %get3A_656 = tpu.vector_load %arg5[%get3A_655] {strides = array<i32>} : memref<3136xf32, #tpu.memory_space<vmem>>, vector<16xf32>,
    %get3A_657 = vector.shape_cast %get3A_656 : vector<16xf32> to vector<16xf32>
    %add3A_658 = arith.addf %get3A_654, %get3A_657 : vector<16xf32>
    %swap3A_659 = arith.constant 944 : index
    %swap3A_660 = tpu.vector_load %arg4[%swap3A_659] {strides = array<i32>} : memref<3136xf32, #tpu.memory_space<vmem>>, vector<16xf32>,
    %swap3A_661 = vector.shape_cast %swap3A_660 : vector<16xf32> to vector<16xf32>
    %swap3A_662 = vector.shape_cast %add3A_658 : vector<16xf32> to vector<16xf32>
    tpu.vector_store %arg4[%swap3A_659], %swap3A_662 {strides = array<i32>} : memref<3136xf32, #tpu.memory_space<vmem>>, vector<16xf32>,
    %get3A_663 = arith.constant 960 : index
    %get3A_664 = tpu.vector_load %arg4[%get3A_663] {strides = array<i32>} : memref<3136xf32, #tpu.memory_space<vmem>>, vector<16xf32>,
    %get3A_665 = vector.shape_cast %get3A_664 : vector<16xf32> to vector<16xf32>
    %get3A_666 = arith.constant 960 : index
    %get3A_667 = tpu.vector_load %arg5[%get3A_666] {strides = array<i32>} : memref<3136xf32, #tpu.memory_space<vmem>>, vector<16xf32>,
    %get3A_668 = vector.shape_cast %get3A_667 : vector<16xf32> to vector<16xf32>
    %add3A_669 = arith.addf %get3A_665, %get3A_668 : vector<16xf32>
    %swap3A_670 = arith.constant 960 : index
    %swap3A_671 = tpu.vector_load %arg4[%swap3A_670] {strides = array<i32>} : memref<3136xf32, #tpu.memory_space<vmem>>, vector<16xf32>,
    %swap3A_672 = vector.shape_cast %swap3A_671 : vector<16xf32> to vector<16xf32>
    %swap3A_673 = vector.shape_cast %add3A_669 : vector<16xf32> to vector<16xf32>
    tpu.vector_store %arg4[%swap3A_670], %swap3A_673 {strides = array<i32>} : memref<3136xf32, #tpu.memory_space<vmem>>, vector<16xf32>,
    %get3A_674 = arith.constant 976 : index
    %get3A_675 = tpu.vector_load %arg4[%get3A_674] {strides = array<i32>} : memref<3136xf32, #tpu.memory_space<vmem>>, vector<16xf32>,
    %get3A_676 = vector.shape_cast %get3A_675 : vector<16xf32> to vector<16xf32>
    %get3A_677 = arith.constant 976 : index
    %get3A_678 = tpu.vector_load %arg5[%get3A_677] {strides = array<i32>} : memref<3136xf32, #tpu.memory_space<vmem>>, vector<16xf32>,
    %get3A_679 = vector.shape_cast %get3A_678 : vector<16xf32> to vector<16xf32>
    %add3A_680 = arith.addf %get3A_676, %get3A_679 : vector<16xf32>
    %swap3A_681 = arith.constant 976 : index
    %swap3A_682 = tpu.vector_load %arg4[%swap3A_681] {strides = array<i32>} : memref<3136xf32, #tpu.memory_space<vmem>>, vector<16xf32>,
    %swap3A_683 = vector.shape_cast %swap3A_682 : vector<16xf32> to vector<16xf32>
    %swap3A_684 = vector.shape_cast %add3A_680 : vector<16xf32> to vector<16xf32>
    tpu.vector_store %arg4[%swap3A_681], %swap3A_684 {strides = array<i32>} : memref<3136xf32, #tpu.memory_space<vmem>>, vector<16xf32>,
    %get3A_685 = arith.constant 992 : index
    %get3A_686 = tpu.vector_load %arg4[%get3A_685] {strides = array<i32>} : memref<3136xf32, #tpu.memory_space<vmem>>, vector<16xf32>,
    %get3A_687 = vector.shape_cast %get3A_686 : vector<16xf32> to vector<16xf32>
    %get3A_688 = arith.constant 992 : index
    %get3A_689 = tpu.vector_load %arg5[%get3A_688] {strides = array<i32>} : memref<3136xf32, #tpu.memory_space<vmem>>, vector<16xf32>,
    %get3A_690 = vector.shape_cast %get3A_689 : vector<16xf32> to vector<16xf32>
    %add3A_691 = arith.addf %get3A_687, %get3A_690 : vector<16xf32>
    %swap3A_692 = arith.constant 992 : index
    %swap3A_693 = tpu.vector_load %arg4[%swap3A_692] {strides = array<i32>} : memref<3136xf32, #tpu.memory_space<vmem>>, vector<16xf32>,
    %swap3A_694 = vector.shape_cast %swap3A_693 : vector<16xf32> to vector<16xf32>
    %swap3A_695 = vector.shape_cast %add3A_691 : vector<16xf32> to vector<16xf32>
    tpu.vector_store %arg4[%swap3A_692], %swap3A_695 {strides = array<i32>} : memref<3136xf32, #tpu.memory_space<vmem>>, vector<16xf32>,
    %get3A_696 = arith.constant 1008 : index
    %get3A_697 = tpu.vector_load %arg4[%get3A_696] {strides = array<i32>} : memref<3136xf32, #tpu.memory_space<vmem>>, vector<16xf32>,
    %get3A_698 = vector.shape_cast %get3A_697 : vector<16xf32> to vector<16xf32>
    %get3A_699 = arith.constant 1008 : index
    %get3A_700 = tpu.vector_load %arg5[%get3A_699] {strides = array<i32>} : memref<3136xf32, #tpu.memory_space<vmem>>, vector<16xf32>,
    %get3A_701 = vector.shape_cast %get3A_700 : vector<16xf32> to vector<16xf32>
    %add3A_702 = arith.addf %get3A_698, %get3A_701 : vector<16xf32>
    %swap3A_703 = arith.constant 1008 : index
    %swap3A_704 = tpu.vector_load %arg4[%swap3A_703] {strides = array<i32>} : memref<3136xf32, #tpu.memory_space<vmem>>, vector<16xf32>,
    %swap3A_705 = vector.shape_cast %swap3A_704 : vector<16xf32> to vector<16xf32>
    %swap3A_706 = vector.shape_cast %add3A_702 : vector<16xf32> to vector<16xf32>
    tpu.vector_store %arg4[%swap3A_703], %swap3A_706 {strides = array<i32>} : memref<3136xf32, #tpu.memory_space<vmem>>, vector<16xf32>,
    %get3A_707 = arith.constant 1024 : index
    %get3A_708 = tpu.vector_load %arg4[%get3A_707] {strides = array<i32>} : memref<3136xf32, #tpu.memory_space<vmem>>, vector<16xf32>,
    %get3A_709 = vector.shape_cast %get3A_708 : vector<16xf32> to vector<16xf32>
    %get3A_710 = arith.constant 1024 : index
    %get3A_711 = tpu.vector_load %arg5[%get3A_710] {strides = array<i32>} : memref<3136xf32, #tpu.memory_space<vmem>>, vector<16xf32>,
    %get3A_712 = vector.shape_cast %get3A_711 : vector<16xf32> to vector<16xf32>
    %add3A_713 = arith.addf %get3A_709, %get3A_712 : vector<16xf32>
    %swap3A_714 = arith.constant 1024 : index
    %swap3A_715 = tpu.vector_load %arg4[%swap3A_714] {strides = array<i32>} : memref<3136xf32, #tpu.memory_space<vmem>>, vector<16xf32>,
    %swap3A_716 = vector.shape_cast %swap3A_715 : vector<16xf32> to vector<16xf32>
    %swap3A_717 = vector.shape_cast %add3A_713 : vector<16xf32> to vector<16xf32>
    tpu.vector_store %arg4[%swap3A_714], %swap3A_717 {strides = array<i32>} : memref<3136xf32, #tpu.memory_space<vmem>>, vector<16xf32>,
    %get3A_718 = arith.constant 1040 : index
    %get3A_719 = tpu.vector_load %arg4[%get3A_718] {strides = array<i32>} : memref<3136xf32, #tpu.memory_space<vmem>>, vector<16xf32>,
    %get3A_720 = vector.shape_cast %get3A_719 : vector<16xf32> to vector<16xf32>
    %get3A_721 = arith.constant 1040 : index
    %get3A_722 = tpu.vector_load %arg5[%get3A_721] {strides = array<i32>} : memref<3136xf32, #tpu.memory_space<vmem>>, vector<16xf32>,
    %get3A_723 = vector.shape_cast %get3A_722 : vector<16xf32> to vector<16xf32>
    %add3A_724 = arith.addf %get3A_720, %get3A_723 : vector<16xf32>
    %swap3A_725 = arith.constant 1040 : index
    %swap3A_726 = tpu.vector_load %arg4[%swap3A_725] {strides = array<i32>} : memref<3136xf32, #tpu.memory_space<vmem>>, vector<16xf32>,
    %swap3A_727 = vector.shape_cast %swap3A_726 : vector<16xf32> to vector<16xf32>
    %swap3A_728 = vector.shape_cast %add3A_724 : vector<16xf32> to vector<16xf32>
    tpu.vector_store %arg4[%swap3A_725], %swap3A_728 {strides = array<i32>} : memref<3136xf32, #tpu.memory_space<vmem>>, vector<16xf32>,
    %get3A_729 = arith.constant 1056 : index
    %get3A_730 = tpu.vector_load %arg4[%get3A_729] {strides = array<i32>} : memref<3136xf32, #tpu.memory_space<vmem>>, vector<16xf32>,
    %get3A_731 = vector.shape_cast %get3A_730 : vector<16xf32> to vector<16xf32>
    %get3A_732 = arith.constant 1056 : index
    %get3A_733 = tpu.vector_load %arg5[%get3A_732] {strides = array<i32>} : memref<3136xf32, #tpu.memory_space<vmem>>, vector<16xf32>,
    %get3A_734 = vector.shape_cast %get3A_733 : vector<16xf32> to vector<16xf32>
    %add3A_735 = arith.addf %get3A_731, %get3A_734 : vector<16xf32>
    %swap3A_736 = arith.constant 1056 : index
    %swap3A_737 = tpu.vector_load %arg4[%swap3A_736] {strides = array<i32>} : memref<3136xf32, #tpu.memory_space<vmem>>, vector<16xf32>,
    %swap3A_738 = vector.shape_cast %swap3A_737 : vector<16xf32> to vector<16xf32>
    %swap3A_739 = vector.shape_cast %add3A_735 : vector<16xf32> to vector<16xf32>
    tpu.vector_store %arg4[%swap3A_736], %swap3A_739 {strides = array<i32>} : memref<3136xf32, #tpu.memory_space<vmem>>, vector<16xf32>,
    %get3A_740 = arith.constant 1072 : index
    %get3A_741 = tpu.vector_load %arg4[%get3A_740] {strides = array<i32>} : memref<3136xf32, #tpu.memory_space<vmem>>, vector<16xf32>,
    %get3A_742 = vector.shape_cast %get3A_741 : vector<16xf32> to vector<16xf32>
    %get3A_743 = arith.constant 1072 : index
    %get3A_744 = tpu.vector_load %arg5[%get3A_743] {strides = array<i32>} : memref<3136xf32, #tpu.memory_space<vmem>>, vector<16xf32>,
    %get3A_745 = vector.shape_cast %get3A_744 : vector<16xf32> to vector<16xf32>
    %add3A_746 = arith.addf %get3A_742, %get3A_745 : vector<16xf32>
    %swap3A_747 = arith.constant 1072 : index
    %swap3A_748 = tpu.vector_load %arg4[%swap3A_747] {strides = array<i32>} : memref<3136xf32, #tpu.memory_space<vmem>>, vector<16xf32>,
    %swap3A_749 = vector.shape_cast %swap3A_748 : vector<16xf32> to vector<16xf32>
    %swap3A_750 = vector.shape_cast %add3A_746 : vector<16xf32> to vector<16xf32>
    tpu.vector_store %arg4[%swap3A_747], %swap3A_750 {strides = array<i32>} : memref<3136xf32, #tpu.memory_space<vmem>>, vector<16xf32>,
    %get3A_751 = arith.constant 1088 : index
    %get3A_752 = tpu.vector_load %arg4[%get3A_751] {strides = array<i32>} : memref<3136xf32, #tpu.memory_space<vmem>>, vector<16xf32>,
    %get3A_753 = vector.shape_cast %get3A_752 : vector<16xf32> to vector<16xf32>
    %get3A_754 = arith.constant 1088 : index
    %get3A_755 = tpu.vector_load %arg5[%get3A_754] {strides = array<i32>} : memref<3136xf32, #tpu.memory_space<vmem>>, vector<16xf32>,
    %get3A_756 = vector.shape_cast %get3A_755 : vector<16xf32> to vector<16xf32>
    %add3A_757 = arith.addf %get3A_753, %get3A_756 : vector<16xf32>
    %swap3A_758 = arith.constant 1088 : index
    %swap3A_759 = tpu.vector_load %arg4[%swap3A_758] {strides = array<i32>} : memref<3136xf32, #tpu.memory_space<vmem>>, vector<16xf32>,
    %swap3A_760 = vector.shape_cast %swap3A_759 : vector<16xf32> to vector<16xf32>
    %swap3A_761 = vector.shape_cast %add3A_757 : vector<16xf32> to vector<16xf32>
    tpu.vector_store %arg4[%swap3A_758], %swap3A_761 {strides = array<i32>} : memref<3136xf32, #tpu.memory_space<vmem>>, vector<16xf32>,
    %get3A_762 = arith.constant 1104 : index
    %get3A_763 = tpu.vector_load %arg4[%get3A_762] {strides = array<i32>} : memref<3136xf32, #tpu.memory_space<vmem>>, vector<16xf32>,
    %get3A_764 = vector.shape_cast %get3A_763 : vector<16xf32> to vector<16xf32>
    %get3A_765 = arith.constant 1104 : index
    %get3A_766 = tpu.vector_load %arg5[%get3A_765] {strides = array<i32>} : memref<3136xf32, #tpu.memory_space<vmem>>, vector<16xf32>,
    %get3A_767 = vector.shape_cast %get3A_766 : vector<16xf32> to vector<16xf32>
    %add3A_768 = arith.addf %get3A_764, %get3A_767 : vector<16xf32>
    %swap3A_769 = arith.constant 1104 : index
    %swap3A_770 = tpu.vector_load %arg4[%swap3A_769] {strides = array<i32>} : memref<3136xf32, #tpu.memory_space<vmem>>, vector<16xf32>,
    %swap3A_771 = vector.shape_cast %swap3A_770 : vector<16xf32> to vector<16xf32>
    %swap3A_772 = vector.shape_cast %add3A_768 : vector<16xf32> to vector<16xf32>
    tpu.vector_store %arg4[%swap3A_769], %swap3A_772 {strides = array<i32>} : memref<3136xf32, #tpu.memory_space<vmem>>, vector<16xf32>,
    %get3A_773 = arith.constant 1120 : index
    %get3A_774 = tpu.vector_load %arg4[%get3A_773] {strides = array<i32>} : memref<3136xf32, #tpu.memory_space<vmem>>, vector<16xf32>,
    %get3A_775 = vector.shape_cast %get3A_774 : vector<16xf32> to vector<16xf32>
    %get3A_776 = arith.constant 1120 : index
    %get3A_777 = tpu.vector_load %arg5[%get3A_776] {strides = array<i32>} : memref<3136xf32, #tpu.memory_space<vmem>>, vector<16xf32>,
    %get3A_778 = vector.shape_cast %get3A_777 : vector<16xf32> to vector<16xf32>
    %add3A_779 = arith.addf %get3A_775, %get3A_778 : vector<16xf32>
    %swap3A_780 = arith.constant 1120 : index
    %swap3A_781 = tpu.vector_load %arg4[%swap3A_780] {strides = array<i32>} : memref<3136xf32, #tpu.memory_space<vmem>>, vector<16xf32>,
    %swap3A_782 = vector.shape_cast %swap3A_781 : vector<16xf32> to vector<16xf32>
    %swap3A_783 = vector.shape_cast %add3A_779 : vector<16xf32> to vector<16xf32>
    tpu.vector_store %arg4[%swap3A_780], %swap3A_783 {strides = array<i32>} : memref<3136xf32, #tpu.memory_space<vmem>>, vector<16xf32>,
    %get3A_784 = arith.constant 1136 : index
    %get3A_785 = tpu.vector_load %arg4[%get3A_784] {strides = array<i32>} : memref<3136xf32, #tpu.memory_space<vmem>>, vector<16xf32>,
    %get3A_786 = vector.shape_cast %get3A_785 : vector<16xf32> to vector<16xf32>
    %get3A_787 = arith.constant 1136 : index
    %get3A_788 = tpu.vector_load %arg5[%get3A_787] {strides = array<i32>} : memref<3136xf32, #tpu.memory_space<vmem>>, vector<16xf32>,
    %get3A_789 = vector.shape_cast %get3A_788 : vector<16xf32> to vector<16xf32>
    %add3A_790 = arith.addf %get3A_786, %get3A_789 : vector<16xf32>
    %swap3A_791 = arith.constant 1136 : index
    %swap3A_792 = tpu.vector_load %arg4[%swap3A_791] {strides = array<i32>} : memref<3136xf32, #tpu.memory_space<vmem>>, vector<16xf32>,
    %swap3A_793 = vector.shape_cast %swap3A_792 : vector<16xf32> to vector<16xf32>
    %swap3A_794 = vector.shape_cast %add3A_790 : vector<16xf32> to vector<16xf32>
    tpu.vector_store %arg4[%swap3A_791], %swap3A_794 {strides = array<i32>} : memref<3136xf32, #tpu.memory_space<vmem>>, vector<16xf32>,
    %get3A_795 = arith.constant 1152 : index
    %get3A_796 = tpu.vector_load %arg4[%get3A_795] {strides = array<i32>} : memref<3136xf32, #tpu.memory_space<vmem>>, vector<16xf32>,
    %get3A_797 = vector.shape_cast %get3A_796 : vector<16xf32> to vector<16xf32>
    %get3A_798 = arith.constant 1152 : index
    %get3A_799 = tpu.vector_load %arg5[%get3A_798] {strides = array<i32>} : memref<3136xf32, #tpu.memory_space<vmem>>, vector<16xf32>,
    %get3A_800 = vector.shape_cast %get3A_799 : vector<16xf32> to vector<16xf32>
    %add3A_801 = arith.addf %get3A_797, %get3A_800 : vector<16xf32>
    %swap3A_802 = arith.constant 1152 : index
    %swap3A_803 = tpu.vector_load %arg4[%swap3A_802] {strides = array<i32>} : memref<3136xf32, #tpu.memory_space<vmem>>, vector<16xf32>,
    %swap3A_804 = vector.shape_cast %swap3A_803 : vector<16xf32> to vector<16xf32>
    %swap3A_805 = vector.shape_cast %add3A_801 : vector<16xf32> to vector<16xf32>
    tpu.vector_store %arg4[%swap3A_802], %swap3A_805 {strides = array<i32>} : memref<3136xf32, #tpu.memory_space<vmem>>, vector<16xf32>,
    %get3A_806 = arith.constant 1168 : index
    %get3A_807 = tpu.vector_load %arg4[%get3A_806] {strides = array<i32>} : memref<3136xf32, #tpu.memory_space<vmem>>, vector<16xf32>,
    %get3A_808 = vector.shape_cast %get3A_807 : vector<16xf32> to vector<16xf32>
    %get3A_809 = arith.constant 1168 : index
    %get3A_810 = tpu.vector_load %arg5[%get3A_809] {strides = array<i32>} : memref<3136xf32, #tpu.memory_space<vmem>>, vector<16xf32>,
    %get3A_811 = vector.shape_cast %get3A_810 : vector<16xf32> to vector<16xf32>
    %add3A_812 = arith.addf %get3A_808, %get3A_811 : vector<16xf32>
    %swap3A_813 = arith.constant 1168 : index
    %swap3A_814 = tpu.vector_load %arg4[%swap3A_813] {strides = array<i32>} : memref<3136xf32, #tpu.memory_space<vmem>>, vector<16xf32>,
    %swap3A_815 = vector.shape_cast %swap3A_814 : vector<16xf32> to vector<16xf32>
    %swap3A_816 = vector.shape_cast %add3A_812 : vector<16xf32> to vector<16xf32>
    tpu.vector_store %arg4[%swap3A_813], %swap3A_816 {strides = array<i32>} : memref<3136xf32, #tpu.memory_space<vmem>>, vector<16xf32>,
    %get3A_817 = arith.constant 1184 : index
    %get3A_818 = tpu.vector_load %arg4[%get3A_817] {strides = array<i32>} : memref<3136xf32, #tpu.memory_space<vmem>>, vector<16xf32>,
    %get3A_819 = vector.shape_cast %get3A_818 : vector<16xf32> to vector<16xf32>
    %get3A_820 = arith.constant 1184 : index
    %get3A_821 = tpu.vector_load %arg5[%get3A_820] {strides = array<i32>} : memref<3136xf32, #tpu.memory_space<vmem>>, vector<16xf32>,
    %get3A_822 = vector.shape_cast %get3A_821 : vector<16xf32> to vector<16xf32>
    %add3A_823 = arith.addf %get3A_819, %get3A_822 : vector<16xf32>
    %swap3A_824 = arith.constant 1184 : index
    %swap3A_825 = tpu.vector_load %arg4[%swap3A_824] {strides = array<i32>} : memref<3136xf32, #tpu.memory_space<vmem>>, vector<16xf32>,
    %swap3A_826 = vector.shape_cast %swap3A_825 : vector<16xf32> to vector<16xf32>
    %swap3A_827 = vector.shape_cast %add3A_823 : vector<16xf32> to vector<16xf32>
    tpu.vector_store %arg4[%swap3A_824], %swap3A_827 {strides = array<i32>} : memref<3136xf32, #tpu.memory_space<vmem>>, vector<16xf32>,
    %get3A_828 = arith.constant 1200 : index
    %get3A_829 = tpu.vector_load %arg4[%get3A_828] {strides = array<i32>} : memref<3136xf32, #tpu.memory_space<vmem>>, vector<16xf32>,
    %get3A_830 = vector.shape_cast %get3A_829 : vector<16xf32> to vector<16xf32>
    %get3A_831 = arith.constant 1200 : index
    %get3A_832 = tpu.vector_load %arg5[%get3A_831] {strides = array<i32>} : memref<3136xf32, #tpu.memory_space<vmem>>, vector<16xf32>,
    %get3A_833 = vector.shape_cast %get3A_832 : vector<16xf32> to vector<16xf32>
    %add3A_834 = arith.addf %get3A_830, %get3A_833 : vector<16xf32>
    %swap3A_835 = arith.constant 1200 : index
    %swap3A_836 = tpu.vector_load %arg4[%swap3A_835] {strides = array<i32>} : memref<3136xf32, #tpu.memory_space<vmem>>, vector<16xf32>,
    %swap3A_837 = vector.shape_cast %swap3A_836 : vector<16xf32> to vector<16xf32>
    %swap3A_838 = vector.shape_cast %add3A_834 : vector<16xf32> to vector<16xf32>
    tpu.vector_store %arg4[%swap3A_835], %swap3A_838 {strides = array<i32>} : memref<3136xf32, #tpu.memory_space<vmem>>, vector<16xf32>,
    %get3A_839 = arith.constant 1216 : index
    %get3A_840 = tpu.vector_load %arg4[%get3A_839] {strides = array<i32>} : memref<3136xf32, #tpu.memory_space<vmem>>, vector<16xf32>,
    %get3A_841 = vector.shape_cast %get3A_840 : vector<16xf32> to vector<16xf32>
    %get3A_842 = arith.constant 1216 : index
    %get3A_843 = tpu.vector_load %arg5[%get3A_842] {strides = array<i32>} : memref<3136xf32, #tpu.memory_space<vmem>>, vector<16xf32>,
    %get3A_844 = vector.shape_cast %get3A_843 : vector<16xf32> to vector<16xf32>
    %add3A_845 = arith.addf %get3A_841, %get3A_844 : vector<16xf32>
    %swap3A_846 = arith.constant 1216 : index
    %swap3A_847 = tpu.vector_load %arg4[%swap3A_846] {strides = array<i32>} : memref<3136xf32, #tpu.memory_space<vmem>>, vector<16xf32>,
    %swap3A_848 = vector.shape_cast %swap3A_847 : vector<16xf32> to vector<16xf32>
    %swap3A_849 = vector.shape_cast %add3A_845 : vector<16xf32> to vector<16xf32>
    tpu.vector_store %arg4[%swap3A_846], %swap3A_849 {strides = array<i32>} : memref<3136xf32, #tpu.memory_space<vmem>>, vector<16xf32>,
    %get3A_850 = arith.constant 1232 : index
    %get3A_851 = tpu.vector_load %arg4[%get3A_850] {strides = array<i32>} : memref<3136xf32, #tpu.memory_space<vmem>>, vector<16xf32>,
    %get3A_852 = vector.shape_cast %get3A_851 : vector<16xf32> to vector<16xf32>
    %get3A_853 = arith.constant 1232 : index
    %get3A_854 = tpu.vector_load %arg5[%get3A_853] {strides = array<i32>} : memref<3136xf32, #tpu.memory_space<vmem>>, vector<16xf32>,
    %get3A_855 = vector.shape_cast %get3A_854 : vector<16xf32> to vector<16xf32>
    %add3A_856 = arith.addf %get3A_852, %get3A_855 : vector<16xf32>
    %swap3A_857 = arith.constant 1232 : index
    %swap3A_858 = tpu.vector_load %arg4[%swap3A_857] {strides = array<i32>} : memref<3136xf32, #tpu.memory_space<vmem>>, vector<16xf32>,
    %swap3A_859 = vector.shape_cast %swap3A_858 : vector<16xf32> to vector<16xf32>
    %swap3A_860 = vector.shape_cast %add3A_856 : vector<16xf32> to vector<16xf32>
    tpu.vector_store %arg4[%swap3A_857], %swap3A_860 {strides = array<i32>} : memref<3136xf32, #tpu.memory_space<vmem>>, vector<16xf32>,
    %get3A_861 = arith.constant 1248 : index
    %get3A_862 = tpu.vector_load %arg4[%get3A_861] {strides = array<i32>} : memref<3136xf32, #tpu.memory_space<vmem>>, vector<16xf32>,
    %get3A_863 = vector.shape_cast %get3A_862 : vector<16xf32> to vector<16xf32>
    %get3A_864 = arith.constant 1248 : index
    %get3A_865 = tpu.vector_load %arg5[%get3A_864] {strides = array<i32>} : memref<3136xf32, #tpu.memory_space<vmem>>, vector<16xf32>,
    %get3A_866 = vector.shape_cast %get3A_865 : vector<16xf32> to vector<16xf32>
    %add3A_867 = arith.addf %get3A_863, %get3A_866 : vector<16xf32>
    %swap3A_868 = arith.constant 1248 : index
    %swap3A_869 = tpu.vector_load %arg4[%swap3A_868] {strides = array<i32>} : memref<3136xf32, #tpu.memory_space<vmem>>, vector<16xf32>,
    %swap3A_870 = vector.shape_cast %swap3A_869 : vector<16xf32> to vector<16xf32>
    %swap3A_871 = vector.shape_cast %add3A_867 : vector<16xf32> to vector<16xf32>
    tpu.vector_store %arg4[%swap3A_868], %swap3A_871 {strides = array<i32>} : memref<3136xf32, #tpu.memory_space<vmem>>, vector<16xf32>,
    %get3A_872 = arith.constant 1264 : index
    %get3A_873 = tpu.vector_load %arg4[%get3A_872] {strides = array<i32>} : memref<3136xf32, #tpu.memory_space<vmem>>, vector<16xf32>,
    %get3A_874 = vector.shape_cast %get3A_873 : vector<16xf32> to vector<16xf32>
    %get3A_875 = arith.constant 1264 : index
    %get3A_876 = tpu.vector_load %arg5[%get3A_875] {strides = array<i32>} : memref<3136xf32, #tpu.memory_space<vmem>>, vector<16xf32>,
    %get3A_877 = vector.shape_cast %get3A_876 : vector<16xf32> to vector<16xf32>
    %add3A_878 = arith.addf %get3A_874, %get3A_877 : vector<16xf32>
    %swap3A_879 = arith.constant 1264 : index
    %swap3A_880 = tpu.vector_load %arg4[%swap3A_879] {strides = array<i32>} : memref<3136xf32, #tpu.memory_space<vmem>>, vector<16xf32>,
    %swap3A_881 = vector.shape_cast %swap3A_880 : vector<16xf32> to vector<16xf32>
    %swap3A_882 = vector.shape_cast %add3A_878 : vector<16xf32> to vector<16xf32>
    tpu.vector_store %arg4[%swap3A_879], %swap3A_882 {strides = array<i32>} : memref<3136xf32, #tpu.memory_space<vmem>>, vector<16xf32>,
    %get3A_883 = arith.constant 1280 : index
    %get3A_884 = tpu.vector_load %arg4[%get3A_883] {strides = array<i32>} : memref<3136xf32, #tpu.memory_space<vmem>>, vector<16xf32>,
    %get3A_885 = vector.shape_cast %get3A_884 : vector<16xf32> to vector<16xf32>
    %get3A_886 = arith.constant 1280 : index
    %get3A_887 = tpu.vector_load %arg5[%get3A_886] {strides = array<i32>} : memref<3136xf32, #tpu.memory_space<vmem>>, vector<16xf32>,
    %get3A_888 = vector.shape_cast %get3A_887 : vector<16xf32> to vector<16xf32>
    %add3A_889 = arith.addf %get3A_885, %get3A_888 : vector<16xf32>
    %swap3A_890 = arith.constant 1280 : index
    %swap3A_891 = tpu.vector_load %arg4[%swap3A_890] {strides = array<i32>} : memref<3136xf32, #tpu.memory_space<vmem>>, vector<16xf32>,
    %swap3A_892 = vector.shape_cast %swap3A_891 : vector<16xf32> to vector<16xf32>
    %swap3A_893 = vector.shape_cast %add3A_889 : vector<16xf32> to vector<16xf32>
    tpu.vector_store %arg4[%swap3A_890], %swap3A_893 {strides = array<i32>} : memref<3136xf32, #tpu.memory_space<vmem>>, vector<16xf32>,
    %get3A_894 = arith.constant 1296 : index
    %get3A_895 = tpu.vector_load %arg4[%get3A_894] {strides = array<i32>} : memref<3136xf32, #tpu.memory_space<vmem>>, vector<16xf32>,
    %get3A_896 = vector.shape_cast %get3A_895 : vector<16xf32> to vector<16xf32>
    %get3A_897 = arith.constant 1296 : index
    %get3A_898 = tpu.vector_load %arg5[%get3A_897] {strides = array<i32>} : memref<3136xf32, #tpu.memory_space<vmem>>, vector<16xf32>,
    %get3A_899 = vector.shape_cast %get3A_898 : vector<16xf32> to vector<16xf32>
    %add3A_900 = arith.addf %get3A_896, %get3A_899 : vector<16xf32>
    %swap3A_901 = arith.constant 1296 : index
    %swap3A_902 = tpu.vector_load %arg4[%swap3A_901] {strides = array<i32>} : memref<3136xf32, #tpu.memory_space<vmem>>, vector<16xf32>,
    %swap3A_903 = vector.shape_cast %swap3A_902 : vector<16xf32> to vector<16xf32>
    %swap3A_904 = vector.shape_cast %add3A_900 : vector<16xf32> to vector<16xf32>
    tpu.vector_store %arg4[%swap3A_901], %swap3A_904 {strides = array<i32>} : memref<3136xf32, #tpu.memory_space<vmem>>, vector<16xf32>,
    %get3A_905 = arith.constant 1312 : index
    %get3A_906 = tpu.vector_load %arg4[%get3A_905] {strides = array<i32>} : memref<3136xf32, #tpu.memory_space<vmem>>, vector<16xf32>,
    %get3A_907 = vector.shape_cast %get3A_906 : vector<16xf32> to vector<16xf32>
    %get3A_908 = arith.constant 1312 : index
    %get3A_909 = tpu.vector_load %arg5[%get3A_908] {strides = array<i32>} : memref<3136xf32, #tpu.memory_space<vmem>>, vector<16xf32>,
    %get3A_910 = vector.shape_cast %get3A_909 : vector<16xf32> to vector<16xf32>
    %add3A_911 = arith.addf %get3A_907, %get3A_910 : vector<16xf32>
    %swap3A_912 = arith.constant 1312 : index
    %swap3A_913 = tpu.vector_load %arg4[%swap3A_912] {strides = array<i32>} : memref<3136xf32, #tpu.memory_space<vmem>>, vector<16xf32>,
    %swap3A_914 = vector.shape_cast %swap3A_913 : vector<16xf32> to vector<16xf32>
    %swap3A_915 = vector.shape_cast %add3A_911 : vector<16xf32> to vector<16xf32>
    tpu.vector_store %arg4[%swap3A_912], %swap3A_915 {strides = array<i32>} : memref<3136xf32, #tpu.memory_space<vmem>>, vector<16xf32>,
    %get3A_916 = arith.constant 1328 : index
    %get3A_917 = tpu.vector_load %arg4[%get3A_916] {strides = array<i32>} : memref<3136xf32, #tpu.memory_space<vmem>>, vector<16xf32>,
    %get3A_918 = vector.shape_cast %get3A_917 : vector<16xf32> to vector<16xf32>
    %get3A_919 = arith.constant 1328 : index
    %get3A_920 = tpu.vector_load %arg5[%get3A_919] {strides = array<i32>} : memref<3136xf32, #tpu.memory_space<vmem>>, vector<16xf32>,
    %get3A_921 = vector.shape_cast %get3A_920 : vector<16xf32> to vector<16xf32>
    %add3A_922 = arith.addf %get3A_918, %get3A_921 : vector<16xf32>
    %swap3A_923 = arith.constant 1328 : index
    %swap3A_924 = tpu.vector_load %arg4[%swap3A_923] {strides = array<i32>} : memref<3136xf32, #tpu.memory_space<vmem>>, vector<16xf32>,
    %swap3A_925 = vector.shape_cast %swap3A_924 : vector<16xf32> to vector<16xf32>
    %swap3A_926 = vector.shape_cast %add3A_922 : vector<16xf32> to vector<16xf32>
    tpu.vector_store %arg4[%swap3A_923], %swap3A_926 {strides = array<i32>} : memref<3136xf32, #tpu.memory_space<vmem>>, vector<16xf32>,
    %get3A_927 = arith.constant 1344 : index
    %get3A_928 = tpu.vector_load %arg4[%get3A_927] {strides = array<i32>} : memref<3136xf32, #tpu.memory_space<vmem>>, vector<16xf32>,
    %get3A_929 = vector.shape_cast %get3A_928 : vector<16xf32> to vector<16xf32>
    %get3A_930 = arith.constant 1344 : index
    %get3A_931 = tpu.vector_load %arg5[%get3A_930] {strides = array<i32>} : memref<3136xf32, #tpu.memory_space<vmem>>, vector<16xf32>,
    %get3A_932 = vector.shape_cast %get3A_931 : vector<16xf32> to vector<16xf32>
    %add3A_933 = arith.addf %get3A_929, %get3A_932 : vector<16xf32>
    %swap3A_934 = arith.constant 1344 : index
    %swap3A_935 = tpu.vector_load %arg4[%swap3A_934] {strides = array<i32>} : memref<3136xf32, #tpu.memory_space<vmem>>, vector<16xf32>,
    %swap3A_936 = vector.shape_cast %swap3A_935 : vector<16xf32> to vector<16xf32>
    %swap3A_937 = vector.shape_cast %add3A_933 : vector<16xf32> to vector<16xf32>
    tpu.vector_store %arg4[%swap3A_934], %swap3A_937 {strides = array<i32>} : memref<3136xf32, #tpu.memory_space<vmem>>, vector<16xf32>,
    %get3A_938 = arith.constant 1360 : index
    %get3A_939 = tpu.vector_load %arg4[%get3A_938] {strides = array<i32>} : memref<3136xf32, #tpu.memory_space<vmem>>, vector<16xf32>,
    %get3A_940 = vector.shape_cast %get3A_939 : vector<16xf32> to vector<16xf32>
    %get3A_941 = arith.constant 1360 : index
    %get3A_942 = tpu.vector_load %arg5[%get3A_941] {strides = array<i32>} : memref<3136xf32, #tpu.memory_space<vmem>>, vector<16xf32>,
    %get3A_943 = vector.shape_cast %get3A_942 : vector<16xf32> to vector<16xf32>
    %add3A_944 = arith.addf %get3A_940, %get3A_943 : vector<16xf32>
    %swap3A_945 = arith.constant 1360 : index
    %swap3A_946 = tpu.vector_load %arg4[%swap3A_945] {strides = array<i32>} : memref<3136xf32, #tpu.memory_space<vmem>>, vector<16xf32>,
    %swap3A_947 = vector.shape_cast %swap3A_946 : vector<16xf32> to vector<16xf32>
    %swap3A_948 = vector.shape_cast %add3A_944 : vector<16xf32> to vector<16xf32>
    tpu.vector_store %arg4[%swap3A_945], %swap3A_948 {strides = array<i32>} : memref<3136xf32, #tpu.memory_space<vmem>>, vector<16xf32>,
    %get3A_949 = arith.constant 1376 : index
    %get3A_950 = tpu.vector_load %arg4[%get3A_949] {strides = array<i32>} : memref<3136xf32, #tpu.memory_space<vmem>>, vector<16xf32>,
    %get3A_951 = vector.shape_cast %get3A_950 : vector<16xf32> to vector<16xf32>
    %get3A_952 = arith.constant 1376 : index
    %get3A_953 = tpu.vector_load %arg5[%get3A_952] {strides = array<i32>} : memref<3136xf32, #tpu.memory_space<vmem>>, vector<16xf32>,
    %get3A_954 = vector.shape_cast %get3A_953 : vector<16xf32> to vector<16xf32>
    %add3A_955 = arith.addf %get3A_951, %get3A_954 : vector<16xf32>
    %swap3A_956 = arith.constant 1376 : index
    %swap3A_957 = tpu.vector_load %arg4[%swap3A_956] {strides = array<i32>} : memref<3136xf32, #tpu.memory_space<vmem>>, vector<16xf32>,
    %swap3A_958 = vector.shape_cast %swap3A_957 : vector<16xf32> to vector<16xf32>
    %swap3A_959 = vector.shape_cast %add3A_955 : vector<16xf32> to vector<16xf32>
    tpu.vector_store %arg4[%swap3A_956], %swap3A_959 {strides = array<i32>} : memref<3136xf32, #tpu.memory_space<vmem>>, vector<16xf32>,
    %get3A_960 = arith.constant 1392 : index
    %get3A_961 = tpu.vector_load %arg4[%get3A_960] {strides = array<i32>} : memref<3136xf32, #tpu.memory_space<vmem>>, vector<16xf32>,
    %get3A_962 = vector.shape_cast %get3A_961 : vector<16xf32> to vector<16xf32>
    %get3A_963 = arith.constant 1392 : index
    %get3A_964 = tpu.vector_load %arg5[%get3A_963] {strides = array<i32>} : memref<3136xf32, #tpu.memory_space<vmem>>, vector<16xf32>,
    %get3A_965 = vector.shape_cast %get3A_964 : vector<16xf32> to vector<16xf32>
    %add3A_966 = arith.addf %get3A_962, %get3A_965 : vector<16xf32>
    %swap3A_967 = arith.constant 1392 : index
    %swap3A_968 = tpu.vector_load %arg4[%swap3A_967] {strides = array<i32>} : memref<3136xf32, #tpu.memory_space<vmem>>, vector<16xf32>,
    %swap3A_969 = vector.shape_cast %swap3A_968 : vector<16xf32> to vector<16xf32>
    %swap3A_970 = vector.shape_cast %add3A_966 : vector<16xf32> to vector<16xf32>
    tpu.vector_store %arg4[%swap3A_967], %swap3A_970 {strides = array<i32>} : memref<3136xf32, #tpu.memory_space<vmem>>, vector<16xf32>,
    %get3A_971 = arith.constant 1408 : index
    %get3A_972 = tpu.vector_load %arg4[%get3A_971] {strides = array<i32>} : memref<3136xf32, #tpu.memory_space<vmem>>, vector<16xf32>,
    %get3A_973 = vector.shape_cast %get3A_972 : vector<16xf32> to vector<16xf32>
    %get3A_974 = arith.constant 1408 : index
    %get3A_975 = tpu.vector_load %arg5[%get3A_974] {strides = array<i32>} : memref<3136xf32, #tpu.memory_space<vmem>>, vector<16xf32>,
    %get3A_976 = vector.shape_cast %get3A_975 : vector<16xf32> to vector<16xf32>
    %add3A_977 = arith.addf %get3A_973, %get3A_976 : vector<16xf32>
    %swap3A_978 = arith.constant 1408 : index
    %swap3A_979 = tpu.vector_load %arg4[%swap3A_978] {strides = array<i32>} : memref<3136xf32, #tpu.memory_space<vmem>>, vector<16xf32>,
    %swap3A_980 = vector.shape_cast %swap3A_979 : vector<16xf32> to vector<16xf32>
    %swap3A_981 = vector.shape_cast %add3A_977 : vector<16xf32> to vector<16xf32>
    tpu.vector_store %arg4[%swap3A_978], %swap3A_981 {strides = array<i32>} : memref<3136xf32, #tpu.memory_space<vmem>>, vector<16xf32>,
    %get3A_982 = arith.constant 1424 : index
    %get3A_983 = tpu.vector_load %arg4[%get3A_982] {strides = array<i32>} : memref<3136xf32, #tpu.memory_space<vmem>>, vector<16xf32>,
    %get3A_984 = vector.shape_cast %get3A_983 : vector<16xf32> to vector<16xf32>
    %get3A_985 = arith.constant 1424 : index
    %get3A_986 = tpu.vector_load %arg5[%get3A_985] {strides = array<i32>} : memref<3136xf32, #tpu.memory_space<vmem>>, vector<16xf32>,
    %get3A_987 = vector.shape_cast %get3A_986 : vector<16xf32> to vector<16xf32>
    %add3A_988 = arith.addf %get3A_984, %get3A_987 : vector<16xf32>
    %swap3A_989 = arith.constant 1424 : index
    %swap3A_990 = tpu.vector_load %arg4[%swap3A_989] {strides = array<i32>} : memref<3136xf32, #tpu.memory_space<vmem>>, vector<16xf32>,
    %swap3A_991 = vector.shape_cast %swap3A_990 : vector<16xf32> to vector<16xf32>
    %swap3A_992 = vector.shape_cast %add3A_988 : vector<16xf32> to vector<16xf32>
    tpu.vector_store %arg4[%swap3A_989], %swap3A_992 {strides = array<i32>} : memref<3136xf32, #tpu.memory_space<vmem>>, vector<16xf32>,
    %get3A_993 = arith.constant 1440 : index
    %get3A_994 = tpu.vector_load %arg4[%get3A_993] {strides = array<i32>} : memref<3136xf32, #tpu.memory_space<vmem>>, vector<16xf32>,
    %get3A_995 = vector.shape_cast %get3A_994 : vector<16xf32> to vector<16xf32>
    %get3A_996 = arith.constant 1440 : index
    %get3A_997 = tpu.vector_load %arg5[%get3A_996] {strides = array<i32>} : memref<3136xf32, #tpu.memory_space<vmem>>, vector<16xf32>,
    %get3A_998 = vector.shape_cast %get3A_997 : vector<16xf32> to vector<16xf32>
    %add3A_999 = arith.addf %get3A_995, %get3A_998 : vector<16xf32>
    %swap3A_1000 = arith.constant 1440 : index
    %swap3A_1001 = tpu.vector_load %arg4[%swap3A_1000] {strides = array<i32>} : memref<3136xf32, #tpu.memory_space<vmem>>, vector<16xf32>,
    %swap3A_1002 = vector.shape_cast %swap3A_1001 : vector<16xf32> to vector<16xf32>
    %swap3A_1003 = vector.shape_cast %add3A_999 : vector<16xf32> to vector<16xf32>
    tpu.vector_store %arg4[%swap3A_1000], %swap3A_1003 {strides = array<i32>} : memref<3136xf32, #tpu.memory_space<vmem>>, vector<16xf32>,
    %get3A_1004 = arith.constant 1456 : index
    %get3A_1005 = tpu.vector_load %arg4[%get3A_1004] {strides = array<i32>} : memref<3136xf32, #tpu.memory_space<vmem>>, vector<16xf32>,
    %get3A_1006 = vector.shape_cast %get3A_1005 : vector<16xf32> to vector<16xf32>
    %get3A_1007 = arith.constant 1456 : index
    %get3A_1008 = tpu.vector_load %arg5[%get3A_1007] {strides = array<i32>} : memref<3136xf32, #tpu.memory_space<vmem>>, vector<16xf32>,
    %get3A_1009 = vector.shape_cast %get3A_1008 : vector<16xf32> to vector<16xf32>
    %add3A_1010 = arith.addf %get3A_1006, %get3A_1009 : vector<16xf32>
    %swap3A_1011 = arith.constant 1456 : index
    %swap3A_1012 = tpu.vector_load %arg4[%swap3A_1011] {strides = array<i32>} : memref<3136xf32, #tpu.memory_space<vmem>>, vector<16xf32>,
    %swap3A_1013 = vector.shape_cast %swap3A_1012 : vector<16xf32> to vector<16xf32>
    %swap3A_1014 = vector.shape_cast %add3A_1010 : vector<16xf32> to vector<16xf32>
    tpu.vector_store %arg4[%swap3A_1011], %swap3A_1014 {strides = array<i32>} : memref<3136xf32, #tpu.memory_space<vmem>>, vector<16xf32>,
    %get3A_1015 = arith.constant 1472 : index
    %get3A_1016 = tpu.vector_load %arg4[%get3A_1015] {strides = array<i32>} : memref<3136xf32, #tpu.memory_space<vmem>>, vector<16xf32>,
    %get3A_1017 = vector.shape_cast %get3A_1016 : vector<16xf32> to vector<16xf32>
    %get3A_1018 = arith.constant 1472 : index
    %get3A_1019 = tpu.vector_load %arg5[%get3A_1018] {strides = array<i32>} : memref<3136xf32, #tpu.memory_space<vmem>>, vector<16xf32>,
    %get3A_1020 = vector.shape_cast %get3A_1019 : vector<16xf32> to vector<16xf32>
    %add3A_1021 = arith.addf %get3A_1017, %get3A_1020 : vector<16xf32>
    %swap3A_1022 = arith.constant 1472 : index
    %swap3A_1023 = tpu.vector_load %arg4[%swap3A_1022] {strides = array<i32>} : memref<3136xf32, #tpu.memory_space<vmem>>, vector<16xf32>,
    %swap3A_1024 = vector.shape_cast %swap3A_1023 : vector<16xf32> to vector<16xf32>
    %swap3A_1025 = vector.shape_cast %add3A_1021 : vector<16xf32> to vector<16xf32>
    tpu.vector_store %arg4[%swap3A_1022], %swap3A_1025 {strides = array<i32>} : memref<3136xf32, #tpu.memory_space<vmem>>, vector<16xf32>,
    %get3A_1026 = arith.constant 1488 : index
    %get3A_1027 = tpu.vector_load %arg4[%get3A_1026] {strides = array<i32>} : memref<3136xf32, #tpu.memory_space<vmem>>, vector<16xf32>,
    %get3A_1028 = vector.shape_cast %get3A_1027 : vector<16xf32> to vector<16xf32>
    %get3A_1029 = arith.constant 1488 : index
    %get3A_1030 = tpu.vector_load %arg5[%get3A_1029] {strides = array<i32>} : memref<3136xf32, #tpu.memory_space<vmem>>, vector<16xf32>,
    %get3A_1031 = vector.shape_cast %get3A_1030 : vector<16xf32> to vector<16xf32>
    %add3A_1032 = arith.addf %get3A_1028, %get3A_1031 : vector<16xf32>
    %swap3A_1033 = arith.constant 1488 : index
    %swap3A_1034 = tpu.vector_load %arg4[%swap3A_1033] {strides = array<i32>} : memref<3136xf32, #tpu.memory_space<vmem>>, vector<16xf32>,
    %swap3A_1035 = vector.shape_cast %swap3A_1034 : vector<16xf32> to vector<16xf32>
    %swap3A_1036 = vector.shape_cast %add3A_1032 : vector<16xf32> to vector<16xf32>
    tpu.vector_store %arg4[%swap3A_1033], %swap3A_1036 {strides = array<i32>} : memref<3136xf32, #tpu.memory_space<vmem>>, vector<16xf32>,
    %get3A_1037 = arith.constant 1504 : index
    %get3A_1038 = tpu.vector_load %arg4[%get3A_1037] {strides = array<i32>} : memref<3136xf32, #tpu.memory_space<vmem>>, vector<16xf32>,
    %get3A_1039 = vector.shape_cast %get3A_1038 : vector<16xf32> to vector<16xf32>
    %get3A_1040 = arith.constant 1504 : index
    %get3A_1041 = tpu.vector_load %arg5[%get3A_1040] {strides = array<i32>} : memref<3136xf32, #tpu.memory_space<vmem>>, vector<16xf32>,
    %get3A_1042 = vector.shape_cast %get3A_1041 : vector<16xf32> to vector<16xf32>
    %add3A_1043 = arith.addf %get3A_1039, %get3A_1042 : vector<16xf32>
    %swap3A_1044 = arith.constant 1504 : index
    %swap3A_1045 = tpu.vector_load %arg4[%swap3A_1044] {strides = array<i32>} : memref<3136xf32, #tpu.memory_space<vmem>>, vector<16xf32>,
    %swap3A_1046 = vector.shape_cast %swap3A_1045 : vector<16xf32> to vector<16xf32>
    %swap3A_1047 = vector.shape_cast %add3A_1043 : vector<16xf32> to vector<16xf32>
    tpu.vector_store %arg4[%swap3A_1044], %swap3A_1047 {strides = array<i32>} : memref<3136xf32, #tpu.memory_space<vmem>>, vector<16xf32>,
    %get3A_1048 = arith.constant 1520 : index
    %get3A_1049 = tpu.vector_load %arg4[%get3A_1048] {strides = array<i32>} : memref<3136xf32, #tpu.memory_space<vmem>>, vector<16xf32>,
    %get3A_1050 = vector.shape_cast %get3A_1049 : vector<16xf32> to vector<16xf32>
    %get3A_1051 = arith.constant 1520 : index
    %get3A_1052 = tpu.vector_load %arg5[%get3A_1051] {strides = array<i32>} : memref<3136xf32, #tpu.memory_space<vmem>>, vector<16xf32>,
    %get3A_1053 = vector.shape_cast %get3A_1052 : vector<16xf32> to vector<16xf32>
    %add3A_1054 = arith.addf %get3A_1050, %get3A_1053 : vector<16xf32>
    %swap3A_1055 = arith.constant 1520 : index
    %swap3A_1056 = tpu.vector_load %arg4[%swap3A_1055] {strides = array<i32>} : memref<3136xf32, #tpu.memory_space<vmem>>, vector<16xf32>,
    %swap3A_1057 = vector.shape_cast %swap3A_1056 : vector<16xf32> to vector<16xf32>
    %swap3A_1058 = vector.shape_cast %add3A_1054 : vector<16xf32> to vector<16xf32>
    tpu.vector_store %arg4[%swap3A_1055], %swap3A_1058 {strides = array<i32>} : memref<3136xf32, #tpu.memory_space<vmem>>, vector<16xf32>,
    %get3A_1059 = arith.constant 1536 : index
    %get3A_1060 = tpu.vector_load %arg4[%get3A_1059] {strides = array<i32>} : memref<3136xf32, #tpu.memory_space<vmem>>, vector<16xf32>,
    %get3A_1061 = vector.shape_cast %get3A_1060 : vector<16xf32> to vector<16xf32>
    %get3A_1062 = arith.constant 1536 : index
    %get3A_1063 = tpu.vector_load %arg5[%get3A_1062] {strides = array<i32>} : memref<3136xf32, #tpu.memory_space<vmem>>, vector<16xf32>,
    %get3A_1064 = vector.shape_cast %get3A_1063 : vector<16xf32> to vector<16xf32>
    %add3A_1065 = arith.addf %get3A_1061, %get3A_1064 : vector<16xf32>
    %swap3A_1066 = arith.constant 1536 : index
    %swap3A_1067 = tpu.vector_load %arg4[%swap3A_1066] {strides = array<i32>} : memref<3136xf32, #tpu.memory_space<vmem>>, vector<16xf32>,
    %swap3A_1068 = vector.shape_cast %swap3A_1067 : vector<16xf32> to vector<16xf32>
    %swap3A_1069 = vector.shape_cast %add3A_1065 : vector<16xf32> to vector<16xf32>
    tpu.vector_store %arg4[%swap3A_1066], %swap3A_1069 {strides = array<i32>} : memref<3136xf32, #tpu.memory_space<vmem>>, vector<16xf32>,
    %get3A_1070 = arith.constant 1552 : index
    %get3A_1071 = tpu.vector_load %arg4[%get3A_1070] {strides = array<i32>} : memref<3136xf32, #tpu.memory_space<vmem>>, vector<16xf32>,
    %get3A_1072 = vector.shape_cast %get3A_1071 : vector<16xf32> to vector<16xf32>
    %get3A_1073 = arith.constant 1552 : index
    %get3A_1074 = tpu.vector_load %arg5[%get3A_1073] {strides = array<i32>} : memref<3136xf32, #tpu.memory_space<vmem>>, vector<16xf32>,
    %get3A_1075 = vector.shape_cast %get3A_1074 : vector<16xf32> to vector<16xf32>
    %add3A_1076 = arith.addf %get3A_1072, %get3A_1075 : vector<16xf32>
    %swap3A_1077 = arith.constant 1552 : index
    %swap3A_1078 = tpu.vector_load %arg4[%swap3A_1077] {strides = array<i32>} : memref<3136xf32, #tpu.memory_space<vmem>>, vector<16xf32>,
    %swap3A_1079 = vector.shape_cast %swap3A_1078 : vector<16xf32> to vector<16xf32>
    %swap3A_1080 = vector.shape_cast %add3A_1076 : vector<16xf32> to vector<16xf32>
    tpu.vector_store %arg4[%swap3A_1077], %swap3A_1080 {strides = array<i32>} : memref<3136xf32, #tpu.memory_space<vmem>>, vector<16xf32>,
    %get3A_1081 = arith.constant 1568 : index
    %get3A_1082 = tpu.vector_load %arg4[%get3A_1081] {strides = array<i32>} : memref<3136xf32, #tpu.memory_space<vmem>>, vector<16xf32>,
    %get3A_1083 = vector.shape_cast %get3A_1082 : vector<16xf32> to vector<16xf32>
    %get3A_1084 = arith.constant 1568 : index
    %get3A_1085 = tpu.vector_load %arg5[%get3A_1084] {strides = array<i32>} : memref<3136xf32, #tpu.memory_space<vmem>>, vector<16xf32>,
    %get3A_1086 = vector.shape_cast %get3A_1085 : vector<16xf32> to vector<16xf32>
    %add3A_1087 = arith.addf %get3A_1083, %get3A_1086 : vector<16xf32>
    %swap3A_1088 = arith.constant 1568 : index
    %swap3A_1089 = tpu.vector_load %arg4[%swap3A_1088] {strides = array<i32>} : memref<3136xf32, #tpu.memory_space<vmem>>, vector<16xf32>,
    %swap3A_1090 = vector.shape_cast %swap3A_1089 : vector<16xf32> to vector<16xf32>
    %swap3A_1091 = vector.shape_cast %add3A_1087 : vector<16xf32> to vector<16xf32>
    tpu.vector_store %arg4[%swap3A_1088], %swap3A_1091 {strides = array<i32>} : memref<3136xf32, #tpu.memory_space<vmem>>, vector<16xf32>,
    %get3A_1092 = arith.constant 1584 : index
    %get3A_1093 = tpu.vector_load %arg4[%get3A_1092] {strides = array<i32>} : memref<3136xf32, #tpu.memory_space<vmem>>, vector<16xf32>,
    %get3A_1094 = vector.shape_cast %get3A_1093 : vector<16xf32> to vector<16xf32>
    %get3A_1095 = arith.constant 1584 : index
    %get3A_1096 = tpu.vector_load %arg5[%get3A_1095] {strides = array<i32>} : memref<3136xf32, #tpu.memory_space<vmem>>, vector<16xf32>,
    %get3A_1097 = vector.shape_cast %get3A_1096 : vector<16xf32> to vector<16xf32>
    %add3A_1098 = arith.addf %get3A_1094, %get3A_1097 : vector<16xf32>
    %swap3A_1099 = arith.constant 1584 : index
    %swap3A_1100 = tpu.vector_load %arg4[%swap3A_1099] {strides = array<i32>} : memref<3136xf32, #tpu.memory_space<vmem>>, vector<16xf32>,
    %swap3A_1101 = vector.shape_cast %swap3A_1100 : vector<16xf32> to vector<16xf32>
    %swap3A_1102 = vector.shape_cast %add3A_1098 : vector<16xf32> to vector<16xf32>
    tpu.vector_store %arg4[%swap3A_1099], %swap3A_1102 {strides = array<i32>} : memref<3136xf32, #tpu.memory_space<vmem>>, vector<16xf32>,
    %get3A_1103 = arith.constant 1600 : index
    %get3A_1104 = tpu.vector_load %arg4[%get3A_1103] {strides = array<i32>} : memref<3136xf32, #tpu.memory_space<vmem>>, vector<16xf32>,
    %get3A_1105 = vector.shape_cast %get3A_1104 : vector<16xf32> to vector<16xf32>
    %get3A_1106 = arith.constant 1600 : index
    %get3A_1107 = tpu.vector_load %arg5[%get3A_1106] {strides = array<i32>} : memref<3136xf32, #tpu.memory_space<vmem>>, vector<16xf32>,
    %get3A_1108 = vector.shape_cast %get3A_1107 : vector<16xf32> to vector<16xf32>
    %add3A_1109 = arith.addf %get3A_1105, %get3A_1108 : vector<16xf32>
    %swap3A_1110 = arith.constant 1600 : index
    %swap3A_1111 = tpu.vector_load %arg4[%swap3A_1110] {strides = array<i32>} : memref<3136xf32, #tpu.memory_space<vmem>>, vector<16xf32>,
    %swap3A_1112 = vector.shape_cast %swap3A_1111 : vector<16xf32> to vector<16xf32>
    %swap3A_1113 = vector.shape_cast %add3A_1109 : vector<16xf32> to vector<16xf32>
    tpu.vector_store %arg4[%swap3A_1110], %swap3A_1113 {strides = array<i32>} : memref<3136xf32, #tpu.memory_space<vmem>>, vector<16xf32>,
    %get3A_1114 = arith.constant 1616 : index
    %get3A_1115 = tpu.vector_load %arg4[%get3A_1114] {strides = array<i32>} : memref<3136xf32, #tpu.memory_space<vmem>>, vector<16xf32>,
    %get3A_1116 = vector.shape_cast %get3A_1115 : vector<16xf32> to vector<16xf32>
    %get3A_1117 = arith.constant 1616 : index
    %get3A_1118 = tpu.vector_load %arg5[%get3A_1117] {strides = array<i32>} : memref<3136xf32, #tpu.memory_space<vmem>>, vector<16xf32>,
    %get3A_1119 = vector.shape_cast %get3A_1118 : vector<16xf32> to vector<16xf32>
    %add3A_1120 = arith.addf %get3A_1116, %get3A_1119 : vector<16xf32>
    %swap3A_1121 = arith.constant 1616 : index
    %swap3A_1122 = tpu.vector_load %arg4[%swap3A_1121] {strides = array<i32>} : memref<3136xf32, #tpu.memory_space<vmem>>, vector<16xf32>,
    %swap3A_1123 = vector.shape_cast %swap3A_1122 : vector<16xf32> to vector<16xf32>
    %swap3A_1124 = vector.shape_cast %add3A_1120 : vector<16xf32> to vector<16xf32>
    tpu.vector_store %arg4[%swap3A_1121], %swap3A_1124 {strides = array<i32>} : memref<3136xf32, #tpu.memory_space<vmem>>, vector<16xf32>,
    %get3A_1125 = arith.constant 1632 : index
    %get3A_1126 = tpu.vector_load %arg4[%get3A_1125] {strides = array<i32>} : memref<3136xf32, #tpu.memory_space<vmem>>, vector<16xf32>,
    %get3A_1127 = vector.shape_cast %get3A_1126 : vector<16xf32> to vector<16xf32>
    %get3A_1128 = arith.constant 1632 : index
    %get3A_1129 = tpu.vector_load %arg5[%get3A_1128] {strides = array<i32>} : memref<3136xf32, #tpu.memory_space<vmem>>, vector<16xf32>,
    %get3A_1130 = vector.shape_cast %get3A_1129 : vector<16xf32> to vector<16xf32>
    %add3A_1131 = arith.addf %get3A_1127, %get3A_1130 : vector<16xf32>
    %swap3A_1132 = arith.constant 1632 : index
    %swap3A_1133 = tpu.vector_load %arg4[%swap3A_1132] {strides = array<i32>} : memref<3136xf32, #tpu.memory_space<vmem>>, vector<16xf32>,
    %swap3A_1134 = vector.shape_cast %swap3A_1133 : vector<16xf32> to vector<16xf32>
    %swap3A_1135 = vector.shape_cast %add3A_1131 : vector<16xf32> to vector<16xf32>
    tpu.vector_store %arg4[%swap3A_1132], %swap3A_1135 {strides = array<i32>} : memref<3136xf32, #tpu.memory_space<vmem>>, vector<16xf32>,
    %get3A_1136 = arith.constant 1648 : index
    %get3A_1137 = tpu.vector_load %arg4[%get3A_1136] {strides = array<i32>} : memref<3136xf32, #tpu.memory_space<vmem>>, vector<16xf32>,
    %get3A_1138 = vector.shape_cast %get3A_1137 : vector<16xf32> to vector<16xf32>
    %get3A_1139 = arith.constant 1648 : index
    %get3A_1140 = tpu.vector_load %arg5[%get3A_1139] {strides = array<i32>} : memref<3136xf32, #tpu.memory_space<vmem>>, vector<16xf32>,
    %get3A_1141 = vector.shape_cast %get3A_1140 : vector<16xf32> to vector<16xf32>
    %add3A_1142 = arith.addf %get3A_1138, %get3A_1141 : vector<16xf32>
    %swap3A_1143 = arith.constant 1648 : index
    %swap3A_1144 = tpu.vector_load %arg4[%swap3A_1143] {strides = array<i32>} : memref<3136xf32, #tpu.memory_space<vmem>>, vector<16xf32>,
    %swap3A_1145 = vector.shape_cast %swap3A_1144 : vector<16xf32> to vector<16xf32>
    %swap3A_1146 = vector.shape_cast %add3A_1142 : vector<16xf32> to vector<16xf32>
    tpu.vector_store %arg4[%swap3A_1143], %swap3A_1146 {strides = array<i32>} : memref<3136xf32, #tpu.memory_space<vmem>>, vector<16xf32>,
    %get3A_1147 = arith.constant 1664 : index
    %get3A_1148 = tpu.vector_load %arg4[%get3A_1147] {strides = array<i32>} : memref<3136xf32, #tpu.memory_space<vmem>>, vector<16xf32>,
    %get3A_1149 = vector.shape_cast %get3A_1148 : vector<16xf32> to vector<16xf32>
    %get3A_1150 = arith.constant 1664 : index
    %get3A_1151 = tpu.vector_load %arg5[%get3A_1150] {strides = array<i32>} : memref<3136xf32, #tpu.memory_space<vmem>>, vector<16xf32>,
    %get3A_1152 = vector.shape_cast %get3A_1151 : vector<16xf32> to vector<16xf32>
    %add3A_1153 = arith.addf %get3A_1149, %get3A_1152 : vector<16xf32>
    %swap3A_1154 = arith.constant 1664 : index
    %swap3A_1155 = tpu.vector_load %arg4[%swap3A_1154] {strides = array<i32>} : memref<3136xf32, #tpu.memory_space<vmem>>, vector<16xf32>,
    %swap3A_1156 = vector.shape_cast %swap3A_1155 : vector<16xf32> to vector<16xf32>
    %swap3A_1157 = vector.shape_cast %add3A_1153 : vector<16xf32> to vector<16xf32>
    tpu.vector_store %arg4[%swap3A_1154], %swap3A_1157 {strides = array<i32>} : memref<3136xf32, #tpu.memory_space<vmem>>, vector<16xf32>,
    %get3A_1158 = arith.constant 1680 : index
    %get3A_1159 = tpu.vector_load %arg4[%get3A_1158] {strides = array<i32>} : memref<3136xf32, #tpu.memory_space<vmem>>, vector<16xf32>,
    %get3A_1160 = vector.shape_cast %get3A_1159 : vector<16xf32> to vector<16xf32>
    %get3A_1161 = arith.constant 1680 : index
    %get3A_1162 = tpu.vector_load %arg5[%get3A_1161] {strides = array<i32>} : memref<3136xf32, #tpu.memory_space<vmem>>, vector<16xf32>,
    %get3A_1163 = vector.shape_cast %get3A_1162 : vector<16xf32> to vector<16xf32>
    %add3A_1164 = arith.addf %get3A_1160, %get3A_1163 : vector<16xf32>
    %swap3A_1165 = arith.constant 1680 : index
    %swap3A_1166 = tpu.vector_load %arg4[%swap3A_1165] {strides = array<i32>} : memref<3136xf32, #tpu.memory_space<vmem>>, vector<16xf32>,
    %swap3A_1167 = vector.shape_cast %swap3A_1166 : vector<16xf32> to vector<16xf32>
    %swap3A_1168 = vector.shape_cast %add3A_1164 : vector<16xf32> to vector<16xf32>
    tpu.vector_store %arg4[%swap3A_1165], %swap3A_1168 {strides = array<i32>} : memref<3136xf32, #tpu.memory_space<vmem>>, vector<16xf32>,
    %get3A_1169 = arith.constant 1696 : index
    %get3A_1170 = tpu.vector_load %arg4[%get3A_1169] {strides = array<i32>} : memref<3136xf32, #tpu.memory_space<vmem>>, vector<16xf32>,
    %get3A_1171 = vector.shape_cast %get3A_1170 : vector<16xf32> to vector<16xf32>
    %get3A_1172 = arith.constant 1696 : index
    %get3A_1173 = tpu.vector_load %arg5[%get3A_1172] {strides = array<i32>} : memref<3136xf32, #tpu.memory_space<vmem>>, vector<16xf32>,
    %get3A_1174 = vector.shape_cast %get3A_1173 : vector<16xf32> to vector<16xf32>
    %add3A_1175 = arith.addf %get3A_1171, %get3A_1174 : vector<16xf32>
    %swap3A_1176 = arith.constant 1696 : index
    %swap3A_1177 = tpu.vector_load %arg4[%swap3A_1176] {strides = array<i32>} : memref<3136xf32, #tpu.memory_space<vmem>>, vector<16xf32>,
    %swap3A_1178 = vector.shape_cast %swap3A_1177 : vector<16xf32> to vector<16xf32>
    %swap3A_1179 = vector.shape_cast %add3A_1175 : vector<16xf32> to vector<16xf32>
    tpu.vector_store %arg4[%swap3A_1176], %swap3A_1179 {strides = array<i32>} : memref<3136xf32, #tpu.memory_space<vmem>>, vector<16xf32>,
    %get3A_1180 = arith.constant 1712 : index
    %get3A_1181 = tpu.vector_load %arg4[%get3A_1180] {strides = array<i32>} : memref<3136xf32, #tpu.memory_space<vmem>>, vector<16xf32>,
    %get3A_1182 = vector.shape_cast %get3A_1181 : vector<16xf32> to vector<16xf32>
    %get3A_1183 = arith.constant 1712 : index
    %get3A_1184 = tpu.vector_load %arg5[%get3A_1183] {strides = array<i32>} : memref<3136xf32, #tpu.memory_space<vmem>>, vector<16xf32>,
    %get3A_1185 = vector.shape_cast %get3A_1184 : vector<16xf32> to vector<16xf32>
    %add3A_1186 = arith.addf %get3A_1182, %get3A_1185 : vector<16xf32>
    %swap3A_1187 = arith.constant 1712 : index
    %swap3A_1188 = tpu.vector_load %arg4[%swap3A_1187] {strides = array<i32>} : memref<3136xf32, #tpu.memory_space<vmem>>, vector<16xf32>,
    %swap3A_1189 = vector.shape_cast %swap3A_1188 : vector<16xf32> to vector<16xf32>
    %swap3A_1190 = vector.shape_cast %add3A_1186 : vector<16xf32> to vector<16xf32>
    tpu.vector_store %arg4[%swap3A_1187], %swap3A_1190 {strides = array<i32>} : memref<3136xf32, #tpu.memory_space<vmem>>, vector<16xf32>,
    %get3A_1191 = arith.constant 1728 : index
    %get3A_1192 = tpu.vector_load %arg4[%get3A_1191] {strides = array<i32>} : memref<3136xf32, #tpu.memory_space<vmem>>, vector<16xf32>,
    %get3A_1193 = vector.shape_cast %get3A_1192 : vector<16xf32> to vector<16xf32>
    %get3A_1194 = arith.constant 1728 : index
    %get3A_1195 = tpu.vector_load %arg5[%get3A_1194] {strides = array<i32>} : memref<3136xf32, #tpu.memory_space<vmem>>, vector<16xf32>,
    %get3A_1196 = vector.shape_cast %get3A_1195 : vector<16xf32> to vector<16xf32>
    %add3A_1197 = arith.addf %get3A_1193, %get3A_1196 : vector<16xf32>
    %swap3A_1198 = arith.constant 1728 : index
    %swap3A_1199 = tpu.vector_load %arg4[%swap3A_1198] {strides = array<i32>} : memref<3136xf32, #tpu.memory_space<vmem>>, vector<16xf32>,
    %swap3A_1200 = vector.shape_cast %swap3A_1199 : vector<16xf32> to vector<16xf32>
    %swap3A_1201 = vector.shape_cast %add3A_1197 : vector<16xf32> to vector<16xf32>
    tpu.vector_store %arg4[%swap3A_1198], %swap3A_1201 {strides = array<i32>} : memref<3136xf32, #tpu.memory_space<vmem>>, vector<16xf32>,
    %get3A_1202 = arith.constant 1744 : index
    %get3A_1203 = tpu.vector_load %arg4[%get3A_1202] {strides = array<i32>} : memref<3136xf32, #tpu.memory_space<vmem>>, vector<16xf32>,
    %get3A_1204 = vector.shape_cast %get3A_1203 : vector<16xf32> to vector<16xf32>
    %get3A_1205 = arith.constant 1744 : index
    %get3A_1206 = tpu.vector_load %arg5[%get3A_1205] {strides = array<i32>} : memref<3136xf32, #tpu.memory_space<vmem>>, vector<16xf32>,
    %get3A_1207 = vector.shape_cast %get3A_1206 : vector<16xf32> to vector<16xf32>
    %add3A_1208 = arith.addf %get3A_1204, %get3A_1207 : vector<16xf32>
    %swap3A_1209 = arith.constant 1744 : index
    %swap3A_1210 = tpu.vector_load %arg4[%swap3A_1209] {strides = array<i32>} : memref<3136xf32, #tpu.memory_space<vmem>>, vector<16xf32>,
    %swap3A_1211 = vector.shape_cast %swap3A_1210 : vector<16xf32> to vector<16xf32>
    %swap3A_1212 = vector.shape_cast %add3A_1208 : vector<16xf32> to vector<16xf32>
    tpu.vector_store %arg4[%swap3A_1209], %swap3A_1212 {strides = array<i32>} : memref<3136xf32, #tpu.memory_space<vmem>>, vector<16xf32>,
    %get3A_1213 = arith.constant 1760 : index
    %get3A_1214 = tpu.vector_load %arg4[%get3A_1213] {strides = array<i32>} : memref<3136xf32, #tpu.memory_space<vmem>>, vector<16xf32>,
    %get3A_1215 = vector.shape_cast %get3A_1214 : vector<16xf32> to vector<16xf32>
    %get3A_1216 = arith.constant 1760 : index
    %get3A_1217 = tpu.vector_load %arg5[%get3A_1216] {strides = array<i32>} : memref<3136xf32, #tpu.memory_space<vmem>>, vector<16xf32>,
    %get3A_1218 = vector.shape_cast %get3A_1217 : vector<16xf32> to vector<16xf32>
    %add3A_1219 = arith.addf %get3A_1215, %get3A_1218 : vector<16xf32>
    %swap3A_1220 = arith.constant 1760 : index
    %swap3A_1221 = tpu.vector_load %arg4[%swap3A_1220] {strides = array<i32>} : memref<3136xf32, #tpu.memory_space<vmem>>, vector<16xf32>,
    %swap3A_1222 = vector.shape_cast %swap3A_1221 : vector<16xf32> to vector<16xf32>
    %swap3A_1223 = vector.shape_cast %add3A_1219 : vector<16xf32> to vector<16xf32>
    tpu.vector_store %arg4[%swap3A_1220], %swap3A_1223 {strides = array<i32>} : memref<3136xf32, #tpu.memory_space<vmem>>, vector<16xf32>,
    %get3A_1224 = arith.constant 1776 : index
    %get3A_1225 = tpu.vector_load %arg4[%get3A_1224] {strides = array<i32>} : memref<3136xf32, #tpu.memory_space<vmem>>, vector<16xf32>,
    %get3A_1226 = vector.shape_cast %get3A_1225 : vector<16xf32> to vector<16xf32>
    %get3A_1227 = arith.constant 1776 : index
    %get3A_1228 = tpu.vector_load %arg5[%get3A_1227] {strides = array<i32>} : memref<3136xf32, #tpu.memory_space<vmem>>, vector<16xf32>,
    %get3A_1229 = vector.shape_cast %get3A_1228 : vector<16xf32> to vector<16xf32>
    %add3A_1230 = arith.addf %get3A_1226, %get3A_1229 : vector<16xf32>
    %swap3A_1231 = arith.constant 1776 : index
    %swap3A_1232 = tpu.vector_load %arg4[%swap3A_1231] {strides = array<i32>} : memref<3136xf32, #tpu.memory_space<vmem>>, vector<16xf32>,
    %swap3A_1233 = vector.shape_cast %swap3A_1232 : vector<16xf32> to vector<16xf32>
    %swap3A_1234 = vector.shape_cast %add3A_1230 : vector<16xf32> to vector<16xf32>
    tpu.vector_store %arg4[%swap3A_1231], %swap3A_1234 {strides = array<i32>} : memref<3136xf32, #tpu.memory_space<vmem>>, vector<16xf32>,
    %get3A_1235 = arith.constant 1792 : index
    %get3A_1236 = tpu.vector_load %arg4[%get3A_1235] {strides = array<i32>} : memref<3136xf32, #tpu.memory_space<vmem>>, vector<16xf32>,
    %get3A_1237 = vector.shape_cast %get3A_1236 : vector<16xf32> to vector<16xf32>
    %get3A_1238 = arith.constant 1792 : index
    %get3A_1239 = tpu.vector_load %arg5[%get3A_1238] {strides = array<i32>} : memref<3136xf32, #tpu.memory_space<vmem>>, vector<16xf32>,
    %get3A_1240 = vector.shape_cast %get3A_1239 : vector<16xf32> to vector<16xf32>
    %add3A_1241 = arith.addf %get3A_1237, %get3A_1240 : vector<16xf32>
    %swap3A_1242 = arith.constant 1792 : index
    %swap3A_1243 = tpu.vector_load %arg4[%swap3A_1242] {strides = array<i32>} : memref<3136xf32, #tpu.memory_space<vmem>>, vector<16xf32>,
    %swap3A_1244 = vector.shape_cast %swap3A_1243 : vector<16xf32> to vector<16xf32>
    %swap3A_1245 = vector.shape_cast %add3A_1241 : vector<16xf32> to vector<16xf32>
    tpu.vector_store %arg4[%swap3A_1242], %swap3A_1245 {strides = array<i32>} : memref<3136xf32, #tpu.memory_space<vmem>>, vector<16xf32>,
    %get3A_1246 = arith.constant 1808 : index
    %get3A_1247 = tpu.vector_load %arg4[%get3A_1246] {strides = array<i32>} : memref<3136xf32, #tpu.memory_space<vmem>>, vector<16xf32>,
    %get3A_1248 = vector.shape_cast %get3A_1247 : vector<16xf32> to vector<16xf32>
    %get3A_1249 = arith.constant 1808 : index
    %get3A_1250 = tpu.vector_load %arg5[%get3A_1249] {strides = array<i32>} : memref<3136xf32, #tpu.memory_space<vmem>>, vector<16xf32>,
    %get3A_1251 = vector.shape_cast %get3A_1250 : vector<16xf32> to vector<16xf32>
    %add3A_1252 = arith.addf %get3A_1248, %get3A_1251 : vector<16xf32>
    %swap3A_1253 = arith.constant 1808 : index
    %swap3A_1254 = tpu.vector_load %arg4[%swap3A_1253] {strides = array<i32>} : memref<3136xf32, #tpu.memory_space<vmem>>, vector<16xf32>,
    %swap3A_1255 = vector.shape_cast %swap3A_1254 : vector<16xf32> to vector<16xf32>
    %swap3A_1256 = vector.shape_cast %add3A_1252 : vector<16xf32> to vector<16xf32>
    tpu.vector_store %arg4[%swap3A_1253], %swap3A_1256 {strides = array<i32>} : memref<3136xf32, #tpu.memory_space<vmem>>, vector<16xf32>,
    %get3A_1257 = arith.constant 1824 : index
    %get3A_1258 = tpu.vector_load %arg4[%get3A_1257] {strides = array<i32>} : memref<3136xf32, #tpu.memory_space<vmem>>, vector<16xf32>,
    %get3A_1259 = vector.shape_cast %get3A_1258 : vector<16xf32> to vector<16xf32>
    %get3A_1260 = arith.constant 1824 : index
    %get3A_1261 = tpu.vector_load %arg5[%get3A_1260] {strides = array<i32>} : memref<3136xf32, #tpu.memory_space<vmem>>, vector<16xf32>,
    %get3A_1262 = vector.shape_cast %get3A_1261 : vector<16xf32> to vector<16xf32>
    %add3A_1263 = arith.addf %get3A_1259, %get3A_1262 : vector<16xf32>
    %swap3A_1264 = arith.constant 1824 : index
    %swap3A_1265 = tpu.vector_load %arg4[%swap3A_1264] {strides = array<i32>} : memref<3136xf32, #tpu.memory_space<vmem>>, vector<16xf32>,
    %swap3A_1266 = vector.shape_cast %swap3A_1265 : vector<16xf32> to vector<16xf32>
    %swap3A_1267 = vector.shape_cast %add3A_1263 : vector<16xf32> to vector<16xf32>
    tpu.vector_store %arg4[%swap3A_1264], %swap3A_1267 {strides = array<i32>} : memref<3136xf32, #tpu.memory_space<vmem>>, vector<16xf32>,
    %get3A_1268 = arith.constant 1840 : index
    %get3A_1269 = tpu.vector_load %arg4[%get3A_1268] {strides = array<i32>} : memref<3136xf32, #tpu.memory_space<vmem>>, vector<16xf32>,
    %get3A_1270 = vector.shape_cast %get3A_1269 : vector<16xf32> to vector<16xf32>
    %get3A_1271 = arith.constant 1840 : index
    %get3A_1272 = tpu.vector_load %arg5[%get3A_1271] {strides = array<i32>} : memref<3136xf32, #tpu.memory_space<vmem>>, vector<16xf32>,
    %get3A_1273 = vector.shape_cast %get3A_1272 : vector<16xf32> to vector<16xf32>
    %add3A_1274 = arith.addf %get3A_1270, %get3A_1273 : vector<16xf32>
    %swap3A_1275 = arith.constant 1840 : index
    %swap3A_1276 = tpu.vector_load %arg4[%swap3A_1275] {strides = array<i32>} : memref<3136xf32, #tpu.memory_space<vmem>>, vector<16xf32>,
    %swap3A_1277 = vector.shape_cast %swap3A_1276 : vector<16xf32> to vector<16xf32>
    %swap3A_1278 = vector.shape_cast %add3A_1274 : vector<16xf32> to vector<16xf32>
    tpu.vector_store %arg4[%swap3A_1275], %swap3A_1278 {strides = array<i32>} : memref<3136xf32, #tpu.memory_space<vmem>>, vector<16xf32>,
    %get3A_1279 = arith.constant 1856 : index
    %get3A_1280 = tpu.vector_load %arg4[%get3A_1279] {strides = array<i32>} : memref<3136xf32, #tpu.memory_space<vmem>>, vector<16xf32>,
    %get3A_1281 = vector.shape_cast %get3A_1280 : vector<16xf32> to vector<16xf32>
    %get3A_1282 = arith.constant 1856 : index
    %get3A_1283 = tpu.vector_load %arg5[%get3A_1282] {strides = array<i32>} : memref<3136xf32, #tpu.memory_space<vmem>>, vector<16xf32>,
    %get3A_1284 = vector.shape_cast %get3A_1283 : vector<16xf32> to vector<16xf32>
    %add3A_1285 = arith.addf %get3A_1281, %get3A_1284 : vector<16xf32>
    %swap3A_1286 = arith.constant 1856 : index
    %swap3A_1287 = tpu.vector_load %arg4[%swap3A_1286] {strides = array<i32>} : memref<3136xf32, #tpu.memory_space<vmem>>, vector<16xf32>,
    %swap3A_1288 = vector.shape_cast %swap3A_1287 : vector<16xf32> to vector<16xf32>
    %swap3A_1289 = vector.shape_cast %add3A_1285 : vector<16xf32> to vector<16xf32>
    tpu.vector_store %arg4[%swap3A_1286], %swap3A_1289 {strides = array<i32>} : memref<3136xf32, #tpu.memory_space<vmem>>, vector<16xf32>,
    %get3A_1290 = arith.constant 1872 : index
    %get3A_1291 = tpu.vector_load %arg4[%get3A_1290] {strides = array<i32>} : memref<3136xf32, #tpu.memory_space<vmem>>, vector<16xf32>,
    %get3A_1292 = vector.shape_cast %get3A_1291 : vector<16xf32> to vector<16xf32>
    %get3A_1293 = arith.constant 1872 : index
    %get3A_1294 = tpu.vector_load %arg5[%get3A_1293] {strides = array<i32>} : memref<3136xf32, #tpu.memory_space<vmem>>, vector<16xf32>,
    %get3A_1295 = vector.shape_cast %get3A_1294 : vector<16xf32> to vector<16xf32>
    %add3A_1296 = arith.addf %get3A_1292, %get3A_1295 : vector<16xf32>
    %swap3A_1297 = arith.constant 1872 : index
    %swap3A_1298 = tpu.vector_load %arg4[%swap3A_1297] {strides = array<i32>} : memref<3136xf32, #tpu.memory_space<vmem>>, vector<16xf32>,
    %swap3A_1299 = vector.shape_cast %swap3A_1298 : vector<16xf32> to vector<16xf32>
    %swap3A_1300 = vector.shape_cast %add3A_1296 : vector<16xf32> to vector<16xf32>
    tpu.vector_store %arg4[%swap3A_1297], %swap3A_1300 {strides = array<i32>} : memref<3136xf32, #tpu.memory_space<vmem>>, vector<16xf32>,
    %get3A_1301 = arith.constant 1888 : index
    %get3A_1302 = tpu.vector_load %arg4[%get3A_1301] {strides = array<i32>} : memref<3136xf32, #tpu.memory_space<vmem>>, vector<16xf32>,
    %get3A_1303 = vector.shape_cast %get3A_1302 : vector<16xf32> to vector<16xf32>
    %get3A_1304 = arith.constant 1888 : index
    %get3A_1305 = tpu.vector_load %arg5[%get3A_1304] {strides = array<i32>} : memref<3136xf32, #tpu.memory_space<vmem>>, vector<16xf32>,
    %get3A_1306 = vector.shape_cast %get3A_1305 : vector<16xf32> to vector<16xf32>
    %add3A_1307 = arith.addf %get3A_1303, %get3A_1306 : vector<16xf32>
    %swap3A_1308 = arith.constant 1888 : index
    %swap3A_1309 = tpu.vector_load %arg4[%swap3A_1308] {strides = array<i32>} : memref<3136xf32, #tpu.memory_space<vmem>>, vector<16xf32>,
    %swap3A_1310 = vector.shape_cast %swap3A_1309 : vector<16xf32> to vector<16xf32>
    %swap3A_1311 = vector.shape_cast %add3A_1307 : vector<16xf32> to vector<16xf32>
    tpu.vector_store %arg4[%swap3A_1308], %swap3A_1311 {strides = array<i32>} : memref<3136xf32, #tpu.memory_space<vmem>>, vector<16xf32>,
    %get3A_1312 = arith.constant 1904 : index
    %get3A_1313 = tpu.vector_load %arg4[%get3A_1312] {strides = array<i32>} : memref<3136xf32, #tpu.memory_space<vmem>>, vector<16xf32>,
    %get3A_1314 = vector.shape_cast %get3A_1313 : vector<16xf32> to vector<16xf32>
    %get3A_1315 = arith.constant 1904 : index
    %get3A_1316 = tpu.vector_load %arg5[%get3A_1315] {strides = array<i32>} : memref<3136xf32, #tpu.memory_space<vmem>>, vector<16xf32>,
    %get3A_1317 = vector.shape_cast %get3A_1316 : vector<16xf32> to vector<16xf32>
    %add3A_1318 = arith.addf %get3A_1314, %get3A_1317 : vector<16xf32>
    %swap3A_1319 = arith.constant 1904 : index
    %swap3A_1320 = tpu.vector_load %arg4[%swap3A_1319] {strides = array<i32>} : memref<3136xf32, #tpu.memory_space<vmem>>, vector<16xf32>,
    %swap3A_1321 = vector.shape_cast %swap3A_1320 : vector<16xf32> to vector<16xf32>
    %swap3A_1322 = vector.shape_cast %add3A_1318 : vector<16xf32> to vector<16xf32>
    tpu.vector_store %arg4[%swap3A_1319], %swap3A_1322 {strides = array<i32>} : memref<3136xf32, #tpu.memory_space<vmem>>, vector<16xf32>,
    %get3A_1323 = arith.constant 1920 : index
    %get3A_1324 = tpu.vector_load %arg4[%get3A_1323] {strides = array<i32>} : memref<3136xf32, #tpu.memory_space<vmem>>, vector<16xf32>,
    %get3A_1325 = vector.shape_cast %get3A_1324 : vector<16xf32> to vector<16xf32>
    %get3A_1326 = arith.constant 1920 : index
    %get3A_1327 = tpu.vector_load %arg5[%get3A_1326] {strides = array<i32>} : memref<3136xf32, #tpu.memory_space<vmem>>, vector<16xf32>,
    %get3A_1328 = vector.shape_cast %get3A_1327 : vector<16xf32> to vector<16xf32>
    %add3A_1329 = arith.addf %get3A_1325, %get3A_1328 : vector<16xf32>
    %swap3A_1330 = arith.constant 1920 : index
    %swap3A_1331 = tpu.vector_load %arg4[%swap3A_1330] {strides = array<i32>} : memref<3136xf32, #tpu.memory_space<vmem>>, vector<16xf32>,
    %swap3A_1332 = vector.shape_cast %swap3A_1331 : vector<16xf32> to vector<16xf32>
    %swap3A_1333 = vector.shape_cast %add3A_1329 : vector<16xf32> to vector<16xf32>
    tpu.vector_store %arg4[%swap3A_1330], %swap3A_1333 {strides = array<i32>} : memref<3136xf32, #tpu.memory_space<vmem>>, vector<16xf32>,
    %get3A_1334 = arith.constant 1936 : index
    %get3A_1335 = tpu.vector_load %arg4[%get3A_1334] {strides = array<i32>} : memref<3136xf32, #tpu.memory_space<vmem>>, vector<16xf32>,
    %get3A_1336 = vector.shape_cast %get3A_1335 : vector<16xf32> to vector<16xf32>
    %get3A_1337 = arith.constant 1936 : index
    %get3A_1338 = tpu.vector_load %arg5[%get3A_1337] {strides = array<i32>} : memref<3136xf32, #tpu.memory_space<vmem>>, vector<16xf32>,
    %get3A_1339 = vector.shape_cast %get3A_1338 : vector<16xf32> to vector<16xf32>
    %add3A_1340 = arith.addf %get3A_1336, %get3A_1339 : vector<16xf32>
    %swap3A_1341 = arith.constant 1936 : index
    %swap3A_1342 = tpu.vector_load %arg4[%swap3A_1341] {strides = array<i32>} : memref<3136xf32, #tpu.memory_space<vmem>>, vector<16xf32>,
    %swap3A_1343 = vector.shape_cast %swap3A_1342 : vector<16xf32> to vector<16xf32>
    %swap3A_1344 = vector.shape_cast %add3A_1340 : vector<16xf32> to vector<16xf32>
    tpu.vector_store %arg4[%swap3A_1341], %swap3A_1344 {strides = array<i32>} : memref<3136xf32, #tpu.memory_space<vmem>>, vector<16xf32>,
    %get3A_1345 = arith.constant 1952 : index
    %get3A_1346 = tpu.vector_load %arg4[%get3A_1345] {strides = array<i32>} : memref<3136xf32, #tpu.memory_space<vmem>>, vector<16xf32>,
    %get3A_1347 = vector.shape_cast %get3A_1346 : vector<16xf32> to vector<16xf32>
    %get3A_1348 = arith.constant 1952 : index
    %get3A_1349 = tpu.vector_load %arg5[%get3A_1348] {strides = array<i32>} : memref<3136xf32, #tpu.memory_space<vmem>>, vector<16xf32>,
    %get3A_1350 = vector.shape_cast %get3A_1349 : vector<16xf32> to vector<16xf32>
    %add3A_1351 = arith.addf %get3A_1347, %get3A_1350 : vector<16xf32>
    %swap3A_1352 = arith.constant 1952 : index
    %swap3A_1353 = tpu.vector_load %arg4[%swap3A_1352] {strides = array<i32>} : memref<3136xf32, #tpu.memory_space<vmem>>, vector<16xf32>,
    %swap3A_1354 = vector.shape_cast %swap3A_1353 : vector<16xf32> to vector<16xf32>
    %swap3A_1355 = vector.shape_cast %add3A_1351 : vector<16xf32> to vector<16xf32>
    tpu.vector_store %arg4[%swap3A_1352], %swap3A_1355 {strides = array<i32>} : memref<3136xf32, #tpu.memory_space<vmem>>, vector<16xf32>,
    %get3A_1356 = arith.constant 1968 : index
    %get3A_1357 = tpu.vector_load %arg4[%get3A_1356] {strides = array<i32>} : memref<3136xf32, #tpu.memory_space<vmem>>, vector<16xf32>,
    %get3A_1358 = vector.shape_cast %get3A_1357 : vector<16xf32> to vector<16xf32>
    %get3A_1359 = arith.constant 1968 : index
    %get3A_1360 = tpu.vector_load %arg5[%get3A_1359] {strides = array<i32>} : memref<3136xf32, #tpu.memory_space<vmem>>, vector<16xf32>,
    %get3A_1361 = vector.shape_cast %get3A_1360 : vector<16xf32> to vector<16xf32>
    %add3A_1362 = arith.addf %get3A_1358, %get3A_1361 : vector<16xf32>
    %swap3A_1363 = arith.constant 1968 : index
    %swap3A_1364 = tpu.vector_load %arg4[%swap3A_1363] {strides = array<i32>} : memref<3136xf32, #tpu.memory_space<vmem>>, vector<16xf32>,
    %swap3A_1365 = vector.shape_cast %swap3A_1364 : vector<16xf32> to vector<16xf32>
    %swap3A_1366 = vector.shape_cast %add3A_1362 : vector<16xf32> to vector<16xf32>
    tpu.vector_store %arg4[%swap3A_1363], %swap3A_1366 {strides = array<i32>} : memref<3136xf32, #tpu.memory_space<vmem>>, vector<16xf32>,
    %get3A_1367 = arith.constant 1984 : index
    %get3A_1368 = tpu.vector_load %arg4[%get3A_1367] {strides = array<i32>} : memref<3136xf32, #tpu.memory_space<vmem>>, vector<16xf32>,
    %get3A_1369 = vector.shape_cast %get3A_1368 : vector<16xf32> to vector<16xf32>
    %get3A_1370 = arith.constant 1984 : index
    %get3A_1371 = tpu.vector_load %arg5[%get3A_1370] {strides = array<i32>} : memref<3136xf32, #tpu.memory_space<vmem>>, vector<16xf32>,
    %get3A_1372 = vector.shape_cast %get3A_1371 : vector<16xf32> to vector<16xf32>
    %add3A_1373 = arith.addf %get3A_1369, %get3A_1372 : vector<16xf32>
    %swap3A_1374 = arith.constant 1984 : index
    %swap3A_1375 = tpu.vector_load %arg4[%swap3A_1374] {strides = array<i32>} : memref<3136xf32, #tpu.memory_space<vmem>>, vector<16xf32>,
    %swap3A_1376 = vector.shape_cast %swap3A_1375 : vector<16xf32> to vector<16xf32>
    %swap3A_1377 = vector.shape_cast %add3A_1373 : vector<16xf32> to vector<16xf32>
    tpu.vector_store %arg4[%swap3A_1374], %swap3A_1377 {strides = array<i32>} : memref<3136xf32, #tpu.memory_space<vmem>>, vector<16xf32>,
    %get3A_1378 = arith.constant 2000 : index
    %get3A_1379 = tpu.vector_load %arg4[%get3A_1378] {strides = array<i32>} : memref<3136xf32, #tpu.memory_space<vmem>>, vector<16xf32>,
    %get3A_1380 = vector.shape_cast %get3A_1379 : vector<16xf32> to vector<16xf32>
    %get3A_1381 = arith.constant 2000 : index
    %get3A_1382 = tpu.vector_load %arg5[%get3A_1381] {strides = array<i32>} : memref<3136xf32, #tpu.memory_space<vmem>>, vector<16xf32>,
    %get3A_1383 = vector.shape_cast %get3A_1382 : vector<16xf32> to vector<16xf32>
    %add3A_1384 = arith.addf %get3A_1380, %get3A_1383 : vector<16xf32>
    %swap3A_1385 = arith.constant 2000 : index
    %swap3A_1386 = tpu.vector_load %arg4[%swap3A_1385] {strides = array<i32>} : memref<3136xf32, #tpu.memory_space<vmem>>, vector<16xf32>,
    %swap3A_1387 = vector.shape_cast %swap3A_1386 : vector<16xf32> to vector<16xf32>
    %swap3A_1388 = vector.shape_cast %add3A_1384 : vector<16xf32> to vector<16xf32>
    tpu.vector_store %arg4[%swap3A_1385], %swap3A_1388 {strides = array<i32>} : memref<3136xf32, #tpu.memory_space<vmem>>, vector<16xf32>,
    %get3A_1389 = arith.constant 2016 : index
    %get3A_1390 = tpu.vector_load %arg4[%get3A_1389] {strides = array<i32>} : memref<3136xf32, #tpu.memory_space<vmem>>, vector<16xf32>,
    %get3A_1391 = vector.shape_cast %get3A_1390 : vector<16xf32> to vector<16xf32>
    %get3A_1392 = arith.constant 2016 : index
    %get3A_1393 = tpu.vector_load %arg5[%get3A_1392] {strides = array<i32>} : memref<3136xf32, #tpu.memory_space<vmem>>, vector<16xf32>,
    %get3A_1394 = vector.shape_cast %get3A_1393 : vector<16xf32> to vector<16xf32>
    %add3A_1395 = arith.addf %get3A_1391, %get3A_1394 : vector<16xf32>
    %swap3A_1396 = arith.constant 2016 : index
    %swap3A_1397 = tpu.vector_load %arg4[%swap3A_1396] {strides = array<i32>} : memref<3136xf32, #tpu.memory_space<vmem>>, vector<16xf32>,
    %swap3A_1398 = vector.shape_cast %swap3A_1397 : vector<16xf32> to vector<16xf32>
    %swap3A_1399 = vector.shape_cast %add3A_1395 : vector<16xf32> to vector<16xf32>
    tpu.vector_store %arg4[%swap3A_1396], %swap3A_1399 {strides = array<i32>} : memref<3136xf32, #tpu.memory_space<vmem>>, vector<16xf32>,
    %get3A_1400 = arith.constant 2032 : index
    %get3A_1401 = tpu.vector_load %arg4[%get3A_1400] {strides = array<i32>} : memref<3136xf32, #tpu.memory_space<vmem>>, vector<16xf32>,
    %get3A_1402 = vector.shape_cast %get3A_1401 : vector<16xf32> to vector<16xf32>
    %get3A_1403 = arith.constant 2032 : index
    %get3A_1404 = tpu.vector_load %arg5[%get3A_1403] {strides = array<i32>} : memref<3136xf32, #tpu.memory_space<vmem>>, vector<16xf32>,
    %get3A_1405 = vector.shape_cast %get3A_1404 : vector<16xf32> to vector<16xf32>
    %add3A_1406 = arith.addf %get3A_1402, %get3A_1405 : vector<16xf32>
    %swap3A_1407 = arith.constant 2032 : index
    %swap3A_1408 = tpu.vector_load %arg4[%swap3A_1407] {strides = array<i32>} : memref<3136xf32, #tpu.memory_space<vmem>>, vector<16xf32>,
    %swap3A_1409 = vector.shape_cast %swap3A_1408 : vector<16xf32> to vector<16xf32>
    %swap3A_1410 = vector.shape_cast %add3A_1406 : vector<16xf32> to vector<16xf32>
    tpu.vector_store %arg4[%swap3A_1407], %swap3A_1410 {strides = array<i32>} : memref<3136xf32, #tpu.memory_space<vmem>>, vector<16xf32>,
    %get3A_1411 = arith.constant 2048 : index
    %get3A_1412 = tpu.vector_load %arg4[%get3A_1411] {strides = array<i32>} : memref<3136xf32, #tpu.memory_space<vmem>>, vector<16xf32>,
    %get3A_1413 = vector.shape_cast %get3A_1412 : vector<16xf32> to vector<16xf32>
    %get3A_1414 = arith.constant 2048 : index
    %get3A_1415 = tpu.vector_load %arg5[%get3A_1414] {strides = array<i32>} : memref<3136xf32, #tpu.memory_space<vmem>>, vector<16xf32>,
    %get3A_1416 = vector.shape_cast %get3A_1415 : vector<16xf32> to vector<16xf32>
    %add3A_1417 = arith.addf %get3A_1413, %get3A_1416 : vector<16xf32>
    %swap3A_1418 = arith.constant 2048 : index
    %swap3A_1419 = tpu.vector_load %arg4[%swap3A_1418] {strides = array<i32>} : memref<3136xf32, #tpu.memory_space<vmem>>, vector<16xf32>,
    %swap3A_1420 = vector.shape_cast %swap3A_1419 : vector<16xf32> to vector<16xf32>
    %swap3A_1421 = vector.shape_cast %add3A_1417 : vector<16xf32> to vector<16xf32>
    tpu.vector_store %arg4[%swap3A_1418], %swap3A_1421 {strides = array<i32>} : memref<3136xf32, #tpu.memory_space<vmem>>, vector<16xf32>,
    %get3A_1422 = arith.constant 2064 : index
    %get3A_1423 = tpu.vector_load %arg4[%get3A_1422] {strides = array<i32>} : memref<3136xf32, #tpu.memory_space<vmem>>, vector<16xf32>,
    %get3A_1424 = vector.shape_cast %get3A_1423 : vector<16xf32> to vector<16xf32>
    %get3A_1425 = arith.constant 2064 : index
    %get3A_1426 = tpu.vector_load %arg5[%get3A_1425] {strides = array<i32>} : memref<3136xf32, #tpu.memory_space<vmem>>, vector<16xf32>,
    %get3A_1427 = vector.shape_cast %get3A_1426 : vector<16xf32> to vector<16xf32>
    %add3A_1428 = arith.addf %get3A_1424, %get3A_1427 : vector<16xf32>
    %swap3A_1429 = arith.constant 2064 : index
    %swap3A_1430 = tpu.vector_load %arg4[%swap3A_1429] {strides = array<i32>} : memref<3136xf32, #tpu.memory_space<vmem>>, vector<16xf32>,
    %swap3A_1431 = vector.shape_cast %swap3A_1430 : vector<16xf32> to vector<16xf32>
    %swap3A_1432 = vector.shape_cast %add3A_1428 : vector<16xf32> to vector<16xf32>
    tpu.vector_store %arg4[%swap3A_1429], %swap3A_1432 {strides = array<i32>} : memref<3136xf32, #tpu.memory_space<vmem>>, vector<16xf32>,
    %get3A_1433 = arith.constant 2080 : index
    %get3A_1434 = tpu.vector_load %arg4[%get3A_1433] {strides = array<i32>} : memref<3136xf32, #tpu.memory_space<vmem>>, vector<16xf32>,
    %get3A_1435 = vector.shape_cast %get3A_1434 : vector<16xf32> to vector<16xf32>
    %get3A_1436 = arith.constant 2080 : index
    %get3A_1437 = tpu.vector_load %arg5[%get3A_1436] {strides = array<i32>} : memref<3136xf32, #tpu.memory_space<vmem>>, vector<16xf32>,
    %get3A_1438 = vector.shape_cast %get3A_1437 : vector<16xf32> to vector<16xf32>
    %add3A_1439 = arith.addf %get3A_1435, %get3A_1438 : vector<16xf32>
    %swap3A_1440 = arith.constant 2080 : index
    %swap3A_1441 = tpu.vector_load %arg4[%swap3A_1440] {strides = array<i32>} : memref<3136xf32, #tpu.memory_space<vmem>>, vector<16xf32>,
    %swap3A_1442 = vector.shape_cast %swap3A_1441 : vector<16xf32> to vector<16xf32>
    %swap3A_1443 = vector.shape_cast %add3A_1439 : vector<16xf32> to vector<16xf32>
    tpu.vector_store %arg4[%swap3A_1440], %swap3A_1443 {strides = array<i32>} : memref<3136xf32, #tpu.memory_space<vmem>>, vector<16xf32>,
    %get3A_1444 = arith.constant 2096 : index
    %get3A_1445 = tpu.vector_load %arg4[%get3A_1444] {strides = array<i32>} : memref<3136xf32, #tpu.memory_space<vmem>>, vector<16xf32>,
    %get3A_1446 = vector.shape_cast %get3A_1445 : vector<16xf32> to vector<16xf32>
    %get3A_1447 = arith.constant 2096 : index
    %get3A_1448 = tpu.vector_load %arg5[%get3A_1447] {strides = array<i32>} : memref<3136xf32, #tpu.memory_space<vmem>>, vector<16xf32>,
    %get3A_1449 = vector.shape_cast %get3A_1448 : vector<16xf32> to vector<16xf32>
    %add3A_1450 = arith.addf %get3A_1446, %get3A_1449 : vector<16xf32>
    %swap3A_1451 = arith.constant 2096 : index
    %swap3A_1452 = tpu.vector_load %arg4[%swap3A_1451] {strides = array<i32>} : memref<3136xf32, #tpu.memory_space<vmem>>, vector<16xf32>,
    %swap3A_1453 = vector.shape_cast %swap3A_1452 : vector<16xf32> to vector<16xf32>
    %swap3A_1454 = vector.shape_cast %add3A_1450 : vector<16xf32> to vector<16xf32>
    tpu.vector_store %arg4[%swap3A_1451], %swap3A_1454 {strides = array<i32>} : memref<3136xf32, #tpu.memory_space<vmem>>, vector<16xf32>,
    %get3A_1455 = arith.constant 2112 : index
    %get3A_1456 = tpu.vector_load %arg4[%get3A_1455] {strides = array<i32>} : memref<3136xf32, #tpu.memory_space<vmem>>, vector<16xf32>,
    %get3A_1457 = vector.shape_cast %get3A_1456 : vector<16xf32> to vector<16xf32>
    %get3A_1458 = arith.constant 2112 : index
    %get3A_1459 = tpu.vector_load %arg5[%get3A_1458] {strides = array<i32>} : memref<3136xf32, #tpu.memory_space<vmem>>, vector<16xf32>,
    %get3A_1460 = vector.shape_cast %get3A_1459 : vector<16xf32> to vector<16xf32>
    %add3A_1461 = arith.addf %get3A_1457, %get3A_1460 : vector<16xf32>
    %swap3A_1462 = arith.constant 2112 : index
    %swap3A_1463 = tpu.vector_load %arg4[%swap3A_1462] {strides = array<i32>} : memref<3136xf32, #tpu.memory_space<vmem>>, vector<16xf32>,
    %swap3A_1464 = vector.shape_cast %swap3A_1463 : vector<16xf32> to vector<16xf32>
    %swap3A_1465 = vector.shape_cast %add3A_1461 : vector<16xf32> to vector<16xf32>
    tpu.vector_store %arg4[%swap3A_1462], %swap3A_1465 {strides = array<i32>} : memref<3136xf32, #tpu.memory_space<vmem>>, vector<16xf32>,
    %get3A_1466 = arith.constant 2128 : index
    %get3A_1467 = tpu.vector_load %arg4[%get3A_1466] {strides = array<i32>} : memref<3136xf32, #tpu.memory_space<vmem>>, vector<16xf32>,
    %get3A_1468 = vector.shape_cast %get3A_1467 : vector<16xf32> to vector<16xf32>
    %get3A_1469 = arith.constant 2128 : index
    %get3A_1470 = tpu.vector_load %arg5[%get3A_1469] {strides = array<i32>} : memref<3136xf32, #tpu.memory_space<vmem>>, vector<16xf32>,
    %get3A_1471 = vector.shape_cast %get3A_1470 : vector<16xf32> to vector<16xf32>
    %add3A_1472 = arith.addf %get3A_1468, %get3A_1471 : vector<16xf32>
    %swap3A_1473 = arith.constant 2128 : index
    %swap3A_1474 = tpu.vector_load %arg4[%swap3A_1473] {strides = array<i32>} : memref<3136xf32, #tpu.memory_space<vmem>>, vector<16xf32>,
    %swap3A_1475 = vector.shape_cast %swap3A_1474 : vector<16xf32> to vector<16xf32>
    %swap3A_1476 = vector.shape_cast %add3A_1472 : vector<16xf32> to vector<16xf32>
    tpu.vector_store %arg4[%swap3A_1473], %swap3A_1476 {strides = array<i32>} : memref<3136xf32, #tpu.memory_space<vmem>>, vector<16xf32>,
    %get3A_1477 = arith.constant 2144 : index
    %get3A_1478 = tpu.vector_load %arg4[%get3A_1477] {strides = array<i32>} : memref<3136xf32, #tpu.memory_space<vmem>>, vector<16xf32>,
    %get3A_1479 = vector.shape_cast %get3A_1478 : vector<16xf32> to vector<16xf32>
    %get3A_1480 = arith.constant 2144 : index
    %get3A_1481 = tpu.vector_load %arg5[%get3A_1480] {strides = array<i32>} : memref<3136xf32, #tpu.memory_space<vmem>>, vector<16xf32>,
    %get3A_1482 = vector.shape_cast %get3A_1481 : vector<16xf32> to vector<16xf32>
    %add3A_1483 = arith.addf %get3A_1479, %get3A_1482 : vector<16xf32>
    %swap3A_1484 = arith.constant 2144 : index
    %swap3A_1485 = tpu.vector_load %arg4[%swap3A_1484] {strides = array<i32>} : memref<3136xf32, #tpu.memory_space<vmem>>, vector<16xf32>,
    %swap3A_1486 = vector.shape_cast %swap3A_1485 : vector<16xf32> to vector<16xf32>
    %swap3A_1487 = vector.shape_cast %add3A_1483 : vector<16xf32> to vector<16xf32>
    tpu.vector_store %arg4[%swap3A_1484], %swap3A_1487 {strides = array<i32>} : memref<3136xf32, #tpu.memory_space<vmem>>, vector<16xf32>,
    %get3A_1488 = arith.constant 2160 : index
    %get3A_1489 = tpu.vector_load %arg4[%get3A_1488] {strides = array<i32>} : memref<3136xf32, #tpu.memory_space<vmem>>, vector<16xf32>,
    %get3A_1490 = vector.shape_cast %get3A_1489 : vector<16xf32> to vector<16xf32>
    %get3A_1491 = arith.constant 2160 : index
    %get3A_1492 = tpu.vector_load %arg5[%get3A_1491] {strides = array<i32>} : memref<3136xf32, #tpu.memory_space<vmem>>, vector<16xf32>,
    %get3A_1493 = vector.shape_cast %get3A_1492 : vector<16xf32> to vector<16xf32>
    %add3A_1494 = arith.addf %get3A_1490, %get3A_1493 : vector<16xf32>
    %swap3A_1495 = arith.constant 2160 : index
    %swap3A_1496 = tpu.vector_load %arg4[%swap3A_1495] {strides = array<i32>} : memref<3136xf32, #tpu.memory_space<vmem>>, vector<16xf32>,
    %swap3A_1497 = vector.shape_cast %swap3A_1496 : vector<16xf32> to vector<16xf32>
    %swap3A_1498 = vector.shape_cast %add3A_1494 : vector<16xf32> to vector<16xf32>
    tpu.vector_store %arg4[%swap3A_1495], %swap3A_1498 {strides = array<i32>} : memref<3136xf32, #tpu.memory_space<vmem>>, vector<16xf32>,
    %get3A_1499 = arith.constant 2176 : index
    %get3A_1500 = tpu.vector_load %arg4[%get3A_1499] {strides = array<i32>} : memref<3136xf32, #tpu.memory_space<vmem>>, vector<16xf32>,
    %get3A_1501 = vector.shape_cast %get3A_1500 : vector<16xf32> to vector<16xf32>
    %get3A_1502 = arith.constant 2176 : index
    %get3A_1503 = tpu.vector_load %arg5[%get3A_1502] {strides = array<i32>} : memref<3136xf32, #tpu.memory_space<vmem>>, vector<16xf32>,
    %get3A_1504 = vector.shape_cast %get3A_1503 : vector<16xf32> to vector<16xf32>
    %add3A_1505 = arith.addf %get3A_1501, %get3A_1504 : vector<16xf32>
    %swap3A_1506 = arith.constant 2176 : index
    %swap3A_1507 = tpu.vector_load %arg4[%swap3A_1506] {strides = array<i32>} : memref<3136xf32, #tpu.memory_space<vmem>>, vector<16xf32>,
    %swap3A_1508 = vector.shape_cast %swap3A_1507 : vector<16xf32> to vector<16xf32>
    %swap3A_1509 = vector.shape_cast %add3A_1505 : vector<16xf32> to vector<16xf32>
    tpu.vector_store %arg4[%swap3A_1506], %swap3A_1509 {strides = array<i32>} : memref<3136xf32, #tpu.memory_space<vmem>>, vector<16xf32>,
    %get3A_1510 = arith.constant 2192 : index
    %get3A_1511 = tpu.vector_load %arg4[%get3A_1510] {strides = array<i32>} : memref<3136xf32, #tpu.memory_space<vmem>>, vector<16xf32>,
    %get3A_1512 = vector.shape_cast %get3A_1511 : vector<16xf32> to vector<16xf32>
    %get3A_1513 = arith.constant 2192 : index
    %get3A_1514 = tpu.vector_load %arg5[%get3A_1513] {strides = array<i32>} : memref<3136xf32, #tpu.memory_space<vmem>>, vector<16xf32>,
    %get3A_1515 = vector.shape_cast %get3A_1514 : vector<16xf32> to vector<16xf32>
    %add3A_1516 = arith.addf %get3A_1512, %get3A_1515 : vector<16xf32>
    %swap3A_1517 = arith.constant 2192 : index
    %swap3A_1518 = tpu.vector_load %arg4[%swap3A_1517] {strides = array<i32>} : memref<3136xf32, #tpu.memory_space<vmem>>, vector<16xf32>,
    %swap3A_1519 = vector.shape_cast %swap3A_1518 : vector<16xf32> to vector<16xf32>
    %swap3A_1520 = vector.shape_cast %add3A_1516 : vector<16xf32> to vector<16xf32>
    tpu.vector_store %arg4[%swap3A_1517], %swap3A_1520 {strides = array<i32>} : memref<3136xf32, #tpu.memory_space<vmem>>, vector<16xf32>,
    %get3A_1521 = arith.constant 2208 : index
    %get3A_1522 = tpu.vector_load %arg4[%get3A_1521] {strides = array<i32>} : memref<3136xf32, #tpu.memory_space<vmem>>, vector<16xf32>,
    %get3A_1523 = vector.shape_cast %get3A_1522 : vector<16xf32> to vector<16xf32>
    %get3A_1524 = arith.constant 2208 : index
    %get3A_1525 = tpu.vector_load %arg5[%get3A_1524] {strides = array<i32>} : memref<3136xf32, #tpu.memory_space<vmem>>, vector<16xf32>,
    %get3A_1526 = vector.shape_cast %get3A_1525 : vector<16xf32> to vector<16xf32>
    %add3A_1527 = arith.addf %get3A_1523, %get3A_1526 : vector<16xf32>
    %swap3A_1528 = arith.constant 2208 : index
    %swap3A_1529 = tpu.vector_load %arg4[%swap3A_1528] {strides = array<i32>} : memref<3136xf32, #tpu.memory_space<vmem>>, vector<16xf32>,
    %swap3A_1530 = vector.shape_cast %swap3A_1529 : vector<16xf32> to vector<16xf32>
    %swap3A_1531 = vector.shape_cast %add3A_1527 : vector<16xf32> to vector<16xf32>
    tpu.vector_store %arg4[%swap3A_1528], %swap3A_1531 {strides = array<i32>} : memref<3136xf32, #tpu.memory_space<vmem>>, vector<16xf32>,
    %get3A_1532 = arith.constant 2224 : index
    %get3A_1533 = tpu.vector_load %arg4[%get3A_1532] {strides = array<i32>} : memref<3136xf32, #tpu.memory_space<vmem>>, vector<16xf32>,
    %get3A_1534 = vector.shape_cast %get3A_1533 : vector<16xf32> to vector<16xf32>
    %get3A_1535 = arith.constant 2224 : index
    %get3A_1536 = tpu.vector_load %arg5[%get3A_1535] {strides = array<i32>} : memref<3136xf32, #tpu.memory_space<vmem>>, vector<16xf32>,
    %get3A_1537 = vector.shape_cast %get3A_1536 : vector<16xf32> to vector<16xf32>
    %add3A_1538 = arith.addf %get3A_1534, %get3A_1537 : vector<16xf32>
    %swap3A_1539 = arith.constant 2224 : index
    %swap3A_1540 = tpu.vector_load %arg4[%swap3A_1539] {strides = array<i32>} : memref<3136xf32, #tpu.memory_space<vmem>>, vector<16xf32>,
    %swap3A_1541 = vector.shape_cast %swap3A_1540 : vector<16xf32> to vector<16xf32>
    %swap3A_1542 = vector.shape_cast %add3A_1538 : vector<16xf32> to vector<16xf32>
    tpu.vector_store %arg4[%swap3A_1539], %swap3A_1542 {strides = array<i32>} : memref<3136xf32, #tpu.memory_space<vmem>>, vector<16xf32>,
    %get3A_1543 = arith.constant 2240 : index
    %get3A_1544 = tpu.vector_load %arg4[%get3A_1543] {strides = array<i32>} : memref<3136xf32, #tpu.memory_space<vmem>>, vector<16xf32>,
    %get3A_1545 = vector.shape_cast %get3A_1544 : vector<16xf32> to vector<16xf32>
    %get3A_1546 = arith.constant 2240 : index
    %get3A_1547 = tpu.vector_load %arg5[%get3A_1546] {strides = array<i32>} : memref<3136xf32, #tpu.memory_space<vmem>>, vector<16xf32>,
    %get3A_1548 = vector.shape_cast %get3A_1547 : vector<16xf32> to vector<16xf32>
    %add3A_1549 = arith.addf %get3A_1545, %get3A_1548 : vector<16xf32>
    %swap3A_1550 = arith.constant 2240 : index
    %swap3A_1551 = tpu.vector_load %arg4[%swap3A_1550] {strides = array<i32>} : memref<3136xf32, #tpu.memory_space<vmem>>, vector<16xf32>,
    %swap3A_1552 = vector.shape_cast %swap3A_1551 : vector<16xf32> to vector<16xf32>
    %swap3A_1553 = vector.shape_cast %add3A_1549 : vector<16xf32> to vector<16xf32>
    tpu.vector_store %arg4[%swap3A_1550], %swap3A_1553 {strides = array<i32>} : memref<3136xf32, #tpu.memory_space<vmem>>, vector<16xf32>,
    %get3A_1554 = arith.constant 2256 : index
    %get3A_1555 = tpu.vector_load %arg4[%get3A_1554] {strides = array<i32>} : memref<3136xf32, #tpu.memory_space<vmem>>, vector<16xf32>,
    %get3A_1556 = vector.shape_cast %get3A_1555 : vector<16xf32> to vector<16xf32>
    %get3A_1557 = arith.constant 2256 : index
    %get3A_1558 = tpu.vector_load %arg5[%get3A_1557] {strides = array<i32>} : memref<3136xf32, #tpu.memory_space<vmem>>, vector<16xf32>,
    %get3A_1559 = vector.shape_cast %get3A_1558 : vector<16xf32> to vector<16xf32>
    %add3A_1560 = arith.addf %get3A_1556, %get3A_1559 : vector<16xf32>
    %swap3A_1561 = arith.constant 2256 : index
    %swap3A_1562 = tpu.vector_load %arg4[%swap3A_1561] {strides = array<i32>} : memref<3136xf32, #tpu.memory_space<vmem>>, vector<16xf32>,
    %swap3A_1563 = vector.shape_cast %swap3A_1562 : vector<16xf32> to vector<16xf32>
    %swap3A_1564 = vector.shape_cast %add3A_1560 : vector<16xf32> to vector<16xf32>
    tpu.vector_store %arg4[%swap3A_1561], %swap3A_1564 {strides = array<i32>} : memref<3136xf32, #tpu.memory_space<vmem>>, vector<16xf32>,
    %get3A_1565 = arith.constant 2272 : index
    %get3A_1566 = tpu.vector_load %arg4[%get3A_1565] {strides = array<i32>} : memref<3136xf32, #tpu.memory_space<vmem>>, vector<16xf32>,
    %get3A_1567 = vector.shape_cast %get3A_1566 : vector<16xf32> to vector<16xf32>
    %get3A_1568 = arith.constant 2272 : index
    %get3A_1569 = tpu.vector_load %arg5[%get3A_1568] {strides = array<i32>} : memref<3136xf32, #tpu.memory_space<vmem>>, vector<16xf32>,
    %get3A_1570 = vector.shape_cast %get3A_1569 : vector<16xf32> to vector<16xf32>
    %add3A_1571 = arith.addf %get3A_1567, %get3A_1570 : vector<16xf32>
    %swap3A_1572 = arith.constant 2272 : index
    %swap3A_1573 = tpu.vector_load %arg4[%swap3A_1572] {strides = array<i32>} : memref<3136xf32, #tpu.memory_space<vmem>>, vector<16xf32>,
    %swap3A_1574 = vector.shape_cast %swap3A_1573 : vector<16xf32> to vector<16xf32>
    %swap3A_1575 = vector.shape_cast %add3A_1571 : vector<16xf32> to vector<16xf32>
    tpu.vector_store %arg4[%swap3A_1572], %swap3A_1575 {strides = array<i32>} : memref<3136xf32, #tpu.memory_space<vmem>>, vector<16xf32>,
    %get3A_1576 = arith.constant 2288 : index
    %get3A_1577 = tpu.vector_load %arg4[%get3A_1576] {strides = array<i32>} : memref<3136xf32, #tpu.memory_space<vmem>>, vector<16xf32>,
    %get3A_1578 = vector.shape_cast %get3A_1577 : vector<16xf32> to vector<16xf32>
    %get3A_1579 = arith.constant 2288 : index
    %get3A_1580 = tpu.vector_load %arg5[%get3A_1579] {strides = array<i32>} : memref<3136xf32, #tpu.memory_space<vmem>>, vector<16xf32>,
    %get3A_1581 = vector.shape_cast %get3A_1580 : vector<16xf32> to vector<16xf32>
    %add3A_1582 = arith.addf %get3A_1578, %get3A_1581 : vector<16xf32>
    %swap3A_1583 = arith.constant 2288 : index
    %swap3A_1584 = tpu.vector_load %arg4[%swap3A_1583] {strides = array<i32>} : memref<3136xf32, #tpu.memory_space<vmem>>, vector<16xf32>,
    %swap3A_1585 = vector.shape_cast %swap3A_1584 : vector<16xf32> to vector<16xf32>
    %swap3A_1586 = vector.shape_cast %add3A_1582 : vector<16xf32> to vector<16xf32>
    tpu.vector_store %arg4[%swap3A_1583], %swap3A_1586 {strides = array<i32>} : memref<3136xf32, #tpu.memory_space<vmem>>, vector<16xf32>,
    %get3A_1587 = arith.constant 2304 : index
    %get3A_1588 = tpu.vector_load %arg4[%get3A_1587] {strides = array<i32>} : memref<3136xf32, #tpu.memory_space<vmem>>, vector<16xf32>,
    %get3A_1589 = vector.shape_cast %get3A_1588 : vector<16xf32> to vector<16xf32>
    %get3A_1590 = arith.constant 2304 : index
    %get3A_1591 = tpu.vector_load %arg5[%get3A_1590] {strides = array<i32>} : memref<3136xf32, #tpu.memory_space<vmem>>, vector<16xf32>,
    %get3A_1592 = vector.shape_cast %get3A_1591 : vector<16xf32> to vector<16xf32>
    %add3A_1593 = arith.addf %get3A_1589, %get3A_1592 : vector<16xf32>
    %swap3A_1594 = arith.constant 2304 : index
    %swap3A_1595 = tpu.vector_load %arg4[%swap3A_1594] {strides = array<i32>} : memref<3136xf32, #tpu.memory_space<vmem>>, vector<16xf32>,
    %swap3A_1596 = vector.shape_cast %swap3A_1595 : vector<16xf32> to vector<16xf32>
    %swap3A_1597 = vector.shape_cast %add3A_1593 : vector<16xf32> to vector<16xf32>
    tpu.vector_store %arg4[%swap3A_1594], %swap3A_1597 {strides = array<i32>} : memref<3136xf32, #tpu.memory_space<vmem>>, vector<16xf32>,
    %get3A_1598 = arith.constant 2320 : index
    %get3A_1599 = tpu.vector_load %arg4[%get3A_1598] {strides = array<i32>} : memref<3136xf32, #tpu.memory_space<vmem>>, vector<16xf32>,
    %get3A_1600 = vector.shape_cast %get3A_1599 : vector<16xf32> to vector<16xf32>
    %get3A_1601 = arith.constant 2320 : index
    %get3A_1602 = tpu.vector_load %arg5[%get3A_1601] {strides = array<i32>} : memref<3136xf32, #tpu.memory_space<vmem>>, vector<16xf32>,
    %get3A_1603 = vector.shape_cast %get3A_1602 : vector<16xf32> to vector<16xf32>
    %add3A_1604 = arith.addf %get3A_1600, %get3A_1603 : vector<16xf32>
    %swap3A_1605 = arith.constant 2320 : index
    %swap3A_1606 = tpu.vector_load %arg4[%swap3A_1605] {strides = array<i32>} : memref<3136xf32, #tpu.memory_space<vmem>>, vector<16xf32>,
    %swap3A_1607 = vector.shape_cast %swap3A_1606 : vector<16xf32> to vector<16xf32>
    %swap3A_1608 = vector.shape_cast %add3A_1604 : vector<16xf32> to vector<16xf32>
    tpu.vector_store %arg4[%swap3A_1605], %swap3A_1608 {strides = array<i32>} : memref<3136xf32, #tpu.memory_space<vmem>>, vector<16xf32>,
    %get3A_1609 = arith.constant 2336 : index
    %get3A_1610 = tpu.vector_load %arg4[%get3A_1609] {strides = array<i32>} : memref<3136xf32, #tpu.memory_space<vmem>>, vector<16xf32>,
    %get3A_1611 = vector.shape_cast %get3A_1610 : vector<16xf32> to vector<16xf32>
    %get3A_1612 = arith.constant 2336 : index
    %get3A_1613 = tpu.vector_load %arg5[%get3A_1612] {strides = array<i32>} : memref<3136xf32, #tpu.memory_space<vmem>>, vector<16xf32>,
    %get3A_1614 = vector.shape_cast %get3A_1613 : vector<16xf32> to vector<16xf32>
    %add3A_1615 = arith.addf %get3A_1611, %get3A_1614 : vector<16xf32>
    %swap3A_1616 = arith.constant 2336 : index
    %swap3A_1617 = tpu.vector_load %arg4[%swap3A_1616] {strides = array<i32>} : memref<3136xf32, #tpu.memory_space<vmem>>, vector<16xf32>,
    %swap3A_1618 = vector.shape_cast %swap3A_1617 : vector<16xf32> to vector<16xf32>
    %swap3A_1619 = vector.shape_cast %add3A_1615 : vector<16xf32> to vector<16xf32>
    tpu.vector_store %arg4[%swap3A_1616], %swap3A_1619 {strides = array<i32>} : memref<3136xf32, #tpu.memory_space<vmem>>, vector<16xf32>,
    %get3A_1620 = arith.constant 2352 : index
    %get3A_1621 = tpu.vector_load %arg4[%get3A_1620] {strides = array<i32>} : memref<3136xf32, #tpu.memory_space<vmem>>, vector<16xf32>,
    %get3A_1622 = vector.shape_cast %get3A_1621 : vector<16xf32> to vector<16xf32>
    %get3A_1623 = arith.constant 2352 : index
    %get3A_1624 = tpu.vector_load %arg5[%get3A_1623] {strides = array<i32>} : memref<3136xf32, #tpu.memory_space<vmem>>, vector<16xf32>,
    %get3A_1625 = vector.shape_cast %get3A_1624 : vector<16xf32> to vector<16xf32>
    %add3A_1626 = arith.addf %get3A_1622, %get3A_1625 : vector<16xf32>
    %swap3A_1627 = arith.constant 2352 : index
    %swap3A_1628 = tpu.vector_load %arg4[%swap3A_1627] {strides = array<i32>} : memref<3136xf32, #tpu.memory_space<vmem>>, vector<16xf32>,
    %swap3A_1629 = vector.shape_cast %swap3A_1628 : vector<16xf32> to vector<16xf32>
    %swap3A_1630 = vector.shape_cast %add3A_1626 : vector<16xf32> to vector<16xf32>
    tpu.vector_store %arg4[%swap3A_1627], %swap3A_1630 {strides = array<i32>} : memref<3136xf32, #tpu.memory_space<vmem>>, vector<16xf32>,
    %get3A_1631 = arith.constant 2368 : index
    %get3A_1632 = tpu.vector_load %arg4[%get3A_1631] {strides = array<i32>} : memref<3136xf32, #tpu.memory_space<vmem>>, vector<16xf32>,
    %get3A_1633 = vector.shape_cast %get3A_1632 : vector<16xf32> to vector<16xf32>
    %get3A_1634 = arith.constant 2368 : index
    %get3A_1635 = tpu.vector_load %arg5[%get3A_1634] {strides = array<i32>} : memref<3136xf32, #tpu.memory_space<vmem>>, vector<16xf32>,
    %get3A_1636 = vector.shape_cast %get3A_1635 : vector<16xf32> to vector<16xf32>
    %add3A_1637 = arith.addf %get3A_1633, %get3A_1636 : vector<16xf32>
    %swap3A_1638 = arith.constant 2368 : index
    %swap3A_1639 = tpu.vector_load %arg4[%swap3A_1638] {strides = array<i32>} : memref<3136xf32, #tpu.memory_space<vmem>>, vector<16xf32>,
    %swap3A_1640 = vector.shape_cast %swap3A_1639 : vector<16xf32> to vector<16xf32>
    %swap3A_1641 = vector.shape_cast %add3A_1637 : vector<16xf32> to vector<16xf32>
    tpu.vector_store %arg4[%swap3A_1638], %swap3A_1641 {strides = array<i32>} : memref<3136xf32, #tpu.memory_space<vmem>>, vector<16xf32>,
    %get3A_1642 = arith.constant 2384 : index
    %get3A_1643 = tpu.vector_load %arg4[%get3A_1642] {strides = array<i32>} : memref<3136xf32, #tpu.memory_space<vmem>>, vector<16xf32>,
    %get3A_1644 = vector.shape_cast %get3A_1643 : vector<16xf32> to vector<16xf32>
    %get3A_1645 = arith.constant 2384 : index
    %get3A_1646 = tpu.vector_load %arg5[%get3A_1645] {strides = array<i32>} : memref<3136xf32, #tpu.memory_space<vmem>>, vector<16xf32>,
    %get3A_1647 = vector.shape_cast %get3A_1646 : vector<16xf32> to vector<16xf32>
    %add3A_1648 = arith.addf %get3A_1644, %get3A_1647 : vector<16xf32>
    %swap3A_1649 = arith.constant 2384 : index
    %swap3A_1650 = tpu.vector_load %arg4[%swap3A_1649] {strides = array<i32>} : memref<3136xf32, #tpu.memory_space<vmem>>, vector<16xf32>,
    %swap3A_1651 = vector.shape_cast %swap3A_1650 : vector<16xf32> to vector<16xf32>
    %swap3A_1652 = vector.shape_cast %add3A_1648 : vector<16xf32> to vector<16xf32>
    tpu.vector_store %arg4[%swap3A_1649], %swap3A_1652 {strides = array<i32>} : memref<3136xf32, #tpu.memory_space<vmem>>, vector<16xf32>,
    %get3A_1653 = arith.constant 2400 : index
    %get3A_1654 = tpu.vector_load %arg4[%get3A_1653] {strides = array<i32>} : memref<3136xf32, #tpu.memory_space<vmem>>, vector<16xf32>,
    %get3A_1655 = vector.shape_cast %get3A_1654 : vector<16xf32> to vector<16xf32>
    %get3A_1656 = arith.constant 2400 : index
    %get3A_1657 = tpu.vector_load %arg5[%get3A_1656] {strides = array<i32>} : memref<3136xf32, #tpu.memory_space<vmem>>, vector<16xf32>,
    %get3A_1658 = vector.shape_cast %get3A_1657 : vector<16xf32> to vector<16xf32>
    %add3A_1659 = arith.addf %get3A_1655, %get3A_1658 : vector<16xf32>
    %swap3A_1660 = arith.constant 2400 : index
    %swap3A_1661 = tpu.vector_load %arg4[%swap3A_1660] {strides = array<i32>} : memref<3136xf32, #tpu.memory_space<vmem>>, vector<16xf32>,
    %swap3A_1662 = vector.shape_cast %swap3A_1661 : vector<16xf32> to vector<16xf32>
    %swap3A_1663 = vector.shape_cast %add3A_1659 : vector<16xf32> to vector<16xf32>
    tpu.vector_store %arg4[%swap3A_1660], %swap3A_1663 {strides = array<i32>} : memref<3136xf32, #tpu.memory_space<vmem>>, vector<16xf32>,
    %get3A_1664 = arith.constant 2416 : index
    %get3A_1665 = tpu.vector_load %arg4[%get3A_1664] {strides = array<i32>} : memref<3136xf32, #tpu.memory_space<vmem>>, vector<16xf32>,
    %get3A_1666 = vector.shape_cast %get3A_1665 : vector<16xf32> to vector<16xf32>
    %get3A_1667 = arith.constant 2416 : index
    %get3A_1668 = tpu.vector_load %arg5[%get3A_1667] {strides = array<i32>} : memref<3136xf32, #tpu.memory_space<vmem>>, vector<16xf32>,
    %get3A_1669 = vector.shape_cast %get3A_1668 : vector<16xf32> to vector<16xf32>
    %add3A_1670 = arith.addf %get3A_1666, %get3A_1669 : vector<16xf32>
    %swap3A_1671 = arith.constant 2416 : index
    %swap3A_1672 = tpu.vector_load %arg4[%swap3A_1671] {strides = array<i32>} : memref<3136xf32, #tpu.memory_space<vmem>>, vector<16xf32>,
    %swap3A_1673 = vector.shape_cast %swap3A_1672 : vector<16xf32> to vector<16xf32>
    %swap3A_1674 = vector.shape_cast %add3A_1670 : vector<16xf32> to vector<16xf32>
    tpu.vector_store %arg4[%swap3A_1671], %swap3A_1674 {strides = array<i32>} : memref<3136xf32, #tpu.memory_space<vmem>>, vector<16xf32>,
    %get3A_1675 = arith.constant 2432 : index
    %get3A_1676 = tpu.vector_load %arg4[%get3A_1675] {strides = array<i32>} : memref<3136xf32, #tpu.memory_space<vmem>>, vector<16xf32>,
    %get3A_1677 = vector.shape_cast %get3A_1676 : vector<16xf32> to vector<16xf32>
    %get3A_1678 = arith.constant 2432 : index
    %get3A_1679 = tpu.vector_load %arg5[%get3A_1678] {strides = array<i32>} : memref<3136xf32, #tpu.memory_space<vmem>>, vector<16xf32>,
    %get3A_1680 = vector.shape_cast %get3A_1679 : vector<16xf32> to vector<16xf32>
    %add3A_1681 = arith.addf %get3A_1677, %get3A_1680 : vector<16xf32>
    %swap3A_1682 = arith.constant 2432 : index
    %swap3A_1683 = tpu.vector_load %arg4[%swap3A_1682] {strides = array<i32>} : memref<3136xf32, #tpu.memory_space<vmem>>, vector<16xf32>,
    %swap3A_1684 = vector.shape_cast %swap3A_1683 : vector<16xf32> to vector<16xf32>
    %swap3A_1685 = vector.shape_cast %add3A_1681 : vector<16xf32> to vector<16xf32>
    tpu.vector_store %arg4[%swap3A_1682], %swap3A_1685 {strides = array<i32>} : memref<3136xf32, #tpu.memory_space<vmem>>, vector<16xf32>,
    %get3A_1686 = arith.constant 2448 : index
    %get3A_1687 = tpu.vector_load %arg4[%get3A_1686] {strides = array<i32>} : memref<3136xf32, #tpu.memory_space<vmem>>, vector<16xf32>,
    %get3A_1688 = vector.shape_cast %get3A_1687 : vector<16xf32> to vector<16xf32>
    %get3A_1689 = arith.constant 2448 : index
    %get3A_1690 = tpu.vector_load %arg5[%get3A_1689] {strides = array<i32>} : memref<3136xf32, #tpu.memory_space<vmem>>, vector<16xf32>,
    %get3A_1691 = vector.shape_cast %get3A_1690 : vector<16xf32> to vector<16xf32>
    %add3A_1692 = arith.addf %get3A_1688, %get3A_1691 : vector<16xf32>
    %swap3A_1693 = arith.constant 2448 : index
    %swap3A_1694 = tpu.vector_load %arg4[%swap3A_1693] {strides = array<i32>} : memref<3136xf32, #tpu.memory_space<vmem>>, vector<16xf32>,
    %swap3A_1695 = vector.shape_cast %swap3A_1694 : vector<16xf32> to vector<16xf32>
    %swap3A_1696 = vector.shape_cast %add3A_1692 : vector<16xf32> to vector<16xf32>
    tpu.vector_store %arg4[%swap3A_1693], %swap3A_1696 {strides = array<i32>} : memref<3136xf32, #tpu.memory_space<vmem>>, vector<16xf32>,
    %get3A_1697 = arith.constant 2464 : index
    %get3A_1698 = tpu.vector_load %arg4[%get3A_1697] {strides = array<i32>} : memref<3136xf32, #tpu.memory_space<vmem>>, vector<16xf32>,
    %get3A_1699 = vector.shape_cast %get3A_1698 : vector<16xf32> to vector<16xf32>
    %get3A_1700 = arith.constant 2464 : index
    %get3A_1701 = tpu.vector_load %arg5[%get3A_1700] {strides = array<i32>} : memref<3136xf32, #tpu.memory_space<vmem>>, vector<16xf32>,
    %get3A_1702 = vector.shape_cast %get3A_1701 : vector<16xf32> to vector<16xf32>
    %add3A_1703 = arith.addf %get3A_1699, %get3A_1702 : vector<16xf32>
    %swap3A_1704 = arith.constant 2464 : index
    %swap3A_1705 = tpu.vector_load %arg4[%swap3A_1704] {strides = array<i32>} : memref<3136xf32, #tpu.memory_space<vmem>>, vector<16xf32>,
    %swap3A_1706 = vector.shape_cast %swap3A_1705 : vector<16xf32> to vector<16xf32>
    %swap3A_1707 = vector.shape_cast %add3A_1703 : vector<16xf32> to vector<16xf32>
    tpu.vector_store %arg4[%swap3A_1704], %swap3A_1707 {strides = array<i32>} : memref<3136xf32, #tpu.memory_space<vmem>>, vector<16xf32>,
    %get3A_1708 = arith.constant 2480 : index
    %get3A_1709 = tpu.vector_load %arg4[%get3A_1708] {strides = array<i32>} : memref<3136xf32, #tpu.memory_space<vmem>>, vector<16xf32>,
    %get3A_1710 = vector.shape_cast %get3A_1709 : vector<16xf32> to vector<16xf32>
    %get3A_1711 = arith.constant 2480 : index
    %get3A_1712 = tpu.vector_load %arg5[%get3A_1711] {strides = array<i32>} : memref<3136xf32, #tpu.memory_space<vmem>>, vector<16xf32>,
    %get3A_1713 = vector.shape_cast %get3A_1712 : vector<16xf32> to vector<16xf32>
    %add3A_1714 = arith.addf %get3A_1710, %get3A_1713 : vector<16xf32>
    %swap3A_1715 = arith.constant 2480 : index
    %swap3A_1716 = tpu.vector_load %arg4[%swap3A_1715] {strides = array<i32>} : memref<3136xf32, #tpu.memory_space<vmem>>, vector<16xf32>,
    %swap3A_1717 = vector.shape_cast %swap3A_1716 : vector<16xf32> to vector<16xf32>
    %swap3A_1718 = vector.shape_cast %add3A_1714 : vector<16xf32> to vector<16xf32>
    tpu.vector_store %arg4[%swap3A_1715], %swap3A_1718 {strides = array<i32>} : memref<3136xf32, #tpu.memory_space<vmem>>, vector<16xf32>,
    %get3A_1719 = arith.constant 2496 : index
    %get3A_1720 = tpu.vector_load %arg4[%get3A_1719] {strides = array<i32>} : memref<3136xf32, #tpu.memory_space<vmem>>, vector<16xf32>,
    %get3A_1721 = vector.shape_cast %get3A_1720 : vector<16xf32> to vector<16xf32>
    %get3A_1722 = arith.constant 2496 : index
    %get3A_1723 = tpu.vector_load %arg5[%get3A_1722] {strides = array<i32>} : memref<3136xf32, #tpu.memory_space<vmem>>, vector<16xf32>,
    %get3A_1724 = vector.shape_cast %get3A_1723 : vector<16xf32> to vector<16xf32>
    %add3A_1725 = arith.addf %get3A_1721, %get3A_1724 : vector<16xf32>
    %swap3A_1726 = arith.constant 2496 : index
    %swap3A_1727 = tpu.vector_load %arg4[%swap3A_1726] {strides = array<i32>} : memref<3136xf32, #tpu.memory_space<vmem>>, vector<16xf32>,
    %swap3A_1728 = vector.shape_cast %swap3A_1727 : vector<16xf32> to vector<16xf32>
    %swap3A_1729 = vector.shape_cast %add3A_1725 : vector<16xf32> to vector<16xf32>
    tpu.vector_store %arg4[%swap3A_1726], %swap3A_1729 {strides = array<i32>} : memref<3136xf32, #tpu.memory_space<vmem>>, vector<16xf32>,
    %get3A_1730 = arith.constant 2512 : index
    %get3A_1731 = tpu.vector_load %arg4[%get3A_1730] {strides = array<i32>} : memref<3136xf32, #tpu.memory_space<vmem>>, vector<16xf32>,
    %get3A_1732 = vector.shape_cast %get3A_1731 : vector<16xf32> to vector<16xf32>
    %get3A_1733 = arith.constant 2512 : index
    %get3A_1734 = tpu.vector_load %arg5[%get3A_1733] {strides = array<i32>} : memref<3136xf32, #tpu.memory_space<vmem>>, vector<16xf32>,
    %get3A_1735 = vector.shape_cast %get3A_1734 : vector<16xf32> to vector<16xf32>
    %add3A_1736 = arith.addf %get3A_1732, %get3A_1735 : vector<16xf32>
    %swap3A_1737 = arith.constant 2512 : index
    %swap3A_1738 = tpu.vector_load %arg4[%swap3A_1737] {strides = array<i32>} : memref<3136xf32, #tpu.memory_space<vmem>>, vector<16xf32>,
    %swap3A_1739 = vector.shape_cast %swap3A_1738 : vector<16xf32> to vector<16xf32>
    %swap3A_1740 = vector.shape_cast %add3A_1736 : vector<16xf32> to vector<16xf32>
    tpu.vector_store %arg4[%swap3A_1737], %swap3A_1740 {strides = array<i32>} : memref<3136xf32, #tpu.memory_space<vmem>>, vector<16xf32>,
    %get3A_1741 = arith.constant 2528 : index
    %get3A_1742 = tpu.vector_load %arg4[%get3A_1741] {strides = array<i32>} : memref<3136xf32, #tpu.memory_space<vmem>>, vector<16xf32>,
    %get3A_1743 = vector.shape_cast %get3A_1742 : vector<16xf32> to vector<16xf32>
    %get3A_1744 = arith.constant 2528 : index
    %get3A_1745 = tpu.vector_load %arg5[%get3A_1744] {strides = array<i32>} : memref<3136xf32, #tpu.memory_space<vmem>>, vector<16xf32>,
    %get3A_1746 = vector.shape_cast %get3A_1745 : vector<16xf32> to vector<16xf32>
    %add3A_1747 = arith.addf %get3A_1743, %get3A_1746 : vector<16xf32>
    %swap3A_1748 = arith.constant 2528 : index
    %swap3A_1749 = tpu.vector_load %arg4[%swap3A_1748] {strides = array<i32>} : memref<3136xf32, #tpu.memory_space<vmem>>, vector<16xf32>,
    %swap3A_1750 = vector.shape_cast %swap3A_1749 : vector<16xf32> to vector<16xf32>
    %swap3A_1751 = vector.shape_cast %add3A_1747 : vector<16xf32> to vector<16xf32>
    tpu.vector_store %arg4[%swap3A_1748], %swap3A_1751 {strides = array<i32>} : memref<3136xf32, #tpu.memory_space<vmem>>, vector<16xf32>,
    %get3A_1752 = arith.constant 2544 : index
    %get3A_1753 = tpu.vector_load %arg4[%get3A_1752] {strides = array<i32>} : memref<3136xf32, #tpu.memory_space<vmem>>, vector<16xf32>,
    %get3A_1754 = vector.shape_cast %get3A_1753 : vector<16xf32> to vector<16xf32>
    %get3A_1755 = arith.constant 2544 : index
    %get3A_1756 = tpu.vector_load %arg5[%get3A_1755] {strides = array<i32>} : memref<3136xf32, #tpu.memory_space<vmem>>, vector<16xf32>,
    %get3A_1757 = vector.shape_cast %get3A_1756 : vector<16xf32> to vector<16xf32>
    %add3A_1758 = arith.addf %get3A_1754, %get3A_1757 : vector<16xf32>
    %swap3A_1759 = arith.constant 2544 : index
    %swap3A_1760 = tpu.vector_load %arg4[%swap3A_1759] {strides = array<i32>} : memref<3136xf32, #tpu.memory_space<vmem>>, vector<16xf32>,
    %swap3A_1761 = vector.shape_cast %swap3A_1760 : vector<16xf32> to vector<16xf32>
    %swap3A_1762 = vector.shape_cast %add3A_1758 : vector<16xf32> to vector<16xf32>
    tpu.vector_store %arg4[%swap3A_1759], %swap3A_1762 {strides = array<i32>} : memref<3136xf32, #tpu.memory_space<vmem>>, vector<16xf32>,
    %get3A_1763 = arith.constant 2560 : index
    %get3A_1764 = tpu.vector_load %arg4[%get3A_1763] {strides = array<i32>} : memref<3136xf32, #tpu.memory_space<vmem>>, vector<16xf32>,
    %get3A_1765 = vector.shape_cast %get3A_1764 : vector<16xf32> to vector<16xf32>
    %get3A_1766 = arith.constant 2560 : index
    %get3A_1767 = tpu.vector_load %arg5[%get3A_1766] {strides = array<i32>} : memref<3136xf32, #tpu.memory_space<vmem>>, vector<16xf32>,
    %get3A_1768 = vector.shape_cast %get3A_1767 : vector<16xf32> to vector<16xf32>
    %add3A_1769 = arith.addf %get3A_1765, %get3A_1768 : vector<16xf32>
    %swap3A_1770 = arith.constant 2560 : index
    %swap3A_1771 = tpu.vector_load %arg4[%swap3A_1770] {strides = array<i32>} : memref<3136xf32, #tpu.memory_space<vmem>>, vector<16xf32>,
    %swap3A_1772 = vector.shape_cast %swap3A_1771 : vector<16xf32> to vector<16xf32>
    %swap3A_1773 = vector.shape_cast %add3A_1769 : vector<16xf32> to vector<16xf32>
    tpu.vector_store %arg4[%swap3A_1770], %swap3A_1773 {strides = array<i32>} : memref<3136xf32, #tpu.memory_space<vmem>>, vector<16xf32>,
    %get3A_1774 = arith.constant 2576 : index
    %get3A_1775 = tpu.vector_load %arg4[%get3A_1774] {strides = array<i32>} : memref<3136xf32, #tpu.memory_space<vmem>>, vector<16xf32>,
    %get3A_1776 = vector.shape_cast %get3A_1775 : vector<16xf32> to vector<16xf32>
    %get3A_1777 = arith.constant 2576 : index
    %get3A_1778 = tpu.vector_load %arg5[%get3A_1777] {strides = array<i32>} : memref<3136xf32, #tpu.memory_space<vmem>>, vector<16xf32>,
    %get3A_1779 = vector.shape_cast %get3A_1778 : vector<16xf32> to vector<16xf32>
    %add3A_1780 = arith.addf %get3A_1776, %get3A_1779 : vector<16xf32>
    %swap3A_1781 = arith.constant 2576 : index
    %swap3A_1782 = tpu.vector_load %arg4[%swap3A_1781] {strides = array<i32>} : memref<3136xf32, #tpu.memory_space<vmem>>, vector<16xf32>,
    %swap3A_1783 = vector.shape_cast %swap3A_1782 : vector<16xf32> to vector<16xf32>
    %swap3A_1784 = vector.shape_cast %add3A_1780 : vector<16xf32> to vector<16xf32>
    tpu.vector_store %arg4[%swap3A_1781], %swap3A_1784 {strides = array<i32>} : memref<3136xf32, #tpu.memory_space<vmem>>, vector<16xf32>,
    %get3A_1785 = arith.constant 2592 : index
    %get3A_1786 = tpu.vector_load %arg4[%get3A_1785] {strides = array<i32>} : memref<3136xf32, #tpu.memory_space<vmem>>, vector<16xf32>,
    %get3A_1787 = vector.shape_cast %get3A_1786 : vector<16xf32> to vector<16xf32>
    %get3A_1788 = arith.constant 2592 : index
    %get3A_1789 = tpu.vector_load %arg5[%get3A_1788] {strides = array<i32>} : memref<3136xf32, #tpu.memory_space<vmem>>, vector<16xf32>,
    %get3A_1790 = vector.shape_cast %get3A_1789 : vector<16xf32> to vector<16xf32>
    %add3A_1791 = arith.addf %get3A_1787, %get3A_1790 : vector<16xf32>
    %swap3A_1792 = arith.constant 2592 : index
    %swap3A_1793 = tpu.vector_load %arg4[%swap3A_1792] {strides = array<i32>} : memref<3136xf32, #tpu.memory_space<vmem>>, vector<16xf32>,
    %swap3A_1794 = vector.shape_cast %swap3A_1793 : vector<16xf32> to vector<16xf32>
    %swap3A_1795 = vector.shape_cast %add3A_1791 : vector<16xf32> to vector<16xf32>
    tpu.vector_store %arg4[%swap3A_1792], %swap3A_1795 {strides = array<i32>} : memref<3136xf32, #tpu.memory_space<vmem>>, vector<16xf32>,
    %get3A_1796 = arith.constant 2608 : index
    %get3A_1797 = tpu.vector_load %arg4[%get3A_1796] {strides = array<i32>} : memref<3136xf32, #tpu.memory_space<vmem>>, vector<16xf32>,
    %get3A_1798 = vector.shape_cast %get3A_1797 : vector<16xf32> to vector<16xf32>
    %get3A_1799 = arith.constant 2608 : index
    %get3A_1800 = tpu.vector_load %arg5[%get3A_1799] {strides = array<i32>} : memref<3136xf32, #tpu.memory_space<vmem>>, vector<16xf32>,
    %get3A_1801 = vector.shape_cast %get3A_1800 : vector<16xf32> to vector<16xf32>
    %add3A_1802 = arith.addf %get3A_1798, %get3A_1801 : vector<16xf32>
    %swap3A_1803 = arith.constant 2608 : index
    %swap3A_1804 = tpu.vector_load %arg4[%swap3A_1803] {strides = array<i32>} : memref<3136xf32, #tpu.memory_space<vmem>>, vector<16xf32>,
    %swap3A_1805 = vector.shape_cast %swap3A_1804 : vector<16xf32> to vector<16xf32>
    %swap3A_1806 = vector.shape_cast %add3A_1802 : vector<16xf32> to vector<16xf32>
    tpu.vector_store %arg4[%swap3A_1803], %swap3A_1806 {strides = array<i32>} : memref<3136xf32, #tpu.memory_space<vmem>>, vector<16xf32>,
    %get3A_1807 = arith.constant 2624 : index
    %get3A_1808 = tpu.vector_load %arg4[%get3A_1807] {strides = array<i32>} : memref<3136xf32, #tpu.memory_space<vmem>>, vector<16xf32>,
    %get3A_1809 = vector.shape_cast %get3A_1808 : vector<16xf32> to vector<16xf32>
    %get3A_1810 = arith.constant 2624 : index
    %get3A_1811 = tpu.vector_load %arg5[%get3A_1810] {strides = array<i32>} : memref<3136xf32, #tpu.memory_space<vmem>>, vector<16xf32>,
    %get3A_1812 = vector.shape_cast %get3A_1811 : vector<16xf32> to vector<16xf32>
    %add3A_1813 = arith.addf %get3A_1809, %get3A_1812 : vector<16xf32>
    %swap3A_1814 = arith.constant 2624 : index
    %swap3A_1815 = tpu.vector_load %arg4[%swap3A_1814] {strides = array<i32>} : memref<3136xf32, #tpu.memory_space<vmem>>, vector<16xf32>,
    %swap3A_1816 = vector.shape_cast %swap3A_1815 : vector<16xf32> to vector<16xf32>
    %swap3A_1817 = vector.shape_cast %add3A_1813 : vector<16xf32> to vector<16xf32>
    tpu.vector_store %arg4[%swap3A_1814], %swap3A_1817 {strides = array<i32>} : memref<3136xf32, #tpu.memory_space<vmem>>, vector<16xf32>,
    %get3A_1818 = arith.constant 2640 : index
    %get3A_1819 = tpu.vector_load %arg4[%get3A_1818] {strides = array<i32>} : memref<3136xf32, #tpu.memory_space<vmem>>, vector<16xf32>,
    %get3A_1820 = vector.shape_cast %get3A_1819 : vector<16xf32> to vector<16xf32>
    %get3A_1821 = arith.constant 2640 : index
    %get3A_1822 = tpu.vector_load %arg5[%get3A_1821] {strides = array<i32>} : memref<3136xf32, #tpu.memory_space<vmem>>, vector<16xf32>,
    %get3A_1823 = vector.shape_cast %get3A_1822 : vector<16xf32> to vector<16xf32>
    %add3A_1824 = arith.addf %get3A_1820, %get3A_1823 : vector<16xf32>
    %swap3A_1825 = arith.constant 2640 : index
    %swap3A_1826 = tpu.vector_load %arg4[%swap3A_1825] {strides = array<i32>} : memref<3136xf32, #tpu.memory_space<vmem>>, vector<16xf32>,
    %swap3A_1827 = vector.shape_cast %swap3A_1826 : vector<16xf32> to vector<16xf32>
    %swap3A_1828 = vector.shape_cast %add3A_1824 : vector<16xf32> to vector<16xf32>
    tpu.vector_store %arg4[%swap3A_1825], %swap3A_1828 {strides = array<i32>} : memref<3136xf32, #tpu.memory_space<vmem>>, vector<16xf32>,
    %get3A_1829 = arith.constant 2656 : index
    %get3A_1830 = tpu.vector_load %arg4[%get3A_1829] {strides = array<i32>} : memref<3136xf32, #tpu.memory_space<vmem>>, vector<16xf32>,
    %get3A_1831 = vector.shape_cast %get3A_1830 : vector<16xf32> to vector<16xf32>
    %get3A_1832 = arith.constant 2656 : index
    %get3A_1833 = tpu.vector_load %arg5[%get3A_1832] {strides = array<i32>} : memref<3136xf32, #tpu.memory_space<vmem>>, vector<16xf32>,
    %get3A_1834 = vector.shape_cast %get3A_1833 : vector<16xf32> to vector<16xf32>
    %add3A_1835 = arith.addf %get3A_1831, %get3A_1834 : vector<16xf32>
    %swap3A_1836 = arith.constant 2656 : index
    %swap3A_1837 = tpu.vector_load %arg4[%swap3A_1836] {strides = array<i32>} : memref<3136xf32, #tpu.memory_space<vmem>>, vector<16xf32>,
    %swap3A_1838 = vector.shape_cast %swap3A_1837 : vector<16xf32> to vector<16xf32>
    %swap3A_1839 = vector.shape_cast %add3A_1835 : vector<16xf32> to vector<16xf32>
    tpu.vector_store %arg4[%swap3A_1836], %swap3A_1839 {strides = array<i32>} : memref<3136xf32, #tpu.memory_space<vmem>>, vector<16xf32>,
    %get3A_1840 = arith.constant 2672 : index
    %get3A_1841 = tpu.vector_load %arg4[%get3A_1840] {strides = array<i32>} : memref<3136xf32, #tpu.memory_space<vmem>>, vector<16xf32>,
    %get3A_1842 = vector.shape_cast %get3A_1841 : vector<16xf32> to vector<16xf32>
    %get3A_1843 = arith.constant 2672 : index
    %get3A_1844 = tpu.vector_load %arg5[%get3A_1843] {strides = array<i32>} : memref<3136xf32, #tpu.memory_space<vmem>>, vector<16xf32>,
    %get3A_1845 = vector.shape_cast %get3A_1844 : vector<16xf32> to vector<16xf32>
    %add3A_1846 = arith.addf %get3A_1842, %get3A_1845 : vector<16xf32>
    %swap3A_1847 = arith.constant 2672 : index
    %swap3A_1848 = tpu.vector_load %arg4[%swap3A_1847] {strides = array<i32>} : memref<3136xf32, #tpu.memory_space<vmem>>, vector<16xf32>,
    %swap3A_1849 = vector.shape_cast %swap3A_1848 : vector<16xf32> to vector<16xf32>
    %swap3A_1850 = vector.shape_cast %add3A_1846 : vector<16xf32> to vector<16xf32>
    tpu.vector_store %arg4[%swap3A_1847], %swap3A_1850 {strides = array<i32>} : memref<3136xf32, #tpu.memory_space<vmem>>, vector<16xf32>,
    %get3A_1851 = arith.constant 2688 : index
    %get3A_1852 = tpu.vector_load %arg4[%get3A_1851] {strides = array<i32>} : memref<3136xf32, #tpu.memory_space<vmem>>, vector<16xf32>,
    %get3A_1853 = vector.shape_cast %get3A_1852 : vector<16xf32> to vector<16xf32>
    %get3A_1854 = arith.constant 2688 : index
    %get3A_1855 = tpu.vector_load %arg5[%get3A_1854] {strides = array<i32>} : memref<3136xf32, #tpu.memory_space<vmem>>, vector<16xf32>,
    %get3A_1856 = vector.shape_cast %get3A_1855 : vector<16xf32> to vector<16xf32>
    %add3A_1857 = arith.addf %get3A_1853, %get3A_1856 : vector<16xf32>
    %swap3A_1858 = arith.constant 2688 : index
    %swap3A_1859 = tpu.vector_load %arg4[%swap3A_1858] {strides = array<i32>} : memref<3136xf32, #tpu.memory_space<vmem>>, vector<16xf32>,
    %swap3A_1860 = vector.shape_cast %swap3A_1859 : vector<16xf32> to vector<16xf32>
    %swap3A_1861 = vector.shape_cast %add3A_1857 : vector<16xf32> to vector<16xf32>
    tpu.vector_store %arg4[%swap3A_1858], %swap3A_1861 {strides = array<i32>} : memref<3136xf32, #tpu.memory_space<vmem>>, vector<16xf32>,
    %get3A_1862 = arith.constant 2704 : index
    %get3A_1863 = tpu.vector_load %arg4[%get3A_1862] {strides = array<i32>} : memref<3136xf32, #tpu.memory_space<vmem>>, vector<16xf32>,
    %get3A_1864 = vector.shape_cast %get3A_1863 : vector<16xf32> to vector<16xf32>
    %get3A_1865 = arith.constant 2704 : index
    %get3A_1866 = tpu.vector_load %arg5[%get3A_1865] {strides = array<i32>} : memref<3136xf32, #tpu.memory_space<vmem>>, vector<16xf32>,
    %get3A_1867 = vector.shape_cast %get3A_1866 : vector<16xf32> to vector<16xf32>
    %add3A_1868 = arith.addf %get3A_1864, %get3A_1867 : vector<16xf32>
    %swap3A_1869 = arith.constant 2704 : index
    %swap3A_1870 = tpu.vector_load %arg4[%swap3A_1869] {strides = array<i32>} : memref<3136xf32, #tpu.memory_space<vmem>>, vector<16xf32>,
    %swap3A_1871 = vector.shape_cast %swap3A_1870 : vector<16xf32> to vector<16xf32>
    %swap3A_1872 = vector.shape_cast %add3A_1868 : vector<16xf32> to vector<16xf32>
    tpu.vector_store %arg4[%swap3A_1869], %swap3A_1872 {strides = array<i32>} : memref<3136xf32, #tpu.memory_space<vmem>>, vector<16xf32>,
    %get3A_1873 = arith.constant 2720 : index
    %get3A_1874 = tpu.vector_load %arg4[%get3A_1873] {strides = array<i32>} : memref<3136xf32, #tpu.memory_space<vmem>>, vector<16xf32>,
    %get3A_1875 = vector.shape_cast %get3A_1874 : vector<16xf32> to vector<16xf32>
    %get3A_1876 = arith.constant 2720 : index
    %get3A_1877 = tpu.vector_load %arg5[%get3A_1876] {strides = array<i32>} : memref<3136xf32, #tpu.memory_space<vmem>>, vector<16xf32>,
    %get3A_1878 = vector.shape_cast %get3A_1877 : vector<16xf32> to vector<16xf32>
    %add3A_1879 = arith.addf %get3A_1875, %get3A_1878 : vector<16xf32>
    %swap3A_1880 = arith.constant 2720 : index
    %swap3A_1881 = tpu.vector_load %arg4[%swap3A_1880] {strides = array<i32>} : memref<3136xf32, #tpu.memory_space<vmem>>, vector<16xf32>,
    %swap3A_1882 = vector.shape_cast %swap3A_1881 : vector<16xf32> to vector<16xf32>
    %swap3A_1883 = vector.shape_cast %add3A_1879 : vector<16xf32> to vector<16xf32>
    tpu.vector_store %arg4[%swap3A_1880], %swap3A_1883 {strides = array<i32>} : memref<3136xf32, #tpu.memory_space<vmem>>, vector<16xf32>,
    %get3A_1884 = arith.constant 2736 : index
    %get3A_1885 = tpu.vector_load %arg4[%get3A_1884] {strides = array<i32>} : memref<3136xf32, #tpu.memory_space<vmem>>, vector<16xf32>,
    %get3A_1886 = vector.shape_cast %get3A_1885 : vector<16xf32> to vector<16xf32>
    %get3A_1887 = arith.constant 2736 : index
    %get3A_1888 = tpu.vector_load %arg5[%get3A_1887] {strides = array<i32>} : memref<3136xf32, #tpu.memory_space<vmem>>, vector<16xf32>,
    %get3A_1889 = vector.shape_cast %get3A_1888 : vector<16xf32> to vector<16xf32>
    %add3A_1890 = arith.addf %get3A_1886, %get3A_1889 : vector<16xf32>
    %swap3A_1891 = arith.constant 2736 : index
    %swap3A_1892 = tpu.vector_load %arg4[%swap3A_1891] {strides = array<i32>} : memref<3136xf32, #tpu.memory_space<vmem>>, vector<16xf32>,
    %swap3A_1893 = vector.shape_cast %swap3A_1892 : vector<16xf32> to vector<16xf32>
    %swap3A_1894 = vector.shape_cast %add3A_1890 : vector<16xf32> to vector<16xf32>
    tpu.vector_store %arg4[%swap3A_1891], %swap3A_1894 {strides = array<i32>} : memref<3136xf32, #tpu.memory_space<vmem>>, vector<16xf32>,
    %get3A_1895 = arith.constant 2752 : index
    %get3A_1896 = tpu.vector_load %arg4[%get3A_1895] {strides = array<i32>} : memref<3136xf32, #tpu.memory_space<vmem>>, vector<16xf32>,
    %get3A_1897 = vector.shape_cast %get3A_1896 : vector<16xf32> to vector<16xf32>
    %get3A_1898 = arith.constant 2752 : index
    %get3A_1899 = tpu.vector_load %arg5[%get3A_1898] {strides = array<i32>} : memref<3136xf32, #tpu.memory_space<vmem>>, vector<16xf32>,
    %get3A_1900 = vector.shape_cast %get3A_1899 : vector<16xf32> to vector<16xf32>
    %add3A_1901 = arith.addf %get3A_1897, %get3A_1900 : vector<16xf32>
    %swap3A_1902 = arith.constant 2752 : index
    %swap3A_1903 = tpu.vector_load %arg4[%swap3A_1902] {strides = array<i32>} : memref<3136xf32, #tpu.memory_space<vmem>>, vector<16xf32>,
    %swap3A_1904 = vector.shape_cast %swap3A_1903 : vector<16xf32> to vector<16xf32>
    %swap3A_1905 = vector.shape_cast %add3A_1901 : vector<16xf32> to vector<16xf32>
    tpu.vector_store %arg4[%swap3A_1902], %swap3A_1905 {strides = array<i32>} : memref<3136xf32, #tpu.memory_space<vmem>>, vector<16xf32>,
    %get3A_1906 = arith.constant 2768 : index
    %get3A_1907 = tpu.vector_load %arg4[%get3A_1906] {strides = array<i32>} : memref<3136xf32, #tpu.memory_space<vmem>>, vector<16xf32>,
    %get3A_1908 = vector.shape_cast %get3A_1907 : vector<16xf32> to vector<16xf32>
    %get3A_1909 = arith.constant 2768 : index
    %get3A_1910 = tpu.vector_load %arg5[%get3A_1909] {strides = array<i32>} : memref<3136xf32, #tpu.memory_space<vmem>>, vector<16xf32>,
    %get3A_1911 = vector.shape_cast %get3A_1910 : vector<16xf32> to vector<16xf32>
    %add3A_1912 = arith.addf %get3A_1908, %get3A_1911 : vector<16xf32>
    %swap3A_1913 = arith.constant 2768 : index
    %swap3A_1914 = tpu.vector_load %arg4[%swap3A_1913] {strides = array<i32>} : memref<3136xf32, #tpu.memory_space<vmem>>, vector<16xf32>,
    %swap3A_1915 = vector.shape_cast %swap3A_1914 : vector<16xf32> to vector<16xf32>
    %swap3A_1916 = vector.shape_cast %add3A_1912 : vector<16xf32> to vector<16xf32>
    tpu.vector_store %arg4[%swap3A_1913], %swap3A_1916 {strides = array<i32>} : memref<3136xf32, #tpu.memory_space<vmem>>, vector<16xf32>,
    %get3A_1917 = arith.constant 2784 : index
    %get3A_1918 = tpu.vector_load %arg4[%get3A_1917] {strides = array<i32>} : memref<3136xf32, #tpu.memory_space<vmem>>, vector<16xf32>,
    %get3A_1919 = vector.shape_cast %get3A_1918 : vector<16xf32> to vector<16xf32>
    %get3A_1920 = arith.constant 2784 : index
    %get3A_1921 = tpu.vector_load %arg5[%get3A_1920] {strides = array<i32>} : memref<3136xf32, #tpu.memory_space<vmem>>, vector<16xf32>,
    %get3A_1922 = vector.shape_cast %get3A_1921 : vector<16xf32> to vector<16xf32>
    %add3A_1923 = arith.addf %get3A_1919, %get3A_1922 : vector<16xf32>
    %swap3A_1924 = arith.constant 2784 : index
    %swap3A_1925 = tpu.vector_load %arg4[%swap3A_1924] {strides = array<i32>} : memref<3136xf32, #tpu.memory_space<vmem>>, vector<16xf32>,
    %swap3A_1926 = vector.shape_cast %swap3A_1925 : vector<16xf32> to vector<16xf32>
    %swap3A_1927 = vector.shape_cast %add3A_1923 : vector<16xf32> to vector<16xf32>
    tpu.vector_store %arg4[%swap3A_1924], %swap3A_1927 {strides = array<i32>} : memref<3136xf32, #tpu.memory_space<vmem>>, vector<16xf32>,
    %get3A_1928 = arith.constant 2800 : index
    %get3A_1929 = tpu.vector_load %arg4[%get3A_1928] {strides = array<i32>} : memref<3136xf32, #tpu.memory_space<vmem>>, vector<16xf32>,
    %get3A_1930 = vector.shape_cast %get3A_1929 : vector<16xf32> to vector<16xf32>
    %get3A_1931 = arith.constant 2800 : index
    %get3A_1932 = tpu.vector_load %arg5[%get3A_1931] {strides = array<i32>} : memref<3136xf32, #tpu.memory_space<vmem>>, vector<16xf32>,
    %get3A_1933 = vector.shape_cast %get3A_1932 : vector<16xf32> to vector<16xf32>
    %add3A_1934 = arith.addf %get3A_1930, %get3A_1933 : vector<16xf32>
    %swap3A_1935 = arith.constant 2800 : index
    %swap3A_1936 = tpu.vector_load %arg4[%swap3A_1935] {strides = array<i32>} : memref<3136xf32, #tpu.memory_space<vmem>>, vector<16xf32>,
    %swap3A_1937 = vector.shape_cast %swap3A_1936 : vector<16xf32> to vector<16xf32>
    %swap3A_1938 = vector.shape_cast %add3A_1934 : vector<16xf32> to vector<16xf32>
    tpu.vector_store %arg4[%swap3A_1935], %swap3A_1938 {strides = array<i32>} : memref<3136xf32, #tpu.memory_space<vmem>>, vector<16xf32>,
    %get3A_1939 = arith.constant 2816 : index
    %get3A_1940 = tpu.vector_load %arg4[%get3A_1939] {strides = array<i32>} : memref<3136xf32, #tpu.memory_space<vmem>>, vector<16xf32>,
    %get3A_1941 = vector.shape_cast %get3A_1940 : vector<16xf32> to vector<16xf32>
    %get3A_1942 = arith.constant 2816 : index
    %get3A_1943 = tpu.vector_load %arg5[%get3A_1942] {strides = array<i32>} : memref<3136xf32, #tpu.memory_space<vmem>>, vector<16xf32>,
    %get3A_1944 = vector.shape_cast %get3A_1943 : vector<16xf32> to vector<16xf32>
    %add3A_1945 = arith.addf %get3A_1941, %get3A_1944 : vector<16xf32>
    %swap3A_1946 = arith.constant 2816 : index
    %swap3A_1947 = tpu.vector_load %arg4[%swap3A_1946] {strides = array<i32>} : memref<3136xf32, #tpu.memory_space<vmem>>, vector<16xf32>,
    %swap3A_1948 = vector.shape_cast %swap3A_1947 : vector<16xf32> to vector<16xf32>
    %swap3A_1949 = vector.shape_cast %add3A_1945 : vector<16xf32> to vector<16xf32>
    tpu.vector_store %arg4[%swap3A_1946], %swap3A_1949 {strides = array<i32>} : memref<3136xf32, #tpu.memory_space<vmem>>, vector<16xf32>,
    %get3A_1950 = arith.constant 2832 : index
    %get3A_1951 = tpu.vector_load %arg4[%get3A_1950] {strides = array<i32>} : memref<3136xf32, #tpu.memory_space<vmem>>, vector<16xf32>,
    %get3A_1952 = vector.shape_cast %get3A_1951 : vector<16xf32> to vector<16xf32>
    %get3A_1953 = arith.constant 2832 : index
    %get3A_1954 = tpu.vector_load %arg5[%get3A_1953] {strides = array<i32>} : memref<3136xf32, #tpu.memory_space<vmem>>, vector<16xf32>,
    %get3A_1955 = vector.shape_cast %get3A_1954 : vector<16xf32> to vector<16xf32>
    %add3A_1956 = arith.addf %get3A_1952, %get3A_1955 : vector<16xf32>
    %swap3A_1957 = arith.constant 2832 : index
    %swap3A_1958 = tpu.vector_load %arg4[%swap3A_1957] {strides = array<i32>} : memref<3136xf32, #tpu.memory_space<vmem>>, vector<16xf32>,
    %swap3A_1959 = vector.shape_cast %swap3A_1958 : vector<16xf32> to vector<16xf32>
    %swap3A_1960 = vector.shape_cast %add3A_1956 : vector<16xf32> to vector<16xf32>
    tpu.vector_store %arg4[%swap3A_1957], %swap3A_1960 {strides = array<i32>} : memref<3136xf32, #tpu.memory_space<vmem>>, vector<16xf32>,
    %get3A_1961 = arith.constant 2848 : index
    %get3A_1962 = tpu.vector_load %arg4[%get3A_1961] {strides = array<i32>} : memref<3136xf32, #tpu.memory_space<vmem>>, vector<16xf32>,
    %get3A_1963 = vector.shape_cast %get3A_1962 : vector<16xf32> to vector<16xf32>
    %get3A_1964 = arith.constant 2848 : index
    %get3A_1965 = tpu.vector_load %arg5[%get3A_1964] {strides = array<i32>} : memref<3136xf32, #tpu.memory_space<vmem>>, vector<16xf32>,
    %get3A_1966 = vector.shape_cast %get3A_1965 : vector<16xf32> to vector<16xf32>
    %add3A_1967 = arith.addf %get3A_1963, %get3A_1966 : vector<16xf32>
    %swap3A_1968 = arith.constant 2848 : index
    %swap3A_1969 = tpu.vector_load %arg4[%swap3A_1968] {strides = array<i32>} : memref<3136xf32, #tpu.memory_space<vmem>>, vector<16xf32>,
    %swap3A_1970 = vector.shape_cast %swap3A_1969 : vector<16xf32> to vector<16xf32>
    %swap3A_1971 = vector.shape_cast %add3A_1967 : vector<16xf32> to vector<16xf32>
    tpu.vector_store %arg4[%swap3A_1968], %swap3A_1971 {strides = array<i32>} : memref<3136xf32, #tpu.memory_space<vmem>>, vector<16xf32>,
    %get3A_1972 = arith.constant 2864 : index
    %get3A_1973 = tpu.vector_load %arg4[%get3A_1972] {strides = array<i32>} : memref<3136xf32, #tpu.memory_space<vmem>>, vector<16xf32>,
    %get3A_1974 = vector.shape_cast %get3A_1973 : vector<16xf32> to vector<16xf32>
    %get3A_1975 = arith.constant 2864 : index
    %get3A_1976 = tpu.vector_load %arg5[%get3A_1975] {strides = array<i32>} : memref<3136xf32, #tpu.memory_space<vmem>>, vector<16xf32>,
    %get3A_1977 = vector.shape_cast %get3A_1976 : vector<16xf32> to vector<16xf32>
    %add3A_1978 = arith.addf %get3A_1974, %get3A_1977 : vector<16xf32>
    %swap3A_1979 = arith.constant 2864 : index
    %swap3A_1980 = tpu.vector_load %arg4[%swap3A_1979] {strides = array<i32>} : memref<3136xf32, #tpu.memory_space<vmem>>, vector<16xf32>,
    %swap3A_1981 = vector.shape_cast %swap3A_1980 : vector<16xf32> to vector<16xf32>
    %swap3A_1982 = vector.shape_cast %add3A_1978 : vector<16xf32> to vector<16xf32>
    tpu.vector_store %arg4[%swap3A_1979], %swap3A_1982 {strides = array<i32>} : memref<3136xf32, #tpu.memory_space<vmem>>, vector<16xf32>,
    %get3A_1983 = arith.constant 2880 : index
    %get3A_1984 = tpu.vector_load %arg4[%get3A_1983] {strides = array<i32>} : memref<3136xf32, #tpu.memory_space<vmem>>, vector<16xf32>,
    %get3A_1985 = vector.shape_cast %get3A_1984 : vector<16xf32> to vector<16xf32>
    %get3A_1986 = arith.constant 2880 : index
    %get3A_1987 = tpu.vector_load %arg5[%get3A_1986] {strides = array<i32>} : memref<3136xf32, #tpu.memory_space<vmem>>, vector<16xf32>,
    %get3A_1988 = vector.shape_cast %get3A_1987 : vector<16xf32> to vector<16xf32>
    %add3A_1989 = arith.addf %get3A_1985, %get3A_1988 : vector<16xf32>
    %swap3A_1990 = arith.constant 2880 : index
    %swap3A_1991 = tpu.vector_load %arg4[%swap3A_1990] {strides = array<i32>} : memref<3136xf32, #tpu.memory_space<vmem>>, vector<16xf32>,
    %swap3A_1992 = vector.shape_cast %swap3A_1991 : vector<16xf32> to vector<16xf32>
    %swap3A_1993 = vector.shape_cast %add3A_1989 : vector<16xf32> to vector<16xf32>
    tpu.vector_store %arg4[%swap3A_1990], %swap3A_1993 {strides = array<i32>} : memref<3136xf32, #tpu.memory_space<vmem>>, vector<16xf32>,
    %get3A_1994 = arith.constant 2896 : index
    %get3A_1995 = tpu.vector_load %arg4[%get3A_1994] {strides = array<i32>} : memref<3136xf32, #tpu.memory_space<vmem>>, vector<16xf32>,
    %get3A_1996 = vector.shape_cast %get3A_1995 : vector<16xf32> to vector<16xf32>
    %get3A_1997 = arith.constant 2896 : index
    %get3A_1998 = tpu.vector_load %arg5[%get3A_1997] {strides = array<i32>} : memref<3136xf32, #tpu.memory_space<vmem>>, vector<16xf32>,
    %get3A_1999 = vector.shape_cast %get3A_1998 : vector<16xf32> to vector<16xf32>
    %add3A_2000 = arith.addf %get3A_1996, %get3A_1999 : vector<16xf32>
    %swap3A_2001 = arith.constant 2896 : index
    %swap3A_2002 = tpu.vector_load %arg4[%swap3A_2001] {strides = array<i32>} : memref<3136xf32, #tpu.memory_space<vmem>>, vector<16xf32>,
    %swap3A_2003 = vector.shape_cast %swap3A_2002 : vector<16xf32> to vector<16xf32>
    %swap3A_2004 = vector.shape_cast %add3A_2000 : vector<16xf32> to vector<16xf32>
    tpu.vector_store %arg4[%swap3A_2001], %swap3A_2004 {strides = array<i32>} : memref<3136xf32, #tpu.memory_space<vmem>>, vector<16xf32>,
    %get3A_2005 = arith.constant 2912 : index
    %get3A_2006 = tpu.vector_load %arg4[%get3A_2005] {strides = array<i32>} : memref<3136xf32, #tpu.memory_space<vmem>>, vector<16xf32>,
    %get3A_2007 = vector.shape_cast %get3A_2006 : vector<16xf32> to vector<16xf32>
    %get3A_2008 = arith.constant 2912 : index
    %get3A_2009 = tpu.vector_load %arg5[%get3A_2008] {strides = array<i32>} : memref<3136xf32, #tpu.memory_space<vmem>>, vector<16xf32>,
    %get3A_2010 = vector.shape_cast %get3A_2009 : vector<16xf32> to vector<16xf32>
    %add3A_2011 = arith.addf %get3A_2007, %get3A_2010 : vector<16xf32>
    %swap3A_2012 = arith.constant 2912 : index
    %swap3A_2013 = tpu.vector_load %arg4[%swap3A_2012] {strides = array<i32>} : memref<3136xf32, #tpu.memory_space<vmem>>, vector<16xf32>,
    %swap3A_2014 = vector.shape_cast %swap3A_2013 : vector<16xf32> to vector<16xf32>
    %swap3A_2015 = vector.shape_cast %add3A_2011 : vector<16xf32> to vector<16xf32>
    tpu.vector_store %arg4[%swap3A_2012], %swap3A_2015 {strides = array<i32>} : memref<3136xf32, #tpu.memory_space<vmem>>, vector<16xf32>,
    %get3A_2016 = arith.constant 2928 : index
    %get3A_2017 = tpu.vector_load %arg4[%get3A_2016] {strides = array<i32>} : memref<3136xf32, #tpu.memory_space<vmem>>, vector<16xf32>,
    %get3A_2018 = vector.shape_cast %get3A_2017 : vector<16xf32> to vector<16xf32>
    %get3A_2019 = arith.constant 2928 : index
    %get3A_2020 = tpu.vector_load %arg5[%get3A_2019] {strides = array<i32>} : memref<3136xf32, #tpu.memory_space<vmem>>, vector<16xf32>,
    %get3A_2021 = vector.shape_cast %get3A_2020 : vector<16xf32> to vector<16xf32>
    %add3A_2022 = arith.addf %get3A_2018, %get3A_2021 : vector<16xf32>
    %swap3A_2023 = arith.constant 2928 : index
    %swap3A_2024 = tpu.vector_load %arg4[%swap3A_2023] {strides = array<i32>} : memref<3136xf32, #tpu.memory_space<vmem>>, vector<16xf32>,
    %swap3A_2025 = vector.shape_cast %swap3A_2024 : vector<16xf32> to vector<16xf32>
    %swap3A_2026 = vector.shape_cast %add3A_2022 : vector<16xf32> to vector<16xf32>
    tpu.vector_store %arg4[%swap3A_2023], %swap3A_2026 {strides = array<i32>} : memref<3136xf32, #tpu.memory_space<vmem>>, vector<16xf32>,
    %get3A_2027 = arith.constant 2944 : index
    %get3A_2028 = tpu.vector_load %arg4[%get3A_2027] {strides = array<i32>} : memref<3136xf32, #tpu.memory_space<vmem>>, vector<16xf32>,
    %get3A_2029 = vector.shape_cast %get3A_2028 : vector<16xf32> to vector<16xf32>
    %get3A_2030 = arith.constant 2944 : index
    %get3A_2031 = tpu.vector_load %arg5[%get3A_2030] {strides = array<i32>} : memref<3136xf32, #tpu.memory_space<vmem>>, vector<16xf32>,
    %get3A_2032 = vector.shape_cast %get3A_2031 : vector<16xf32> to vector<16xf32>
    %add3A_2033 = arith.addf %get3A_2029, %get3A_2032 : vector<16xf32>
    %swap3A_2034 = arith.constant 2944 : index
    %swap3A_2035 = tpu.vector_load %arg4[%swap3A_2034] {strides = array<i32>} : memref<3136xf32, #tpu.memory_space<vmem>>, vector<16xf32>,
    %swap3A_2036 = vector.shape_cast %swap3A_2035 : vector<16xf32> to vector<16xf32>
    %swap3A_2037 = vector.shape_cast %add3A_2033 : vector<16xf32> to vector<16xf32>
    tpu.vector_store %arg4[%swap3A_2034], %swap3A_2037 {strides = array<i32>} : memref<3136xf32, #tpu.memory_space<vmem>>, vector<16xf32>,
    %get3A_2038 = arith.constant 2960 : index
    %get3A_2039 = tpu.vector_load %arg4[%get3A_2038] {strides = array<i32>} : memref<3136xf32, #tpu.memory_space<vmem>>, vector<16xf32>,
    %get3A_2040 = vector.shape_cast %get3A_2039 : vector<16xf32> to vector<16xf32>
    %get3A_2041 = arith.constant 2960 : index
    %get3A_2042 = tpu.vector_load %arg5[%get3A_2041] {strides = array<i32>} : memref<3136xf32, #tpu.memory_space<vmem>>, vector<16xf32>,
    %get3A_2043 = vector.shape_cast %get3A_2042 : vector<16xf32> to vector<16xf32>
    %add3A_2044 = arith.addf %get3A_2040, %get3A_2043 : vector<16xf32>
    %swap3A_2045 = arith.constant 2960 : index
    %swap3A_2046 = tpu.vector_load %arg4[%swap3A_2045] {strides = array<i32>} : memref<3136xf32, #tpu.memory_space<vmem>>, vector<16xf32>,
    %swap3A_2047 = vector.shape_cast %swap3A_2046 : vector<16xf32> to vector<16xf32>
    %swap3A_2048 = vector.shape_cast %add3A_2044 : vector<16xf32> to vector<16xf32>
    tpu.vector_store %arg4[%swap3A_2045], %swap3A_2048 {strides = array<i32>} : memref<3136xf32, #tpu.memory_space<vmem>>, vector<16xf32>,
    %get3A_2049 = arith.constant 2976 : index
    %get3A_2050 = tpu.vector_load %arg4[%get3A_2049] {strides = array<i32>} : memref<3136xf32, #tpu.memory_space<vmem>>, vector<16xf32>,
    %get3A_2051 = vector.shape_cast %get3A_2050 : vector<16xf32> to vector<16xf32>
    %get3A_2052 = arith.constant 2976 : index
    %get3A_2053 = tpu.vector_load %arg5[%get3A_2052] {strides = array<i32>} : memref<3136xf32, #tpu.memory_space<vmem>>, vector<16xf32>,
    %get3A_2054 = vector.shape_cast %get3A_2053 : vector<16xf32> to vector<16xf32>
    %add3A_2055 = arith.addf %get3A_2051, %get3A_2054 : vector<16xf32>
    %swap3A_2056 = arith.constant 2976 : index
    %swap3A_2057 = tpu.vector_load %arg4[%swap3A_2056] {strides = array<i32>} : memref<3136xf32, #tpu.memory_space<vmem>>, vector<16xf32>,
    %swap3A_2058 = vector.shape_cast %swap3A_2057 : vector<16xf32> to vector<16xf32>
    %swap3A_2059 = vector.shape_cast %add3A_2055 : vector<16xf32> to vector<16xf32>
    tpu.vector_store %arg4[%swap3A_2056], %swap3A_2059 {strides = array<i32>} : memref<3136xf32, #tpu.memory_space<vmem>>, vector<16xf32>,
    %get3A_2060 = arith.constant 2992 : index
    %get3A_2061 = tpu.vector_load %arg4[%get3A_2060] {strides = array<i32>} : memref<3136xf32, #tpu.memory_space<vmem>>, vector<16xf32>,
    %get3A_2062 = vector.shape_cast %get3A_2061 : vector<16xf32> to vector<16xf32>
    %get3A_2063 = arith.constant 2992 : index
    %get3A_2064 = tpu.vector_load %arg5[%get3A_2063] {strides = array<i32>} : memref<3136xf32, #tpu.memory_space<vmem>>, vector<16xf32>,
    %get3A_2065 = vector.shape_cast %get3A_2064 : vector<16xf32> to vector<16xf32>
    %add3A_2066 = arith.addf %get3A_2062, %get3A_2065 : vector<16xf32>
    %swap3A_2067 = arith.constant 2992 : index
    %swap3A_2068 = tpu.vector_load %arg4[%swap3A_2067] {strides = array<i32>} : memref<3136xf32, #tpu.memory_space<vmem>>, vector<16xf32>,
    %swap3A_2069 = vector.shape_cast %swap3A_2068 : vector<16xf32> to vector<16xf32>
    %swap3A_2070 = vector.shape_cast %add3A_2066 : vector<16xf32> to vector<16xf32>
    tpu.vector_store %arg4[%swap3A_2067], %swap3A_2070 {strides = array<i32>} : memref<3136xf32, #tpu.memory_space<vmem>>, vector<16xf32>,
    %get3A_2071 = arith.constant 3008 : index
    %get3A_2072 = tpu.vector_load %arg4[%get3A_2071] {strides = array<i32>} : memref<3136xf32, #tpu.memory_space<vmem>>, vector<16xf32>,
    %get3A_2073 = vector.shape_cast %get3A_2072 : vector<16xf32> to vector<16xf32>
    %get3A_2074 = arith.constant 3008 : index
    %get3A_2075 = tpu.vector_load %arg5[%get3A_2074] {strides = array<i32>} : memref<3136xf32, #tpu.memory_space<vmem>>, vector<16xf32>,
    %get3A_2076 = vector.shape_cast %get3A_2075 : vector<16xf32> to vector<16xf32>
    %add3A_2077 = arith.addf %get3A_2073, %get3A_2076 : vector<16xf32>
    %swap3A_2078 = arith.constant 3008 : index
    %swap3A_2079 = tpu.vector_load %arg4[%swap3A_2078] {strides = array<i32>} : memref<3136xf32, #tpu.memory_space<vmem>>, vector<16xf32>,
    %swap3A_2080 = vector.shape_cast %swap3A_2079 : vector<16xf32> to vector<16xf32>
    %swap3A_2081 = vector.shape_cast %add3A_2077 : vector<16xf32> to vector<16xf32>
    tpu.vector_store %arg4[%swap3A_2078], %swap3A_2081 {strides = array<i32>} : memref<3136xf32, #tpu.memory_space<vmem>>, vector<16xf32>,
    %get3A_2082 = arith.constant 3024 : index
    %get3A_2083 = tpu.vector_load %arg4[%get3A_2082] {strides = array<i32>} : memref<3136xf32, #tpu.memory_space<vmem>>, vector<16xf32>,
    %get3A_2084 = vector.shape_cast %get3A_2083 : vector<16xf32> to vector<16xf32>
    %get3A_2085 = arith.constant 3024 : index
    %get3A_2086 = tpu.vector_load %arg5[%get3A_2085] {strides = array<i32>} : memref<3136xf32, #tpu.memory_space<vmem>>, vector<16xf32>,
    %get3A_2087 = vector.shape_cast %get3A_2086 : vector<16xf32> to vector<16xf32>
    %add3A_2088 = arith.addf %get3A_2084, %get3A_2087 : vector<16xf32>
    %swap3A_2089 = arith.constant 3024 : index
    %swap3A_2090 = tpu.vector_load %arg4[%swap3A_2089] {strides = array<i32>} : memref<3136xf32, #tpu.memory_space<vmem>>, vector<16xf32>,
    %swap3A_2091 = vector.shape_cast %swap3A_2090 : vector<16xf32> to vector<16xf32>
    %swap3A_2092 = vector.shape_cast %add3A_2088 : vector<16xf32> to vector<16xf32>
    tpu.vector_store %arg4[%swap3A_2089], %swap3A_2092 {strides = array<i32>} : memref<3136xf32, #tpu.memory_space<vmem>>, vector<16xf32>,
    %get3A_2093 = arith.constant 3040 : index
    %get3A_2094 = tpu.vector_load %arg4[%get3A_2093] {strides = array<i32>} : memref<3136xf32, #tpu.memory_space<vmem>>, vector<16xf32>,
    %get3A_2095 = vector.shape_cast %get3A_2094 : vector<16xf32> to vector<16xf32>
    %get3A_2096 = arith.constant 3040 : index
    %get3A_2097 = tpu.vector_load %arg5[%get3A_2096] {strides = array<i32>} : memref<3136xf32, #tpu.memory_space<vmem>>, vector<16xf32>,
    %get3A_2098 = vector.shape_cast %get3A_2097 : vector<16xf32> to vector<16xf32>
    %add3A_2099 = arith.addf %get3A_2095, %get3A_2098 : vector<16xf32>
    %swap3A_2100 = arith.constant 3040 : index
    %swap3A_2101 = tpu.vector_load %arg4[%swap3A_2100] {strides = array<i32>} : memref<3136xf32, #tpu.memory_space<vmem>>, vector<16xf32>,
    %swap3A_2102 = vector.shape_cast %swap3A_2101 : vector<16xf32> to vector<16xf32>
    %swap3A_2103 = vector.shape_cast %add3A_2099 : vector<16xf32> to vector<16xf32>
    tpu.vector_store %arg4[%swap3A_2100], %swap3A_2103 {strides = array<i32>} : memref<3136xf32, #tpu.memory_space<vmem>>, vector<16xf32>,
    %get3A_2104 = arith.constant 3056 : index
    %get3A_2105 = tpu.vector_load %arg4[%get3A_2104] {strides = array<i32>} : memref<3136xf32, #tpu.memory_space<vmem>>, vector<16xf32>,
    %get3A_2106 = vector.shape_cast %get3A_2105 : vector<16xf32> to vector<16xf32>
    %get3A_2107 = arith.constant 3056 : index
    %get3A_2108 = tpu.vector_load %arg5[%get3A_2107] {strides = array<i32>} : memref<3136xf32, #tpu.memory_space<vmem>>, vector<16xf32>,
    %get3A_2109 = vector.shape_cast %get3A_2108 : vector<16xf32> to vector<16xf32>
    %add3A_2110 = arith.addf %get3A_2106, %get3A_2109 : vector<16xf32>
    %swap3A_2111 = arith.constant 3056 : index
    %swap3A_2112 = tpu.vector_load %arg4[%swap3A_2111] {strides = array<i32>} : memref<3136xf32, #tpu.memory_space<vmem>>, vector<16xf32>,
    %swap3A_2113 = vector.shape_cast %swap3A_2112 : vector<16xf32> to vector<16xf32>
    %swap3A_2114 = vector.shape_cast %add3A_2110 : vector<16xf32> to vector<16xf32>
    tpu.vector_store %arg4[%swap3A_2111], %swap3A_2114 {strides = array<i32>} : memref<3136xf32, #tpu.memory_space<vmem>>, vector<16xf32>,
    %get3A_2115 = arith.constant 3072 : index
    %get3A_2116 = tpu.vector_load %arg4[%get3A_2115] {strides = array<i32>} : memref<3136xf32, #tpu.memory_space<vmem>>, vector<16xf32>,
    %get3A_2117 = vector.shape_cast %get3A_2116 : vector<16xf32> to vector<16xf32>
    %get3A_2118 = arith.constant 3072 : index
    %get3A_2119 = tpu.vector_load %arg5[%get3A_2118] {strides = array<i32>} : memref<3136xf32, #tpu.memory_space<vmem>>, vector<16xf32>,
    %get3A_2120 = vector.shape_cast %get3A_2119 : vector<16xf32> to vector<16xf32>
    %add3A_2121 = arith.addf %get3A_2117, %get3A_2120 : vector<16xf32>
    %swap3A_2122 = arith.constant 3072 : index
    %swap3A_2123 = tpu.vector_load %arg4[%swap3A_2122] {strides = array<i32>} : memref<3136xf32, #tpu.memory_space<vmem>>, vector<16xf32>,
    %swap3A_2124 = vector.shape_cast %swap3A_2123 : vector<16xf32> to vector<16xf32>
    %swap3A_2125 = vector.shape_cast %add3A_2121 : vector<16xf32> to vector<16xf32>
    tpu.vector_store %arg4[%swap3A_2122], %swap3A_2125 {strides = array<i32>} : memref<3136xf32, #tpu.memory_space<vmem>>, vector<16xf32>,
    %get3A_2126 = arith.constant 3088 : index
    %get3A_2127 = tpu.vector_load %arg4[%get3A_2126] {strides = array<i32>} : memref<3136xf32, #tpu.memory_space<vmem>>, vector<16xf32>,
    %get3A_2128 = vector.shape_cast %get3A_2127 : vector<16xf32> to vector<16xf32>
    %get3A_2129 = arith.constant 3088 : index
    %get3A_2130 = tpu.vector_load %arg5[%get3A_2129] {strides = array<i32>} : memref<3136xf32, #tpu.memory_space<vmem>>, vector<16xf32>,
    %get3A_2131 = vector.shape_cast %get3A_2130 : vector<16xf32> to vector<16xf32>
    %add3A_2132 = arith.addf %get3A_2128, %get3A_2131 : vector<16xf32>
    %swap3A_2133 = arith.constant 3088 : index
    %swap3A_2134 = tpu.vector_load %arg4[%swap3A_2133] {strides = array<i32>} : memref<3136xf32, #tpu.memory_space<vmem>>, vector<16xf32>,
    %swap3A_2135 = vector.shape_cast %swap3A_2134 : vector<16xf32> to vector<16xf32>
    %swap3A_2136 = vector.shape_cast %add3A_2132 : vector<16xf32> to vector<16xf32>
    tpu.vector_store %arg4[%swap3A_2133], %swap3A_2136 {strides = array<i32>} : memref<3136xf32, #tpu.memory_space<vmem>>, vector<16xf32>,
    %get3A_2137 = arith.constant 3104 : index
    %get3A_2138 = tpu.vector_load %arg4[%get3A_2137] {strides = array<i32>} : memref<3136xf32, #tpu.memory_space<vmem>>, vector<16xf32>,
    %get3A_2139 = vector.shape_cast %get3A_2138 : vector<16xf32> to vector<16xf32>
    %get3A_2140 = arith.constant 3104 : index
    %get3A_2141 = tpu.vector_load %arg5[%get3A_2140] {strides = array<i32>} : memref<3136xf32, #tpu.memory_space<vmem>>, vector<16xf32>,
    %get3A_2142 = vector.shape_cast %get3A_2141 : vector<16xf32> to vector<16xf32>
    %add3A_2143 = arith.addf %get3A_2139, %get3A_2142 : vector<16xf32>
    %swap3A_2144 = arith.constant 3104 : index
    %swap3A_2145 = tpu.vector_load %arg4[%swap3A_2144] {strides = array<i32>} : memref<3136xf32, #tpu.memory_space<vmem>>, vector<16xf32>,
    %swap3A_2146 = vector.shape_cast %swap3A_2145 : vector<16xf32> to vector<16xf32>
    %swap3A_2147 = vector.shape_cast %add3A_2143 : vector<16xf32> to vector<16xf32>
    tpu.vector_store %arg4[%swap3A_2144], %swap3A_2147 {strides = array<i32>} : memref<3136xf32, #tpu.memory_space<vmem>>, vector<16xf32>,
    %get3A_2148 = arith.constant 3120 : index
    %get3A_2149 = tpu.vector_load %arg4[%get3A_2148] {strides = array<i32>} : memref<3136xf32, #tpu.memory_space<vmem>>, vector<16xf32>,
    %get3A_2150 = vector.shape_cast %get3A_2149 : vector<16xf32> to vector<16xf32>
    %get3A_2151 = arith.constant 3120 : index
    %get3A_2152 = tpu.vector_load %arg5[%get3A_2151] {strides = array<i32>} : memref<3136xf32, #tpu.memory_space<vmem>>, vector<16xf32>,
    %get3A_2153 = vector.shape_cast %get3A_2152 : vector<16xf32> to vector<16xf32>
    %add3A_2154 = arith.addf %get3A_2150, %get3A_2153 : vector<16xf32>
    %swap3A_2155 = arith.constant 3120 : index
    %swap3A_2156 = tpu.vector_load %arg4[%swap3A_2155] {strides = array<i32>} : memref<3136xf32, #tpu.memory_space<vmem>>, vector<16xf32>,
    %swap3A_2157 = vector.shape_cast %swap3A_2156 : vector<16xf32> to vector<16xf32>
    %swap3A_2158 = vector.shape_cast %add3A_2154 : vector<16xf32> to vector<16xf32>
    tpu.vector_store %arg4[%swap3A_2155], %swap3A_2158 {strides = array<i32>} : memref<3136xf32, #tpu.memory_space<vmem>>, vector<16xf32>,
    "tpu.region"() ({
      %run_scoped3A = tpu.sem_alloc : memref<!tpu.dma_semaphore, #tpu.memory_space<semaphore_mem>>
      %dma_start3A = tpu.memref_slice %arg3[%mul3A_2] : memref<100352xf32, #tpu.memory_space<hbm>> -> memref<3136xf32, #tpu.memory_space<hbm>>
      %dma_start3A_2159 = tpu.memref_slice %arg3[%mul3A_2] : memref<100352xf32, #tpu.memory_space<hbm>> -> memref<3136xf32, #tpu.memory_space<hbm>>
      tpu.enqueue_dma source(%arg4 : memref<3136xf32, #tpu.memory_space<vmem>>) target(%dma_start3A_2159 : memref<3136xf32, #tpu.memory_space<hbm>>) target_semaphore(%run_scoped3A : memref<!tpu.dma_semaphore, #tpu.memory_space<semaphore_mem>>)
      %dma_wait3A = tpu.memref_slice %arg3[%mul3A_2] : memref<100352xf32, #tpu.memory_space<hbm>> -> memref<3136xf32, #tpu.memory_space<hbm>>
      %dma_wait3A_2160 = tpu.memref_slice %arg3[%mul3A_2] : memref<100352xf32, #tpu.memory_space<hbm>> -> memref<3136xf32, #tpu.memory_space<hbm>>
      tpu.wait_dma2 semaphore(%run_scoped3A : memref<!tpu.dma_semaphore, #tpu.memory_space<semaphore_mem>>) src(%arg4 : memref<3136xf32, #tpu.memory_space<vmem>>) dst(%dma_wait3A_2160 : memref<3136xf32, #tpu.memory_space<hbm>>)
      tpu.yield
    }) : () -> ()
    return
  }
}

</mosaic_0001>

<sc_bundles>
// kernel: kernel.4.cloned.1.call-start
scs
__scs_entry_jumppad:
0x0: {  	(pc) =	sbr.rel $0x88, $3  }
0x1: {  	(tag) =	ssettag $0x0;
	lr =	simm.s32 $0x1  }
0x2: {  	[smem:$0x3F9F] =	sst lr;
	_ =	strace $0xD0000000  }
0x3: {  	_ = 	snop  }
0x4: {  	_ = 	snop  }
0x5: {  	_ = 	snop  }
0x6: {  	_ = 	snop  }
0x7: {  	_ = 	snop  }
__scs_overlays_trampoline_lowered:
0x8: {  	[smem:$0x3FAE] =	sst s0  }
0x9: {  	[smem:$0x3FAF] =	sst s1  }
0xa: {  	[smem:$0x3FB0] =	sst s2  }
0xb: {  	[smem:$0x3FB1] =	sst s3  }
0xc: {  	[smem:$0x3FB2] =	sst s4  }
0xd: {  	[smem:$0x3FB3] =	sst s5  }
0xe: {  	[smem:$0x3FB4] =	sst s6  }
0xf: {  	[smem:$0x3FB5] =	sst s7  }
0x10: {  	[smem:$0x3FB6] =	sst s8  }
0x11: {  	[smem:$0x3FB7] =	sst s9;
	s0 =	simm.s32 @!p0 $0x0  }
0x12: {  	s1 =	sld [smem:$0x3F9D];
	s0 =	simm.s32 @p0 $0x1  }
0x13: {  	[smem:$0x3FB8] =	sst s0;
	s0 =	simm.s32 @!p1 $0x0  }
0x14: {  	s2 =	sld [smem:$0x3F9C];
	s0 =	simm.s32 @p1 $0x1  }
0x15: {  	[smem:$0x3FB9] =	sst s0;
	s0 =	simm.s32 @!p2 $0x0  }
0x16: {  	s3 =	sld [smem:$0x3FDB];
	s0 =	simm.s32 @p2 $0x1  }
0x17: {  	s4 =	simm.s32 $0x1BF5;
	[smem:$0x3FBB] =	sst s0  }
0x18: {  	s0 =	sld [smem:$0x3F9E];
	_ =	swait.ge [sflag:s4], $0x0  }
0x19: {  	s7 =	sld [smem:$0x3F9F]  }
0x1a: {  	s8 =	sadd.s32 $0xFFFFE003, lr  }
0x1b: {  	s9 =	sadd.s32 $0xFFFFFEF7, lr;
	s5 =	simm.s32 $0xFFFFFFFF;
	p2 =	slt.u32 s8, $0xFFFFF086  }
0x1c: {  	p1 =	slt.u32 s9, $0xF7A;
	s5 =	simm.s32 @!p2 $0x0  }
0x1d: {  	s5 =	simm.s32 @p1 $0x1;
	p0 =	seq.s32 s7, s2  }
0x1e: {  	s7 =	smul.u32 @!p0 $0xF7A, s2;
	p2 =	seq.s32 @!p0 s5, $0x0  }
0x1f: {  	s9 =	smul.u32 $0xF7A, s1;
	s8 =	simm.s32 @!p0 $0x1BF5;
	p2 =	por !p2, p0  }
0x20: {  	[sflag:s8] =	ssyncset.s32 @!p0 $0xFFFFF086;
	s6 =	sadd.s32 @!p0 s3, s7;
	s7 =	simm.s32 @!p0 $0x108  }
0x21: {  	s3 =	sadd.s32 s3, s9;
	s6 =	sadd.s32 @!p0 $0x88, s6;
	s7 =	simm.s32 @p2 $0x1082  }
0x22: {  	[simem:s7], [sflag:s8] =	dma.local @!p0 [hbm:s6], $0xF7A  }
0x23: {  	s9 =	sor.u32 $0xD0000000, s2;
	s6 =	simm.s32 $0x108;
	_ =	swait.ge @!p0 [sflag:s8], $0x0  }
0x24: {  	s3 =	sadd.s32 $0x88, s3;
	s6 =	simm.s32 @!p1 $0x1082;
	[sflag:s4] =	ssyncset.s32 $0xFFFFF086  }
0x25: {  	[simem:s6], [sflag:s4] =	dma.local [hbm:s3], $0xF7A  }
0x26: {  	[smem:$0x3F9F] =	sst s1;
	(tag) =	ssettag s2;
	_ =	strace s9  }
0x27: {  	s1 =	sld [smem:$0x3FAF]  }
0x28: {  	s2 =	sld [smem:$0x3FB0]  }
0x29: {  	s4 =	sld [smem:$0x3FB2]  }
0x2a: {  	p0 =	seq.s32 s5, $0x0;
	s5 =	sld [smem:$0x3FB3]  }
0x2b: {  	s6 =	sld [smem:$0x3FB4]  }
0x2c: {  	s7 =	sld [smem:$0x3FB5]  }
0x2d: {  	s3 =	simm.s32 $0x108;
	s8 =	sld [smem:$0x3FB6]  }
0x2e: {  	s3 =	simm.s32 @!p0 $0x1082;
	s9 =	sld [smem:$0x3FB7]  }
0x2f: {  	lr =	sadd.s32 s0, s3;
	s0 =	sld [smem:$0x3FAE]  }
0x30: {  	s3 =	sld [smem:$0x3FB1]  }
0x31: {  	[smem:$0x3FBA] =	sst s10  }
0x32: {  	s10 =	sld [smem:$0x3FB8];
	_ =	sdelay $0x3  }
0x33: {  	p0 =	seq.s32 s10, $0x1;
	s10 =	sld [smem:$0x3FBA];
	_ =	sdelay $0x3  }
0x34: {  	[smem:$0x3FBA] =	sst s10  }
0x35: {  	s10 =	sld [smem:$0x3FB9];
	_ =	sdelay $0x3  }
0x36: {  	p1 =	seq.s32 s10, $0x1;
	s10 =	sld [smem:$0x3FBA];
	_ =	sdelay $0x3  }
0x37: {  	[smem:$0x3FBA] =	sst s10  }
0x38: {  	s10 =	sld [smem:$0x3FBB]  }
0x39: {  	_ = 	snop;
	(pc) =	sbr.ind lr, $3  }
0x3a: {  	_ = 	snop  }
0x3b: {  	_ = 	snop  }
0x3c: {  	p2 =	seq.s32 s10, $0x1;
	s10 =	sld [smem:$0x3FBA]  }
0x3d: {  	_ =	shalt  }
0x3e: {  	_ =	shalt  }
0x3f: {  	_ =	shalt  }
0x40: {  	_ =	shalt  }
0x41: {  	_ =	shalt  }
0x42: {  	_ =	shalt  }
0x43: {  	_ =	shalt  }
0x44: {  	_ =	shalt  }
0x45: {  	_ =	shalt  }
0x46: {  	_ =	shalt  }
0x47: {  	_ =	shalt  }
0x48: {  	_ =	shalt  }
0x49: {  	_ =	shalt  }
0x4a: {  	_ =	shalt  }
0x4b: {  	_ =	shalt  }
0x4c: {  	_ =	shalt  }
0x4d: {  	_ =	shalt  }
0x4e: {  	_ =	shalt  }
0x4f: {  	_ =	shalt  }
0x50: {  	_ =	shalt  }
0x51: {  	_ =	shalt  }
0x52: {  	_ =	shalt  }
0x53: {  	_ =	shalt  }
0x54: {  	_ =	shalt  }
0x55: {  	_ =	shalt  }
0x56: {  	_ =	shalt  }
0x57: {  	_ =	shalt  }
0x58: {  	_ =	shalt  }
0x59: {  	_ =	shalt  }
0x5a: {  	_ =	shalt  }
0x5b: {  	_ =	shalt  }
0x5c: {  	_ =	shalt  }
0x5d: {  	_ =	shalt  }
0x5e: {  	_ =	shalt  }
0x5f: {  	_ =	shalt  }
0x60: {  	_ =	shalt  }
0x61: {  	_ =	shalt  }
0x62: {  	_ =	shalt  }
0x63: {  	_ =	shalt  }
0x64: {  	_ =	shalt  }
0x65: {  	_ =	shalt  }
0x66: {  	_ =	shalt  }
0x67: {  	_ =	shalt  }
0x68: {  	_ =	shalt  }
0x69: {  	_ =	shalt  }
0x6a: {  	_ =	shalt  }
0x6b: {  	_ =	shalt  }
0x6c: {  	_ =	shalt  }
0x6d: {  	_ =	shalt  }
0x6e: {  	_ =	shalt  }
0x6f: {  	_ =	shalt  }
0x70: {  	_ =	shalt  }
0x71: {  	_ =	shalt  }
0x72: {  	_ =	shalt  }
0x73: {  	_ =	shalt  }
0x74: {  	_ =	shalt  }
0x75: {  	_ =	shalt  }
0x76: {  	_ =	shalt  }
0x77: {  	_ =	shalt  }
0x78: {  	_ =	shalt  }
0x79: {  	_ =	shalt  }
0x7a: {  	_ =	shalt  }
0x7b: {  	_ =	shalt  }
0x7c: {  	_ =	shalt  }
0x7d: {  	_ =	shalt  }
0x7e: {  	_ =	shalt  }
0x7f: {  	_ =	shalt  }
0x80: {  	_ =	shalt  }
0x81: {  	_ =	shalt  }
0x82: {  	_ =	shalt  }
0x83: {  	_ =	shalt  }
0x84: {  	_ =	shalt  }
0x85: {  	_ =	shalt  }
0x86: {  	_ =	shalt  }
0x87: {  	_ =	shalt  }
.Lfunc_end0:
.L_simem_size_0:
called_computation_lowered:
.L_overlay_start_0:
0x88: {  	s2 =	sld [smem:$0x3FD9]  }
0x89: {  	s3 =	sld [smem:$0x3FFE];
	_ =	sdelay $0x1  }
0x8a: {  	s1 =	srdreg.scid  }
0x8b: {  	s0 =	sand.u32 $0x1, s1  }
0x8c: {  	s17 =	sshll.u32 s0, $0xA;
	s2 =	sadd.s32 s3, s2  }
0x8d: {  	s2 =	sadd.s32 s2, s17  }
0x8e: {  	[smem:$0x3FC6] =	sst s2  }
0x8f: {  	_ = 	snop  }
0x90: {  	s2 =	sld [smem:$0x3FC9]  }
0x91: {  	s18 =	sld [smem:$0x3FC8]  }
0x92: {  	s4 =	sld [smem:$0x3FD0];
	(tm) =	ssettm $0x1  }
0x93: {  	s5 =	sld [smem:$0x3FFB];
	_ =	sdelay $0x3  }
0x94: {  	_ =	strace s5  }
0x95: {  	s5 =	sld [smem:$0x3FFC];
	_ =	sdelay $0x3  }
0x96: {  	_ =	strace s5  }
0x97: {  	s5 =	sld [smem:$0x3FFD];
	_ =	sdelay $0x3  }
0x98: {  	_ =	strace s5  }
0x99: {  	_ =	strace $0x8FFFFFFF  }
0x9a: {  	s19 =	sld [smem:$0x3FDB];
	_ =	sdelay $0x1  }
0x9b: {  	s6 =	simm.s32 $_scs_section_size  }
0x9c: {  	s7 =	simm.s32 $_size__tile_overlayer_lowered;
	s8 =	simm.s32 $_tile_overlayer_lowered  }
0x9d: {  	s22 =	simm.s32 $0x1BFF;
	s21 =	sshll.u32 s8, $0x1;
	s5 =	sadd.s32 s6, s19  }
0x9e: {  	s9 =	simm.s32 $0x0;
	s20 =	sshll.u32 s7, $0x1;
	s7 =	sadd.s32 s21, s5  }
0x9f: {  	[timem:s9], [sflag:s22] =	dma.local [hbm:s7], s20  }
0xa0: {  	_ =	swait.ge [sflag:s22], s20  }
0xa1: {  	s6 =	ssub.s32 $0x0, s20;
	[sflag:s22] =	ssyncset.done $0x0  }
0xa2: {  	[sflag:s22] =	ssyncadd.s32 s6;
	_ =	sdelay $0x1  }
0xa3: {  	s23 =	simm.s32 $0x1B8B  }
0xa4: {  	_ =	swait.ge [sflag:s23], $0x1  }
0xa5: {  	[sflag:s23] =	ssyncset.done $0x0  }
0xa6: {  	s25 =	simm.s32 $0x1B8E;
	s24 =	sld [smem:$0x3FFE];
	[sflag:s23] =	ssyncadd.s32 $0xFFFFFFFF  }
0xa7: {  	s26 =	simm.s32 $execute0_lowered;
	[smem:$0x3FD2] =	sst s25  }
0xa8: {  	s7 =	sshll.u32 s26, $0x1;
	_ =	strace $0x80000046;
	[dreg:$0x1] =	wrdreg $0xFFFFFFFF  }
0xa9: {  	s28 =	simm.s32 $_size_execute0_lowered;
	s5 =	sadd.s32 s5, s7;
	[dreg:$0x0] =	wrdreg $0x0  }
0xaa: {  	s7 =	sshll.u32 s28, $0x1;
	[dreg:$0x2] =	wrdreg s5  }
0xab: {  	[dreg:$0x3] =	wrdreg s7  }
0xac: {  	[dreg:$0x4] =	wrdreg $0xC0  }
0xad: {  	_ =	task [dreg:s9], $0x5FFFF  }
0xae: {  	[dreg:$0x1] =	wrdreg $0xFFFFFFFF  }
0xaf: {  	[dreg:$0x0] =	wrdreg $0x60  }
0xb0: {  	[dreg:$0x2] =	wrdreg s2  }
0xb1: {  	[dreg:$0x3] =	wrdreg s18  }
0xb2: {  	[dreg:$0x4] =	wrdreg s4  }
0xb3: {  	[dreg:$0x5] =	wrdreg s24  }
0xb4: {  	[dreg:$0x6] =	wrdreg $0x0  }
0xb5: {  	[dreg:$0x7] =	wrdreg $0x9  }
0xb6: {  	_ =	task.clear_ibuf [dreg:s9], $0x8FFFF;
	_ =	strace $0x90000046  }
0xb7: {  	s29 =	simm.s32 $0x9;
	_ =	strace $0x80000048  }
0xb8: {  	_ =	swait.ge [sflag:s29], $0x1  }
0xb9: {  	[sflag:s29] =	ssyncadd.s32 $0xFFFFFFFF  }
0xba: {  	_ =	strace $0x90000048  }
0xbb: {  	_ =	sfence  }
0xbc: {  	s30 =	sld [smem:$0x0];
	_ =	sdelay $0x2  }
0xbd: {  	s31 =	sshll.u32 s1, $0xD;
	s1 =	sshrl.u32 s1, $0x2  }
0xbe: {  	s3 =	sand.u32 $0x4000, s31;
	s1 =	sadd.s32 s1, s30  }
0xbf: {  	s0 =	sor.u32 s3, s0;
	s1 =	sshll.u32 s1, $0x11  }
0xc0: {  	s0 =	sor.u32 s1, s0  }
0xc1: {  	s0 =	sadd.s32 $0x8F2B, s0  }
0xc2: {  	[sflag:s0] =	ssyncadd.remote.s32 $0x1  }
0xc3: {  	_ =	sfence.sel $0xFFFF  }
0xc4: {  	[dreg:$0x0] =	wrdreg $0xFFFFFFFF;
	(pc) =	sbr.abs _section_cstart, $3  }
0xc5: {  	[dreg:$0x1] =	wrdreg $0xFFFFFFFF  }
0xc6: {  	_ =	task.clear_ibuf [dreg:s9], $0x2FFFF;
	_ =	strace $0x9FFFFFFF  }
0xc7: {  	(tm) =	ssettm $0x7FFFFFFF  }
tec
execute0_lowered:
.L_overlay_start_1:
0x0: {  	(tag) =	ssettag $0x1  }
0x1: {  	s0 =	rddreg [dreg:$0x0]  }
0x2: {  	s2 =	rddreg [dreg:$0x1]  }
0x3: {  	s1 =	rddreg [dreg:$0x3]  }
0x4: {  	s5 =	rddreg [dreg:$0x4];
	s3 =	srdreg.scid  }
0x5: {  	s11 =	stileid.u32;
	s6 =	simm.s32 $0x0;
	s19 =	simm.s32 $0x3  }
0x6: {  	s28 =	simm.s32 $0x1C100;
	s29 =	simm.s32 $0x1D180;
	s30 =	simm.s32 $0x800  }
0x7: {  	s31 =	simm.s32 $0x1E180;
	s3 =	sand.u32 $0x1, s3;
	s4 =	smul.u32 $0x1880, s11  }
0x8: {  	[smem:$0x7FF] =	sst s6;
	s23 =	sshll.u32 s11, $0x6;
	s7 =	smul.u32 $0x18800, s3  }
0x9: {  	s8 =	sshll.u32 s3, $0x4;
	s3 =	ssub.s32 $0x2, s3;
	_ =	strace $0x80000047  }
0xa: {  	s8 =	sor.u32 s11, s8;
	s22 =	sshrl.u32 s3, $0x1;
	s7 =	sadd.s32 s4, s7  }
0xb: {  	s9 =	smul.u32 $0x30D40, s8;
	s3 =	ssub.s32 s3, s22;
	s7 =	sshrl.u32 s7, $0x3  }
0xc: {  	s22 =	simm.s32 $0x1;
	s17 =	smax.u32 s3, $0x1;
	s1 =	sadd.s32 s7, s1  }
0xd: {  	s10 =	sshrl.u32 s9, $0x3;
	s7 =	sadd.s32 s4, s5;
	s4 =	sor.u32 $0x1C03, s23  }
0xe: {  	s14 =	sadd.s32 $0x1000, s9;
	s15 =	sadd.s32 $0x2000, s9;
	s23 =	simm.s32 $0x1A080  }
.Ltmp0:
0xf: {  	s8 =	sadd.s32 s2, s10;
	[dreg:$0x6] =	wrdreg s4;
	(pc) =	sbr.rel .LBB2_1-.Ltmp0, $4  }
0x10: {  	s25 =	sadd.s32 $0x6000, s10;
	s13 =	sadd.s32 s0, s10;
	s16 =	sadd.s32 $0x800, s1  }
0x11: {  	s18 =	sshrl.u32 s7, $0x3;
	s1 =	simm.s32 $0x0;
	s24 =	sadd.s32 $0x61A6, s8  }
0x12: {  	v0 =	vimm.f32 $0.0e+00;
	s26 =	sadd.s32 s2, s25;
	s12 =	sadd.s32 s0, s25;
	[dreg:$0x7] =	wrdreg s24  }
0x13: {  	vm0 =	vmmov $0x7fff;
	vm1 =	vcmask $0x3F3C;
	v1 =	vlaneseq.u32;
	s25 =	simm.s32 $0x1880;
	[dreg:$0x8] =	wrdreg s26;
	s26 =	simm.s32 $0x2  }
.LBB2_18:
0x14: {  	[bflag:$0x0] =	sbarrier.arrive $0xFFFF  }
0x15: {  	[tilespmem:s25], [sflag:$0x3] =	stream.linear.gather [spmem:s7], $0x1880, $0x38;
	[tilespmem:$0x1EA80] =	vst v63  }
0x16: {  	s1 =	sadd.s32 $0x1, s1;
	_ =	swait.ge [sflag:s19], $0x1880  }
0x17: {  	p0 =	sne.s32 s1, s17;
	[sflag:s19] =	ssyncset.done $0x0  }
.Ltmp1:
0x18: {  	[sflag:s19] =	ssyncadd.s32 $0xFFFFE780;
	(pc) =	sbr.rel @!p0 .LBB2_19-.Ltmp1, $4  }
0x19: {  	[hbm4b:s16+s6] =	stream.linear.scatter [tilespmem:s25], [sflag:$0x3], $0x1880, $0x38;
	[tilespmem:$0x1EA80] =	vst v63  }
0x1a: {  	_ =	swait.ge [sflag:s19], $0x1880  }
0x1b: {  	[sflag:s19] =	ssyncset.done $0x0  }
0x1c: {  	s23 =	simm.s32 $0x1A080;
	[sflag:s19] =	ssyncadd.s32 $0xFFFFE780  }
.LBB2_1:
0x1d: {  	s3 =	rddreg [dreg:$0x2]  }
0x1e: {  	s4 =	rddreg [dreg:$0x6]  }
0x1f: {  	[spmem:s18], [sflag:s4] =	dma.local [hbm:s3], $0x310  }
0x20: {  	_ =	swait.ge [sflag:s19], $0x310  }
0x21: {  	[sflag:s19] =	ssyncset.done $0x0  }
0x22: {  	s4 =	simm.s32 $0x1E980;
	[sflag:s19] =	ssyncadd.s32 $0xFFFFFCF0  }
0x23: {  	[tilespmem:s4], [sflag:$0x3] =	stream.linear.gather [hbm4b:s8+s6], $0x10, $0x38;
	[tilespmem:$0x1EA80] =	vst v63  }
0x24: {  	_ =	swait.ge [sflag:s19], $0x10  }
0x25: {  	[sflag:s19] =	ssyncset.done $0x0  }
0x26: {  	s10 =	simm.s32 $0x1EA00;
	s9 =	rddreg [dreg:$0x7];
	[sflag:s19] =	ssyncadd.s32 $0xFFFFFFF0  }
0x27: {  	[tilespmem:s10], [sflag:$0x3] =	stream.linear.gather [hbm4b:s9+s6], $0x10, $0x38;
	[tilespmem:$0x1EA80] =	vst v63  }
0x28: {  	_ =	swait.ge [sflag:s19], $0x10  }
0x29: {  	[sflag:s19] =	ssyncset.done $0x0  }
0x2a: {  	[sflag:s19] =	ssyncadd.s32 $0xFFFFFFF0  }
0x2b: {  	v2 =	vld [tilespmem:$0x1E980];
	_ =	sdelay $0x1  }
0x2c: {  	v3 =	vld [tilespmem:$0x1EA00];
	_ =	sdelay $0x2  }
0x2d: {  	(v2sf) =	vpush v2, $0x0;
	_ =	sdelay $0x1  }
0x2e: {  	(v2sf) =	vpush v3, $0xF;
	_ =	sdelay $0xc  }
0x2f: {  	s11 =	spop (v2sf)  }
0x30: {  	s20 =	sshra.s32 s11, $0x1F;
	s9 =	sand.u32 $0x7FF, s11  }
0x31: {  	p0 =	slt.s32 s11, $0x1;
	s10 =	spop (v2sf);
	s4 =	sshrl.u32 s20, $0x15  }
0x32: {  	p1 =	sne.s32 s9, $0x0;
	s21 =	sand.u32 $0x7FF, s10;
	s24 =	sshra.s32 s10, $0x1F  }
0x33: {  	p5 =	slt.s32 s10, $0x1;
	s3 =	sadd.s32 s4, s11;
	p0 =	por !p0, !p1  }
0x34: {  	p6 =	sne.s32 s21, $0x0;
	s4 =	sshrl.u32 s24, $0x15;
	s9 =	sshra.s32 s3, $0xB  }
0x35: {  	p2 =	por !p0, !p0;
	s3 =	simm.s32 $0x1;
	p0 =	por !p5, !p6  }
0x36: {  	s4 =	sadd.s32 s4, s10;
	s10 =	simm.s32 $0x1;
	p1 =	por !p0, !p0  }
0x37: {  	s3 =	simm.s32 @!p2 $0x0;
	s4 =	sshra.s32 s4, $0xB;
	s10 =	simm.s32 @!p1 $0x0  }
0x38: {  	s3 =	ssub.s32 s9, s3;
	s10 =	ssub.s32 s4, s10  }
0x39: {  	s10 =	ssub.s32 s10, s3  }
0x3a: {  	p0 =	slt.s32 s10, $0x0  }
.Ltmp2:
0x3b: {  	_ = 	snop;
	(pc) =	sbr.rel @p0 .LBB2_5-.Ltmp2, $1  }
0x3c: {  	_ =	sdelay $0x3  }
0x3d: {  	s10 =	sshll.u32 s10, $0x7  }
0x3e: {  	s11 =	simm.s32 $0xFFFFFFFF;
	s24 =	sadd.s32 $0x80, s10  }
0x3f: {  	s11 =	simm.s32 @!p2 $0x0;
	p2 =	sne.s32 s24, $0x1  }
.Ltmp3:
0x40: {  	s9 =	sshll.u32 s9, $0xB;
	s11 =	sshll.u32 s11, $0xB;
	(pc) =	sbr.rel @!p2 .LBB2_4-.Ltmp3, $4  }
0x41: {  	s9 =	sadd.s32 s11, s9  }
0x42: {  	s10 =	simm.s32 $0x0;
	s20 =	sadd.s32 $0x0, s9  }
0x43: {  	s21 =	sand.u32 $0x70, s10;
	s20 =	sand.u32 $0xFFFFFF80, s20  }
0x44: {  	s11 =	sadd.s32 $0xFFFFFFFF, s24;
	s20 =	sor.u32 s21, s20  }
.LBB2_3:
0x45: {  	p2 =	sne.s32 s11, $0x1;
	s11 =	sadd.s32 $0xFFFFFFFF, s11;
	[tilespmem:s20+$0x1880] =	vst v0;
	s10 =	sadd.s32 $0x10, s10  }
.Ltmp4:
0x46: {  	(pc) =	sbr.rel @p2 .LBB2_3-.Ltmp4, $4  }
0x47: {  	_ = 	snop  }
0x48: {  	s20 =	sadd.s32 s10, s9  }
0x49: {  	s21 =	sand.u32 $0x70, s10;
	s20 =	sand.u32 $0xFFFFFF80, s20  }
0x4a: {  	s20 =	sor.u32 s21, s20  }
.LBB2_4:
0x4b: {  	[tilespmem:s20+$0x1880] =	vst v0  }
.LBB2_5:
0x4c: {  	s9 =	simm.s32 $0x0;
	s10 =	rddreg [dreg:$0x8]  }
0x4d: {  	[tilespmem:s23], [sflag:$0x3] =	stream.linear.gather [hbm4b:s10+s9], $0xD40, $0x38;
	[tilespmem:$0x1EA80] =	vst v63  }
0x4e: {  	_ =	swait.ge [sflag:s19], $0xD40  }
0x4f: {  	[sflag:s19] =	ssyncset.done $0x0  }
0x50: {  	s24 =	simm.s32 $0x1B100;
	[sflag:s19] =	ssyncadd.s32 $0xFFFFF2C0  }
0x51: {  	[tilespmem:s24], [sflag:$0x3] =	stream.linear.gather [hbm4b:s12+s9], $0xD40, $0x38;
	[tilespmem:$0x1EA80] =	vst v63  }
0x52: {  	_ =	swait.ge [sflag:s19], $0xD40  }
0x53: {  	s20 =	simm.s32 $0xFFFFFFFF;
	[sflag:s19] =	ssyncset.done $0x0  }
0x54: {  	s20 =	simm.s32 @!p1 $0x0;
	[sflag:s19] =	ssyncadd.s32 $0xFFFFF2C0  }
.LBB2_6:
0x55: {  	s10 =	sshra.s32 s9, $0x2  }
0x56: {  	v2 =	vld [tilespmem:s10+$0x1B100]  }
0x57: {  	v4 =	vld [tilespmem:s10+$0x1B110]  }
0x58: {  	v5 =	vld [tilespmem:s10+$0x1B120]  }
0x59: {  	v6 =	vld [tilespmem:s10+$0x1B130]  }
0x5a: {  	v7 =	vld [tilespmem:s10+$0x1B140]  }
0x5b: {  	v8 =	vld [tilespmem:s10+$0x1B150]  }
0x5c: {  	v9 =	vld [tilespmem:s10+$0x1A080];
	(xrf2) =	vadd.scan.msk.f32 $0xffff, v2  }
0x5d: {  	v10 =	vld [tilespmem:s10+$0x1A081]  }
0x5e: {  	v11 =	vld [tilespmem:s10+$0x1B160]  }
0x5f: {  	v12 =	vld [tilespmem:s10+$0x1B170]  }
0x60: {  	v13 =	vld [tilespmem:s10+$0x1B180]  }
0x61: {  	v14 =	vld [tilespmem:s10+$0x1B190]  }
0x62: {  	v15 =	vld [tilespmem:s10+$0x1B1A0];
	vm2 =	vne.s32 v9, v10  }
0x63: {  	v16 =	vld [tilespmem:s10+$0x1B1B0]  }
0x64: {  	v17 =	vld [tilespmem:s10+$0x1B1C0]  }
0x65: {  	v18 =	vld [tilespmem:s10+$0x1B1D0]  }
0x66: {  	v3 =	vld [tilespmem:s10+$0x1B1E0];
	v19, _, _ =	vpop (xrf2)  }
0x67: {  	v2 =	vld [tilespmem:s10+$0x1B1F0];
	v20 =	vsub.f32 $0.0e+00, v19  }
0x68: {  	(xrf2) =	vadd.scan.msk.f32 $0xffff, v4;
	[tilespmem:v9+s25+$0x0] =	vst.idx.add.f32.msk vm2, v19  }
0x69: {  	[tilespmem:v10+s25+$0x0] =	vst.idx.add.f32.msk vm2, v20  }
0x6a: {  	v39 =	vld [tilespmem:s10+$0x1A090]  }
0x6b: {  	v9 =	vld [tilespmem:s10+$0x1A091];
	_ =	sdelay $0x4  }
0x6c: {  	vm2 =	vne.s32 v39, v9  }
0x6d: {  	v40 =	vbroadcast v19, $0xF  }
0x6e: {  	v41, _, _ =	vpop (xrf2)  }
0x6f: {  	v10 =	vadd.f32 v40, v41;
	_ =	sdelay $0x1  }
0x70: {  	v19 =	vsub.f32 $0.0e+00, v10  }
0x71: {  	(xrf2) =	vadd.scan.msk.f32 $0xffff, v5;
	[tilespmem:v39+s25+$0x0] =	vst.idx.add.f32.msk vm2, v10  }
0x72: {  	[tilespmem:v9+s25+$0x0] =	vst.idx.add.f32.msk vm2, v19  }
0x73: {  	v4 =	vld [tilespmem:s10+$0x1A0A0]  }
0x74: {  	v42 =	vld [tilespmem:s10+$0x1A0A1];
	_ =	sdelay $0x4  }
0x75: {  	vm2 =	vne.s32 v4, v42  }
0x76: {  	v43 =	vbroadcast v10, $0xF  }
0x77: {  	v44, _, _ =	vpop (xrf2)  }
0x78: {  	v9 =	vadd.f32 v43, v44;
	_ =	sdelay $0x1  }
0x79: {  	v10 =	vsub.f32 $0.0e+00, v9  }
0x7a: {  	[tilespmem:v4+s25+$0x0] =	vst.idx.add.f32.msk vm2, v9  }
0x7b: {  	(xrf2) =	vadd.scan.msk.f32 $0xffff, v6;
	[tilespmem:v42+s25+$0x0] =	vst.idx.add.f32.msk vm2, v10  }
0x7c: {  	v4 =	vld [tilespmem:s10+$0x1A0B0]  }
0x7d: {  	v5 =	vld [tilespmem:s10+$0x1A0B1];
	_ =	sdelay $0x4  }
0x7e: {  	vm2 =	vne.s32 v4, v5  }
0x7f: {  	vm3 =	vmor vm2, vm1  }
0x80: {  	v45 =	vbroadcast v9, $0xF;
	vm2 =	vmand vm2, vm0  }
0x81: {  	v46, _, _ =	vpop (xrf2)  }
0x82: {  	v6 =	vadd.f32 v45, v46;
	_ =	sdelay $0x1  }
0x83: {  	v9 =	vsub.f32 $0.0e+00, v6  }
0x84: {  	[tilespmem:v4+s25+$0x0] =	vst.idx.add.f32.msk vm3, v6  }
0x85: {  	[tilespmem:v5+s25+$0x0] =	vst.idx.add.f32.msk vm2, v9  }
0x86: {  	(xrf2) =	vadd.scan.msk.f32 $0xffff, v7;
	v4 =	vld [tilespmem:s10+$0x1A0C0]  }
0x87: {  	v5 =	vld [tilespmem:s10+$0x1A0C1];
	_ =	sdelay $0x4  }
0x88: {  	vm2 =	vne.s32 v4, v5;
	_ =	sdelay $0x3  }
0x89: {  	v47, _, _ =	vpop (xrf2)  }
0x8a: {  	v48 =	vsub.f32 $0.0e+00, v47  }
0x8b: {  	(xrf2) =	vadd.scan.msk.f32 $0xffff, v8;
	[tilespmem:v4+s25+$0x0] =	vst.idx.add.f32.msk vm2, v47  }
0x8c: {  	[tilespmem:v5+s25+$0x0] =	vst.idx.add.f32.msk vm2, v48  }
0x8d: {  	v4 =	vld [tilespmem:s10+$0x1A0D0]  }
0x8e: {  	v5 =	vld [tilespmem:s10+$0x1A0D1];
	_ =	sdelay $0x4  }
0x8f: {  	vm2 =	vne.s32 v4, v5  }
0x90: {  	v6 =	vbroadcast v47, $0xF  }
0x91: {  	v49, _, _ =	vpop (xrf2)  }
0x92: {  	v6 =	vadd.f32 v6, v49;
	_ =	sdelay $0x1  }
0x93: {  	v7 =	vsub.f32 $0.0e+00, v6  }
0x94: {  	(xrf2) =	vadd.scan.msk.f32 $0xffff, v11;
	[tilespmem:v4+s25+$0x0] =	vst.idx.add.f32.msk vm2, v6  }
0x95: {  	[tilespmem:v5+s25+$0x0] =	vst.idx.add.f32.msk vm2, v7  }
0x96: {  	v4 =	vld [tilespmem:s10+$0x1A0E0]  }
0x97: {  	v5 =	vld [tilespmem:s10+$0x1A0E1];
	_ =	sdelay $0x4  }
0x98: {  	vm2 =	vne.s32 v4, v5  }
0x99: {  	v6 =	vbroadcast v6, $0xF  }
0x9a: {  	v50, _, _ =	vpop (xrf2)  }
0x9b: {  	v6 =	vadd.f32 v6, v50;
	_ =	sdelay $0x1  }
0x9c: {  	v7 =	vsub.f32 $0.0e+00, v6  }
0x9d: {  	[tilespmem:v4+s25+$0x0] =	vst.idx.add.f32.msk vm2, v6  }
0x9e: {  	(xrf2) =	vadd.scan.msk.f32 $0xffff, v12;
	[tilespmem:v5+s25+$0x0] =	vst.idx.add.f32.msk vm2, v7  }
0x9f: {  	v4 =	vld [tilespmem:s10+$0x1A0F0]  }
0xa0: {  	v5 =	vld [tilespmem:s10+$0x1A0F1];
	_ =	sdelay $0x4  }
0xa1: {  	vm2 =	vne.s32 v4, v5  }
0xa2: {  	vm3 =	vmor vm2, vm1  }
0xa3: {  	v6 =	vbroadcast v6, $0xF;
	vm2 =	vmand vm2, vm0  }
0xa4: {  	v51, _, _ =	vpop (xrf2)  }
0xa5: {  	v6 =	vadd.f32 v6, v51;
	_ =	sdelay $0x1  }
0xa6: {  	v7 =	vsub.f32 $0.0e+00, v6  }
0xa7: {  	[tilespmem:v4+s25+$0x0] =	vst.idx.add.f32.msk vm3, v6  }
0xa8: {  	[tilespmem:v5+s25+$0x0] =	vst.idx.add.f32.msk vm2, v7  }
0xa9: {  	(xrf2) =	vadd.scan.msk.f32 $0xffff, v13;
	v4 =	vld [tilespmem:s10+$0x1A100]  }
0xaa: {  	v5 =	vld [tilespmem:s10+$0x1A101];
	_ =	sdelay $0x4  }
0xab: {  	vm2 =	vne.s32 v4, v5;
	_ =	sdelay $0x3  }
0xac: {  	v52, _, _ =	vpop (xrf2)  }
0xad: {  	v53 =	vsub.f32 $0.0e+00, v52  }
0xae: {  	(xrf2) =	vadd.scan.msk.f32 $0xffff, v14;
	[tilespmem:v4+s25+$0x0] =	vst.idx.add.f32.msk vm2, v52  }
0xaf: {  	[tilespmem:v5+s25+$0x0] =	vst.idx.add.f32.msk vm2, v53  }
0xb0: {  	v4 =	vld [tilespmem:s10+$0x1A110]  }
0xb1: {  	v5 =	vld [tilespmem:s10+$0x1A111];
	_ =	sdelay $0x4  }
0xb2: {  	vm2 =	vne.s32 v4, v5  }
0xb3: {  	v6 =	vbroadcast v52, $0xF  }
0xb4: {  	v54, _, _ =	vpop (xrf2)  }
0xb5: {  	v6 =	vadd.f32 v6, v54;
	_ =	sdelay $0x1  }
0xb6: {  	v7 =	vsub.f32 $0.0e+00, v6  }
0xb7: {  	(xrf2) =	vadd.scan.msk.f32 $0xffff, v15;
	[tilespmem:v4+s25+$0x0] =	vst.idx.add.f32.msk vm2, v6  }
0xb8: {  	[tilespmem:v5+s25+$0x0] =	vst.idx.add.f32.msk vm2, v7  }
0xb9: {  	v4 =	vld [tilespmem:s10+$0x1A120]  }
0xba: {  	v5 =	vld [tilespmem:s10+$0x1A121];
	_ =	sdelay $0x4  }
0xbb: {  	vm2 =	vne.s32 v4, v5  }
0xbc: {  	v6 =	vbroadcast v6, $0xF  }
0xbd: {  	v55, _, _ =	vpop (xrf2)  }
0xbe: {  	v6 =	vadd.f32 v6, v55;
	_ =	sdelay $0x1  }
0xbf: {  	v7 =	vsub.f32 $0.0e+00, v6  }
0xc0: {  	[tilespmem:v4+s25+$0x0] =	vst.idx.add.f32.msk vm2, v6  }
0xc1: {  	(xrf2) =	vadd.scan.msk.f32 $0xffff, v16;
	[tilespmem:v5+s25+$0x0] =	vst.idx.add.f32.msk vm2, v7  }
0xc2: {  	v4 =	vld [tilespmem:s10+$0x1A130]  }
0xc3: {  	v5 =	vld [tilespmem:s10+$0x1A131];
	_ =	sdelay $0x4  }
0xc4: {  	vm2 =	vne.s32 v4, v5  }
0xc5: {  	vm3 =	vmor vm2, vm1  }
0xc6: {  	v6 =	vbroadcast v6, $0xF;
	vm2 =	vmand vm2, vm0  }
0xc7: {  	v56, _, _ =	vpop (xrf2)  }
0xc8: {  	v6 =	vadd.f32 v6, v56;
	_ =	sdelay $0x1  }
0xc9: {  	v7 =	vsub.f32 $0.0e+00, v6  }
0xca: {  	[tilespmem:v4+s25+$0x0] =	vst.idx.add.f32.msk vm3, v6  }
0xcb: {  	[tilespmem:v5+s25+$0x0] =	vst.idx.add.f32.msk vm2, v7  }
0xcc: {  	(xrf2) =	vadd.scan.msk.f32 $0xffff, v17;
	v4 =	vld [tilespmem:s10+$0x1A140]  }
0xcd: {  	v5 =	vld [tilespmem:s10+$0x1A141];
	_ =	sdelay $0x4  }
0xce: {  	vm2 =	vne.s32 v4, v5;
	_ =	sdelay $0x3  }
0xcf: {  	v57, _, _ =	vpop (xrf2)  }
0xd0: {  	v58 =	vsub.f32 $0.0e+00, v57  }
0xd1: {  	(xrf2) =	vadd.scan.msk.f32 $0xffff, v18;
	[tilespmem:v4+s25+$0x0] =	vst.idx.add.f32.msk vm2, v57  }
0xd2: {  	[tilespmem:v5+s25+$0x0] =	vst.idx.add.f32.msk vm2, v58  }
0xd3: {  	v4 =	vld [tilespmem:s10+$0x1A150]  }
0xd4: {  	v5 =	vld [tilespmem:s10+$0x1A151];
	_ =	sdelay $0x4  }
0xd5: {  	vm2 =	vne.s32 v4, v5  }
0xd6: {  	v6 =	vbroadcast v57, $0xF  }
0xd7: {  	v59, _, _ =	vpop (xrf2)  }
0xd8: {  	v6 =	vadd.f32 v6, v59;
	_ =	sdelay $0x1  }
0xd9: {  	v7 =	vsub.f32 $0.0e+00, v6  }
0xda: {  	(xrf2) =	vadd.scan.msk.f32 $0xffff, v3;
	[tilespmem:v4+s25+$0x0] =	vst.idx.add.f32.msk vm2, v6  }
0xdb: {  	[tilespmem:v5+s25+$0x0] =	vst.idx.add.f32.msk vm2, v7  }
0xdc: {  	v3 =	vld [tilespmem:s10+$0x1A160]  }
0xdd: {  	v4 =	vld [tilespmem:s10+$0x1A161];
	_ =	sdelay $0x4  }
0xde: {  	vm2 =	vne.s32 v3, v4  }
0xdf: {  	v60 =	vbroadcast v6, $0xF  }
0xe0: {  	v61, _, _ =	vpop (xrf2)  }
0xe1: {  	v5 =	vadd.f32 v60, v61;
	_ =	sdelay $0x1  }
0xe2: {  	v6 =	vsub.f32 $0.0e+00, v5  }
0xe3: {  	[tilespmem:v3+s25+$0x0] =	vst.idx.add.f32.msk vm2, v5  }
0xe4: {  	(xrf2) =	vadd.scan.msk.f32 $0xffff, v2;
	[tilespmem:v4+s25+$0x0] =	vst.idx.add.f32.msk vm2, v6  }
0xe5: {  	v2 =	vld [tilespmem:s10+$0x1A170]  }
0xe6: {  	v3 =	vld [tilespmem:s10+$0x1A171];
	_ =	sdelay $0x4  }
0xe7: {  	vm2 =	vne.s32 v2, v3  }
0xe8: {  	vm3 =	vmor vm2, vm1  }
0xe9: {  	v62 =	vbroadcast v5, $0xF;
	vm2 =	vmand vm2, vm0  }
0xea: {  	p1 =	sne.s32 s9, $0x3000;
	v63, _, _ =	vpop (xrf2)  }
.Ltmp5:
0xeb: {  	v4 =	vadd.f32 v62, v63;
	(pc) =	sbr.rel @p1 .LBB2_6-.Ltmp5, $4  }
0xec: {  	_ = 	snop  }
0xed: {  	v5 =	vsub.f32 $0.0e+00, v4  }
0xee: {  	[tilespmem:v2+s25+$0x0] =	vst.idx.add.f32.msk vm3, v4  }
0xef: {  	s9 =	sadd.s32 $0x400, s9;
	[tilespmem:v3+s25+$0x0] =	vst.idx.add.f32.msk vm2, v5  }
0xf0: {  	v2 =	vld [tilespmem:$0x1BE00];
	_ =	sdelay $0x3  }
0xf1: {  	v3 =	vld [tilespmem:$0x1AD80]  }
0xf2: {  	(xrf2) =	vadd.scan.msk.f32 $0xffff, v2;
	v2 =	vld [tilespmem:$0x1AD81];
	_ =	sdelay $0x4  }
0xf3: {  	vm2 =	vne.s32 v3, v2  }
0xf4: {  	vm3 =	vmor vm2, vm1  }
0xf5: {  	vm2 =	vmand vm2, vm0;
	_ =	sdelay $0x2  }
0xf6: {  	v4, _, _ =	vpop (xrf2)  }
0xf7: {  	v5 =	vsub.f32 $0.0e+00, v4  }
0xf8: {  	[tilespmem:v3+s25+$0x0] =	vst.idx.add.f32.msk vm3, v4  }
0xf9: {  	[tilespmem:v2+s25+$0x0] =	vst.idx.add.f32.msk vm2, v5  }
0xfa: {  	v2 =	vld [tilespmem:$0x1BE10];
	_ =	sdelay $0x3  }
0xfb: {  	v3 =	vld [tilespmem:$0x1AD90]  }
0xfc: {  	(xrf2) =	vadd.scan.msk.f32 $0xffff, v2;
	v2 =	vld [tilespmem:$0x1AD91];
	_ =	sdelay $0x4  }
0xfd: {  	vm2 =	vne.s32 v3, v2  }
0xfe: {  	vm3 =	vmor vm2, vm1  }
0xff: {  	vm2 =	vmand vm2, vm0;
	_ =	sdelay $0x2  }
0x100: {  	v58, _, _ =	vpop (xrf2)  }
0x101: {  	v59 =	vsub.f32 $0.0e+00, v58  }
0x102: {  	[tilespmem:v3+s25+$0x0] =	vst.idx.add.f32.msk vm3, v58  }
0x103: {  	[tilespmem:v2+s25+$0x0] =	vst.idx.add.f32.msk vm2, v59  }
0x104: {  	v2 =	vld [tilespmem:$0x1BE20];
	_ =	sdelay $0x3  }
0x105: {  	v3 =	vld [tilespmem:$0x1ADA0]  }
0x106: {  	(xrf2) =	vadd.scan.msk.f32 $0xffff, v2;
	v2 =	vld [tilespmem:$0x1ADA1];
	_ =	sdelay $0x4  }
0x107: {  	vm2 =	vne.s32 v3, v2  }
0x108: {  	vm3 =	vmor vm2, vm1  }
0x109: {  	vm2 =	vmand vm2, vm0;
	_ =	sdelay $0x2  }
0x10a: {  	v60, _, _ =	vpop (xrf2)  }
0x10b: {  	v61 =	vsub.f32 $0.0e+00, v60  }
0x10c: {  	[tilespmem:v3+s25+$0x0] =	vst.idx.add.f32.msk vm3, v60  }
0x10d: {  	[tilespmem:v2+s25+$0x0] =	vst.idx.add.f32.msk vm2, v61  }
0x10e: {  	v2 =	vld [tilespmem:$0x1BE30];
	_ =	sdelay $0x3  }
0x10f: {  	v3 =	vld [tilespmem:$0x1ADB0]  }
0x110: {  	(xrf2) =	vadd.scan.msk.f32 $0xffff, v2;
	v2 =	vld [tilespmem:$0x1ADB1];
	_ =	sdelay $0x4  }
0x111: {  	vm2 =	vne.s32 v3, v2  }
0x112: {  	vm3 =	vmor vm2, vm1  }
0x113: {  	vm2 =	vmand vm2, vm0;
	_ =	sdelay $0x2  }
0x114: {  	v62, _, _ =	vpop (xrf2)  }
0x115: {  	v63 =	vsub.f32 $0.0e+00, v62  }
0x116: {  	[tilespmem:v3+s25+$0x0] =	vst.idx.add.f32.msk vm3, v62  }
0x117: {  	s21 =	simm.s32 $0x0;
	[tilespmem:v2+s25+$0x0] =	vst.idx.add.f32.msk vm2, v63  }
0x118: {  	[tilespmem:s23], [sflag:$0x1] =	stream.linear.gather [hbm4b:s8+s21], $0x1000, $0x38;
	[tilespmem:$0x1EA80] =	vst v63  }
0x119: {  	s9 =	simm.s32 $0x1B100  }
0x11a: {  	[tilespmem:s9], [sflag:$0x2] =	stream.linear.gather [hbm4b:s13+s21], $0x1000, $0x38;
	[tilespmem:$0x1EA80] =	vst v63  }
0x11b: {  	s9 =	simm.s32 $0x0  }
.LBB2_8:
0x11c: {  	_ =	swait.ge [sflag:s22], $0x1000  }
0x11d: {  	[sflag:s22] =	ssyncset.done $0x0  }
0x11e: {  	s10 =	sshll.u32 s9, $0xD;
	[sflag:s22] =	ssyncadd.s32 $0xFFFFF000  }
0x11f: {  	s11 =	sadd.s32 s10, s14;
	_ =	swait.ge [sflag:s26], $0x1000  }
0x120: {  	s11 =	sshrl.u32 s11, $0x3;
	[sflag:s26] =	ssyncset.done $0x0  }
0x121: {  	s23 =	sadd.s32 s2, s11;
	[sflag:s26] =	ssyncadd.s32 $0xFFFFF000  }
0x122: {  	[tilespmem:s28], [sflag:$0x1] =	stream.linear.gather [hbm4b:s23+s21], $0x1000, $0x38;
	[tilespmem:$0x1EA80] =	vst v63  }
0x123: {  	s11 =	sadd.s32 s0, s11;
	s23 =	simm.s32 $0x0  }
0x124: {  	[tilespmem:s29], [sflag:$0x2] =	stream.linear.gather [hbm4b:s11+s21], $0x1000, $0x38;
	[tilespmem:$0x1EA80] =	vst v63  }
.LBB2_9:
0x125: {  	s11 =	sshra.s32 s23, $0x2  }
0x126: {  	v2 =	vld [tilespmem:s11+$0x1B100]  }
0x127: {  	v4 =	vld [tilespmem:s11+$0x1B110]  }
0x128: {  	v5 =	vld [tilespmem:s11+$0x1B120]  }
0x129: {  	v6 =	vld [tilespmem:s11+$0x1B130]  }
0x12a: {  	v7 =	vld [tilespmem:s11+$0x1B140]  }
0x12b: {  	v8 =	vld [tilespmem:s11+$0x1B150]  }
0x12c: {  	v9 =	vld [tilespmem:s11+$0x1A080];
	(xrf2) =	vadd.scan.msk.f32 $0xffff, v2  }
0x12d: {  	v10 =	vld [tilespmem:s11+$0x1A081]  }
0x12e: {  	v11 =	vld [tilespmem:s11+$0x1B160]  }
0x12f: {  	v12 =	vld [tilespmem:s11+$0x1B170]  }
0x130: {  	v13 =	vld [tilespmem:s11+$0x1B180]  }
0x131: {  	v14 =	vld [tilespmem:s11+$0x1B190]  }
0x132: {  	v15 =	vld [tilespmem:s11+$0x1B1A0];
	vm2 =	vne.s32 v9, v10  }
0x133: {  	v16 =	vld [tilespmem:s11+$0x1B1B0]  }
0x134: {  	v17 =	vld [tilespmem:s11+$0x1B1C0]  }
0x135: {  	v18 =	vld [tilespmem:s11+$0x1B1D0]  }
0x136: {  	v3 =	vld [tilespmem:s11+$0x1B1E0];
	v19, _, _ =	vpop (xrf2)  }
0x137: {  	v2 =	vld [tilespmem:s11+$0x1B1F0];
	v20 =	vsub.f32 $0.0e+00, v19  }
0x138: {  	(xrf2) =	vadd.scan.msk.f32 $0xffff, v4;
	[tilespmem:v9+s25+$0x0] =	vst.idx.add.f32.msk vm2, v19  }
0x139: {  	[tilespmem:v10+s25+$0x0] =	vst.idx.add.f32.msk vm2, v20  }
0x13a: {  	v39 =	vld [tilespmem:s11+$0x1A090]  }
0x13b: {  	v9 =	vld [tilespmem:s11+$0x1A091];
	_ =	sdelay $0x4  }
0x13c: {  	vm2 =	vne.s32 v39, v9  }
0x13d: {  	v40 =	vbroadcast v19, $0xF  }
0x13e: {  	v41, _, _ =	vpop (xrf2)  }
0x13f: {  	v10 =	vadd.f32 v40, v41;
	_ =	sdelay $0x1  }
0x140: {  	v19 =	vsub.f32 $0.0e+00, v10  }
0x141: {  	(xrf2) =	vadd.scan.msk.f32 $0xffff, v5;
	[tilespmem:v39+s25+$0x0] =	vst.idx.add.f32.msk vm2, v10  }
0x142: {  	[tilespmem:v9+s25+$0x0] =	vst.idx.add.f32.msk vm2, v19  }
0x143: {  	v4 =	vld [tilespmem:s11+$0x1A0A0]  }
0x144: {  	v42 =	vld [tilespmem:s11+$0x1A0A1];
	_ =	sdelay $0x4  }
0x145: {  	vm2 =	vne.s32 v4, v42  }
0x146: {  	v43 =	vbroadcast v10, $0xF  }
0x147: {  	v44, _, _ =	vpop (xrf2)  }
0x148: {  	v9 =	vadd.f32 v43, v44;
	_ =	sdelay $0x1  }
0x149: {  	v10 =	vsub.f32 $0.0e+00, v9  }
0x14a: {  	[tilespmem:v4+s25+$0x0] =	vst.idx.add.f32.msk vm2, v9  }
0x14b: {  	(xrf2) =	vadd.scan.msk.f32 $0xffff, v6;
	[tilespmem:v42+s25+$0x0] =	vst.idx.add.f32.msk vm2, v10  }
0x14c: {  	v4 =	vld [tilespmem:s11+$0x1A0B0]  }
0x14d: {  	v5 =	vld [tilespmem:s11+$0x1A0B1];
	_ =	sdelay $0x4  }
0x14e: {  	vm2 =	vne.s32 v4, v5  }
0x14f: {  	vm3 =	vmor vm2, vm1  }
0x150: {  	v45 =	vbroadcast v9, $0xF;
	vm2 =	vmand vm2, vm0  }
0x151: {  	v46, _, _ =	vpop (xrf2)  }
0x152: {  	v6 =	vadd.f32 v45, v46;
	_ =	sdelay $0x1  }
0x153: {  	v9 =	vsub.f32 $0.0e+00, v6  }
0x154: {  	[tilespmem:v4+s25+$0x0] =	vst.idx.add.f32.msk vm3, v6  }
0x155: {  	[tilespmem:v5+s25+$0x0] =	vst.idx.add.f32.msk vm2, v9  }
0x156: {  	(xrf2) =	vadd.scan.msk.f32 $0xffff, v7;
	v4 =	vld [tilespmem:s11+$0x1A0C0]  }
0x157: {  	v5 =	vld [tilespmem:s11+$0x1A0C1];
	_ =	sdelay $0x4  }
0x158: {  	vm2 =	vne.s32 v4, v5;
	_ =	sdelay $0x3  }
0x159: {  	v47, _, _ =	vpop (xrf2)  }
0x15a: {  	v48 =	vsub.f32 $0.0e+00, v47  }
0x15b: {  	(xrf2) =	vadd.scan.msk.f32 $0xffff, v8;
	[tilespmem:v4+s25+$0x0] =	vst.idx.add.f32.msk vm2, v47  }
0x15c: {  	[tilespmem:v5+s25+$0x0] =	vst.idx.add.f32.msk vm2, v48  }
0x15d: {  	v4 =	vld [tilespmem:s11+$0x1A0D0]  }
0x15e: {  	v5 =	vld [tilespmem:s11+$0x1A0D1];
	_ =	sdelay $0x4  }
0x15f: {  	vm2 =	vne.s32 v4, v5  }
0x160: {  	v6 =	vbroadcast v47, $0xF  }
0x161: {  	v49, _, _ =	vpop (xrf2)  }
0x162: {  	v6 =	vadd.f32 v6, v49;
	_ =	sdelay $0x1  }
0x163: {  	v7 =	vsub.f32 $0.0e+00, v6  }
0x164: {  	(xrf2) =	vadd.scan.msk.f32 $0xffff, v11;
	[tilespmem:v4+s25+$0x0] =	vst.idx.add.f32.msk vm2, v6  }
0x165: {  	[tilespmem:v5+s25+$0x0] =	vst.idx.add.f32.msk vm2, v7  }
0x166: {  	v4 =	vld [tilespmem:s11+$0x1A0E0]  }
0x167: {  	v5 =	vld [tilespmem:s11+$0x1A0E1];
	_ =	sdelay $0x4  }
0x168: {  	vm2 =	vne.s32 v4, v5  }
0x169: {  	v6 =	vbroadcast v6, $0xF  }
0x16a: {  	v50, _, _ =	vpop (xrf2)  }
0x16b: {  	v6 =	vadd.f32 v6, v50;
	_ =	sdelay $0x1  }
0x16c: {  	v7 =	vsub.f32 $0.0e+00, v6  }
0x16d: {  	[tilespmem:v4+s25+$0x0] =	vst.idx.add.f32.msk vm2, v6  }
0x16e: {  	(xrf2) =	vadd.scan.msk.f32 $0xffff, v12;
	[tilespmem:v5+s25+$0x0] =	vst.idx.add.f32.msk vm2, v7  }
0x16f: {  	v4 =	vld [tilespmem:s11+$0x1A0F0]  }
0x170: {  	v5 =	vld [tilespmem:s11+$0x1A0F1];
	_ =	sdelay $0x4  }
0x171: {  	vm2 =	vne.s32 v4, v5  }
0x172: {  	vm3 =	vmor vm2, vm1  }
0x173: {  	v6 =	vbroadcast v6, $0xF;
	vm2 =	vmand vm2, vm0  }
0x174: {  	v51, _, _ =	vpop (xrf2)  }
0x175: {  	v6 =	vadd.f32 v6, v51;
	_ =	sdelay $0x1  }
0x176: {  	v7 =	vsub.f32 $0.0e+00, v6  }
0x177: {  	[tilespmem:v4+s25+$0x0] =	vst.idx.add.f32.msk vm3, v6  }
0x178: {  	[tilespmem:v5+s25+$0x0] =	vst.idx.add.f32.msk vm2, v7  }
0x179: {  	(xrf2) =	vadd.scan.msk.f32 $0xffff, v13;
	v4 =	vld [tilespmem:s11+$0x1A100]  }
0x17a: {  	v5 =	vld [tilespmem:s11+$0x1A101];
	_ =	sdelay $0x4  }
0x17b: {  	vm2 =	vne.s32 v4, v5;
	_ =	sdelay $0x3  }
0x17c: {  	v52, _, _ =	vpop (xrf2)  }
0x17d: {  	v53 =	vsub.f32 $0.0e+00, v52  }
0x17e: {  	(xrf2) =	vadd.scan.msk.f32 $0xffff, v14;
	[tilespmem:v4+s25+$0x0] =	vst.idx.add.f32.msk vm2, v52  }
0x17f: {  	[tilespmem:v5+s25+$0x0] =	vst.idx.add.f32.msk vm2, v53  }
0x180: {  	v4 =	vld [tilespmem:s11+$0x1A110]  }
0x181: {  	v5 =	vld [tilespmem:s11+$0x1A111];
	_ =	sdelay $0x4  }
0x182: {  	vm2 =	vne.s32 v4, v5  }
0x183: {  	v6 =	vbroadcast v52, $0xF  }
0x184: {  	v54, _, _ =	vpop (xrf2)  }
0x185: {  	v6 =	vadd.f32 v6, v54;
	_ =	sdelay $0x1  }
0x186: {  	v7 =	vsub.f32 $0.0e+00, v6  }
0x187: {  	(xrf2) =	vadd.scan.msk.f32 $0xffff, v15;
	[tilespmem:v4+s25+$0x0] =	vst.idx.add.f32.msk vm2, v6  }
0x188: {  	[tilespmem:v5+s25+$0x0] =	vst.idx.add.f32.msk vm2, v7  }
0x189: {  	v4 =	vld [tilespmem:s11+$0x1A120]  }
0x18a: {  	v5 =	vld [tilespmem:s11+$0x1A121];
	_ =	sdelay $0x4  }
0x18b: {  	vm2 =	vne.s32 v4, v5  }
0x18c: {  	v6 =	vbroadcast v6, $0xF  }
0x18d: {  	v55, _, _ =	vpop (xrf2)  }
0x18e: {  	v6 =	vadd.f32 v6, v55;
	_ =	sdelay $0x1  }
0x18f: {  	v7 =	vsub.f32 $0.0e+00, v6  }
0x190: {  	[tilespmem:v4+s25+$0x0] =	vst.idx.add.f32.msk vm2, v6  }
0x191: {  	(xrf2) =	vadd.scan.msk.f32 $0xffff, v16;
	[tilespmem:v5+s25+$0x0] =	vst.idx.add.f32.msk vm2, v7  }
0x192: {  	v4 =	vld [tilespmem:s11+$0x1A130]  }
0x193: {  	v5 =	vld [tilespmem:s11+$0x1A131];
	_ =	sdelay $0x4  }
0x194: {  	vm2 =	vne.s32 v4, v5  }
0x195: {  	vm3 =	vmor vm2, vm1  }
0x196: {  	v6 =	vbroadcast v6, $0xF;
	vm2 =	vmand vm2, vm0  }
0x197: {  	v56, _, _ =	vpop (xrf2)  }
0x198: {  	v6 =	vadd.f32 v6, v56;
	_ =	sdelay $0x1  }
0x199: {  	v7 =	vsub.f32 $0.0e+00, v6  }
0x19a: {  	[tilespmem:v4+s25+$0x0] =	vst.idx.add.f32.msk vm3, v6  }
0x19b: {  	[tilespmem:v5+s25+$0x0] =	vst.idx.add.f32.msk vm2, v7  }
0x19c: {  	(xrf2) =	vadd.scan.msk.f32 $0xffff, v17;
	v4 =	vld [tilespmem:s11+$0x1A140]  }
0x19d: {  	v5 =	vld [tilespmem:s11+$0x1A141];
	_ =	sdelay $0x4  }
0x19e: {  	vm2 =	vne.s32 v4, v5;
	_ =	sdelay $0x3  }
0x19f: {  	v57, _, _ =	vpop (xrf2)  }
0x1a0: {  	v58 =	vsub.f32 $0.0e+00, v57  }
0x1a1: {  	(xrf2) =	vadd.scan.msk.f32 $0xffff, v18;
	[tilespmem:v4+s25+$0x0] =	vst.idx.add.f32.msk vm2, v57  }
0x1a2: {  	[tilespmem:v5+s25+$0x0] =	vst.idx.add.f32.msk vm2, v58  }
0x1a3: {  	v4 =	vld [tilespmem:s11+$0x1A150]  }
0x1a4: {  	v5 =	vld [tilespmem:s11+$0x1A151];
	_ =	sdelay $0x4  }
0x1a5: {  	vm2 =	vne.s32 v4, v5  }
0x1a6: {  	v6 =	vbroadcast v57, $0xF  }
0x1a7: {  	v59, _, _ =	vpop (xrf2)  }
0x1a8: {  	v6 =	vadd.f32 v6, v59;
	_ =	sdelay $0x1  }
0x1a9: {  	v7 =	vsub.f32 $0.0e+00, v6  }
0x1aa: {  	(xrf2) =	vadd.scan.msk.f32 $0xffff, v3;
	[tilespmem:v4+s25+$0x0] =	vst.idx.add.f32.msk vm2, v6  }
0x1ab: {  	[tilespmem:v5+s25+$0x0] =	vst.idx.add.f32.msk vm2, v7  }
0x1ac: {  	v3 =	vld [tilespmem:s11+$0x1A160]  }
0x1ad: {  	v4 =	vld [tilespmem:s11+$0x1A161];
	_ =	sdelay $0x4  }
0x1ae: {  	vm2 =	vne.s32 v3, v4  }
0x1af: {  	v60 =	vbroadcast v6, $0xF  }
0x1b0: {  	v61, _, _ =	vpop (xrf2)  }
0x1b1: {  	v5 =	vadd.f32 v60, v61;
	_ =	sdelay $0x1  }
0x1b2: {  	v6 =	vsub.f32 $0.0e+00, v5  }
0x1b3: {  	[tilespmem:v3+s25+$0x0] =	vst.idx.add.f32.msk vm2, v5  }
0x1b4: {  	(xrf2) =	vadd.scan.msk.f32 $0xffff, v2;
	[tilespmem:v4+s25+$0x0] =	vst.idx.add.f32.msk vm2, v6  }
0x1b5: {  	v2 =	vld [tilespmem:s11+$0x1A170]  }
0x1b6: {  	v3 =	vld [tilespmem:s11+$0x1A171];
	_ =	sdelay $0x4  }
0x1b7: {  	vm2 =	vne.s32 v2, v3  }
0x1b8: {  	vm3 =	vmor vm2, vm1  }
0x1b9: {  	v62 =	vbroadcast v5, $0xF;
	vm2 =	vmand vm2, vm0  }
0x1ba: {  	p1 =	sne.s32 s23, $0x3C00;
	v63, _, _ =	vpop (xrf2)  }
.Ltmp6:
0x1bb: {  	v4 =	vadd.f32 v62, v63;
	(pc) =	sbr.rel @p1 .LBB2_9-.Ltmp6, $4  }
0x1bc: {  	_ = 	snop  }
0x1bd: {  	v5 =	vsub.f32 $0.0e+00, v4  }
0x1be: {  	[tilespmem:v2+s25+$0x0] =	vst.idx.add.f32.msk vm3, v4  }
0x1bf: {  	s23 =	sadd.s32 $0x400, s23;
	[tilespmem:v3+s25+$0x0] =	vst.idx.add.f32.msk vm2, v5  }
0x1c0: {  	_ =	swait.ge [sflag:s22], $0x1000  }
0x1c1: {  	[sflag:s22] =	ssyncset.done $0x0  }
0x1c2: {  	p1 =	seq.s32 s9, $0x17;
	[sflag:s22] =	ssyncadd.s32 $0xFFFFF000  }
0x1c3: {  	s10 =	sadd.s32 @!p1 s10, s15;
	_ =	swait.ge [sflag:s26], $0x1000  }
0x1c4: {  	s23 =	simm.s32 @!p1 $0x0;
	s10 =	sshrl.u32 @!p1 s10, $0x3;
	[sflag:s26] =	ssyncset.done $0x0  }
0x1c5: {  	s24 =	simm.s32 @!p1 $0x1A080;
	s11 =	sadd.s32 @!p1 s2, s10;
	[sflag:s26] =	ssyncadd.s32 $0xFFFFF000  }
0x1c6: {  	[tilespmem:s24], [sflag:$0x1] =	stream.linear.gather @!p1 [hbm4b:s11+s23], $0x1000, $0x38;
	[tilespmem:$0x1EA80] =	vst v63  }
0x1c7: {  	s10 =	sadd.s32 @!p1 s0, s10;
	s11 =	simm.s32 @!p1 $0x1B100  }
0x1c8: {  	[tilespmem:s11], [sflag:$0x2] =	stream.linear.gather @!p1 [hbm4b:s10+s23], $0x1000, $0x38;
	[tilespmem:$0x1EA80] =	vst v63  }
0x1c9: {  	s10 =	simm.s32 $0x0  }
.LBB2_11:
0x1ca: {  	s11 =	sshra.s32 s10, $0x2  }
0x1cb: {  	v2 =	vld [tilespmem:s11+$0x1D180]  }
0x1cc: {  	v4 =	vld [tilespmem:s11+$0x1D190]  }
0x1cd: {  	v5 =	vld [tilespmem:s11+$0x1D1A0]  }
0x1ce: {  	v6 =	vld [tilespmem:s11+$0x1D1B0]  }
0x1cf: {  	v7 =	vld [tilespmem:s11+$0x1D1C0]  }
0x1d0: {  	v8 =	vld [tilespmem:s11+$0x1D1D0]  }
0x1d1: {  	v9 =	vld [tilespmem:s11+$0x1C100];
	(xrf2) =	vadd.scan.msk.f32 $0xffff, v2  }
0x1d2: {  	v10 =	vld [tilespmem:s11+$0x1C101]  }
0x1d3: {  	v11 =	vld [tilespmem:s11+$0x1D1E0]  }
0x1d4: {  	v12 =	vld [tilespmem:s11+$0x1D1F0]  }
0x1d5: {  	v13 =	vld [tilespmem:s11+$0x1D200]  }
0x1d6: {  	v14 =	vld [tilespmem:s11+$0x1D210]  }
0x1d7: {  	v15 =	vld [tilespmem:s11+$0x1D220];
	vm2 =	vne.s32 v9, v10  }
0x1d8: {  	v16 =	vld [tilespmem:s11+$0x1D230]  }
0x1d9: {  	v17 =	vld [tilespmem:s11+$0x1D240]  }
0x1da: {  	v18 =	vld [tilespmem:s11+$0x1D250]  }
0x1db: {  	v3 =	vld [tilespmem:s11+$0x1D260];
	v19, _, _ =	vpop (xrf2)  }
0x1dc: {  	v2 =	vld [tilespmem:s11+$0x1D270];
	v20 =	vsub.f32 $0.0e+00, v19  }
0x1dd: {  	(xrf2) =	vadd.scan.msk.f32 $0xffff, v4;
	[tilespmem:v9+s25+$0x0] =	vst.idx.add.f32.msk vm2, v19  }
0x1de: {  	[tilespmem:v10+s25+$0x0] =	vst.idx.add.f32.msk vm2, v20  }
0x1df: {  	v39 =	vld [tilespmem:s11+$0x1C110]  }
0x1e0: {  	v9 =	vld [tilespmem:s11+$0x1C111];
	_ =	sdelay $0x4  }
0x1e1: {  	vm2 =	vne.s32 v39, v9  }
0x1e2: {  	v40 =	vbroadcast v19, $0xF  }
0x1e3: {  	v41, _, _ =	vpop (xrf2)  }
0x1e4: {  	v10 =	vadd.f32 v40, v41;
	_ =	sdelay $0x1  }
0x1e5: {  	v19 =	vsub.f32 $0.0e+00, v10  }
0x1e6: {  	(xrf2) =	vadd.scan.msk.f32 $0xffff, v5;
	[tilespmem:v39+s25+$0x0] =	vst.idx.add.f32.msk vm2, v10  }
0x1e7: {  	[tilespmem:v9+s25+$0x0] =	vst.idx.add.f32.msk vm2, v19  }
0x1e8: {  	v4 =	vld [tilespmem:s11+$0x1C120]  }
0x1e9: {  	v42 =	vld [tilespmem:s11+$0x1C121];
	_ =	sdelay $0x4  }
0x1ea: {  	vm2 =	vne.s32 v4, v42  }
0x1eb: {  	v43 =	vbroadcast v10, $0xF  }
0x1ec: {  	v44, _, _ =	vpop (xrf2)  }
0x1ed: {  	v9 =	vadd.f32 v43, v44;
	_ =	sdelay $0x1  }
0x1ee: {  	v10 =	vsub.f32 $0.0e+00, v9  }
0x1ef: {  	[tilespmem:v4+s25+$0x0] =	vst.idx.add.f32.msk vm2, v9  }
0x1f0: {  	(xrf2) =	vadd.scan.msk.f32 $0xffff, v6;
	[tilespmem:v42+s25+$0x0] =	vst.idx.add.f32.msk vm2, v10  }
0x1f1: {  	v4 =	vld [tilespmem:s11+$0x1C130]  }
0x1f2: {  	v5 =	vld [tilespmem:s11+$0x1C131];
	_ =	sdelay $0x4  }
0x1f3: {  	vm2 =	vne.s32 v4, v5  }
0x1f4: {  	vm3 =	vmor vm2, vm1  }
0x1f5: {  	v45 =	vbroadcast v9, $0xF;
	vm2 =	vmand vm2, vm0  }
0x1f6: {  	v46, _, _ =	vpop (xrf2)  }
0x1f7: {  	v6 =	vadd.f32 v45, v46;
	_ =	sdelay $0x1  }
0x1f8: {  	v9 =	vsub.f32 $0.0e+00, v6  }
0x1f9: {  	[tilespmem:v4+s25+$0x0] =	vst.idx.add.f32.msk vm3, v6  }
0x1fa: {  	[tilespmem:v5+s25+$0x0] =	vst.idx.add.f32.msk vm2, v9  }
0x1fb: {  	(xrf2) =	vadd.scan.msk.f32 $0xffff, v7;
	v4 =	vld [tilespmem:s11+$0x1C140]  }
0x1fc: {  	v5 =	vld [tilespmem:s11+$0x1C141];
	_ =	sdelay $0x4  }
0x1fd: {  	vm2 =	vne.s32 v4, v5;
	_ =	sdelay $0x3  }
0x1fe: {  	v47, _, _ =	vpop (xrf2)  }
0x1ff: {  	v48 =	vsub.f32 $0.0e+00, v47  }
0x200: {  	(xrf2) =	vadd.scan.msk.f32 $0xffff, v8;
	[tilespmem:v4+s25+$0x0] =	vst.idx.add.f32.msk vm2, v47  }
0x201: {  	[tilespmem:v5+s25+$0x0] =	vst.idx.add.f32.msk vm2, v48  }
0x202: {  	v4 =	vld [tilespmem:s11+$0x1C150]  }
0x203: {  	v5 =	vld [tilespmem:s11+$0x1C151];
	_ =	sdelay $0x4  }
0x204: {  	vm2 =	vne.s32 v4, v5  }
0x205: {  	v6 =	vbroadcast v47, $0xF  }
0x206: {  	v49, _, _ =	vpop (xrf2)  }
0x207: {  	v6 =	vadd.f32 v6, v49;
	_ =	sdelay $0x1  }
0x208: {  	v7 =	vsub.f32 $0.0e+00, v6  }
0x209: {  	(xrf2) =	vadd.scan.msk.f32 $0xffff, v11;
	[tilespmem:v4+s25+$0x0] =	vst.idx.add.f32.msk vm2, v6  }
0x20a: {  	[tilespmem:v5+s25+$0x0] =	vst.idx.add.f32.msk vm2, v7  }
0x20b: {  	v4 =	vld [tilespmem:s11+$0x1C160]  }
0x20c: {  	v5 =	vld [tilespmem:s11+$0x1C161];
	_ =	sdelay $0x4  }
0x20d: {  	vm2 =	vne.s32 v4, v5  }
0x20e: {  	v6 =	vbroadcast v6, $0xF  }
0x20f: {  	v50, _, _ =	vpop (xrf2)  }
0x210: {  	v6 =	vadd.f32 v6, v50;
	_ =	sdelay $0x1  }
0x211: {  	v7 =	vsub.f32 $0.0e+00, v6  }
0x212: {  	[tilespmem:v4+s25+$0x0] =	vst.idx.add.f32.msk vm2, v6  }
0x213: {  	(xrf2) =	vadd.scan.msk.f32 $0xffff, v12;
	[tilespmem:v5+s25+$0x0] =	vst.idx.add.f32.msk vm2, v7  }
0x214: {  	v4 =	vld [tilespmem:s11+$0x1C170]  }
0x215: {  	v5 =	vld [tilespmem:s11+$0x1C171];
	_ =	sdelay $0x4  }
0x216: {  	vm2 =	vne.s32 v4, v5  }
0x217: {  	vm3 =	vmor vm2, vm1  }
0x218: {  	v6 =	vbroadcast v6, $0xF;
	vm2 =	vmand vm2, vm0  }
0x219: {  	v51, _, _ =	vpop (xrf2)  }
0x21a: {  	v6 =	vadd.f32 v6, v51;
	_ =	sdelay $0x1  }
0x21b: {  	v7 =	vsub.f32 $0.0e+00, v6  }
0x21c: {  	[tilespmem:v4+s25+$0x0] =	vst.idx.add.f32.msk vm3, v6  }
0x21d: {  	[tilespmem:v5+s25+$0x0] =	vst.idx.add.f32.msk vm2, v7  }
0x21e: {  	(xrf2) =	vadd.scan.msk.f32 $0xffff, v13;
	v4 =	vld [tilespmem:s11+$0x1C180]  }
0x21f: {  	v5 =	vld [tilespmem:s11+$0x1C181];
	_ =	sdelay $0x4  }
0x220: {  	vm2 =	vne.s32 v4, v5;
	_ =	sdelay $0x3  }
0x221: {  	v52, _, _ =	vpop (xrf2)  }
0x222: {  	v53 =	vsub.f32 $0.0e+00, v52  }
0x223: {  	(xrf2) =	vadd.scan.msk.f32 $0xffff, v14;
	[tilespmem:v4+s25+$0x0] =	vst.idx.add.f32.msk vm2, v52  }
0x224: {  	[tilespmem:v5+s25+$0x0] =	vst.idx.add.f32.msk vm2, v53  }
0x225: {  	v4 =	vld [tilespmem:s11+$0x1C190]  }
0x226: {  	v5 =	vld [tilespmem:s11+$0x1C191];
	_ =	sdelay $0x4  }
0x227: {  	vm2 =	vne.s32 v4, v5  }
0x228: {  	v6 =	vbroadcast v52, $0xF  }
0x229: {  	v54, _, _ =	vpop (xrf2)  }
0x22a: {  	v6 =	vadd.f32 v6, v54;
	_ =	sdelay $0x1  }
0x22b: {  	v7 =	vsub.f32 $0.0e+00, v6  }
0x22c: {  	(xrf2) =	vadd.scan.msk.f32 $0xffff, v15;
	[tilespmem:v4+s25+$0x0] =	vst.idx.add.f32.msk vm2, v6  }
0x22d: {  	[tilespmem:v5+s25+$0x0] =	vst.idx.add.f32.msk vm2, v7  }
0x22e: {  	v4 =	vld [tilespmem:s11+$0x1C1A0]  }
0x22f: {  	v5 =	vld [tilespmem:s11+$0x1C1A1];
	_ =	sdelay $0x4  }
0x230: {  	vm2 =	vne.s32 v4, v5  }
0x231: {  	v6 =	vbroadcast v6, $0xF  }
0x232: {  	v55, _, _ =	vpop (xrf2)  }
0x233: {  	v6 =	vadd.f32 v6, v55;
	_ =	sdelay $0x1  }
0x234: {  	v7 =	vsub.f32 $0.0e+00, v6  }
0x235: {  	[tilespmem:v4+s25+$0x0] =	vst.idx.add.f32.msk vm2, v6  }
0x236: {  	(xrf2) =	vadd.scan.msk.f32 $0xffff, v16;
	[tilespmem:v5+s25+$0x0] =	vst.idx.add.f32.msk vm2, v7  }
0x237: {  	v4 =	vld [tilespmem:s11+$0x1C1B0]  }
0x238: {  	v5 =	vld [tilespmem:s11+$0x1C1B1];
	_ =	sdelay $0x4  }
0x239: {  	vm2 =	vne.s32 v4, v5  }
0x23a: {  	vm3 =	vmor vm2, vm1  }
0x23b: {  	v6 =	vbroadcast v6, $0xF;
	vm2 =	vmand vm2, vm0  }
0x23c: {  	v56, _, _ =	vpop (xrf2)  }
0x23d: {  	v6 =	vadd.f32 v6, v56;
	_ =	sdelay $0x1  }
0x23e: {  	v7 =	vsub.f32 $0.0e+00, v6  }
0x23f: {  	[tilespmem:v4+s25+$0x0] =	vst.idx.add.f32.msk vm3, v6  }
0x240: {  	[tilespmem:v5+s25+$0x0] =	vst.idx.add.f32.msk vm2, v7  }
0x241: {  	(xrf2) =	vadd.scan.msk.f32 $0xffff, v17;
	v4 =	vld [tilespmem:s11+$0x1C1C0]  }
0x242: {  	v5 =	vld [tilespmem:s11+$0x1C1C1];
	_ =	sdelay $0x4  }
0x243: {  	vm2 =	vne.s32 v4, v5;
	_ =	sdelay $0x3  }
0x244: {  	v57, _, _ =	vpop (xrf2)  }
0x245: {  	v58 =	vsub.f32 $0.0e+00, v57  }
0x246: {  	(xrf2) =	vadd.scan.msk.f32 $0xffff, v18;
	[tilespmem:v4+s25+$0x0] =	vst.idx.add.f32.msk vm2, v57  }
0x247: {  	[tilespmem:v5+s25+$0x0] =	vst.idx.add.f32.msk vm2, v58  }
0x248: {  	v4 =	vld [tilespmem:s11+$0x1C1D0]  }
0x249: {  	v5 =	vld [tilespmem:s11+$0x1C1D1];
	_ =	sdelay $0x4  }
0x24a: {  	vm2 =	vne.s32 v4, v5  }
0x24b: {  	v6 =	vbroadcast v57, $0xF  }
0x24c: {  	v59, _, _ =	vpop (xrf2)  }
0x24d: {  	v6 =	vadd.f32 v6, v59;
	_ =	sdelay $0x1  }
0x24e: {  	v7 =	vsub.f32 $0.0e+00, v6  }
0x24f: {  	(xrf2) =	vadd.scan.msk.f32 $0xffff, v3;
	[tilespmem:v4+s25+$0x0] =	vst.idx.add.f32.msk vm2, v6  }
0x250: {  	[tilespmem:v5+s25+$0x0] =	vst.idx.add.f32.msk vm2, v7  }
0x251: {  	v3 =	vld [tilespmem:s11+$0x1C1E0]  }
0x252: {  	v4 =	vld [tilespmem:s11+$0x1C1E1];
	_ =	sdelay $0x4  }
0x253: {  	vm2 =	vne.s32 v3, v4  }
0x254: {  	v60 =	vbroadcast v6, $0xF  }
0x255: {  	v61, _, _ =	vpop (xrf2)  }
0x256: {  	v5 =	vadd.f32 v60, v61;
	_ =	sdelay $0x1  }
0x257: {  	v6 =	vsub.f32 $0.0e+00, v5  }
0x258: {  	[tilespmem:v3+s25+$0x0] =	vst.idx.add.f32.msk vm2, v5  }
0x259: {  	(xrf2) =	vadd.scan.msk.f32 $0xffff, v2;
	[tilespmem:v4+s25+$0x0] =	vst.idx.add.f32.msk vm2, v6  }
0x25a: {  	v2 =	vld [tilespmem:s11+$0x1C1F0]  }
0x25b: {  	v3 =	vld [tilespmem:s11+$0x1C1F1];
	_ =	sdelay $0x4  }
0x25c: {  	vm2 =	vne.s32 v2, v3  }
0x25d: {  	vm3 =	vmor vm2, vm1  }
0x25e: {  	v62 =	vbroadcast v5, $0xF;
	vm2 =	vmand vm2, vm0  }
0x25f: {  	p1 =	sne.s32 s10, $0x3C00;
	v63, _, _ =	vpop (xrf2)  }
.Ltmp7:
0x260: {  	v4 =	vadd.f32 v62, v63;
	(pc) =	sbr.rel @p1 .LBB2_11-.Ltmp7, $4  }
0x261: {  	_ = 	snop  }
0x262: {  	v5 =	vsub.f32 $0.0e+00, v4  }
0x263: {  	[tilespmem:v2+s25+$0x0] =	vst.idx.add.f32.msk vm3, v4  }
0x264: {  	s10 =	sadd.s32 $0x400, s10;
	[tilespmem:v3+s25+$0x0] =	vst.idx.add.f32.msk vm2, v5  }
0x265: {  	s9 =	sadd.s32 $0x1, s9  }
0x266: {  	p1 =	sne.s32 s9, $0x18  }
.Ltmp8:
0x267: {  	_ = 	snop;
	(pc) =	sbr.rel @p1 .LBB2_8-.Ltmp8, $1  }
0x268: {  	_ =	sdelay $0x3  }
.Ltmp9:
0x269: {  	(pc) =	sbr.rel @p0 .LBB2_18-.Ltmp9, $2  }
0x26a: {  	_ =	sdelay $0x1  }
0x26b: {  	[bflag:$0x0] =	sbarrier.arrive $0xFFFF;
	_ =	sdelay $0x1  }
0x26c: {  	s4 =	sadd.s32 s20, s4  }
0x26d: {  	s4 =	ssub.s32 s4, s3  }
0x26e: {  	s9 =	sshll.u32 s3, $0xB;
	s10 =	simm.s32 $0x0;
	s4 =	sadd.s32 $0x1, s4  }
.LBB2_15:
0x26f: {  	s11 =	sadd.s32 s3, s10;
	s20 =	simm.s32 $0x40  }
0x270: {  	v2 =	vor.u32 s9, v1;
	s23 =	simm.s32 $0x0;
	s21 =	smov.u32 s9;
	s11 =	sshll.u32 s11, $0xB  }
.LBB2_16:
0x271: {  	p0 =	sne.s32 s20, $0x1FC0  }
0x272: {  	[tilespmem:s23+$0x1E180] =	vst v2;
	s21 =	sadd.s32 $0x10, s21;
	s23 =	smov.u32 s20;
	s20 =	sadd.s32 $0x40, s20  }
.Ltmp10:
0x273: {  	(pc) =	sbr.rel @p0 .LBB2_16-.Ltmp10, $2  }
0x274: {  	_ =	sdelay $0x2  }
0x275: {  	v2 =	vor.u32 s21, v1;
	s23 =	sshra.s32 s23, $0x2  }
0x276: {  	[tilespmem:s23+$0x1E180] =	vst v2;
	s11 =	sadd.s32 $0x1880, s11;
	s10 =	sadd.s32 $0x1, s10  }
0x277: {  	[spmem:s5] =	stream.indirect.scatter.add.f32 [tilespmem:s11], [sflag:$0x3], $0x1, s31, s30, $0xb8;
	[tilespmem:$0x1EA80] =	vst v63  }
0x278: {  	p0 =	sne.s32 s10, s4  }
.Ltmp11:
0x279: {  	_ = 	snop;
	(pc) =	sbr.rel @p0 .LBB2_15-.Ltmp11, $4  }
.Ltmp12:
0x27a: {  	_ = 	snop;
	(pc) =	sbr.rel @!p0 .LBB2_18-.Ltmp12, $4  }
0x27b: {  	_ =	swait.ge [sflag:s19], $0x800  }
0x27c: {  	[sflag:s19] =	ssyncset.done $0x0  }
0x27d: {  	s9 =	sadd.s32 $0x800, s9;
	[sflag:s19] =	ssyncadd.s32 $0xFFFFF800  }
0x27e: {  	_ = 	snop  }
.LBB2_19:
0x27f: {  	_ =	sfence.sel $0x180000  }
0x280: {  	[bflag:$0x0] =	sbarrier.arrive $0xFFFF  }
0x281: {  	_ =	strace $0x90000047  }
0x282: {  	s0 =	stileid.u32;
	[bflag:$0x2] =	sbarrier.arrive $0xFFFF  }
0x283: {  	p0 =	sne.s32 s0, $0x0;
	s0 =	rddreg [dreg:$0x5]  }
0x284: {  	s0 =	sadd.s32 @!p0 $0x100000, s0  }
0x285: {  	[sflag:s0] =	ssyncadd.tile.s32 @!p0 $0x1;
	_ =	shalt  }
.Lfunc_end2:
_tile_overlayer_lowered:
.L_overlay_start_2:
0x286: {  	(tag) =	ssettag $0x2  }
0x287: {  	s0 =	rddreg [dreg:$0x0];
	s2 =	stileid.u32  }
0x288: {  	s1 =	rddreg [dreg:$0x1];
	p0 =	sne.s32 s2, $0x0  }
0x289: {  	s3 =	rddreg [dreg:$0x2];
	[bflag:$0x3] =	sbarrier.arrive $0xFFFF;
	s2 =	simm.s32 @!p0 $0x1C03  }
0x28a: {  	[timem:s3], [sflag:s2] =	dma.local @!p0 [hbm:s0], s1  }
0x28b: {  	s0 =	simm.s32 @!p0 $0x3  }
0x28c: {  	_ =	swait.ge @!p0 [sflag:s0], s1  }
0x28d: {  	s1 =	ssub.s32 @!p0 $0x0, s1;
	[sflag:s0] =	ssyncset.done @!p0 $0x0  }
0x28e: {  	[sflag:s0] =	ssyncadd.s32 @!p0 s1  }
0x28f: {  	[bflag:$0x3] =	sbarrier.arrive $0xFFFF  }
0x290: {  	_ =	shalt  }

// kernel: kernel.7.cloned.1.call-start
scs
__scs_entry_jumppad:
0x0: {  	(pc) =	sbr.rel $0x88, $3  }
0x1: {  	(tag) =	ssettag $0x0;
	lr =	simm.s32 $0x1  }
0x2: {  	[smem:$0x3F9F] =	sst lr;
	_ =	strace $0xD0000000  }
0x3: {  	_ = 	snop  }
0x4: {  	_ = 	snop  }
0x5: {  	_ = 	snop  }
0x6: {  	_ = 	snop  }
0x7: {  	_ = 	snop  }
__scs_overlays_trampoline_lowered:
0x8: {  	[smem:$0x3FAE] =	sst s0  }
0x9: {  	[smem:$0x3FAF] =	sst s1  }
0xa: {  	[smem:$0x3FB0] =	sst s2  }
0xb: {  	[smem:$0x3FB1] =	sst s3  }
0xc: {  	[smem:$0x3FB2] =	sst s4  }
0xd: {  	[smem:$0x3FB3] =	sst s5  }
0xe: {  	[smem:$0x3FB4] =	sst s6  }
0xf: {  	[smem:$0x3FB5] =	sst s7  }
0x10: {  	[smem:$0x3FB6] =	sst s8  }
0x11: {  	[smem:$0x3FB7] =	sst s9;
	s0 =	simm.s32 @!p0 $0x0  }
0x12: {  	s1 =	sld [smem:$0x3F9D];
	s0 =	simm.s32 @p0 $0x1  }
0x13: {  	[smem:$0x3FB8] =	sst s0;
	s0 =	simm.s32 @!p1 $0x0  }
0x14: {  	s2 =	sld [smem:$0x3F9C];
	s0 =	simm.s32 @p1 $0x1  }
0x15: {  	[smem:$0x3FB9] =	sst s0;
	s0 =	simm.s32 @!p2 $0x0  }
0x16: {  	s3 =	sld [smem:$0x3FDB];
	s0 =	simm.s32 @p2 $0x1  }
0x17: {  	s4 =	simm.s32 $0x1BF5;
	[smem:$0x3FBB] =	sst s0  }
0x18: {  	s0 =	sld [smem:$0x3F9E];
	_ =	swait.ge [sflag:s4], $0x0  }
0x19: {  	s7 =	sld [smem:$0x3F9F]  }
0x1a: {  	s8 =	sadd.s32 $0xFFFFE003, lr  }
0x1b: {  	s9 =	sadd.s32 $0xFFFFFEF7, lr;
	s5 =	simm.s32 $0xFFFFFFFF;
	p2 =	slt.u32 s8, $0xFFFFF086  }
0x1c: {  	p1 =	slt.u32 s9, $0xF7A;
	s5 =	simm.s32 @!p2 $0x0  }
0x1d: {  	s5 =	simm.s32 @p1 $0x1;
	p0 =	seq.s32 s7, s2  }
0x1e: {  	s7 =	smul.u32 @!p0 $0xF7A, s2;
	p2 =	seq.s32 @!p0 s5, $0x0  }
0x1f: {  	s9 =	smul.u32 $0xF7A, s1;
	s8 =	simm.s32 @!p0 $0x1BF5;
	p2 =	por !p2, p0  }
0x20: {  	[sflag:s8] =	ssyncset.s32 @!p0 $0xFFFFF086;
	s6 =	sadd.s32 @!p0 s3, s7;
	s7 =	simm.s32 @!p0 $0x108  }
0x21: {  	s3 =	sadd.s32 s3, s9;
	s6 =	sadd.s32 @!p0 $0x88, s6;
	s7 =	simm.s32 @p2 $0x1082  }
0x22: {  	[simem:s7], [sflag:s8] =	dma.local @!p0 [hbm:s6], $0xF7A  }
0x23: {  	s9 =	sor.u32 $0xD0000000, s2;
	s6 =	simm.s32 $0x108;
	_ =	swait.ge @!p0 [sflag:s8], $0x0  }
0x24: {  	s3 =	sadd.s32 $0x88, s3;
	s6 =	simm.s32 @!p1 $0x1082;
	[sflag:s4] =	ssyncset.s32 $0xFFFFF086  }
0x25: {  	[simem:s6], [sflag:s4] =	dma.local [hbm:s3], $0xF7A  }
0x26: {  	[smem:$0x3F9F] =	sst s1;
	(tag) =	ssettag s2;
	_ =	strace s9  }
0x27: {  	s1 =	sld [smem:$0x3FAF]  }
0x28: {  	s2 =	sld [smem:$0x3FB0]  }
0x29: {  	s4 =	sld [smem:$0x3FB2]  }
0x2a: {  	p0 =	seq.s32 s5, $0x0;
	s5 =	sld [smem:$0x3FB3]  }
0x2b: {  	s6 =	sld [smem:$0x3FB4]  }
0x2c: {  	s7 =	sld [smem:$0x3FB5]  }
0x2d: {  	s3 =	simm.s32 $0x108;
	s8 =	sld [smem:$0x3FB6]  }
0x2e: {  	s3 =	simm.s32 @!p0 $0x1082;
	s9 =	sld [smem:$0x3FB7]  }
0x2f: {  	lr =	sadd.s32 s0, s3;
	s0 =	sld [smem:$0x3FAE]  }
0x30: {  	s3 =	sld [smem:$0x3FB1]  }
0x31: {  	[smem:$0x3FBA] =	sst s10  }
0x32: {  	s10 =	sld [smem:$0x3FB8];
	_ =	sdelay $0x3  }
0x33: {  	p0 =	seq.s32 s10, $0x1;
	s10 =	sld [smem:$0x3FBA];
	_ =	sdelay $0x3  }
0x34: {  	[smem:$0x3FBA] =	sst s10  }
0x35: {  	s10 =	sld [smem:$0x3FB9];
	_ =	sdelay $0x3  }
0x36: {  	p1 =	seq.s32 s10, $0x1;
	s10 =	sld [smem:$0x3FBA];
	_ =	sdelay $0x3  }
0x37: {  	[smem:$0x3FBA] =	sst s10  }
0x38: {  	s10 =	sld [smem:$0x3FBB]  }
0x39: {  	_ = 	snop;
	(pc) =	sbr.ind lr, $3  }
0x3a: {  	_ = 	snop  }
0x3b: {  	_ = 	snop  }
0x3c: {  	p2 =	seq.s32 s10, $0x1;
	s10 =	sld [smem:$0x3FBA]  }
0x3d: {  	_ =	shalt  }
0x3e: {  	_ =	shalt  }
0x3f: {  	_ =	shalt  }
0x40: {  	_ =	shalt  }
0x41: {  	_ =	shalt  }
0x42: {  	_ =	shalt  }
0x43: {  	_ =	shalt  }
0x44: {  	_ =	shalt  }
0x45: {  	_ =	shalt  }
0x46: {  	_ =	shalt  }
0x47: {  	_ =	shalt  }
0x48: {  	_ =	shalt  }
0x49: {  	_ =	shalt  }
0x4a: {  	_ =	shalt  }
0x4b: {  	_ =	shalt  }
0x4c: {  	_ =	shalt  }
0x4d: {  	_ =	shalt  }
0x4e: {  	_ =	shalt  }
0x4f: {  	_ =	shalt  }
0x50: {  	_ =	shalt  }
0x51: {  	_ =	shalt  }
0x52: {  	_ =	shalt  }
0x53: {  	_ =	shalt  }
0x54: {  	_ =	shalt  }
0x55: {  	_ =	shalt  }
0x56: {  	_ =	shalt  }
0x57: {  	_ =	shalt  }
0x58: {  	_ =	shalt  }
0x59: {  	_ =	shalt  }
0x5a: {  	_ =	shalt  }
0x5b: {  	_ =	shalt  }
0x5c: {  	_ =	shalt  }
0x5d: {  	_ =	shalt  }
0x5e: {  	_ =	shalt  }
0x5f: {  	_ =	shalt  }
0x60: {  	_ =	shalt  }
0x61: {  	_ =	shalt  }
0x62: {  	_ =	shalt  }
0x63: {  	_ =	shalt  }
0x64: {  	_ =	shalt  }
0x65: {  	_ =	shalt  }
0x66: {  	_ =	shalt  }
0x67: {  	_ =	shalt  }
0x68: {  	_ =	shalt  }
0x69: {  	_ =	shalt  }
0x6a: {  	_ =	shalt  }
0x6b: {  	_ =	shalt  }
0x6c: {  	_ =	shalt  }
0x6d: {  	_ =	shalt  }
0x6e: {  	_ =	shalt  }
0x6f: {  	_ =	shalt  }
0x70: {  	_ =	shalt  }
0x71: {  	_ =	shalt  }
0x72: {  	_ =	shalt  }
0x73: {  	_ =	shalt  }
0x74: {  	_ =	shalt  }
0x75: {  	_ =	shalt  }
0x76: {  	_ =	shalt  }
0x77: {  	_ =	shalt  }
0x78: {  	_ =	shalt  }
0x79: {  	_ =	shalt  }
0x7a: {  	_ =	shalt  }
0x7b: {  	_ =	shalt  }
0x7c: {  	_ =	shalt  }
0x7d: {  	_ =	shalt  }
0x7e: {  	_ =	shalt  }
0x7f: {  	_ =	shalt  }
0x80: {  	_ =	shalt  }
0x81: {  	_ =	shalt  }
0x82: {  	_ =	shalt  }
0x83: {  	_ =	shalt  }
0x84: {  	_ =	shalt  }
0x85: {  	_ =	shalt  }
0x86: {  	_ =	shalt  }
0x87: {  	_ =	shalt  }
.Lfunc_end0:
.L_simem_size_0:
called_computation.1_lowered:
.L_overlay_start_0:
0x88: {  	s2 =	sld [smem:$0x3FD9]  }
0x89: {  	s3 =	sld [smem:$0x3FFE];
	_ =	sdelay $0x1  }
0x8a: {  	s1 =	srdreg.scid  }
0x8b: {  	s0 =	sand.u32 $0x1, s1  }
0x8c: {  	s16 =	sshll.u32 s0, $0xA;
	s2 =	sadd.s32 s3, s2  }
0x8d: {  	s2 =	sadd.s32 s2, s16  }
0x8e: {  	[smem:$0x3FC6] =	sst s2  }
0x8f: {  	_ = 	snop  }
0x90: {  	(tm) =	ssettm $0x1  }
0x91: {  	s17 =	sld [smem:$0x3FFB];
	_ =	sdelay $0x3  }
0x92: {  	_ =	strace s17  }
0x93: {  	s2 =	sld [smem:$0x3FFC];
	_ =	sdelay $0x3  }
0x94: {  	_ =	strace s2  }
0x95: {  	s2 =	sld [smem:$0x3FFD];
	_ =	sdelay $0x3  }
0x96: {  	_ =	strace s2  }
0x97: {  	_ =	strace $0x8FFFFFFF  }
0x98: {  	s18 =	sld [smem:$0x3FDB];
	_ =	sdelay $0x1  }
0x99: {  	s19 =	simm.s32 $_scs_section_size  }
0x9a: {  	s4 =	simm.s32 $_size__tile_overlayer_lowered;
	s5 =	simm.s32 $_tile_overlayer_lowered  }
0x9b: {  	s22 =	simm.s32 $0x1BFF;
	s21 =	sshll.u32 s5, $0x1;
	s2 =	sadd.s32 s19, s18  }
0x9c: {  	s6 =	simm.s32 $0x0;
	s20 =	sshll.u32 s4, $0x1;
	s4 =	sadd.s32 s21, s2  }
0x9d: {  	[timem:s6], [sflag:s22] =	dma.local [hbm:s4], s20  }
0x9e: {  	_ =	swait.ge [sflag:s22], s20  }
0x9f: {  	s3 =	ssub.s32 $0x0, s20;
	[sflag:s22] =	ssyncset.done $0x0  }
0xa0: {  	[sflag:s22] =	ssyncadd.s32 s3;
	_ =	sdelay $0x1  }
0xa1: {  	s23 =	simm.s32 $0x1B8B  }
0xa2: {  	_ =	swait.ge [sflag:s23], $0x1  }
0xa3: {  	[sflag:s23] =	ssyncset.done $0x0  }
0xa4: {  	s25 =	simm.s32 $0x1B8E;
	s24 =	sld [smem:$0x3FFE];
	[sflag:s23] =	ssyncadd.s32 $0xFFFFFFFF  }
0xa5: {  	s26 =	simm.s32 $execute0_lowered;
	[smem:$0x3FD2] =	sst s25  }
0xa6: {  	s4 =	sshll.u32 s26, $0x1;
	_ =	strace $0x80000049;
	[dreg:$0x1] =	wrdreg $0xFFFFFFFF  }
0xa7: {  	s28 =	simm.s32 $_size_execute0_lowered;
	s2 =	sadd.s32 s2, s4;
	[dreg:$0x0] =	wrdreg $0x0  }
0xa8: {  	s4 =	sshll.u32 s28, $0x1;
	[dreg:$0x2] =	wrdreg s2  }
0xa9: {  	[dreg:$0x3] =	wrdreg s4  }
0xaa: {  	[dreg:$0x4] =	wrdreg $0xC0  }
0xab: {  	_ =	task [dreg:s6], $0x5FFFF  }
0xac: {  	[dreg:$0x1] =	wrdreg $0xFFFFFFFF  }
0xad: {  	[dreg:$0x0] =	wrdreg $0x60  }
0xae: {  	[dreg:$0x2] =	wrdreg s24  }
0xaf: {  	[dreg:$0x3] =	wrdreg $0x9  }
0xb0: {  	_ =	task.clear_ibuf [dreg:s6], $0x4FFFF;
	_ =	strace $0x90000049  }
0xb1: {  	s29 =	simm.s32 $0x9;
	_ =	strace $0x8000004B  }
0xb2: {  	_ =	swait.ge [sflag:s29], $0x1  }
0xb3: {  	[sflag:s29] =	ssyncadd.s32 $0xFFFFFFFF  }
0xb4: {  	_ =	strace $0x9000004B  }
0xb5: {  	_ =	sfence  }
0xb6: {  	s30 =	sld [smem:$0x0];
	_ =	sdelay $0x2  }
0xb7: {  	s31 =	sshll.u32 s1, $0xD;
	s1 =	sshrl.u32 s1, $0x2  }
0xb8: {  	s3 =	sand.u32 $0x4000, s31;
	s1 =	sadd.s32 s1, s30  }
0xb9: {  	s0 =	sor.u32 s3, s0;
	s1 =	sshll.u32 s1, $0x11  }
0xba: {  	s0 =	sor.u32 s1, s0  }
0xbb: {  	s0 =	sadd.s32 $0x8F2B, s0  }
0xbc: {  	[sflag:s0] =	ssyncadd.remote.s32 $0x1  }
0xbd: {  	_ =	sfence.sel $0xFFFF  }
0xbe: {  	[dreg:$0x0] =	wrdreg $0xFFFFFFFF;
	(pc) =	sbr.abs _section_cstart, $3  }
0xbf: {  	[dreg:$0x1] =	wrdreg $0xFFFFFFFF  }
0xc0: {  	_ =	task.clear_ibuf [dreg:s6], $0x2FFFF;
	_ =	strace $0x9FFFFFFF  }
0xc1: {  	(tm) =	ssettm $0x7FFFFFFF  }
tec
execute0_lowered:
.L_overlay_start_1:
0x0: {  	(tag) =	ssettag $0x1  }
0x1: {  	s0 =	srdreg.scid  }
0x2: {  	s3 =	sand.u32 $0x1, s0  }
0x3: {  	s0 =	stileid.u32;
	s1 =	sshll.u32 s3, $0x4  }
0x4: {  	s4 =	rddreg [dreg:$0x0];
	s2 =	simm.s32 $0x0;
	s1 =	sor.u32 s0, s1  }
0x5: {  	s7 =	simm.s32 $0x1;
	s3 =	ssub.s32 $0x2, s3;
	s5 =	smul.u32 $0xC40, s1  }
0x6: {  	s8 =	simm.s32 $0xC80;
	[smem:$0x7FF] =	sst s2;
	s6 =	sshrl.u32 s3, $0x1  }
0x7: {  	s1 =	rddreg [dreg:$0x1];
	s6 =	ssub.s32 s3, s6;
	s5 =	sshrl.u32 s5, $0x3  }
0x8: {  	_ =	strace $0x8000004A;
	s6 =	smax.u32 s6, $0x1;
	s5 =	sadd.s32 s5, s4  }
0x9: {  	s3 =	sadd.s32 $0x800, s5;
	s4 =	sadd.s32 $0x3900, s5;
	s5 =	sadd.s32 $0x6A00, s5  }
.LBB2_1:
0xa: {  	[tilespmem:s2], [sflag:$0x1] =	stream.linear.gather [hbm4b:s3+s2], $0xC40, $0x38;
	[tilespmem:$0x1900] =	vst v63  }
0xb: {  	_ =	swait.ge [sflag:s7], $0xC40  }
0xc: {  	[sflag:s7] =	ssyncset.done $0x0  }
0xd: {  	[sflag:s7] =	ssyncadd.s32 $0xFFFFF3C0  }
0xe: {  	[tilespmem:s8], [sflag:$0x1] =	stream.linear.gather [hbm4b:s4+s2], $0xC40, $0x38;
	[tilespmem:$0x1900] =	vst v63  }
0xf: {  	_ =	swait.ge [sflag:s7], $0xC40  }
0x10: {  	[sflag:s7] =	ssyncset.done $0x0  }
0x11: {  	[sflag:s7] =	ssyncadd.s32 $0xFFFFF3C0  }
0x12: {  	v20 =	vld [tilespmem:$0xA0]  }
0x13: {  	v21 =	vld [tilespmem:$0xD20];
	_ =	sdelay $0x1  }
0x14: {  	v8 =	vld [tilespmem:$0x40]  }
0x15: {  	v9 =	vld [tilespmem:$0xCC0]  }
0x16: {  	v63 =	vld [tilespmem:$0x160]  }
0x17: {  	v20 =	vadd.f32 v21, v20;
	v21 =	vld [tilespmem:$0xDE0];
	_ =	sdelay $0x2  }
0x18: {  	v52 =	vadd.f32 v9, v8;
	_ =	sdelay $0x1  }
0x19: {  	[tilespmem:$0x40] =	vst v52;
	v52 =	vadd.f32 v21, v63;
	v63 =	vld [tilespmem:$0x3E0];
	_ =	sdelay $0x4  }
0x1a: {  	[tilespmem:$0x1F6C0] =	vst v63;
	v63 =	vld [tilespmem:$0x1060];
	_ =	sdelay $0x4  }
0x1b: {  	[tilespmem:$0x1F6D0] =	vst v63;
	v63 =	vld [tilespmem:$0x3F0];
	_ =	sdelay $0x4  }
0x1c: {  	[tilespmem:$0x1F6E0] =	vst v63;
	v63 =	vld [tilespmem:$0x1070];
	_ =	sdelay $0x4  }
0x1d: {  	[tilespmem:$0x1F6F0] =	vst v63;
	v63 =	vld [tilespmem:$0x400];
	_ =	sdelay $0x4  }
0x1e: {  	[tilespmem:$0x1F700] =	vst v63;
	v63 =	vld [tilespmem:$0x1080];
	_ =	sdelay $0x4  }
0x1f: {  	[tilespmem:$0x1F710] =	vst v63;
	v63 =	vld [tilespmem:$0x410];
	_ =	sdelay $0x4  }
0x20: {  	[tilespmem:$0x1F720] =	vst v63;
	v63 =	vld [tilespmem:$0x1090];
	_ =	sdelay $0x4  }
0x21: {  	[tilespmem:$0x1F730] =	vst v63;
	v63 =	vld [tilespmem:$0x420];
	_ =	sdelay $0x4  }
0x22: {  	[tilespmem:$0x1F740] =	vst v63;
	v63 =	vld [tilespmem:$0x10A0];
	_ =	sdelay $0x4  }
0x23: {  	[tilespmem:$0x1F750] =	vst v63;
	v63 =	vld [tilespmem:$0x430];
	_ =	sdelay $0x4  }
0x24: {  	[tilespmem:$0x1F760] =	vst v63;
	v63 =	vld [tilespmem:$0x10B0];
	_ =	sdelay $0x4  }
0x25: {  	[tilespmem:$0x1F770] =	vst v63;
	v63 =	vld [tilespmem:$0x440];
	_ =	sdelay $0x4  }
0x26: {  	[tilespmem:$0x1F780] =	vst v63;
	v63 =	vld [tilespmem:$0x10C0];
	_ =	sdelay $0x4  }
0x27: {  	[tilespmem:$0x1F790] =	vst v63;
	v63 =	vld [tilespmem:$0x450];
	_ =	sdelay $0x4  }
0x28: {  	[tilespmem:$0x1F7A0] =	vst v63;
	v63 =	vld [tilespmem:$0x10D0];
	_ =	sdelay $0x4  }
0x29: {  	[tilespmem:$0x1F7B0] =	vst v63;
	v63 =	vld [tilespmem:$0x460];
	_ =	sdelay $0x4  }
0x2a: {  	[tilespmem:$0x1F7C0] =	vst v63;
	v63 =	vld [tilespmem:$0x10E0];
	_ =	sdelay $0x4  }
0x2b: {  	[tilespmem:$0x1F7D0] =	vst v63;
	v63 =	vld [tilespmem:$0x470];
	_ =	sdelay $0x4  }
0x2c: {  	[tilespmem:$0x1F7E0] =	vst v63;
	v63 =	vld [tilespmem:$0x10F0];
	_ =	sdelay $0x4  }
0x2d: {  	[tilespmem:$0x1F7F0] =	vst v63;
	v63 =	vld [tilespmem:$0x480];
	_ =	sdelay $0x4  }
0x2e: {  	[tilespmem:$0x1F800] =	vst v63;
	v63 =	vld [tilespmem:$0x1100];
	_ =	sdelay $0x4  }
0x2f: {  	[tilespmem:$0x1F810] =	vst v63;
	v63 =	vld [tilespmem:$0x490];
	_ =	sdelay $0x4  }
0x30: {  	[tilespmem:$0x1F820] =	vst v63;
	v63 =	vld [tilespmem:$0x1110];
	_ =	sdelay $0x4  }
0x31: {  	[tilespmem:$0x1F830] =	vst v63;
	v63 =	vld [tilespmem:$0x4A0];
	_ =	sdelay $0x4  }
0x32: {  	[tilespmem:$0x1F840] =	vst v63;
	v63 =	vld [tilespmem:$0x1120];
	_ =	sdelay $0x4  }
0x33: {  	[tilespmem:$0x1F850] =	vst v63;
	v63 =	vld [tilespmem:$0x4B0];
	_ =	sdelay $0x4  }
0x34: {  	[tilespmem:$0x1F860] =	vst v63;
	v63 =	vld [tilespmem:$0x1130];
	_ =	sdelay $0x4  }
0x35: {  	[tilespmem:$0x1F870] =	vst v63;
	v63 =	vld [tilespmem:$0x4C0];
	_ =	sdelay $0x4  }
0x36: {  	[tilespmem:$0x1F880] =	vst v63;
	v63 =	vld [tilespmem:$0x1140];
	_ =	sdelay $0x4  }
0x37: {  	[tilespmem:$0x1F890] =	vst v63;
	v63 =	vld [tilespmem:$0x4D0];
	_ =	sdelay $0x4  }
0x38: {  	[tilespmem:$0x1F8A0] =	vst v63;
	v63 =	vld [tilespmem:$0x1150];
	_ =	sdelay $0x4  }
0x39: {  	[tilespmem:$0x1F8B0] =	vst v63;
	v63 =	vld [tilespmem:$0x4E0];
	_ =	sdelay $0x4  }
0x3a: {  	[tilespmem:$0x1F8C0] =	vst v63;
	v63 =	vld [tilespmem:$0x1160];
	_ =	sdelay $0x4  }
0x3b: {  	[tilespmem:$0x1F8D0] =	vst v63;
	v63 =	vld [tilespmem:$0x4F0];
	_ =	sdelay $0x4  }
0x3c: {  	[tilespmem:$0x1F8E0] =	vst v63;
	v63 =	vld [tilespmem:$0x1170];
	_ =	sdelay $0x4  }
0x3d: {  	[tilespmem:$0x1F8F0] =	vst v63;
	v63 =	vld [tilespmem:$0x500];
	_ =	sdelay $0x4  }
0x3e: {  	[tilespmem:$0x1F900] =	vst v63;
	v63 =	vld [tilespmem:$0x1180];
	_ =	sdelay $0x4  }
0x3f: {  	[tilespmem:$0x1F910] =	vst v63;
	v63 =	vld [tilespmem:$0x510];
	_ =	sdelay $0x4  }
0x40: {  	[tilespmem:$0x1F920] =	vst v63;
	v63 =	vld [tilespmem:$0x1190];
	_ =	sdelay $0x4  }
0x41: {  	[tilespmem:$0x1F930] =	vst v63;
	v63 =	vld [tilespmem:$0x520];
	_ =	sdelay $0x4  }
0x42: {  	[tilespmem:$0x1F940] =	vst v63;
	v63 =	vld [tilespmem:$0x11A0];
	_ =	sdelay $0x4  }
0x43: {  	[tilespmem:$0x1F950] =	vst v63;
	v63 =	vld [tilespmem:$0x530];
	_ =	sdelay $0x4  }
0x44: {  	[tilespmem:$0x1F960] =	vst v63;
	v63 =	vld [tilespmem:$0x11B0];
	_ =	sdelay $0x4  }
0x45: {  	[tilespmem:$0x1F970] =	vst v63;
	v63 =	vld [tilespmem:$0x540];
	_ =	sdelay $0x4  }
0x46: {  	[tilespmem:$0x1F980] =	vst v63;
	v63 =	vld [tilespmem:$0x11C0];
	_ =	sdelay $0x4  }
0x47: {  	[tilespmem:$0x1F990] =	vst v63;
	v63 =	vld [tilespmem:$0x550];
	_ =	sdelay $0x4  }
0x48: {  	[tilespmem:$0x1F9A0] =	vst v63;
	v63 =	vld [tilespmem:$0x11D0];
	_ =	sdelay $0x4  }
0x49: {  	[tilespmem:$0x1F9B0] =	vst v63;
	v63 =	vld [tilespmem:$0x560];
	_ =	sdelay $0x4  }
0x4a: {  	[tilespmem:$0x1F9C0] =	vst v63;
	v63 =	vld [tilespmem:$0x11E0];
	_ =	sdelay $0x4  }
0x4b: {  	[tilespmem:$0x1F9D0] =	vst v63;
	v63 =	vld [tilespmem:$0x570];
	_ =	sdelay $0x4  }
0x4c: {  	[tilespmem:$0x1F9E0] =	vst v63;
	v63 =	vld [tilespmem:$0x11F0];
	_ =	sdelay $0x4  }
0x4d: {  	[tilespmem:$0x1F9F0] =	vst v63;
	v63 =	vld [tilespmem:$0x580];
	_ =	sdelay $0x4  }
0x4e: {  	[tilespmem:$0x1FA00] =	vst v63;
	v63 =	vld [tilespmem:$0x1200];
	_ =	sdelay $0x4  }
0x4f: {  	[tilespmem:$0x1FA10] =	vst v63;
	v63 =	vld [tilespmem:$0x590];
	_ =	sdelay $0x4  }
0x50: {  	[tilespmem:$0x1FA20] =	vst v63;
	v63 =	vld [tilespmem:$0x1210];
	_ =	sdelay $0x4  }
0x51: {  	[tilespmem:$0x1FA30] =	vst v63;
	v63 =	vld [tilespmem:$0x5A0];
	_ =	sdelay $0x4  }
0x52: {  	[tilespmem:$0x1FA40] =	vst v63;
	v63 =	vld [tilespmem:$0x1220];
	_ =	sdelay $0x4  }
0x53: {  	[tilespmem:$0x1FA50] =	vst v63;
	v63 =	vld [tilespmem:$0x5B0];
	_ =	sdelay $0x4  }
0x54: {  	[tilespmem:$0x1FA60] =	vst v63;
	v63 =	vld [tilespmem:$0x1230];
	_ =	sdelay $0x4  }
0x55: {  	[tilespmem:$0x1FA70] =	vst v63;
	v63 =	vld [tilespmem:$0x5C0];
	_ =	sdelay $0x4  }
0x56: {  	[tilespmem:$0x1FA80] =	vst v63;
	v63 =	vld [tilespmem:$0x1240];
	_ =	sdelay $0x4  }
0x57: {  	[tilespmem:$0x1FA90] =	vst v63;
	v63 =	vld [tilespmem:$0x5D0];
	_ =	sdelay $0x4  }
0x58: {  	[tilespmem:$0x1FAA0] =	vst v63;
	v63 =	vld [tilespmem:$0x1250];
	_ =	sdelay $0x4  }
0x59: {  	[tilespmem:$0x1FAB0] =	vst v63;
	v63 =	vld [tilespmem:$0x5E0];
	_ =	sdelay $0x4  }
0x5a: {  	[tilespmem:$0x1FAC0] =	vst v63;
	v63 =	vld [tilespmem:$0x1260];
	_ =	sdelay $0x4  }
0x5b: {  	[tilespmem:$0x1FAD0] =	vst v63;
	v63 =	vld [tilespmem:$0x5F0];
	_ =	sdelay $0x4  }
0x5c: {  	[tilespmem:$0x1FAE0] =	vst v63;
	v63 =	vld [tilespmem:$0x1270];
	_ =	sdelay $0x4  }
0x5d: {  	[tilespmem:$0x1FAF0] =	vst v63;
	v63 =	vld [tilespmem:$0x600];
	_ =	sdelay $0x4  }
0x5e: {  	[tilespmem:$0x1FB00] =	vst v63;
	v63 =	vld [tilespmem:$0x1280];
	_ =	sdelay $0x4  }
0x5f: {  	[tilespmem:$0x1FB10] =	vst v63;
	v63 =	vld [tilespmem:$0x610];
	_ =	sdelay $0x4  }
0x60: {  	[tilespmem:$0x1FB20] =	vst v63;
	v63 =	vld [tilespmem:$0x1290];
	_ =	sdelay $0x4  }
0x61: {  	[tilespmem:$0x1FB30] =	vst v63;
	v63 =	vld [tilespmem:$0x620];
	_ =	sdelay $0x4  }
0x62: {  	[tilespmem:$0x1FB40] =	vst v63;
	v63 =	vld [tilespmem:$0x12A0];
	_ =	sdelay $0x4  }
0x63: {  	[tilespmem:$0x1FB50] =	vst v63;
	v63 =	vld [tilespmem:$0x630];
	_ =	sdelay $0x4  }
0x64: {  	[tilespmem:$0x1FB60] =	vst v63;
	v63 =	vld [tilespmem:$0x12B0];
	_ =	sdelay $0x4  }
0x65: {  	[tilespmem:$0x1FB70] =	vst v63;
	v63 =	vld [tilespmem:$0x640];
	_ =	sdelay $0x4  }
0x66: {  	[tilespmem:$0x1FB80] =	vst v63;
	v63 =	vld [tilespmem:$0x12C0];
	_ =	sdelay $0x4  }
0x67: {  	[tilespmem:$0x1FB90] =	vst v63;
	v63 =	vld [tilespmem:$0x650];
	_ =	sdelay $0x4  }
0x68: {  	[tilespmem:$0x1FBA0] =	vst v63;
	v63 =	vld [tilespmem:$0x12D0];
	_ =	sdelay $0x4  }
0x69: {  	[tilespmem:$0x1FBB0] =	vst v63;
	v63 =	vld [tilespmem:$0x660];
	_ =	sdelay $0x1  }
0x6a: {  	v0 =	vld [tilespmem:$0x0]  }
0x6b: {  	v1 =	vld [tilespmem:$0xC80]  }
0x6c: {  	v2 =	vld [tilespmem:$0x10]  }
0x6d: {  	[tilespmem:$0x1FBC0] =	vst v63;
	v63 =	vld [tilespmem:$0x12E0]  }
0x6e: {  	v3 =	vld [tilespmem:$0xC90]  }
0x6f: {  	v4 =	vld [tilespmem:$0x20]  }
0x70: {  	v5 =	vld [tilespmem:$0xCA0]  }
0x71: {  	v6 =	vld [tilespmem:$0x30]  }
0x72: {  	[tilespmem:$0x1FBD0] =	vst v63;
	v63 =	vld [tilespmem:$0x670]  }
0x73: {  	v7 =	vld [tilespmem:$0xCB0]  }
0x74: {  	v10 =	vld [tilespmem:$0x50]  }
0x75: {  	v11 =	vld [tilespmem:$0xCD0]  }
0x76: {  	v12 =	vld [tilespmem:$0x60]  }
0x77: {  	[tilespmem:$0x1FBE0] =	vst v63;
	v63 =	vld [tilespmem:$0x12F0]  }
0x78: {  	v13 =	vld [tilespmem:$0xCE0]  }
0x79: {  	v14 =	vld [tilespmem:$0x70]  }
0x7a: {  	v15 =	vld [tilespmem:$0xCF0]  }
0x7b: {  	v16 =	vld [tilespmem:$0x80]  }
0x7c: {  	[tilespmem:$0x1FBF0] =	vst v63;
	v63 =	vld [tilespmem:$0x680]  }
0x7d: {  	v17 =	vld [tilespmem:$0xD00]  }
0x7e: {  	v18 =	vld [tilespmem:$0x90]  }
0x7f: {  	v19 =	vld [tilespmem:$0xD10]  }
0x80: {  	v22 =	vld [tilespmem:$0xB0]  }
0x81: {  	[tilespmem:$0x1FC00] =	vst v63;
	v63 =	vld [tilespmem:$0x1300]  }
0x82: {  	v23 =	vld [tilespmem:$0xD30]  }
0x83: {  	v24 =	vld [tilespmem:$0xC0]  }
0x84: {  	v25 =	vld [tilespmem:$0xD40]  }
0x85: {  	v26 =	vld [tilespmem:$0xD0]  }
0x86: {  	[tilespmem:$0x1FC10] =	vst v63;
	v63 =	vld [tilespmem:$0x690]  }
0x87: {  	v27 =	vld [tilespmem:$0xD50]  }
0x88: {  	v28 =	vld [tilespmem:$0xE0]  }
0x89: {  	v29 =	vld [tilespmem:$0xD60]  }
0x8a: {  	v30 =	vld [tilespmem:$0xF0]  }
0x8b: {  	[tilespmem:$0x1FC20] =	vst v63;
	v63 =	vld [tilespmem:$0x1310]  }
0x8c: {  	v31 =	vld [tilespmem:$0xD70]  }
0x8d: {  	v32 =	vld [tilespmem:$0x100]  }
0x8e: {  	v33 =	vld [tilespmem:$0xD80]  }
0x8f: {  	v34 =	vld [tilespmem:$0x110]  }
0x90: {  	[tilespmem:$0x1FC30] =	vst v63;
	v63 =	vld [tilespmem:$0x6A0]  }
0x91: {  	v46 =	vld [tilespmem:$0xD90]  }
0x92: {  	v47 =	vld [tilespmem:$0x120]  }
0x93: {  	v49 =	vld [tilespmem:$0xDA0]  }
0x94: {  	v51 =	vld [tilespmem:$0x130]  }
0x95: {  	[tilespmem:$0x1FC40] =	vst v63;
	v63 =	vld [tilespmem:$0x1320]  }
0x96: {  	v53 =	vld [tilespmem:$0xDB0]  }
0x97: {  	v55 =	vld [tilespmem:$0x140]  }
0x98: {  	v57 =	vld [tilespmem:$0xDC0]  }
0x99: {  	v59 =	vld [tilespmem:$0x150]  }
0x9a: {  	[tilespmem:$0x1FC50] =	vst v63;
	v63 =	vld [tilespmem:$0x6B0]  }
0x9b: {  	v61 =	vld [tilespmem:$0xDD0]  }
0x9c: {  	v36 =	vld [tilespmem:$0x180]  }
0x9d: {  	v38 =	vld [tilespmem:$0xE00]  }
0x9e: {  	v40 =	vld [tilespmem:$0x190]  }
0x9f: {  	[tilespmem:$0x1FC60] =	vst v63;
	v63 =	vld [tilespmem:$0x1330]  }
0xa0: {  	v42 =	vld [tilespmem:$0xE10]  }
0xa1: {  	v43 =	vld [tilespmem:$0x1A0]  }
0xa2: {  	v45 =	vld [tilespmem:$0xE20]  }
0xa3: {  	v22 =	vadd.f32 v23, v22;
	v23 =	vld [tilespmem:$0x170]  }
0xa4: {  	[tilespmem:$0x1FC70] =	vst v63;
	v63 =	vld [tilespmem:$0x6C0]  }
0xa5: {  	v24 =	vadd.f32 v25, v24;
	v25 =	vld [tilespmem:$0xDF0]  }
0xa6: {  	v44 =	vadd.f32 v49, v47;
	v47 =	vld [tilespmem:$0x1B0]  }
0xa7: {  	v0 =	vadd.f32 v1, v0;
	v49 =	vld [tilespmem:$0xE30]  }
0xa8: {  	v1 =	vadd.f32 v46, v34;
	v46 =	vadd.f32 v53, v51;
	v51 =	vld [tilespmem:$0x1C0]  }
0xa9: {  	[tilespmem:$0x1FC80] =	vst v63;
	v63 =	vld [tilespmem:$0x1340]  }
0xaa: {  	v53 =	vld [tilespmem:$0xE40]  }
0xab: {  	v2 =	vadd.f32 v3, v2;
	v3 =	vld [tilespmem:$0x1E0]  }
0xac: {  	v48 =	vadd.f32 v5, v4;
	v4 =	vld [tilespmem:$0x1F0]  }
0xad: {  	v50 =	vadd.f32 v7, v6;
	v6 =	vld [tilespmem:$0x200]  }
0xae: {  	[tilespmem:$0x1FC90] =	vst v63;
	v63 =	vld [tilespmem:$0x6D0]  }
0xaf: {  	v8 =	vld [tilespmem:$0x210]  }
0xb0: {  	v5 =	vld [tilespmem:$0xE90]  }
0xb1: {  	v54 =	vadd.f32 v11, v10;
	v10 =	vld [tilespmem:$0x220]  }
0xb2: {  	v7 =	vld [tilespmem:$0xEA0]  }
0xb3: {  	[tilespmem:$0x1FCA0] =	vst v63;
	v63 =	vld [tilespmem:$0x1350]  }
0xb4: {  	v56 =	vadd.f32 v13, v12;
	v12 =	vld [tilespmem:$0x230]  }
0xb5: {  	v9 =	vld [tilespmem:$0xEB0]  }
0xb6: {  	v58 =	vadd.f32 v15, v14;
	v14 =	vld [tilespmem:$0x240]  }
0xb7: {  	v11 =	vld [tilespmem:$0xEC0]  }
0xb8: {  	[tilespmem:$0x1FCB0] =	vst v63;
	v63 =	vld [tilespmem:$0x6E0]  }
0xb9: {  	v60 =	vadd.f32 v17, v16;
	v16 =	vld [tilespmem:$0x250]  }
0xba: {  	v13 =	vld [tilespmem:$0xED0]  }
0xbb: {  	v62 =	vadd.f32 v19, v18;
	v18 =	vld [tilespmem:$0x260]  }
0xbc: {  	v15 =	vld [tilespmem:$0xEE0]  }
0xbd: {  	[tilespmem:$0x1FCC0] =	vst v63;
	v63 =	vld [tilespmem:$0x1360]  }
0xbe: {  	v17 =	vld [tilespmem:$0xEF0]  }
0xbf: {  	v19 =	vld [tilespmem:$0xF00]  }
0xc0: {  	v35 =	vadd.f32 v27, v26;
	v26 =	vld [tilespmem:$0x2A0]  }
0xc1: {  	v37 =	vadd.f32 v29, v28;
	v28 =	vld [tilespmem:$0x2B0]  }
0xc2: {  	[tilespmem:$0x1FCD0] =	vst v63;
	v63 =	vld [tilespmem:$0x6F0]  }
0xc3: {  	v39 =	vadd.f32 v31, v30;
	v30 =	vld [tilespmem:$0x2C0]  }
0xc4: {  	v27 =	vld [tilespmem:$0xF40]  }
0xc5: {  	v41 =	vadd.f32 v33, v32;
	v32 =	vld [tilespmem:$0x2D0]  }
0xc6: {  	v29 =	vld [tilespmem:$0xF50]  }
0xc7: {  	[tilespmem:$0x1FCE0] =	vst v63;
	v63 =	vld [tilespmem:$0x1370]  }
0xc8: {  	v34 =	vld [tilespmem:$0x2E0]  }
0xc9: {  	v31 =	vld [tilespmem:$0xF60]  }
0xca: {  	v33 =	vld [tilespmem:$0xF70]  }
0xcb: {  	[tilespmem:$0x20] =	vst v48;
	v48 =	vadd.f32 v57, v55;
	v55 =	vld [tilespmem:$0x1D0]  }
0xcc: {  	[tilespmem:$0x1FCF0] =	vst v63;
	v63 =	vld [tilespmem:$0x700]  }
0xcd: {  	v57 =	vld [tilespmem:$0xE50]  }
0xce: {  	[tilespmem:$0x0] =	vst v0;
	v0 =	vld [tilespmem:$0xE60]  }
0xcf: {  	[tilespmem:$0x110] =	vst v1;
	v1 =	vld [tilespmem:$0xE70]  }
0xd0: {  	[tilespmem:$0x10] =	vst v2;
	v2 =	vld [tilespmem:$0xE80]  }
0xd1: {  	[tilespmem:$0x1FD00] =	vst v63;
	v63 =	vld [tilespmem:$0x1380]  }
0xd2: {  	[tilespmem:$0xA0] =	vst v20;
	v20 =	vld [tilespmem:$0x270]  }
0xd3: {  	[tilespmem:$0xB0] =	vst v22;
	v22 =	vld [tilespmem:$0x280]  }
0xd4: {  	[tilespmem:$0xC0] =	vst v24;
	v24 =	vld [tilespmem:$0x290]  }
0xd5: {  	[tilespmem:$0x60] =	vst v56;
	v56 =	vadd.f32 v38, v36;
	v36 =	vld [tilespmem:$0x2F0]  }
0xd6: {  	[tilespmem:$0x1FD10] =	vst v63;
	v63 =	vld [tilespmem:$0x710]  }
0xd7: {  	v38 =	vld [tilespmem:$0x300]  }
0xd8: {  	[tilespmem:$0xD0] =	vst v35;
	v35 =	vld [tilespmem:$0xF80]  }
0xd9: {  	[tilespmem:$0x70] =	vst v58;
	v58 =	vadd.f32 v42, v40;
	v40 =	vld [tilespmem:$0x310]  }
0xda: {  	[tilespmem:$0xE0] =	vst v37;
	v37 =	vld [tilespmem:$0xF90]  }
0xdb: {  	[tilespmem:$0x1FD20] =	vst v63;
	v63 =	vld [tilespmem:$0x1390]  }
0xdc: {  	v42 =	vld [tilespmem:$0x320]  }
0xdd: {  	[tilespmem:$0xF0] =	vst v39;
	v39 =	vld [tilespmem:$0xFA0]  }
0xde: {  	[tilespmem:$0x120] =	vst v44;
	v44 =	vld [tilespmem:$0x330]  }
0xdf: {  	[tilespmem:$0x100] =	vst v41;
	v41 =	vld [tilespmem:$0xFB0]  }
0xe0: {  	[tilespmem:$0x1FD30] =	vst v63;
	v63 =	vld [tilespmem:$0x720]  }
0xe1: {  	[tilespmem:$0x30] =	vst v50;
	v50 =	vadd.f32 v61, v59;
	v59 =	vadd.f32 v45, v43;
	v43 =	vld [tilespmem:$0xFC0]  }
0xe2: {  	v45 =	vld [tilespmem:$0xFD0]  }
0xe3: {  	[tilespmem:$0x130] =	vst v46;
	v46 =	vld [tilespmem:$0xFE0]  }
0xe4: {  	[tilespmem:$0x190] =	vst v58;
	v58 =	vld [tilespmem:$0x340]  }
0xe5: {  	[tilespmem:$0x1FD40] =	vst v63;
	v63 =	vld [tilespmem:$0x13A0]  }
0xe6: {  	[tilespmem:$0x140] =	vst v48;
	v48 =	vld [tilespmem:$0x360]  }
0xe7: {  	[tilespmem:$0x150] =	vst v50;
	v50 =	vld [tilespmem:$0x1000]  }
0xe8: {  	[tilespmem:$0x1A0] =	vst v59;
	v59 =	vld [tilespmem:$0x3B0]  }
0xe9: {  	[tilespmem:$0x180] =	vst v56;
	v56 =	vld [tilespmem:$0x1030]  }
0xea: {  	[tilespmem:$0x1FD50] =	vst v63;
	v63 =	vld [tilespmem:$0x730]  }
0xeb: {  	[tilespmem:$0x50] =	vst v54;
	v21 =	vld [tilespmem:$0xF10]  }
0xec: {  	[tilespmem:$0x80] =	vst v60;
	v54 =	vadd.f32 v25, v23;
	v23 =	vld [tilespmem:$0xF20]  }
0xed: {  	[tilespmem:$0x90] =	vst v62;
	v25 =	vld [tilespmem:$0xF30]  }
0xee: {  	v60 =	vadd.f32 v49, v47;
	v49 =	vld [tilespmem:$0x370];
	[tilespmem:$0x160] =	vst v52  }
0xef: {  	[tilespmem:$0x1FD60] =	vst v63;
	v63 =	vld [tilespmem:$0x13B0]  }
0xf0: {  	v61 =	vadd.f32 v53, v51;
	v47 =	vld [tilespmem:$0xFF0];
	[tilespmem:$0x170] =	vst v54  }
0xf1: {  	v51 =	vld [tilespmem:$0x1010];
	[tilespmem:$0x1B0] =	vst v60;
	v1 =	vadd.f32 v1, v4  }
0xf2: {  	v53 =	vld [tilespmem:$0x1020];
	[tilespmem:$0x1C0] =	vst v61  }
0xf3: {  	v62 =	vadd.f32 v57, v55;
	[tilespmem:$0x1F0] =	vst v1;
	v1 =	vadd.f32 v5, v8;
	v8 =	vld [tilespmem:$0x750]  }
0xf4: {  	v0 =	vadd.f32 v0, v3;
	[tilespmem:$0x1FD70] =	vst v63;
	v63 =	vld [tilespmem:$0x740]  }
0xf5: {  	v55 =	vld [tilespmem:$0x350];
	[tilespmem:$0x1D0] =	vst v62  }
0xf6: {  	v52 =	vld [tilespmem:$0x380];
	[tilespmem:$0x1E0] =	vst v0  }
0xf7: {  	v61 =	vld [tilespmem:$0x3D0];
	v5 =	vadd.f32 v9, v12;
	[tilespmem:$0x210] =	vst v1  }
0xf8: {  	v9 =	vadd.f32 v11, v14;
	v11 =	vadd.f32 v13, v16;
	v16 =	vld [tilespmem:$0x770];
	[tilespmem:$0x1FD90] =	vst v8  }
0xf9: {  	v8 =	vld [tilespmem:$0x760];
	[tilespmem:$0x1FD80] =	vst v63;
	v63 =	vadd.f32 v2, v6  }
0xfa: {  	v54 =	vld [tilespmem:$0x390];
	[tilespmem:$0x230] =	vst v5  }
0xfb: {  	[tilespmem:$0x200] =	vst v63;
	v63 =	vadd.f32 v7, v10;
	v10 =	vld [tilespmem:$0x13E0]  }
0xfc: {  	v57 =	vld [tilespmem:$0x3A0];
	[tilespmem:$0x1F6B0] =	vst v61  }
0xfd: {  	v60 =	vld [tilespmem:$0x1040];
	[tilespmem:$0x1FDC0] =	vst v16  }
0xfe: {  	v62 =	vld [tilespmem:$0x3C0];
	[tilespmem:$0x1FDA0] =	vst v8  }
0xff: {  	v61 =	vld [tilespmem:$0x1050];
	[tilespmem:$0x220] =	vst v63  }
0x100: {  	v6 =	vld [tilespmem:$0x13C0];
	[tilespmem:$0x1FDB0] =	vst v10  }
0x101: {  	v7 =	vld [tilespmem:$0x13D0];
	[tilespmem:$0x240] =	vst v9  }
0x102: {  	v18 =	vadd.f32 v15, v18;
	v15 =	vld [tilespmem:$0x13F0]  }
0x103: {  	v4 =	vld [tilespmem:$0x780]  }
0x104: {  	v8 =	vld [tilespmem:$0x1400]  }
0x105: {  	v10 =	vld [tilespmem:$0x790]  }
0x106: {  	v12 =	vld [tilespmem:$0x1410]  }
0x107: {  	v14 =	vld [tilespmem:$0x7A0]  }
0x108: {  	v63 =	vadd.f32 v17, v20;
	v17 =	vld [tilespmem:$0x1420]  }
0x109: {  	v5 =	vadd.f32 v19, v22;
	v19 =	vld [tilespmem:$0x7B0]  }
0x10a: {  	v9 =	vadd.f32 v21, v24;
	v21 =	vld [tilespmem:$0x1430]  }
0x10b: {  	[tilespmem:$0x250] =	vst v11;
	v11 =	vadd.f32 v23, v26;
	v23 =	vld [tilespmem:$0x7C0]  }
0x10c: {  	v13 =	vadd.f32 v25, v28;
	v25 =	vld [tilespmem:$0x1440]  }
0x10d: {  	v16 =	vadd.f32 v27, v30;
	v27 =	vld [tilespmem:$0x7D0]  }
0x10e: {  	[tilespmem:$0x260] =	vst v18;
	v18 =	vadd.f32 v29, v32;
	v29 =	vld [tilespmem:$0x1450]  }
0x10f: {  	v20 =	vadd.f32 v31, v34;
	v31 =	vld [tilespmem:$0x7E0]  }
0x110: {  	v22 =	vadd.f32 v33, v36;
	v33 =	vld [tilespmem:$0x1460]  }
0x111: {  	v24 =	vadd.f32 v35, v38;
	v35 =	vld [tilespmem:$0x7F0]  }
0x112: {  	v26 =	vadd.f32 v37, v40;
	v37 =	vld [tilespmem:$0x1470]  }
0x113: {  	v28 =	vadd.f32 v39, v42;
	v39 =	vld [tilespmem:$0x800]  }
0x114: {  	v30 =	vadd.f32 v41, v44;
	v41 =	vld [tilespmem:$0x1480]  }
0x115: {  	v32 =	vadd.f32 v43, v58;
	v43 =	vld [tilespmem:$0x810]  }
0x116: {  	v34 =	vadd.f32 v45, v55;
	v45 =	vld [tilespmem:$0x1490]  }
0x117: {  	v38 =	vadd.f32 v47, v49;
	v47 =	vld [tilespmem:$0x820]  }
0x118: {  	v49 =	vld [tilespmem:$0x14A0]  }
0x119: {  	v40 =	vadd.f32 v50, v52;
	v50 =	vld [tilespmem:$0x1F6B0]  }
0x11a: {  	v42 =	vadd.f32 v51, v54;
	v51 =	vld [tilespmem:$0x830]  }
0x11b: {  	v52 =	vld [tilespmem:$0x1F6C0]  }
0x11c: {  	v44 =	vadd.f32 v53, v57;
	v53 =	vld [tilespmem:$0x1F6D0]  }
0x11d: {  	v54 =	vld [tilespmem:$0x14B0]  }
0x11e: {  	v55 =	vld [tilespmem:$0x1F6E0]  }
0x11f: {  	v36 =	vadd.f32 v46, v48;
	v46 =	vadd.f32 v56, v59;
	v56 =	vld [tilespmem:$0x1F6F0]  }
0x120: {  	v57 =	vld [tilespmem:$0x840]  }
0x121: {  	v58 =	vld [tilespmem:$0x1F700]  }
0x122: {  	v59 =	vld [tilespmem:$0x1F710]  }
0x123: {  	v48 =	vadd.f32 v60, v62;
	v60 =	vld [tilespmem:$0x14C0]  }
0x124: {  	v62 =	vld [tilespmem:$0x1F730]  }
0x125: {  	[tilespmem:$0x280] =	vst v5;
	v5 =	vld [tilespmem:$0x1F740]  }
0x126: {  	v3 =	vld [tilespmem:$0x860]  }
0x127: {  	[tilespmem:$0x2B0] =	vst v13;
	v13 =	vld [tilespmem:$0x1F780]  }
0x128: {  	[tilespmem:$0x2F0] =	vst v22;
	v22 =	vld [tilespmem:$0x1F7C0]  }
0x129: {  	[tilespmem:$0x330] =	vst v30;
	v30 =	vld [tilespmem:$0x1F800]  }
0x12a: {  	[tilespmem:$0x350] =	vst v34;
	v34 =	vld [tilespmem:$0x1F820]  }
0x12b: {  	[tilespmem:$0x390] =	vst v42;
	v42 =	vld [tilespmem:$0x1F860]  }
0x12c: {  	[tilespmem:$0x3B0] =	vst v46;
	v46 =	vld [tilespmem:$0x1F880]  }
0x12d: {  	[tilespmem:$0x2A0] =	vst v11;
	v11 =	vld [tilespmem:$0x1F770]  }
0x12e: {  	[tilespmem:$0x2D0] =	vst v18;
	v18 =	vld [tilespmem:$0x1F7A0]  }
0x12f: {  	[tilespmem:$0x310] =	vst v26;
	v26 =	vld [tilespmem:$0x1F7E0]  }
0x130: {  	[tilespmem:$0x370] =	vst v38;
	v38 =	vld [tilespmem:$0x1F840]  }
0x131: {  	v1 =	vadd.f32 v61, v50;
	v61 =	vld [tilespmem:$0x1F720]  }
0x132: {  	[tilespmem:$0x1FDD0] =	vst v4;
	v4 =	vld [tilespmem:$0x850]  }
0x133: {  	[tilespmem:$0x1FDE0] =	vst v8;
	v8 =	vld [tilespmem:$0x1F750]  }
0x134: {  	[tilespmem:$0x1FDF0] =	vst v10;
	v10 =	vld [tilespmem:$0x1F760]  }
0x135: {  	[tilespmem:$0x1FE10] =	vst v14;
	v14 =	vld [tilespmem:$0x1F790]  }
0x136: {  	[tilespmem:$0x1FE20] =	vst v17;
	v17 =	vld [tilespmem:$0x14E0]  }
0x137: {  	[tilespmem:$0x1FE30] =	vst v19;
	v19 =	vld [tilespmem:$0x1F7B0]  }
0x138: {  	[tilespmem:$0x1FE40] =	vst v21;
	v21 =	vld [tilespmem:$0x870]  }
0x139: {  	[tilespmem:$0x1FE50] =	vst v23;
	v23 =	vld [tilespmem:$0x1F7D0]  }
0x13a: {  	[tilespmem:$0x1FE60] =	vst v25;
	v25 =	vld [tilespmem:$0x14F0]  }
0x13b: {  	[tilespmem:$0x1FE70] =	vst v27;
	v27 =	vld [tilespmem:$0x1F7F0]  }
0x13c: {  	[tilespmem:$0x1FE80] =	vst v29;
	v29 =	vld [tilespmem:$0x880]  }
0x13d: {  	[tilespmem:$0x1FE90] =	vst v31;
	v31 =	vld [tilespmem:$0x1F810]  }
0x13e: {  	[tilespmem:$0x1FEA0] =	vst v33;
	v33 =	vld [tilespmem:$0x1500]  }
0x13f: {  	[tilespmem:$0x1FEB0] =	vst v35;
	v35 =	vld [tilespmem:$0x1F830]  }
0x140: {  	[tilespmem:$0x1FEC0] =	vst v37;
	v37 =	vld [tilespmem:$0x890]  }
0x141: {  	[tilespmem:$0x1FED0] =	vst v39;
	v39 =	vld [tilespmem:$0x1F850]  }
0x142: {  	[tilespmem:$0x1FEE0] =	vst v41;
	v41 =	vld [tilespmem:$0x1510]  }
0x143: {  	[tilespmem:$0x1FEF0] =	vst v43;
	v43 =	vld [tilespmem:$0x1F870]  }
0x144: {  	[tilespmem:$0x1FF00] =	vst v45;
	v45 =	vld [tilespmem:$0x8A0]  }
0x145: {  	[tilespmem:$0x1FF10] =	vst v47;
	v47 =	vld [tilespmem:$0x1F890]  }
0x146: {  	v2 =	vadd.f32 v59, v58;
	v58 =	vld [tilespmem:$0x1520]  }
0x147: {  	[tilespmem:$0x1FF20] =	vst v49;
	v49 =	vld [tilespmem:$0x1F8A0]  }
0x148: {  	v50 =	vld [tilespmem:$0x1F8B0]  }
0x149: {  	v0 =	vadd.f32 v53, v52;
	v52 =	vld [tilespmem:$0x1F8C0]  }
0x14a: {  	v53 =	vld [tilespmem:$0x1F8D0]  }
0x14b: {  	[tilespmem:$0x1FF50] =	vst v57;
	v57 =	vld [tilespmem:$0x1F8F0]  }
0x14c: {  	[tilespmem:$0x1FF60] =	vst v60;
	v60 =	vld [tilespmem:$0x1F900]  }
0x14d: {  	[tilespmem:$0x400] =	vst v2;
	v2 =	vld [tilespmem:$0x14D0]  }
0x14e: {  	[tilespmem:$0x3D0] =	vst v1;
	v1 =	vadd.f32 v56, v55;
	v55 =	vld [tilespmem:$0x8B0]  }
0x14f: {  	v56 =	vld [tilespmem:$0x1F8E0]  }
0x150: {  	[tilespmem:$0x3C0] =	vst v48;
	v48 =	vadd.f32 v47, v46;
	v46 =	vld [tilespmem:$0x1530]  }
0x151: {  	v47 =	vld [tilespmem:$0x8C0]  }
0x152: {  	[tilespmem:$0x270] =	vst v63;
	v63 =	vadd.f32 v62, v61;
	v61 =	vld [tilespmem:$0x1F910]  }
0x153: {  	[tilespmem:$0x360] =	vst v36;
	v36 =	vadd.f32 v35, v34;
	v35 =	vld [tilespmem:$0x1540]  }
0x154: {  	[tilespmem:$0x1FF70] =	vst v4;
	v4 =	vld [tilespmem:$0x1F930]  }
0x155: {  	[tilespmem:$0x380] =	vst v40;
	v40 =	vadd.f32 v39, v38;
	v38 =	vld [tilespmem:$0x8D0]  }
0x156: {  	[tilespmem:$0x290] =	vst v9;
	v9 =	vadd.f32 v8, v5;
	v8 =	vld [tilespmem:$0x1F940]  }
0x157: {  	[tilespmem:$0x320] =	vst v28;
	v28 =	vadd.f32 v27, v26;
	v26 =	vld [tilespmem:$0x1550]  }
0x158: {  	[tilespmem:$0x1FE00] =	vst v12;
	v12 =	vadd.f32 v11, v10;
	v11 =	vld [tilespmem:$0x1F960]  }
0x159: {  	v27 =	vld [tilespmem:$0x8E0]  }
0x15a: {  	[tilespmem:$0x2C0] =	vst v16;
	v16 =	vadd.f32 v14, v13;
	v14 =	vld [tilespmem:$0x1F980]  }
0x15b: {  	[tilespmem:$0x2E0] =	vst v20;
	v20 =	vadd.f32 v19, v18;
	v18 =	vld [tilespmem:$0x1F9A0]  }
0x15c: {  	v19 =	vld [tilespmem:$0x1F9B0]  }
0x15d: {  	[tilespmem:$0x1FFA0] =	vst v25;
	v25 =	vld [tilespmem:$0x8F0]  }
0x15e: {  	[tilespmem:$0x1FF90] =	vst v21;
	v21 =	vld [tilespmem:$0x1F9C0]  }
0x15f: {  	[tilespmem:$0x300] =	vst v24;
	v24 =	vadd.f32 v23, v22;
	v22 =	vld [tilespmem:$0x1F9D0]  }
0x160: {  	[tilespmem:$0x1FFC0] =	vst v33;
	v33 =	vld [tilespmem:$0x1F9E0]  }
0x161: {  	v34 =	vld [tilespmem:$0x1F9F0]  }
0x162: {  	[tilespmem:$0x1FFB0] =	vst v29;
	v29 =	vld [tilespmem:$0x900]  }
0x163: {  	[tilespmem:$0x1FFD0] =	vst v37;
	v37 =	vld [tilespmem:$0x1FA00]  }
0x164: {  	v39 =	vld [tilespmem:$0x1FA10]  }
0x165: {  	[tilespmem:$0x340] =	vst v32;
	v32 =	vadd.f32 v31, v30;
	v30 =	vld [tilespmem:$0x1580]  }
0x166: {  	[tilespmem:$0x1FFE0] =	vst v41;
	v41 =	vld [tilespmem:$0x1FA20]  }
0x167: {  	[tilespmem:$0x3A0] =	vst v44;
	v44 =	vadd.f32 v43, v42;
	v42 =	vld [tilespmem:$0x1FA30]  }
0x168: {  	v31 =	vld [tilespmem:$0x910]  }
0x169: {  	[tilespmem:$0x1FFF0] =	vst v45;
	v45 =	vld [tilespmem:$0x1FA50]  }
0x16a: {  	[tilespmem:$0x1FF30] =	vst v51;
	v51 =	vadd.f32 v50, v49;
	v49 =	vld [tilespmem:$0x1FA60]  }
0x16b: {  	v50 =	vld [tilespmem:$0x1FA70]  }
0x16c: {  	[tilespmem:$0x1FF40] =	vst v54;
	v54 =	vadd.f32 v53, v52;
	v52 =	vld [tilespmem:$0x1FA80]  }
0x16d: {  	v53 =	vld [tilespmem:$0x1FA90]  }
0x16e: {  	[tilespmem:$0x3E0] =	vst v0;
	v0 =	vld [tilespmem:$0x1FF90]  }
0x16f: {  	[tilespmem:$0x3F0] =	vst v1;
	v1 =	vld [tilespmem:$0x1FFD0]  }
0x170: {  	[tilespmem:$0x410] =	vst v63;
	v63 =	vld [tilespmem:$0x1F920]  }
0x171: {  	[tilespmem:$0x420] =	vst v9;
	v9 =	vld [tilespmem:$0x1F950]  }
0x172: {  	[tilespmem:$0x430] =	vst v12;
	v12 =	vld [tilespmem:$0x1F970]  }
0x173: {  	[tilespmem:$0x440] =	vst v16;
	v16 =	vld [tilespmem:$0x1F990]  }
0x174: {  	[tilespmem:$0x460] =	vst v24;
	v24 =	vld [tilespmem:$0x1560]  }
0x175: {  	[tilespmem:$0x470] =	vst v28;
	v28 =	vld [tilespmem:$0x1570]  }
0x176: {  	[tilespmem:$0x4B0] =	vst v44;
	v44 =	vld [tilespmem:$0x1FA40]  }
0x177: {  	[tilespmem:$0x480] =	vst v32;
	v32 =	vld [tilespmem:$0x1590]  }
0x178: {  	v59 =	vadd.f32 v57, v56;
	v56 =	vld [tilespmem:$0x1FAA0]  }
0x179: {  	v57 =	vld [tilespmem:$0x1FAB0]  }
0x17a: {  	[tilespmem:$0x490] =	vst v36;
	v36 =	vadd.f32 v34, v33;
	v33 =	vld [tilespmem:$0x920]  }
0x17b: {  	v34 =	vld [tilespmem:$0x15A0]  }
0x17c: {  	v62 =	vadd.f32 v61, v60;
	v60 =	vld [tilespmem:$0x1FAC0]  }
0x17d: {  	v61 =	vld [tilespmem:$0x1FAD0]  }
0x17e: {  	[tilespmem:$0x4A0] =	vst v40;
	v40 =	vadd.f32 v39, v37;
	v37 =	vld [tilespmem:$0x15B0]  }
0x17f: {  	v39 =	vld [tilespmem:$0x940]  }
0x180: {  	v43 =	vadd.f32 v42, v41;
	v41 =	vld [tilespmem:$0x950]  }
0x181: {  	v42 =	vld [tilespmem:$0x15D0]  }
0x182: {  	[tilespmem:$0x450] =	vst v20;
	v20 =	vadd.f32 v19, v18;
	v18 =	vld [tilespmem:$0x1FB60]  }
0x183: {  	v19 =	vld [tilespmem:$0x1FB70]  }
0x184: {  	v23 =	vadd.f32 v22, v21;
	v21 =	vld [tilespmem:$0x1FB80]  }
0x185: {  	v22 =	vld [tilespmem:$0x1FB90]  }
0x186: {  	[tilespmem:$0x4E0] =	vst v54;
	v54 =	vadd.f32 v53, v52;
	v52 =	vld [tilespmem:$0x1FBA0]  }
0x187: {  	v53 =	vld [tilespmem:$0x1FBB0]  }
0x188: {  	[tilespmem:$0x4D0] =	vst v51;
	v51 =	vadd.f32 v50, v49;
	v49 =	vld [tilespmem:$0x980]  }
0x189: {  	v50 =	vld [tilespmem:$0x1600]  }
0x18a: {  	v46 =	vadd.f32 v46, v55;
	v55 =	vld [tilespmem:$0xAA0]  }
0x18b: {  	v35 =	vadd.f32 v35, v47;
	v47 =	vld [tilespmem:$0x1720]  }
0x18c: {  	v26 =	vadd.f32 v26, v38;
	v38 =	vld [tilespmem:$0xAB0]  }
0x18d: {  	[tilespmem:$0x570] =	vst v36;
	v36 =	vld [tilespmem:$0x930]  }
0x18e: {  	v5 =	vadd.f32 v4, v63;
	v63 =	vld [tilespmem:$0x1FAE0]  }
0x18f: {  	v4 =	vld [tilespmem:$0x1FAF0]  }
0x190: {  	v10 =	vadd.f32 v9, v8;
	v8 =	vld [tilespmem:$0x1FB00]  }
0x191: {  	v9 =	vld [tilespmem:$0x1FB10]  }
0x192: {  	[tilespmem:$0x580] =	vst v40;
	v40 =	vld [tilespmem:$0x15C0]  }
0x193: {  	v13 =	vadd.f32 v12, v11;
	v11 =	vld [tilespmem:$0x1FB20]  }
0x194: {  	v12 =	vld [tilespmem:$0x1FB30]  }
0x195: {  	[tilespmem:$0x1FF80] =	vst v17;
	v17 =	vadd.f32 v16, v14;
	v14 =	vld [tilespmem:$0x1FB40]  }
0x196: {  	v16 =	vld [tilespmem:$0x1FB50]  }
0x197: {  	[tilespmem:$0x590] =	vst v43;
	v43 =	vld [tilespmem:$0x960]  }
0x198: {  	[tilespmem:$0x4C0] =	vst v48;
	v48 =	vadd.f32 v45, v44;
	v44 =	vld [tilespmem:$0x15E0]  }
0x199: {  	v45 =	vld [tilespmem:$0x970]  }
0x19a: {  	[tilespmem:$0x4F0] =	vst v59;
	v59 =	vadd.f32 v57, v56;
	v56 =	vld [tilespmem:$0x1FBC0]  }
0x19b: {  	v57 =	vld [tilespmem:$0x1FBD0]  }
0x19c: {  	[tilespmem:$0x5B0] =	vst v51;
	v51 =	vld [tilespmem:$0x990]  }
0x19d: {  	v24 =	vadd.f32 v24, v27;
	v27 =	vld [tilespmem:$0x1730]  }
0x19e: {  	[tilespmem:$0x8D0] =	vst v26;
	v26 =	vld [tilespmem:$0xAC0]  }
0x19f: {  	v25 =	vadd.f32 v28, v25;
	v28 =	vld [tilespmem:$0x1740]  }
0x1a0: {  	[tilespmem:$0x5A0] =	vst v48;
	v48 =	vld [tilespmem:$0x15F0]  }
0x1a1: {  	[tilespmem:$0x8F0] =	vst v25;
	v25 =	vld [tilespmem:$0xB30]  }
0x1a2: {  	[tilespmem:$0x500] =	vst v62;
	v62 =	vadd.f32 v61, v60;
	v60 =	vld [tilespmem:$0x1FBE0]  }
0x1a3: {  	v61 =	vld [tilespmem:$0x1FBF0]  }
0x1a4: {  	[tilespmem:$0x5C0] =	vst v54;
	v54 =	vadd.f32 v53, v52;
	v52 =	vld [tilespmem:$0x1610]  }
0x1a5: {  	v53 =	vld [tilespmem:$0x9A0]  }
0x1a6: {  	[tilespmem:$0x550] =	vst v20;
	v20 =	vadd.f32 v19, v18;
	v18 =	vld [tilespmem:$0x1FC80]  }
0x1a7: {  	v19 =	vld [tilespmem:$0x1FC90]  }
0x1a8: {  	[tilespmem:$0x560] =	vst v23;
	v23 =	vadd.f32 v22, v21;
	v21 =	vld [tilespmem:$0x1FCA0]  }
0x1a9: {  	v22 =	vld [tilespmem:$0x1FCB0]  }
0x1aa: {  	[tilespmem:$0x8C0] =	vst v35;
	v35 =	vadd.f32 v34, v33;
	v33 =	vld [tilespmem:$0xAF0]  }
0x1ab: {  	v34 =	vld [tilespmem:$0x1770]  }
0x1ac: {  	v42 =	vadd.f32 v42, v41;
	v41 =	vld [tilespmem:$0x17A0]  }
0x1ad: {  	v50 =	vadd.f32 v50, v49;
	v49 =	vld [tilespmem:$0x17E0]  }
0x1ae: {  	[tilespmem:$0x510] =	vst v5;
	v5 =	vadd.f32 v4, v63;
	v63 =	vld [tilespmem:$0x1FC00]  }
0x1af: {  	v4 =	vld [tilespmem:$0x1FC10]  }
0x1b0: {  	[tilespmem:$0x520] =	vst v10;
	v10 =	vadd.f32 v9, v8;
	v8 =	vld [tilespmem:$0x1FC20]  }
0x1b1: {  	v9 =	vld [tilespmem:$0x1FC30]  }
0x1b2: {  	[tilespmem:$0x530] =	vst v13;
	v13 =	vadd.f32 v12, v11;
	v11 =	vld [tilespmem:$0x1FC40]  }
0x1b3: {  	v12 =	vld [tilespmem:$0x1FC50]  }
0x1b4: {  	[tilespmem:$0x540] =	vst v17;
	v17 =	vadd.f32 v16, v14;
	v14 =	vld [tilespmem:$0x1FC60]  }
0x1b5: {  	v16 =	vld [tilespmem:$0x1FC70]  }
0x1b6: {  	[tilespmem:$0x650] =	vst v54;
	v54 =	vld [tilespmem:$0x1620]  }
0x1b7: {  	[tilespmem:$0x5D0] =	vst v59;
	v59 =	vadd.f32 v57, v56;
	v56 =	vld [tilespmem:$0x9B0]  }
0x1b8: {  	v57 =	vld [tilespmem:$0x1630]  }
0x1b9: {  	[tilespmem:$0x920] =	vst v35;
	v35 =	vld [tilespmem:$0xB00]  }
0x1ba: {  	v37 =	vadd.f32 v37, v36;
	v36 =	vld [tilespmem:$0x1780]  }
0x1bb: {  	v40 =	vadd.f32 v40, v39;
	v39 =	vld [tilespmem:$0x1790]  }
0x1bc: {  	[tilespmem:$0x950] =	vst v42;
	v42 =	vld [tilespmem:$0x17B0]  }
0x1bd: {  	[tilespmem:$0x8B0] =	vst v46;
	v46 =	vadd.f32 v44, v43;
	v43 =	vld [tilespmem:$0xB40]  }
0x1be: {  	v44 =	vld [tilespmem:$0x17C0]  }
0x1bf: {  	[tilespmem:$0x980] =	vst v50;
	v50 =	vld [tilespmem:$0xB70]  }
0x1c0: {  	[tilespmem:$0x660] =	vst v59;
	v59 =	vld [tilespmem:$0x9C0]  }
0x1c1: {  	[tilespmem:$0x930] =	vst v37;
	v37 =	vld [tilespmem:$0xB10]  }
0x1c2: {  	[tilespmem:$0x940] =	vst v40;
	v40 =	vld [tilespmem:$0xB20]  }
0x1c3: {  	v48 =	vadd.f32 v48, v45;
	v45 =	vld [tilespmem:$0xB50]  }
0x1c4: {  	[tilespmem:$0x960] =	vst v46;
	v46 =	vld [tilespmem:$0x17D0]  }
0x1c5: {  	[tilespmem:$0x5E0] =	vst v62;
	v62 =	vadd.f32 v61, v60;
	v60 =	vld [tilespmem:$0x1640]  }
0x1c6: {  	v61 =	vld [tilespmem:$0x9D0]  }
0x1c7: {  	[tilespmem:$0x630] =	vst v20;
	v20 =	vadd.f32 v19, v18;
	v18 =	vld [tilespmem:$0x1FD50]  }
0x1c8: {  	[tilespmem:$0x640] =	vst v23;
	v23 =	vadd.f32 v22, v21;
	v22 =	vld [tilespmem:$0x1650]  }
0x1c9: {  	v21 =	vld [tilespmem:$0x9F0]  }
0x1ca: {  	v52 =	vadd.f32 v52, v51;
	v51 =	vld [tilespmem:$0x17F0]  }
0x1cb: {  	[tilespmem:$0x970] =	vst v48;
	v48 =	vld [tilespmem:$0xB60]  }
0x1cc: {  	[tilespmem:$0x670] =	vst v62;
	v62 =	vld [tilespmem:$0x1FCC0]  }
0x1cd: {  	[tilespmem:$0x5F0] =	vst v5;
	v5 =	vadd.f32 v4, v63;
	v63 =	vld [tilespmem:$0x1FCD0]  }
0x1ce: {  	[tilespmem:$0x600] =	vst v10;
	v10 =	vadd.f32 v9, v8;
	v8 =	vld [tilespmem:$0x1FCF0]  }
0x1cf: {  	[tilespmem:$0x610] =	vst v13;
	v13 =	vadd.f32 v12, v11;
	v11 =	vld [tilespmem:$0x1FD10]  }
0x1d0: {  	[tilespmem:$0x620] =	vst v17;
	v17 =	vadd.f32 v16, v14;
	v14 =	vld [tilespmem:$0x1FD30]  }
0x1d1: {  	[tilespmem:$0x6D0] =	vst v23;
	v23 =	vld [tilespmem:$0x9E0]  }
0x1d2: {  	[tilespmem:$0x6C0] =	vst v20;
	v20 =	vld [tilespmem:$0x1660]  }
0x1d3: {  	[tilespmem:$0x680] =	vst v5;
	v5 =	vld [tilespmem:$0x1FCE0]  }
0x1d4: {  	[tilespmem:$0x690] =	vst v10;
	v10 =	vld [tilespmem:$0x1FD00]  }
0x1d5: {  	[tilespmem:$0x6A0] =	vst v13;
	v13 =	vld [tilespmem:$0x1FD20]  }
0x1d6: {  	v4 =	vadd.f32 v63, v62;
	v63 =	vld [tilespmem:$0x1FD60]  }
0x1d7: {  	v62 =	vld [tilespmem:$0x1FE10]  }
0x1d8: {  	[tilespmem:$0x6E0] =	vst v4;
	v4 =	vld [tilespmem:$0x1FD70]  }
0x1d9: {  	v9 =	vadd.f32 v8, v5;
	v8 =	vld [tilespmem:$0x1FD80]  }
0x1da: {  	v12 =	vadd.f32 v11, v10;
	v10 =	vld [tilespmem:$0x1FD90]  }
0x1db: {  	v16 =	vadd.f32 v14, v13;
	v13 =	vld [tilespmem:$0x1FDB0]  }
0x1dc: {  	[tilespmem:$0x700] =	vst v12;
	v12 =	vld [tilespmem:$0x1FDA0]  }
0x1dd: {  	v5 =	vadd.f32 v4, v63;
	v4 =	vld [tilespmem:$0x1FDC0]  }
0x1de: {  	[tilespmem:$0x6F0] =	vst v9;
	v9 =	vadd.f32 v6, v8;
	v6 =	vld [tilespmem:$0x1FDD0]  }
0x1df: {  	v11 =	vadd.f32 v7, v10;
	v7 =	vld [tilespmem:$0x1FDE0]  }
0x1e0: {  	v10 =	vld [tilespmem:$0x1FE00]  }
0x1e1: {  	v63 =	vld [tilespmem:$0x1FE80]  }
0x1e2: {  	[tilespmem:$0x740] =	vst v9;
	v9 =	vld [tilespmem:$0x1FDF0]  }
0x1e3: {  	[tilespmem:$0x730] =	vst v5;
	v5 =	vadd.f32 v15, v4;
	v4 =	vld [tilespmem:$0x1FE20]  }
0x1e4: {  	v8 =	vadd.f32 v7, v6;
	v6 =	vld [tilespmem:$0x1FE30]  }
0x1e5: {  	v7 =	vld [tilespmem:$0x1FE40]  }
0x1e6: {  	v14 =	vadd.f32 v13, v12;
	v13 =	vld [tilespmem:$0x1FE70]  }
0x1e7: {  	[tilespmem:$0x6B0] =	vst v17;
	v17 =	vld [tilespmem:$0x1FD40]  }
0x1e8: {  	[tilespmem:$0x750] =	vst v11;
	v11 =	vadd.f32 v10, v9;
	v9 =	vld [tilespmem:$0x1FE50]  }
0x1e9: {  	[tilespmem:$0x770] =	vst v5;
	v10 =	vld [tilespmem:$0x1FE60]  }
0x1ea: {  	[tilespmem:$0x780] =	vst v8;
	v5 =	vadd.f32 v4, v62;
	v8 =	vadd.f32 v7, v6;
	v6 =	vld [tilespmem:$0x1FEA0]  }
0x1eb: {  	v4 =	vadd.f32 v63, v13;
	v62 =	vld [tilespmem:$0x1FED0]  }
0x1ec: {  	[tilespmem:$0x7A0] =	vst v5;
	v5 =	vld [tilespmem:$0x1FE90]  }
0x1ed: {  	[tilespmem:$0x7D0] =	vst v4;
	v4 =	vld [tilespmem:$0x1FEE0]  }
0x1ee: {  	v19 =	vadd.f32 v18, v17;
	v18 =	vld [tilespmem:$0x1670];
	[tilespmem:$0x790] =	vst v11;
	v11 =	vadd.f32 v10, v9  }
0x1ef: {  	v9 =	vld [tilespmem:$0x1FEB0]  }
0x1f0: {  	[tilespmem:$0x7C0] =	vst v11;
	v11 =	vld [tilespmem:$0x1FEC0]  }
0x1f1: {  	v17 =	vld [tilespmem:$0xA10]  }
0x1f2: {  	v7 =	vadd.f32 v6, v5;
	v5 =	vadd.f32 v4, v62;
	v62 =	vld [tilespmem:$0x1FF10]  }
0x1f3: {  	v4 =	vld [tilespmem:$0x1FF20]  }
0x1f4: {  	[tilespmem:$0x7E0] =	vst v7;
	v7 =	vld [tilespmem:$0x1FEF0]  }
0x1f5: {  	v63 =	vadd.f32 v11, v9;
	v9 =	vld [tilespmem:$0x1FF00]  }
0x1f6: {  	[tilespmem:$0x720] =	vst v19;
	v19 =	vld [tilespmem:$0xA00]  }
0x1f7: {  	[tilespmem:$0x710] =	vst v16;
	v16 =	vld [tilespmem:$0x1680]  }
0x1f8: {  	v12 =	vld [tilespmem:$0x16A0]  }
0x1f9: {  	[tilespmem:$0x800] =	vst v5;
	v5 =	vld [tilespmem:$0x1FF30]  }
0x1fa: {  	[tilespmem:$0x7F0] =	vst v63;
	v62 =	vadd.f32 v4, v62;
	v63 =	vadd.f32 v9, v7;
	v7 =	vld [tilespmem:$0x1FF40]  }
0x1fb: {  	v4 =	vld [tilespmem:$0x1FF60]  }
0x1fc: {  	[tilespmem:$0x820] =	vst v62;
	v62 =	vld [tilespmem:$0x1FF50]  }
0x1fd: {  	[tilespmem:$0x760] =	vst v14;
	v14 =	vld [tilespmem:$0x1690]  }
0x1fe: {  	v15 =	vld [tilespmem:$0xA20]  }
0x1ff: {  	[tilespmem:$0x810] =	vst v63;
	v63 =	vadd.f32 v7, v5;
	v5 =	vld [tilespmem:$0x1FF70]  }
0x200: {  	[tilespmem:$0x8E0] =	vst v24;
	v13 =	vld [tilespmem:$0xA30]  }
0x201: {  	[tilespmem:$0x990] =	vst v52;
	v10 =	vld [tilespmem:$0x16B0];
	v62 =	vadd.f32 v4, v62  }
0x202: {  	[tilespmem:$0x7B0] =	vst v8;
	v8 =	vld [tilespmem:$0x16C0]  }
0x203: {  	v54 =	vadd.f32 v54, v53;
	[tilespmem:$0x840] =	vst v62;
	v62 =	vld [tilespmem:$0x1FF80]  }
0x204: {  	v6 =	vld [tilespmem:$0x16D0];
	[tilespmem:$0x830] =	vst v63;
	v63 =	vadd.f32 v2, v5  }
0x205: {  	[tilespmem:$0x9A0] =	vst v54;
	v22 =	vadd.f32 v22, v61;
	v11 =	vld [tilespmem:$0xA40]  }
0x206: {  	v20 =	vadd.f32 v20, v23;
	[tilespmem:$0x850] =	vst v63;
	v63 =	vld [tilespmem:$0x1FFA0]  }
0x207: {  	[tilespmem:$0x9D0] =	vst v22;
	v18 =	vadd.f32 v18, v21;
	v9 =	vld [tilespmem:$0xA50]  }
0x208: {  	[tilespmem:$0x9E0] =	vst v20;
	v7 =	vld [tilespmem:$0xA60];
	v62 =	vadd.f32 v62, v3  }
0x209: {  	v16 =	vadd.f32 v16, v19;
	[tilespmem:$0x9F0] =	vst v18;
	v4 =	vld [tilespmem:$0x16E0]  }
0x20a: {  	v14 =	vadd.f32 v14, v17;
	[tilespmem:$0x860] =	vst v62;
	v62 =	vld [tilespmem:$0x1FFC0]  }
0x20b: {  	[tilespmem:$0xA00] =	vst v16;
	v63 =	vadd.f32 v63, v0;
	v0 =	vld [tilespmem:$0x1FFB0]  }
0x20c: {  	v12 =	vadd.f32 v12, v15;
	[tilespmem:$0xA10] =	vst v14;
	v5 =	vld [tilespmem:$0xA70]  }
0x20d: {  	v10 =	vadd.f32 v10, v13;
	[tilespmem:$0x870] =	vst v63;
	v63 =	vld [tilespmem:$0x1FFE0]  }
0x20e: {  	[tilespmem:$0xA20] =	vst v12;
	v8 =	vadd.f32 v8, v11;
	v2 =	vld [tilespmem:$0x16F0]  }
0x20f: {  	[tilespmem:$0xA30] =	vst v10;
	v6 =	vadd.f32 v6, v9;
	v3 =	vld [tilespmem:$0xA80]  }
0x210: {  	[tilespmem:$0xA40] =	vst v8;
	v62 =	vadd.f32 v62, v0;
	v0 =	vld [tilespmem:$0x1700]  }
0x211: {  	v52 =	vld [tilespmem:$0xB80];
	[tilespmem:$0xA50] =	vst v6;
	v4 =	vadd.f32 v4, v7  }
0x212: {  	v63 =	vadd.f32 v63, v1;
	[tilespmem:$0x880] =	vst v62;
	v62 =	vld [tilespmem:$0x1FFF0]  }
0x213: {  	v53 =	vld [tilespmem:$0x1800];
	[tilespmem:$0xA60] =	vst v4;
	v2 =	vadd.f32 v2, v5  }
0x214: {  	[tilespmem:$0x890] =	vst v63;
	v63 =	vadd.f32 v32, v31;
	v31 =	vld [tilespmem:$0xAE0]  }
0x215: {  	[tilespmem:$0xA70] =	vst v2;
	v32 =	vld [tilespmem:$0x1760];
	v0 =	vadd.f32 v0, v3  }
0x216: {  	v54 =	vld [tilespmem:$0xB90];
	[tilespmem:$0x910] =	vst v63;
	v63 =	vadd.f32 v60, v59  }
0x217: {  	v61 =	vld [tilespmem:$0x1820];
	v58 =	vadd.f32 v58, v62;
	[tilespmem:$0xA80] =	vst v0  }
0x218: {  	v1 =	vld [tilespmem:$0xA90];
	v60 =	vadd.f32 v28, v26;
	[tilespmem:$0x9C0] =	vst v63  }
0x219: {  	v59 =	vld [tilespmem:$0xBA0];
	[tilespmem:$0x8A0] =	vst v58;
	v58 =	vadd.f32 v30, v29  }
0x21a: {  	v26 =	vld [tilespmem:$0x1830];
	[tilespmem:$0xAC0] =	vst v60;
	v24 =	vadd.f32 v32, v31  }
0x21b: {  	v28 =	vld [tilespmem:$0xBC0];
	v31 =	vadd.f32 v39, v37;
	[tilespmem:$0x900] =	vst v58  }
0x21c: {  	v62 =	vld [tilespmem:$0x1710];
	v37 =	vadd.f32 v44, v43;
	[tilespmem:$0xAE0] =	vst v24  }
0x21d: {  	v63 =	vld [tilespmem:$0xBB0];
	v39 =	vadd.f32 v46, v45;
	[tilespmem:$0xB10] =	vst v31  }
0x21e: {  	v29 =	vld [tilespmem:$0xAD0];
	v43 =	vadd.f32 v51, v50;
	[tilespmem:$0xB40] =	vst v37  }
0x21f: {  	v30 =	vld [tilespmem:$0x1750];
	v45 =	vadd.f32 v53, v52;
	[tilespmem:$0xB50] =	vst v39  }
0x220: {  	v32 =	vld [tilespmem:$0xBD0];
	v58 =	vadd.f32 v57, v56;
	[tilespmem:$0xB70] =	vst v43  }
0x221: {  	v44 =	vld [tilespmem:$0xC00];
	v56 =	vadd.f32 v47, v55;
	[tilespmem:$0xB80] =	vst v45  }
0x222: {  	v46 =	vld [tilespmem:$0x1880];
	v1 =	vadd.f32 v62, v1;
	[tilespmem:$0x9B0] =	vst v58  }
0x223: {  	v50 =	vld [tilespmem:$0x1890];
	v58 =	vadd.f32 v27, v38;
	[tilespmem:$0xAA0] =	vst v56  }
0x224: {  	v52 =	vld [tilespmem:$0xC20];
	v27 =	vadd.f32 v34, v33;
	[tilespmem:$0xA90] =	vst v1  }
0x225: {  	v57 =	vld [tilespmem:$0x1810];
	v33 =	vadd.f32 v41, v40;
	[tilespmem:$0xAB0] =	vst v58  }
0x226: {  	v34 =	vld [tilespmem:$0x1850];
	v41 =	vadd.f32 v49, v48;
	[tilespmem:$0xAF0] =	vst v27  }
0x227: {  	v38 =	vld [tilespmem:$0x1860];
	v49 =	vadd.f32 v61, v59;
	[tilespmem:$0xB20] =	vst v33  }
0x228: {  	v40 =	vld [tilespmem:$0xBF0];
	v51 =	vadd.f32 v26, v63;
	[tilespmem:$0xB60] =	vst v41  }
0x229: {  	v48 =	vld [tilespmem:$0xC10];
	v62 =	vadd.f32 v30, v29;
	[tilespmem:$0xBA0] =	vst v49  }
0x22a: {  	v56 =	vld [tilespmem:$0xC30];
	v29 =	vadd.f32 v36, v35;
	[tilespmem:$0xBB0] =	vst v51  }
0x22b: {  	v30 =	vld [tilespmem:$0x1840];
	v35 =	vadd.f32 v42, v25;
	[tilespmem:$0xAD0] =	vst v62  }
0x22c: {  	v36 =	vld [tilespmem:$0xBE0];
	v60 =	vadd.f32 v46, v44;
	[tilespmem:$0xB00] =	vst v29  }
0x22d: {  	v42 =	vld [tilespmem:$0x1870];
	[tilespmem:$0xB30] =	vst v35;
	v47 =	vadd.f32 v57, v54  }
0x22e: {  	v58 =	vld [tilespmem:$0x18B0];
	[tilespmem:$0xC00] =	vst v60;
	v55 =	vadd.f32 v34, v32  }
0x22f: {  	v54 =	vld [tilespmem:$0x18A0];
	[tilespmem:$0xB90] =	vst v47;
	v61 =	vadd.f32 v50, v48  }
0x230: {  	v53 =	vadd.f32 v30, v28;
	[tilespmem:$0xBD0] =	vst v55  }
0x231: {  	v57 =	vadd.f32 v38, v36;
	[tilespmem:$0xC10] =	vst v61  }
0x232: {  	v59 =	vadd.f32 v42, v40;
	[tilespmem:$0xBC0] =	vst v53  }
0x233: {  	v63 =	vadd.f32 v58, v56;
	[tilespmem:$0xBE0] =	vst v57  }
0x234: {  	[tilespmem:$0xBF0] =	vst v59;
	v62 =	vadd.f32 v54, v52  }
0x235: {  	p0 =	sne.s32 s6, $0x1;
	[tilespmem:$0xC30] =	vst v63  }
.Ltmp0:
0x236: {  	[tilespmem:$0xC20] =	vst v62;
	(pc) =	sbr.rel @p0 .LBB2_1-.Ltmp0, $4  }
0x237: {  	[hbm4b:s5+s2] =	stream.linear.scatter [tilespmem:s2], [sflag:$0x1], $0xC40, $0x38;
	[tilespmem:$0x1900] =	vst v63  }
0x238: {  	_ =	swait.ge [sflag:s7], $0xC40  }
0x239: {  	[sflag:s7] =	ssyncset.done $0x0  }
0x23a: {  	s6 =	sadd.s32 $0xFFFFFFFF, s6;
	[sflag:s7] =	ssyncadd.s32 $0xFFFFF3C0  }
0x23b: {  	_ =	sfence.sel $0x180000  }
0x23c: {  	[bflag:$0x0] =	sbarrier.arrive $0xFFFF  }
0x23d: {  	p0 =	sne.s32 s0, $0x0;
	_ =	strace $0x9000004A  }
0x23e: {  	s0 =	sadd.s32 @!p0 $0x100000, s1;
	[bflag:$0x2] =	sbarrier.arrive $0xFFFF  }
0x23f: {  	[sflag:s0] =	ssyncadd.tile.s32 @!p0 $0x1;
	_ =	shalt  }
.Lfunc_end2:
_tile_overlayer_lowered:
.L_overlay_start_2:
0x240: {  	(tag) =	ssettag $0x2  }
0x241: {  	s0 =	rddreg [dreg:$0x0];
	s2 =	stileid.u32  }
0x242: {  	s1 =	rddreg [dreg:$0x1];
	p0 =	sne.s32 s2, $0x0  }
0x243: {  	s3 =	rddreg [dreg:$0x2];
	[bflag:$0x3] =	sbarrier.arrive $0xFFFF;
	s2 =	simm.s32 @!p0 $0x1C01  }
0x244: {  	[timem:s3], [sflag:s2] =	dma.local @!p0 [hbm:s0], s1  }
0x245: {  	s0 =	simm.s32 @!p0 $0x1  }
0x246: {  	_ =	swait.ge @!p0 [sflag:s0], s1  }
0x247: {  	s1 =	ssub.s32 @!p0 $0x0, s1;
	[sflag:s0] =	ssyncset.done @!p0 $0x0  }
0x248: {  	[sflag:s0] =	ssyncadd.s32 @!p0 s1  }
0x249: {  	[bflag:$0x3] =	sbarrier.arrive $0xFFFF  }
0x24a: {  	_ =	shalt  }

</sc_bundles>
